<compile_context>
chip_gen: v7x
topology: tpu7x:2x2x1
jax: 0.10.2.dev20260603
libtpu: 0.0.44.dev20260713+nightly
codegen_flags: <defaults>
</compile_context>

<pallas_src>
import functools

import jax
import jax.numpy as jnp
from jax import lax
from jax.experimental import pallas as pl
from jax.experimental.pallas import tpu as pltpu
from jax.experimental.pallas import tpu_sc as plsc

N_NODES = 10000
D = 128
N_EDGES = 640000

NC = 2
NS = 16
NW = NC * NS
CHUNK = 128
NCHUNKS = 160
E_PAD = NW * NCHUNKS * CHUNK
IB = 4
NBLK = NCHUNKS // IB
IBD = 16
NBLKD = NCHUNKS // IBD
PAD_ROWS = 10240
ROWS_PER_TILE = 624
TAIL_ROWS = N_NODES - NS * ROWS_PER_TILE
DEG_W = 16


def _make_agg():
    mesh = plsc.VectorSubcoreMesh(core_axis_name="c", subcore_axis_name="s")
    out_type = [jax.ShapeDtypeStruct((NC, N_NODES, D), jnp.float32)]
    scratch = [
        pltpu.VMEM_SHARED((PAD_ROWS, D), jnp.float32),
        pltpu.VMEM((IB, 2, CHUNK), jnp.int32),
        pltpu.VMEM((CHUNK, D), jnp.float32),
        pltpu.SemaphoreType.DMA,
    ]

    @functools.partial(pl.kernel, mesh=mesh, out_type=out_type,
                       scratch_types=scratch)
    def agg_kernel(h_hbm, idx_hbm, agg_out, agg_sh, idx_v, rows_v, sem0):
        c = lax.axis_index("c")
        s = lax.axis_index("s")
        w = c * NS + s

        def _zero_row(i, _):
            for j in range(D // 16):
                rows_v[i, pl.ds(j * 16, 16)] = jnp.zeros((16,), jnp.float32)
            return 0
        lax.fori_loop(0, CHUNK, _zero_row, 0)
        for k in range(PAD_ROWS // NS // CHUNK):
            pltpu.sync_copy(rows_v,
                            agg_sh.at[pl.ds(s * (PAD_ROWS // NS) + k * CHUNK, CHUNK)])
        plsc.subcore_barrier()

        def _body(b, _):
            pltpu.sync_copy(idx_hbm.at[w, pl.ds(b * IB, IB)], idx_v)
            for j in range(IB):
                pltpu.async_copy(h_hbm.at[idx_v.at[j, 0]], rows_v, sem0).wait()
                pltpu.sync_copy(rows_v, agg_sh.at[idx_v.at[j, 1]], add=True)
            return 0
        lax.fori_loop(0, NBLK, _body, 0)

        plsc.subcore_barrier()

        pltpu.sync_copy(agg_sh.at[pl.ds(s * ROWS_PER_TILE, ROWS_PER_TILE)],
                        agg_out.at[c, pl.ds(s * ROWS_PER_TILE, ROWS_PER_TILE)])
        @pl.when(s == NS - 1)
        def _():
            pltpu.sync_copy(agg_sh.at[pl.ds(NS * ROWS_PER_TILE, TAIL_ROWS)],
                            agg_out.at[c, pl.ds(NS * ROWS_PER_TILE, TAIL_ROWS)])

    return agg_kernel


_BINS_PER_TILE = PAD_ROWS // NS


def _make_deg():
    mesh = plsc.VectorSubcoreMesh(core_axis_name="c", subcore_axis_name="s")
    out_type = [jax.ShapeDtypeStruct((NC, 1, PAD_ROWS), jnp.float32)]
    scratch = [
        pltpu.VMEM_SHARED((NS, PAD_ROWS), jnp.float32),
        pltpu.VMEM((2, IBD, 2, CHUNK), jnp.int32),
        pltpu.VMEM((PAD_ROWS,), jnp.float32),
        pltpu.VMEM((NS, _BINS_PER_TILE), jnp.float32),
        pltpu.SemaphoreType.DMA,
    ]

    @functools.partial(pl.kernel, mesh=mesh, out_type=out_type,
                       scratch_types=scratch,
                       compiler_params=pltpu.CompilerParams(
                           needs_layout_passes=False))
    def deg_kernel(idx_hbm, deg_out, deg_sh, idx_v, hist_v, stripe_v, sem_i):
        c = lax.axis_index("c")
        s = lax.axis_index("s")
        w = c * NS + s

        def _zero(i, _):
            hist_v[pl.ds(i * 16, 16)] = jnp.zeros((16,), jnp.float32)
            return 0
        lax.fori_loop(0, PAD_ROWS // 16, _zero, 0)

        ones16 = jnp.ones((16,), jnp.float32)

        pltpu.async_copy(idx_hbm.at[w, pl.ds(0, IBD)], idx_v.at[0], sem_i)

        def _body(b, _):
            bb = lax.rem(b, 2)
            pltpu.make_async_copy(idx_hbm.at[w, pl.ds(0, IBD)], idx_v.at[0],
                                  sem_i).wait()
            @pl.when(b + 1 < NBLKD)
            def _():
                pltpu.async_copy(idx_hbm.at[w, pl.ds((b + 1) * IBD, IBD)],
                                 idx_v.at[1 - bb], sem_i)
            for j in range(IBD):
                for k in range(CHUNK // 16):
                    d = idx_v[bb, j, 1, pl.ds(k * 16, 16)]
                    plsc.addupdate_scatter(hist_v, [d], ones16)
            return 0
        lax.fori_loop(0, NBLKD, _body, 0)

        pltpu.sync_copy(hist_v, deg_sh.at[s])
        plsc.subcore_barrier()

        for r in range(NS):
            pltpu.sync_copy(deg_sh.at[r, pl.ds(s * _BINS_PER_TILE, _BINS_PER_TILE)],
                            stripe_v.at[r])

        def _reduce(j, _):
            acc = stripe_v[0, pl.ds(j * 16, 16)]
            for r in range(1, NS):
                acc = acc + stripe_v[r, pl.ds(j * 16, 16)]
            stripe_v[0, pl.ds(j * 16, 16)] = acc
            return 0
        lax.fori_loop(0, _BINS_PER_TILE // 16, _reduce, 0)

        pltpu.sync_copy(stripe_v.at[0],
                        deg_out.at[c, 0, pl.ds(s * _BINS_PER_TILE, _BINS_PER_TILE)])

    return deg_kernel


_agg_call = _make_agg()
_deg_call = _make_deg()


def _dense_body(agg_ref, deg_ref, h_ref, wl_ref, wr_ref, b_ref, out_ref):
    deg = jnp.maximum(deg_ref[0] + deg_ref[1], 1.0)
    mean = (agg_ref[0] + agg_ref[1]) / deg
    z = (jnp.dot(mean, wl_ref[...], preferred_element_type=jnp.float32)
         + jnp.dot(h_ref[...], wr_ref[...], preferred_element_type=jnp.float32)
         + b_ref[...])
    out_ref[...] = jnp.where(z > 0, z, jnp.exp(jnp.minimum(z, 0.0)) - 1.0)


_BLK = 1000


def _dense(agg, deg, h, wl, wr, b):
    grid = (N_NODES // _BLK,)
    return pl.pallas_call(
        _dense_body,
        grid=grid,
        in_specs=[
            pl.BlockSpec((NC, _BLK, D), lambda i: (0, i, 0)),
            pl.BlockSpec((NC, _BLK, 1), lambda i: (0, i, 0)),
            pl.BlockSpec((_BLK, D), lambda i: (i, 0)),
            pl.BlockSpec((D, D), lambda i: (0, 0)),
            pl.BlockSpec((D, D), lambda i: (0, 0)),
            pl.BlockSpec((1, D), lambda i: (0, 0)),
        ],
        out_specs=pl.BlockSpec((_BLK, D), lambda i: (i, 0)),
        out_shape=jax.ShapeDtypeStruct((N_NODES, D), jnp.float32),
    )(agg, deg, h, wl, wr, b)


def kernel(x, edge_index, W_l1, b_l1, W_r1, W_l2, b_l2, W_r2, W_l3, b_l3, W_r3):
    src = edge_index[0].astype(jnp.int32)
    dst = edge_index[1].astype(jnp.int32)
    pad = E_PAD - N_EDGES
    src_p = jnp.concatenate([src, jnp.zeros((pad,), jnp.int32)])
    dst_p = jnp.concatenate([dst, jnp.full((pad,), N_NODES, jnp.int32)])
    idx = jnp.stack([src_p.reshape(NW, NCHUNKS, CHUNK),
                     dst_p.reshape(NW, NCHUNKS, CHUNK)], axis=2)

    (deg_pad,) = _deg_call(idx)
    deg = deg_pad[:, 0, :N_NODES].reshape(NC, N_NODES, 1)
    (agg1,) = _agg_call(x, idx)
    h1 = _dense(agg1, deg, x, W_l1.T, W_r1.T, b_l1.reshape(1, D))
    (agg2,) = _agg_call(h1, idx)
    h2 = _dense(agg2, deg, h1, W_l2.T, W_r2.T, b_l2.reshape(1, D))
    (agg3,) = _agg_call(h2, idx)
    h3 = _dense(agg3, deg, h2, W_l3.T, W_r3.T, b_l3.reshape(1, D))
    return h3

# --- scband reference (transcript-rebuilt; emitter-appended) ---
"""Pipeline reference for scband-gcn-10651518894757 (READ-ONLY COPY).

The authoritative reference and input builder live on the scoring server;
editing this copy changes nothing except your own understanding.
"""

import jax, jax.numpy as jnp
import numpy as np

N_NODES = 10000
N_EDGES = 640000
D = 128


def _sage_conv(x, edge_index, W_l, b_l, W_r):
    # PyG SAGEConv with mean aggregation:
    # out = lin_l(mean_{j in N(i)} x_j) + lin_r(x_i)
    src = edge_index[0]
    dst = edge_index[1]
    msgs = x[src]  # gather source node features along edges
    agg = jax.ops.segment_sum(msgs, dst, num_segments=N_NODES)
    deg = jax.ops.segment_sum(jnp.ones((msgs.shape[0],), dtype=x.dtype), dst, num_segments=N_NODES)
    mean = agg / jnp.maximum(deg, 1.0)[:, None]
    return mean @ W_l.T + b_l + x @ W_r.T


def setup_inputs(seed: int = 0) -> dict:
    key = jax.random.key(seed)
    ks = jax.random.split(key, 12)
    x = jax.random.normal(ks[0], (N_NODES, D), dtype=jnp.float32)
    edge_index = jax.random.randint(ks[1], (2, N_EDGES), 0, N_NODES, dtype=jnp.int64)
    scale = 0.05
    params = {}
    names = ["W_l1", "b_l1", "W_r1", "W_l2", "b_l2", "W_r2", "W_l3", "b_l3", "W_r3"]
    shapes = [(D, D), (D,), (D, D), (D, D), (D,), (D, D), (D, D), (D,), (D, D)]
    for i, (n, s) in enumerate(zip(names, shapes)):
        params[n] = jax.random.normal(ks[2 + i], s, dtype=jnp.float32) * scale
    return {"x": x, "edge_index": edge_index, **params}


def reference(x, edge_index, W_l1, b_l1, W_r1, W_l2, b_l2, W_r2, W_l3, b_l3, W_r3):
    h = jax.nn.elu(_sage_conv(x, edge_index, W_l1, b_l1, W_r1))
    h = jax.nn.elu(_sage_conv(h, edge_index, W_l2, b_l2, W_r2))
    h = jax.nn.elu(_sage_conv(h, edge_index, W_l3, b_l3, W_r3))
    return h

if __name__ == "__main__":
    import jax
    _d = setup_inputs()
    print(jax.jit(kernel)(*tuple(_d.values())))

</pallas_src>

<mosaic_0001>
#map = affine_map<(d0, d1) -> (0, 0)>
#map1 = affine_map<(d0, d1) -> (0, 0, 0, 0)>
#map2 = affine_map<(d0, d1) -> (0, 0, 0)>
module attributes {stable_mosaic.version = 14 : i64} {
  func.func @agg_kernel(%arg0: i32, %arg1: i32, %arg2: memref<10000x128xf32, #tpu.memory_space<hbm>>, %arg3: memref<32x160x2x128xi32, #tpu.memory_space<hbm>>, %arg4: memref<2x10000x128xf32, #tpu.memory_space<hbm>>, %arg5: memref<10240x128xf32, #tpu.memory_space<vmem_shared>>, %arg6: memref<4x2x128xi32, #tpu.memory_space<vmem>>, %arg7: memref<128x128xf32, #tpu.memory_space<vmem>>, %arg8: memref<!tpu.dma_semaphore, #tpu.memory_space<semaphore_mem>>) attributes {dimension_semantics = [#tpu.dimension_semantics<core_parallel>, #tpu.dimension_semantics<subcore_parallel>], iteration_bounds = array<i64: 2, 16>, scalar_prefetch = 0 : i64, scratch_operands = 4 : i64, tpu.core_type = #tpu.core_type<sc_vector_subcore>, window_params = [{transform_indices = #map}, {transform_indices = #map1}, {transform_indices = #map2}]} {
    %mul3A = arith.constant 16 : i32
    %mul3A_0 = arith.muli %arg0, %mul3A : i32
    %add3A = arith.addi %mul3A_0, %arg1 : i32
    %scan3A = arith.constant 0 : i32
    %scan3A_1 = arith.constant 0 : i32
    %scan3A_2 = arith.constant 128 : i32
    %scan3A_3 = arith.addi %scan3A_1, %scan3A_2 : i32
    %scan3A_4 = arith.constant 1 : i32
    %scan3A_5 = scf.for %scan3A_41 = %scan3A_1 to %scan3A_3 step %scan3A_4 iter_args(%scan3A_42 = %scan3A) -> (i32)  : i32 {
      %broadcast_in_dim3A = arith.constant 0.000000e+00 : f32
      %broadcast_in_dim3A_43 = vector.broadcast %broadcast_in_dim3A : f32 to vector<16xf32>
      %swap3A = arith.index_cast %scan3A_41 : i32 to index
      %swap3A_44 = arith.constant 0 : index
      %swap3A_45 = tpu.vector_load %arg7[%swap3A, %swap3A_44] {strides = array<i32>} : memref<128x128xf32, #tpu.memory_space<vmem>>, vector<1x16xf32>,
      %swap3A_46 = vector.shape_cast %swap3A_45 : vector<1x16xf32> to vector<16xf32>
      %swap3A_47 = vector.shape_cast %broadcast_in_dim3A_43 : vector<16xf32> to vector<1x16xf32>
      tpu.vector_store %arg7[%swap3A, %swap3A_44], %swap3A_47 {strides = array<i32>} : memref<128x128xf32, #tpu.memory_space<vmem>>, vector<1x16xf32>,
      %broadcast_in_dim3A_48 = arith.constant 0.000000e+00 : f32
      %broadcast_in_dim3A_49 = vector.broadcast %broadcast_in_dim3A_48 : f32 to vector<16xf32>
      %swap3A_50 = arith.index_cast %scan3A_41 : i32 to index
      %swap3A_51 = arith.constant 16 : index
      %swap3A_52 = tpu.vector_load %arg7[%swap3A_50, %swap3A_51] {strides = array<i32>} : memref<128x128xf32, #tpu.memory_space<vmem>>, vector<1x16xf32>,
      %swap3A_53 = vector.shape_cast %swap3A_52 : vector<1x16xf32> to vector<16xf32>
      %swap3A_54 = vector.shape_cast %broadcast_in_dim3A_49 : vector<16xf32> to vector<1x16xf32>
      tpu.vector_store %arg7[%swap3A_50, %swap3A_51], %swap3A_54 {strides = array<i32>} : memref<128x128xf32, #tpu.memory_space<vmem>>, vector<1x16xf32>,
      %broadcast_in_dim3A_55 = arith.constant 0.000000e+00 : f32
      %broadcast_in_dim3A_56 = vector.broadcast %broadcast_in_dim3A_55 : f32 to vector<16xf32>
      %swap3A_57 = arith.index_cast %scan3A_41 : i32 to index
      %swap3A_58 = arith.constant 32 : index
      %swap3A_59 = tpu.vector_load %arg7[%swap3A_57, %swap3A_58] {strides = array<i32>} : memref<128x128xf32, #tpu.memory_space<vmem>>, vector<1x16xf32>,
      %swap3A_60 = vector.shape_cast %swap3A_59 : vector<1x16xf32> to vector<16xf32>
      %swap3A_61 = vector.shape_cast %broadcast_in_dim3A_56 : vector<16xf32> to vector<1x16xf32>
      tpu.vector_store %arg7[%swap3A_57, %swap3A_58], %swap3A_61 {strides = array<i32>} : memref<128x128xf32, #tpu.memory_space<vmem>>, vector<1x16xf32>,
      %broadcast_in_dim3A_62 = arith.constant 0.000000e+00 : f32
      %broadcast_in_dim3A_63 = vector.broadcast %broadcast_in_dim3A_62 : f32 to vector<16xf32>
      %swap3A_64 = arith.index_cast %scan3A_41 : i32 to index
      %swap3A_65 = arith.constant 48 : index
      %swap3A_66 = tpu.vector_load %arg7[%swap3A_64, %swap3A_65] {strides = array<i32>} : memref<128x128xf32, #tpu.memory_space<vmem>>, vector<1x16xf32>,
      %swap3A_67 = vector.shape_cast %swap3A_66 : vector<1x16xf32> to vector<16xf32>
      %swap3A_68 = vector.shape_cast %broadcast_in_dim3A_63 : vector<16xf32> to vector<1x16xf32>
      tpu.vector_store %arg7[%swap3A_64, %swap3A_65], %swap3A_68 {strides = array<i32>} : memref<128x128xf32, #tpu.memory_space<vmem>>, vector<1x16xf32>,
      %broadcast_in_dim3A_69 = arith.constant 0.000000e+00 : f32
      %broadcast_in_dim3A_70 = vector.broadcast %broadcast_in_dim3A_69 : f32 to vector<16xf32>
      %swap3A_71 = arith.index_cast %scan3A_41 : i32 to index
      %swap3A_72 = arith.constant 64 : index
      %swap3A_73 = tpu.vector_load %arg7[%swap3A_71, %swap3A_72] {strides = array<i32>} : memref<128x128xf32, #tpu.memory_space<vmem>>, vector<1x16xf32>,
      %swap3A_74 = vector.shape_cast %swap3A_73 : vector<1x16xf32> to vector<16xf32>
      %swap3A_75 = vector.shape_cast %broadcast_in_dim3A_70 : vector<16xf32> to vector<1x16xf32>
      tpu.vector_store %arg7[%swap3A_71, %swap3A_72], %swap3A_75 {strides = array<i32>} : memref<128x128xf32, #tpu.memory_space<vmem>>, vector<1x16xf32>,
      %broadcast_in_dim3A_76 = arith.constant 0.000000e+00 : f32
      %broadcast_in_dim3A_77 = vector.broadcast %broadcast_in_dim3A_76 : f32 to vector<16xf32>
      %swap3A_78 = arith.index_cast %scan3A_41 : i32 to index
      %swap3A_79 = arith.constant 80 : index
      %swap3A_80 = tpu.vector_load %arg7[%swap3A_78, %swap3A_79] {strides = array<i32>} : memref<128x128xf32, #tpu.memory_space<vmem>>, vector<1x16xf32>,
      %swap3A_81 = vector.shape_cast %swap3A_80 : vector<1x16xf32> to vector<16xf32>
      %swap3A_82 = vector.shape_cast %broadcast_in_dim3A_77 : vector<16xf32> to vector<1x16xf32>
      tpu.vector_store %arg7[%swap3A_78, %swap3A_79], %swap3A_82 {strides = array<i32>} : memref<128x128xf32, #tpu.memory_space<vmem>>, vector<1x16xf32>,
      %broadcast_in_dim3A_83 = arith.constant 0.000000e+00 : f32
      %broadcast_in_dim3A_84 = vector.broadcast %broadcast_in_dim3A_83 : f32 to vector<16xf32>
      %swap3A_85 = arith.index_cast %scan3A_41 : i32 to index
      %swap3A_86 = arith.constant 96 : index
      %swap3A_87 = tpu.vector_load %arg7[%swap3A_85, %swap3A_86] {strides = array<i32>} : memref<128x128xf32, #tpu.memory_space<vmem>>, vector<1x16xf32>,
      %swap3A_88 = vector.shape_cast %swap3A_87 : vector<1x16xf32> to vector<16xf32>
      %swap3A_89 = vector.shape_cast %broadcast_in_dim3A_84 : vector<16xf32> to vector<1x16xf32>
      tpu.vector_store %arg7[%swap3A_85, %swap3A_86], %swap3A_89 {strides = array<i32>} : memref<128x128xf32, #tpu.memory_space<vmem>>, vector<1x16xf32>,
      %broadcast_in_dim3A_90 = arith.constant 0.000000e+00 : f32
      %broadcast_in_dim3A_91 = vector.broadcast %broadcast_in_dim3A_90 : f32 to vector<16xf32>
      %swap3A_92 = arith.index_cast %scan3A_41 : i32 to index
      %swap3A_93 = arith.constant 112 : index
      %swap3A_94 = tpu.vector_load %arg7[%swap3A_92, %swap3A_93] {strides = array<i32>} : memref<128x128xf32, #tpu.memory_space<vmem>>, vector<1x16xf32>,
      %swap3A_95 = vector.shape_cast %swap3A_94 : vector<1x16xf32> to vector<16xf32>
      %swap3A_96 = vector.shape_cast %broadcast_in_dim3A_91 : vector<16xf32> to vector<1x16xf32>
      tpu.vector_store %arg7[%swap3A_92, %swap3A_93], %swap3A_96 {strides = array<i32>} : memref<128x128xf32, #tpu.memory_space<vmem>>, vector<1x16xf32>,
      %scan3A_97 = arith.constant 0 : i32
      scf.yield %scan3A_97 : i32
    }
    %scan3A_6 = arith.constant 128 : i32
    %mul3A_7 = arith.constant 640 : i32
    %mul3A_8 = arith.muli %arg1, %mul3A_7 : i32
    %add3A_9 = arith.constant 0 : i32
    %add3A_10 = arith.addi %mul3A_8, %add3A_9 : i32
    "tpu.region"() ({
      %run_scoped3A = tpu.sem_alloc : memref<!tpu.dma_semaphore, #tpu.memory_space<semaphore_mem>>
      %dma_start3A = arith.constant 0 : i32
      %dma_start3A_41 = tpu.memref_slice %arg5[%add3A_10, %dma_start3A] : memref<10240x128xf32, #tpu.memory_space<vmem_shared>> -> memref<128x128xf32, #tpu.memory_space<vmem_shared>>
      %dma_start3A_42 = arith.constant 0 : i32
      %dma_start3A_43 = tpu.memref_slice %arg5[%add3A_10, %dma_start3A_42] : memref<10240x128xf32, #tpu.memory_space<vmem_shared>> -> memref<128x128xf32, #tpu.memory_space<vmem_shared>>
      tpu.enqueue_dma source(%arg7 : memref<128x128xf32, #tpu.memory_space<vmem>>) target(%dma_start3A_43 : memref<128x128xf32, #tpu.memory_space<vmem_shared>>) target_semaphore(%run_scoped3A : memref<!tpu.dma_semaphore, #tpu.memory_space<semaphore_mem>>)
      %dma_wait3A = arith.constant 0 : i32
      %dma_wait3A_44 = tpu.memref_slice %arg5[%add3A_10, %dma_wait3A] : memref<10240x128xf32, #tpu.memory_space<vmem_shared>> -> memref<128x128xf32, #tpu.memory_space<vmem_shared>>
      %dma_wait3A_45 = arith.constant 0 : i32
      %dma_wait3A_46 = tpu.memref_slice %arg5[%add3A_10, %dma_wait3A_45] : memref<10240x128xf32, #tpu.memory_space<vmem_shared>> -> memref<128x128xf32, #tpu.memory_space<vmem_shared>>
      tpu.wait_dma2 semaphore(%run_scoped3A : memref<!tpu.dma_semaphore, #tpu.memory_space<semaphore_mem>>) src(%arg7 : memref<128x128xf32, #tpu.memory_space<vmem>>) dst(%dma_wait3A_46 : memref<128x128xf32, #tpu.memory_space<vmem_shared>>)
      tpu.yield
    }) : () -> ()
    %mul3A_11 = arith.constant 640 : i32
    %mul3A_12 = arith.muli %arg1, %mul3A_11 : i32
    %add3A_13 = arith.constant 128 : i32
    %add3A_14 = arith.addi %mul3A_12, %add3A_13 : i32
    "tpu.region"() ({
      %run_scoped3A = tpu.sem_alloc : memref<!tpu.dma_semaphore, #tpu.memory_space<semaphore_mem>>
      %dma_start3A = arith.constant 0 : i32
      %dma_start3A_41 = tpu.memref_slice %arg5[%add3A_14, %dma_start3A] : memref<10240x128xf32, #tpu.memory_space<vmem_shared>> -> memref<128x128xf32, #tpu.memory_space<vmem_shared>>
      %dma_start3A_42 = arith.constant 0 : i32
      %dma_start3A_43 = tpu.memref_slice %arg5[%add3A_14, %dma_start3A_42] : memref<10240x128xf32, #tpu.memory_space<vmem_shared>> -> memref<128x128xf32, #tpu.memory_space<vmem_shared>>
      tpu.enqueue_dma source(%arg7 : memref<128x128xf32, #tpu.memory_space<vmem>>) target(%dma_start3A_43 : memref<128x128xf32, #tpu.memory_space<vmem_shared>>) target_semaphore(%run_scoped3A : memref<!tpu.dma_semaphore, #tpu.memory_space<semaphore_mem>>)
      %dma_wait3A = arith.constant 0 : i32
      %dma_wait3A_44 = tpu.memref_slice %arg5[%add3A_14, %dma_wait3A] : memref<10240x128xf32, #tpu.memory_space<vmem_shared>> -> memref<128x128xf32, #tpu.memory_space<vmem_shared>>
      %dma_wait3A_45 = arith.constant 0 : i32
      %dma_wait3A_46 = tpu.memref_slice %arg5[%add3A_14, %dma_wait3A_45] : memref<10240x128xf32, #tpu.memory_space<vmem_shared>> -> memref<128x128xf32, #tpu.memory_space<vmem_shared>>
      tpu.wait_dma2 semaphore(%run_scoped3A : memref<!tpu.dma_semaphore, #tpu.memory_space<semaphore_mem>>) src(%arg7 : memref<128x128xf32, #tpu.memory_space<vmem>>) dst(%dma_wait3A_46 : memref<128x128xf32, #tpu.memory_space<vmem_shared>>)
      tpu.yield
    }) : () -> ()
    %mul3A_15 = arith.constant 640 : i32
    %mul3A_16 = arith.muli %arg1, %mul3A_15 : i32
    %add3A_17 = arith.constant 256 : i32
    %add3A_18 = arith.addi %mul3A_16, %add3A_17 : i32
    "tpu.region"() ({
      %run_scoped3A = tpu.sem_alloc : memref<!tpu.dma_semaphore, #tpu.memory_space<semaphore_mem>>
      %dma_start3A = arith.constant 0 : i32
      %dma_start3A_41 = tpu.memref_slice %arg5[%add3A_18, %dma_start3A] : memref<10240x128xf32, #tpu.memory_space<vmem_shared>> -> memref<128x128xf32, #tpu.memory_space<vmem_shared>>
      %dma_start3A_42 = arith.constant 0 : i32
      %dma_start3A_43 = tpu.memref_slice %arg5[%add3A_18, %dma_start3A_42] : memref<10240x128xf32, #tpu.memory_space<vmem_shared>> -> memref<128x128xf32, #tpu.memory_space<vmem_shared>>
      tpu.enqueue_dma source(%arg7 : memref<128x128xf32, #tpu.memory_space<vmem>>) target(%dma_start3A_43 : memref<128x128xf32, #tpu.memory_space<vmem_shared>>) target_semaphore(%run_scoped3A : memref<!tpu.dma_semaphore, #tpu.memory_space<semaphore_mem>>)
      %dma_wait3A = arith.constant 0 : i32
      %dma_wait3A_44 = tpu.memref_slice %arg5[%add3A_18, %dma_wait3A] : memref<10240x128xf32, #tpu.memory_space<vmem_shared>> -> memref<128x128xf32, #tpu.memory_space<vmem_shared>>
      %dma_wait3A_45 = arith.constant 0 : i32
      %dma_wait3A_46 = tpu.memref_slice %arg5[%add3A_18, %dma_wait3A_45] : memref<10240x128xf32, #tpu.memory_space<vmem_shared>> -> memref<128x128xf32, #tpu.memory_space<vmem_shared>>
      tpu.wait_dma2 semaphore(%run_scoped3A : memref<!tpu.dma_semaphore, #tpu.memory_space<semaphore_mem>>) src(%arg7 : memref<128x128xf32, #tpu.memory_space<vmem>>) dst(%dma_wait3A_46 : memref<128x128xf32, #tpu.memory_space<vmem_shared>>)
      tpu.yield
    }) : () -> ()
    %mul3A_19 = arith.constant 640 : i32
    %mul3A_20 = arith.muli %arg1, %mul3A_19 : i32
    %add3A_21 = arith.constant 384 : i32
    %add3A_22 = arith.addi %mul3A_20, %add3A_21 : i32
    "tpu.region"() ({
      %run_scoped3A = tpu.sem_alloc : memref<!tpu.dma_semaphore, #tpu.memory_space<semaphore_mem>>
      %dma_start3A = arith.constant 0 : i32
      %dma_start3A_41 = tpu.memref_slice %arg5[%add3A_22, %dma_start3A] : memref<10240x128xf32, #tpu.memory_space<vmem_shared>> -> memref<128x128xf32, #tpu.memory_space<vmem_shared>>
      %dma_start3A_42 = arith.constant 0 : i32
      %dma_start3A_43 = tpu.memref_slice %arg5[%add3A_22, %dma_start3A_42] : memref<10240x128xf32, #tpu.memory_space<vmem_shared>> -> memref<128x128xf32, #tpu.memory_space<vmem_shared>>
      tpu.enqueue_dma source(%arg7 : memref<128x128xf32, #tpu.memory_space<vmem>>) target(%dma_start3A_43 : memref<128x128xf32, #tpu.memory_space<vmem_shared>>) target_semaphore(%run_scoped3A : memref<!tpu.dma_semaphore, #tpu.memory_space<semaphore_mem>>)
      %dma_wait3A = arith.constant 0 : i32
      %dma_wait3A_44 = tpu.memref_slice %arg5[%add3A_22, %dma_wait3A] : memref<10240x128xf32, #tpu.memory_space<vmem_shared>> -> memref<128x128xf32, #tpu.memory_space<vmem_shared>>
      %dma_wait3A_45 = arith.constant 0 : i32
      %dma_wait3A_46 = tpu.memref_slice %arg5[%add3A_22, %dma_wait3A_45] : memref<10240x128xf32, #tpu.memory_space<vmem_shared>> -> memref<128x128xf32, #tpu.memory_space<vmem_shared>>
      tpu.wait_dma2 semaphore(%run_scoped3A : memref<!tpu.dma_semaphore, #tpu.memory_space<semaphore_mem>>) src(%arg7 : memref<128x128xf32, #tpu.memory_space<vmem>>) dst(%dma_wait3A_46 : memref<128x128xf32, #tpu.memory_space<vmem_shared>>)
      tpu.yield
    }) : () -> ()
    %mul3A_23 = arith.constant 640 : i32
    %mul3A_24 = arith.muli %arg1, %mul3A_23 : i32
    %add3A_25 = arith.constant 512 : i32
    %add3A_26 = arith.addi %mul3A_24, %add3A_25 : i32
    "tpu.region"() ({
      %run_scoped3A = tpu.sem_alloc : memref<!tpu.dma_semaphore, #tpu.memory_space<semaphore_mem>>
      %dma_start3A = arith.constant 0 : i32
      %dma_start3A_41 = tpu.memref_slice %arg5[%add3A_26, %dma_start3A] : memref<10240x128xf32, #tpu.memory_space<vmem_shared>> -> memref<128x128xf32, #tpu.memory_space<vmem_shared>>
      %dma_start3A_42 = arith.constant 0 : i32
      %dma_start3A_43 = tpu.memref_slice %arg5[%add3A_26, %dma_start3A_42] : memref<10240x128xf32, #tpu.memory_space<vmem_shared>> -> memref<128x128xf32, #tpu.memory_space<vmem_shared>>
      tpu.enqueue_dma source(%arg7 : memref<128x128xf32, #tpu.memory_space<vmem>>) target(%dma_start3A_43 : memref<128x128xf32, #tpu.memory_space<vmem_shared>>) target_semaphore(%run_scoped3A : memref<!tpu.dma_semaphore, #tpu.memory_space<semaphore_mem>>)
      %dma_wait3A = arith.constant 0 : i32
      %dma_wait3A_44 = tpu.memref_slice %arg5[%add3A_26, %dma_wait3A] : memref<10240x128xf32, #tpu.memory_space<vmem_shared>> -> memref<128x128xf32, #tpu.memory_space<vmem_shared>>
      %dma_wait3A_45 = arith.constant 0 : i32
      %dma_wait3A_46 = tpu.memref_slice %arg5[%add3A_26, %dma_wait3A_45] : memref<10240x128xf32, #tpu.memory_space<vmem_shared>> -> memref<128x128xf32, #tpu.memory_space<vmem_shared>>
      tpu.wait_dma2 semaphore(%run_scoped3A : memref<!tpu.dma_semaphore, #tpu.memory_space<semaphore_mem>>) src(%arg7 : memref<128x128xf32, #tpu.memory_space<vmem>>) dst(%dma_wait3A_46 : memref<128x128xf32, #tpu.memory_space<vmem_shared>>)
      tpu.yield
    }) : () -> ()
    %barrier3A = arith.constant 0 : index
    tpu.barrier barrier_id(%barrier3A)
    %scan3A_27 = arith.constant 0 : i32
    %scan3A_28 = arith.constant 0 : i32
    %scan3A_29 = arith.constant 40 : i32
    %scan3A_30 = arith.addi %scan3A_28, %scan3A_29 : i32
    %scan3A_31 = arith.constant 1 : i32
    %scan3A_32 = scf.for %scan3A_41 = %scan3A_28 to %scan3A_30 step %scan3A_31 iter_args(%scan3A_42 = %scan3A_27) -> (i32)  : i32 {
      %mul3A_43 = arith.constant 4 : i32
      %mul3A_44 = arith.muli %scan3A_41, %mul3A_43 : i32
      "tpu.region"() ({
        %run_scoped3A_115 = tpu.sem_alloc : memref<!tpu.dma_semaphore, #tpu.memory_space<semaphore_mem>>
        %dma_start3A_116 = arith.constant 0 : i32
        %dma_start3A_117 = arith.constant 0 : i32
        %dma_start3A_118 = tpu.memref_slice %arg3[%add3A, %mul3A_44, %dma_start3A_116, %dma_start3A_117] : memref<32x160x2x128xi32, #tpu.memory_space<hbm>> -> memref<1x4x2x128xi32, #tpu.memory_space<hbm>>
        %dma_start3A_119 = tpu.memref_squeeze %dma_start3A_118 : memref<1x4x2x128xi32, #tpu.memory_space<hbm>> -> memref<4x2x128xi32, #tpu.memory_space<hbm>>
        %dma_start3A_120 = arith.constant 0 : i32
        %dma_start3A_121 = arith.constant 0 : i32
        %dma_start3A_122 = tpu.memref_slice %arg3[%add3A, %mul3A_44, %dma_start3A_120, %dma_start3A_121] : memref<32x160x2x128xi32, #tpu.memory_space<hbm>> -> memref<1x4x2x128xi32, #tpu.memory_space<hbm>>
        %dma_start3A_123 = tpu.memref_squeeze %dma_start3A_122 : memref<1x4x2x128xi32, #tpu.memory_space<hbm>> -> memref<4x2x128xi32, #tpu.memory_space<hbm>>
        tpu.enqueue_dma source(%dma_start3A_123 : memref<4x2x128xi32, #tpu.memory_space<hbm>>) target(%arg6 : memref<4x2x128xi32, #tpu.memory_space<vmem>>) target_semaphore(%run_scoped3A_115 : memref<!tpu.dma_semaphore, #tpu.memory_space<semaphore_mem>>)
        %dma_wait3A_124 = arith.constant 0 : i32
        %dma_wait3A_125 = arith.constant 0 : i32
        %dma_wait3A_126 = tpu.memref_slice %arg3[%add3A, %mul3A_44, %dma_wait3A_124, %dma_wait3A_125] : memref<32x160x2x128xi32, #tpu.memory_space<hbm>> -> memref<1x4x2x128xi32, #tpu.memory_space<hbm>>
        %dma_wait3A_127 = tpu.memref_squeeze %dma_wait3A_126 : memref<1x4x2x128xi32, #tpu.memory_space<hbm>> -> memref<4x2x128xi32, #tpu.memory_space<hbm>>
        %dma_wait3A_128 = arith.constant 0 : i32
        %dma_wait3A_129 = arith.constant 0 : i32
        %dma_wait3A_130 = tpu.memref_slice %arg3[%add3A, %mul3A_44, %dma_wait3A_128, %dma_wait3A_129] : memref<32x160x2x128xi32, #tpu.memory_space<hbm>> -> memref<1x4x2x128xi32, #tpu.memory_space<hbm>>
        %dma_wait3A_131 = tpu.memref_squeeze %dma_wait3A_130 : memref<1x4x2x128xi32, #tpu.memory_space<hbm>> -> memref<4x2x128xi32, #tpu.memory_space<hbm>>
        tpu.wait_dma2 semaphore(%run_scoped3A_115 : memref<!tpu.dma_semaphore, #tpu.memory_space<semaphore_mem>>) src(%dma_wait3A_131 : memref<4x2x128xi32, #tpu.memory_space<hbm>>) dst(%arg6 : memref<4x2x128xi32, #tpu.memory_space<vmem>>)
        tpu.yield
      }) : () -> ()
      %dma_start3A = arith.constant 0 : i32
      %dma_start3A_45 = arith.constant 0 : i32
      %dma_start3A_46 = arith.constant 0 : i32
      %dma_start3A_47 = tpu.memref_slice %arg6[%dma_start3A, %dma_start3A_45, %dma_start3A_46] : memref<4x2x128xi32, #tpu.memory_space<vmem>> -> memref<1x1x128xi32, #tpu.memory_space<vmem>>
      %dma_start3A_48 = tpu.memref_squeeze %dma_start3A_47 : memref<1x1x128xi32, #tpu.memory_space<vmem>> -> memref<128xi32, #tpu.memory_space<vmem>>
      %dma_start3A_49 = arith.constant 0 : i32
      %dma_start3A_50 = arith.constant 0 : i32
      %dma_start3A_51 = tpu.memref_slice %arg2[%dma_start3A_49, %dma_start3A_50] : memref<10000x128xf32, #tpu.memory_space<hbm>> -> memref<10000x128xf32, #tpu.memory_space<hbm>>
      tpu.enqueue_indirect_dma source(%dma_start3A_51 : memref<10000x128xf32, #tpu.memory_space<hbm>>) target(%arg7 : memref<128x128xf32, #tpu.memory_space<vmem>>) offsets(%dma_start3A_48 : memref<128xi32, #tpu.memory_space<vmem>>) semaphore(%arg8 : memref<!tpu.dma_semaphore, #tpu.memory_space<semaphore_mem>>)
      %dma_wait3A = arith.constant 0 : i32
      %dma_wait3A_52 = arith.constant 0 : i32
      %dma_wait3A_53 = arith.constant 0 : i32
      %dma_wait3A_54 = tpu.memref_slice %arg6[%dma_wait3A, %dma_wait3A_52, %dma_wait3A_53] : memref<4x2x128xi32, #tpu.memory_space<vmem>> -> memref<1x1x128xi32, #tpu.memory_space<vmem>>
      %dma_wait3A_55 = tpu.memref_squeeze %dma_wait3A_54 : memref<1x1x128xi32, #tpu.memory_space<vmem>> -> memref<128xi32, #tpu.memory_space<vmem>>
      %dma_wait3A_56 = arith.constant 0 : i32
      %dma_wait3A_57 = arith.constant 0 : i32
      %dma_wait3A_58 = tpu.memref_slice %arg2[%dma_wait3A_56, %dma_wait3A_57] : memref<10000x128xf32, #tpu.memory_space<hbm>> -> memref<10000x128xf32, #tpu.memory_space<hbm>>
      tpu.wait_indirect_dma semaphore(%arg8 : memref<!tpu.dma_semaphore, #tpu.memory_space<semaphore_mem>>) src(%dma_wait3A_58 : memref<10000x128xf32, #tpu.memory_space<hbm>>) dst(%arg7 : memref<128x128xf32, #tpu.memory_space<vmem>>)
      %run_scoped3A = arith.constant 0 : i32
      %run_scoped3A_59 = arith.constant 1 : i32
      "tpu.region"() ({
        %run_scoped3A_115 = tpu.sem_alloc : memref<!tpu.dma_semaphore, #tpu.memory_space<semaphore_mem>>
        %dma_start3A_116 = arith.constant 0 : i32
        %dma_start3A_117 = tpu.memref_slice %arg6[%run_scoped3A, %run_scoped3A_59, %dma_start3A_116] : memref<4x2x128xi32, #tpu.memory_space<vmem>> -> memref<1x1x128xi32, #tpu.memory_space<vmem>>
        %dma_start3A_118 = tpu.memref_squeeze %dma_start3A_117 : memref<1x1x128xi32, #tpu.memory_space<vmem>> -> memref<128xi32, #tpu.memory_space<vmem>>
        %dma_start3A_119 = arith.constant 0 : i32
        %dma_start3A_120 = arith.constant 0 : i32
        %dma_start3A_121 = tpu.memref_slice %arg5[%dma_start3A_119, %dma_start3A_120] : memref<10240x128xf32, #tpu.memory_space<vmem_shared>> -> memref<10240x128xf32, #tpu.memory_space<vmem_shared>>
        tpu.enqueue_indirect_dma source(%arg7 : memref<128x128xf32, #tpu.memory_space<vmem>>) target(%dma_start3A_121 : memref<10240x128xf32, #tpu.memory_space<vmem_shared>>) offsets(%dma_start3A_118 : memref<128xi32, #tpu.memory_space<vmem>>) semaphore(%run_scoped3A_115 : memref<!tpu.dma_semaphore, #tpu.memory_space<semaphore_mem>>) {add = true}
        %dma_wait3A_122 = arith.constant 0 : i32
        %dma_wait3A_123 = tpu.memref_slice %arg6[%run_scoped3A, %run_scoped3A_59, %dma_wait3A_122] : memref<4x2x128xi32, #tpu.memory_space<vmem>> -> memref<1x1x128xi32, #tpu.memory_space<vmem>>
        %dma_wait3A_124 = tpu.memref_squeeze %dma_wait3A_123 : memref<1x1x128xi32, #tpu.memory_space<vmem>> -> memref<128xi32, #tpu.memory_space<vmem>>
        %dma_wait3A_125 = arith.constant 0 : i32
        %dma_wait3A_126 = arith.constant 0 : i32
        %dma_wait3A_127 = tpu.memref_slice %arg5[%dma_wait3A_125, %dma_wait3A_126] : memref<10240x128xf32, #tpu.memory_space<vmem_shared>> -> memref<10240x128xf32, #tpu.memory_space<vmem_shared>>
        tpu.wait_indirect_dma semaphore(%run_scoped3A_115 : memref<!tpu.dma_semaphore, #tpu.memory_space<semaphore_mem>>) src(%arg7 : memref<128x128xf32, #tpu.memory_space<vmem>>) dst(%dma_wait3A_127 : memref<10240x128xf32, #tpu.memory_space<vmem_shared>>)
        tpu.yield
      }) : () -> ()
      %dma_start3A_60 = arith.constant 1 : i32
      %dma_start3A_61 = arith.constant 0 : i32
      %dma_start3A_62 = arith.constant 0 : i32
      %dma_start3A_63 = tpu.memref_slice %arg6[%dma_start3A_60, %dma_start3A_61, %dma_start3A_62] : memref<4x2x128xi32, #tpu.memory_space<vmem>> -> memref<1x1x128xi32, #tpu.memory_space<vmem>>
      %dma_start3A_64 = tpu.memref_squeeze %dma_start3A_63 : memref<1x1x128xi32, #tpu.memory_space<vmem>> -> memref<128xi32, #tpu.memory_space<vmem>>
      %dma_start3A_65 = arith.constant 0 : i32
      %dma_start3A_66 = arith.constant 0 : i32
      %dma_start3A_67 = tpu.memref_slice %arg2[%dma_start3A_65, %dma_start3A_66] : memref<10000x128xf32, #tpu.memory_space<hbm>> -> memref<10000x128xf32, #tpu.memory_space<hbm>>
      tpu.enqueue_indirect_dma source(%dma_start3A_67 : memref<10000x128xf32, #tpu.memory_space<hbm>>) target(%arg7 : memref<128x128xf32, #tpu.memory_space<vmem>>) offsets(%dma_start3A_64 : memref<128xi32, #tpu.memory_space<vmem>>) semaphore(%arg8 : memref<!tpu.dma_semaphore, #tpu.memory_space<semaphore_mem>>)
      %dma_wait3A_68 = arith.constant 1 : i32
      %dma_wait3A_69 = arith.constant 0 : i32
      %dma_wait3A_70 = arith.constant 0 : i32
      %dma_wait3A_71 = tpu.memref_slice %arg6[%dma_wait3A_68, %dma_wait3A_69, %dma_wait3A_70] : memref<4x2x128xi32, #tpu.memory_space<vmem>> -> memref<1x1x128xi32, #tpu.memory_space<vmem>>
      %dma_wait3A_72 = tpu.memref_squeeze %dma_wait3A_71 : memref<1x1x128xi32, #tpu.memory_space<vmem>> -> memref<128xi32, #tpu.memory_space<vmem>>
      %dma_wait3A_73 = arith.constant 0 : i32
      %dma_wait3A_74 = arith.constant 0 : i32
      %dma_wait3A_75 = tpu.memref_slice %arg2[%dma_wait3A_73, %dma_wait3A_74] : memref<10000x128xf32, #tpu.memory_space<hbm>> -> memref<10000x128xf32, #tpu.memory_space<hbm>>
      tpu.wait_indirect_dma semaphore(%arg8 : memref<!tpu.dma_semaphore, #tpu.memory_space<semaphore_mem>>) src(%dma_wait3A_75 : memref<10000x128xf32, #tpu.memory_space<hbm>>) dst(%arg7 : memref<128x128xf32, #tpu.memory_space<vmem>>)
      %run_scoped3A_76 = arith.constant 1 : i32
      %run_scoped3A_77 = arith.constant 1 : i32
      "tpu.region"() ({
        %run_scoped3A_115 = tpu.sem_alloc : memref<!tpu.dma_semaphore, #tpu.memory_space<semaphore_mem>>
        %dma_start3A_116 = arith.constant 0 : i32
        %dma_start3A_117 = tpu.memref_slice %arg6[%run_scoped3A_76, %run_scoped3A_77, %dma_start3A_116] : memref<4x2x128xi32, #tpu.memory_space<vmem>> -> memref<1x1x128xi32, #tpu.memory_space<vmem>>
        %dma_start3A_118 = tpu.memref_squeeze %dma_start3A_117 : memref<1x1x128xi32, #tpu.memory_space<vmem>> -> memref<128xi32, #tpu.memory_space<vmem>>
        %dma_start3A_119 = arith.constant 0 : i32
        %dma_start3A_120 = arith.constant 0 : i32
        %dma_start3A_121 = tpu.memref_slice %arg5[%dma_start3A_119, %dma_start3A_120] : memref<10240x128xf32, #tpu.memory_space<vmem_shared>> -> memref<10240x128xf32, #tpu.memory_space<vmem_shared>>
        tpu.enqueue_indirect_dma source(%arg7 : memref<128x128xf32, #tpu.memory_space<vmem>>) target(%dma_start3A_121 : memref<10240x128xf32, #tpu.memory_space<vmem_shared>>) offsets(%dma_start3A_118 : memref<128xi32, #tpu.memory_space<vmem>>) semaphore(%run_scoped3A_115 : memref<!tpu.dma_semaphore, #tpu.memory_space<semaphore_mem>>) {add = true}
        %dma_wait3A_122 = arith.constant 0 : i32
        %dma_wait3A_123 = tpu.memref_slice %arg6[%run_scoped3A_76, %run_scoped3A_77, %dma_wait3A_122] : memref<4x2x128xi32, #tpu.memory_space<vmem>> -> memref<1x1x128xi32, #tpu.memory_space<vmem>>
        %dma_wait3A_124 = tpu.memref_squeeze %dma_wait3A_123 : memref<1x1x128xi32, #tpu.memory_space<vmem>> -> memref<128xi32, #tpu.memory_space<vmem>>
        %dma_wait3A_125 = arith.constant 0 : i32
        %dma_wait3A_126 = arith.constant 0 : i32
        %dma_wait3A_127 = tpu.memref_slice %arg5[%dma_wait3A_125, %dma_wait3A_126] : memref<10240x128xf32, #tpu.memory_space<vmem_shared>> -> memref<10240x128xf32, #tpu.memory_space<vmem_shared>>
        tpu.wait_indirect_dma semaphore(%run_scoped3A_115 : memref<!tpu.dma_semaphore, #tpu.memory_space<semaphore_mem>>) src(%arg7 : memref<128x128xf32, #tpu.memory_space<vmem>>) dst(%dma_wait3A_127 : memref<10240x128xf32, #tpu.memory_space<vmem_shared>>)
        tpu.yield
      }) : () -> ()
      %dma_start3A_78 = arith.constant 2 : i32
      %dma_start3A_79 = arith.constant 0 : i32
      %dma_start3A_80 = arith.constant 0 : i32
      %dma_start3A_81 = tpu.memref_slice %arg6[%dma_start3A_78, %dma_start3A_79, %dma_start3A_80] : memref<4x2x128xi32, #tpu.memory_space<vmem>> -> memref<1x1x128xi32, #tpu.memory_space<vmem>>
      %dma_start3A_82 = tpu.memref_squeeze %dma_start3A_81 : memref<1x1x128xi32, #tpu.memory_space<vmem>> -> memref<128xi32, #tpu.memory_space<vmem>>
      %dma_start3A_83 = arith.constant 0 : i32
      %dma_start3A_84 = arith.constant 0 : i32
      %dma_start3A_85 = tpu.memref_slice %arg2[%dma_start3A_83, %dma_start3A_84] : memref<10000x128xf32, #tpu.memory_space<hbm>> -> memref<10000x128xf32, #tpu.memory_space<hbm>>
      tpu.enqueue_indirect_dma source(%dma_start3A_85 : memref<10000x128xf32, #tpu.memory_space<hbm>>) target(%arg7 : memref<128x128xf32, #tpu.memory_space<vmem>>) offsets(%dma_start3A_82 : memref<128xi32, #tpu.memory_space<vmem>>) semaphore(%arg8 : memref<!tpu.dma_semaphore, #tpu.memory_space<semaphore_mem>>)
      %dma_wait3A_86 = arith.constant 2 : i32
      %dma_wait3A_87 = arith.constant 0 : i32
      %dma_wait3A_88 = arith.constant 0 : i32
      %dma_wait3A_89 = tpu.memref_slice %arg6[%dma_wait3A_86, %dma_wait3A_87, %dma_wait3A_88] : memref<4x2x128xi32, #tpu.memory_space<vmem>> -> memref<1x1x128xi32, #tpu.memory_space<vmem>>
      %dma_wait3A_90 = tpu.memref_squeeze %dma_wait3A_89 : memref<1x1x128xi32, #tpu.memory_space<vmem>> -> memref<128xi32, #tpu.memory_space<vmem>>
      %dma_wait3A_91 = arith.constant 0 : i32
      %dma_wait3A_92 = arith.constant 0 : i32
      %dma_wait3A_93 = tpu.memref_slice %arg2[%dma_wait3A_91, %dma_wait3A_92] : memref<10000x128xf32, #tpu.memory_space<hbm>> -> memref<10000x128xf32, #tpu.memory_space<hbm>>
      tpu.wait_indirect_dma semaphore(%arg8 : memref<!tpu.dma_semaphore, #tpu.memory_space<semaphore_mem>>) src(%dma_wait3A_93 : memref<10000x128xf32, #tpu.memory_space<hbm>>) dst(%arg7 : memref<128x128xf32, #tpu.memory_space<vmem>>)
      %run_scoped3A_94 = arith.constant 2 : i32
      %run_scoped3A_95 = arith.constant 1 : i32
      "tpu.region"() ({
        %run_scoped3A_115 = tpu.sem_alloc : memref<!tpu.dma_semaphore, #tpu.memory_space<semaphore_mem>>
        %dma_start3A_116 = arith.constant 0 : i32
        %dma_start3A_117 = tpu.memref_slice %arg6[%run_scoped3A_94, %run_scoped3A_95, %dma_start3A_116] : memref<4x2x128xi32, #tpu.memory_space<vmem>> -> memref<1x1x128xi32, #tpu.memory_space<vmem>>
        %dma_start3A_118 = tpu.memref_squeeze %dma_start3A_117 : memref<1x1x128xi32, #tpu.memory_space<vmem>> -> memref<128xi32, #tpu.memory_space<vmem>>
        %dma_start3A_119 = arith.constant 0 : i32
        %dma_start3A_120 = arith.constant 0 : i32
        %dma_start3A_121 = tpu.memref_slice %arg5[%dma_start3A_119, %dma_start3A_120] : memref<10240x128xf32, #tpu.memory_space<vmem_shared>> -> memref<10240x128xf32, #tpu.memory_space<vmem_shared>>
        tpu.enqueue_indirect_dma source(%arg7 : memref<128x128xf32, #tpu.memory_space<vmem>>) target(%dma_start3A_121 : memref<10240x128xf32, #tpu.memory_space<vmem_shared>>) offsets(%dma_start3A_118 : memref<128xi32, #tpu.memory_space<vmem>>) semaphore(%run_scoped3A_115 : memref<!tpu.dma_semaphore, #tpu.memory_space<semaphore_mem>>) {add = true}
        %dma_wait3A_122 = arith.constant 0 : i32
        %dma_wait3A_123 = tpu.memref_slice %arg6[%run_scoped3A_94, %run_scoped3A_95, %dma_wait3A_122] : memref<4x2x128xi32, #tpu.memory_space<vmem>> -> memref<1x1x128xi32, #tpu.memory_space<vmem>>
        %dma_wait3A_124 = tpu.memref_squeeze %dma_wait3A_123 : memref<1x1x128xi32, #tpu.memory_space<vmem>> -> memref<128xi32, #tpu.memory_space<vmem>>
        %dma_wait3A_125 = arith.constant 0 : i32
        %dma_wait3A_126 = arith.constant 0 : i32
        %dma_wait3A_127 = tpu.memref_slice %arg5[%dma_wait3A_125, %dma_wait3A_126] : memref<10240x128xf32, #tpu.memory_space<vmem_shared>> -> memref<10240x128xf32, #tpu.memory_space<vmem_shared>>
        tpu.wait_indirect_dma semaphore(%run_scoped3A_115 : memref<!tpu.dma_semaphore, #tpu.memory_space<semaphore_mem>>) src(%arg7 : memref<128x128xf32, #tpu.memory_space<vmem>>) dst(%dma_wait3A_127 : memref<10240x128xf32, #tpu.memory_space<vmem_shared>>)
        tpu.yield
      }) : () -> ()
      %dma_start3A_96 = arith.constant 3 : i32
      %dma_start3A_97 = arith.constant 0 : i32
      %dma_start3A_98 = arith.constant 0 : i32
      %dma_start3A_99 = tpu.memref_slice %arg6[%dma_start3A_96, %dma_start3A_97, %dma_start3A_98] : memref<4x2x128xi32, #tpu.memory_space<vmem>> -> memref<1x1x128xi32, #tpu.memory_space<vmem>>
      %dma_start3A_100 = tpu.memref_squeeze %dma_start3A_99 : memref<1x1x128xi32, #tpu.memory_space<vmem>> -> memref<128xi32, #tpu.memory_space<vmem>>
      %dma_start3A_101 = arith.constant 0 : i32
      %dma_start3A_102 = arith.constant 0 : i32
      %dma_start3A_103 = tpu.memref_slice %arg2[%dma_start3A_101, %dma_start3A_102] : memref<10000x128xf32, #tpu.memory_space<hbm>> -> memref<10000x128xf32, #tpu.memory_space<hbm>>
      tpu.enqueue_indirect_dma source(%dma_start3A_103 : memref<10000x128xf32, #tpu.memory_space<hbm>>) target(%arg7 : memref<128x128xf32, #tpu.memory_space<vmem>>) offsets(%dma_start3A_100 : memref<128xi32, #tpu.memory_space<vmem>>) semaphore(%arg8 : memref<!tpu.dma_semaphore, #tpu.memory_space<semaphore_mem>>)
      %dma_wait3A_104 = arith.constant 3 : i32
      %dma_wait3A_105 = arith.constant 0 : i32
      %dma_wait3A_106 = arith.constant 0 : i32
      %dma_wait3A_107 = tpu.memref_slice %arg6[%dma_wait3A_104, %dma_wait3A_105, %dma_wait3A_106] : memref<4x2x128xi32, #tpu.memory_space<vmem>> -> memref<1x1x128xi32, #tpu.memory_space<vmem>>
      %dma_wait3A_108 = tpu.memref_squeeze %dma_wait3A_107 : memref<1x1x128xi32, #tpu.memory_space<vmem>> -> memref<128xi32, #tpu.memory_space<vmem>>
      %dma_wait3A_109 = arith.constant 0 : i32
      %dma_wait3A_110 = arith.constant 0 : i32
      %dma_wait3A_111 = tpu.memref_slice %arg2[%dma_wait3A_109, %dma_wait3A_110] : memref<10000x128xf32, #tpu.memory_space<hbm>> -> memref<10000x128xf32, #tpu.memory_space<hbm>>
      tpu.wait_indirect_dma semaphore(%arg8 : memref<!tpu.dma_semaphore, #tpu.memory_space<semaphore_mem>>) src(%dma_wait3A_111 : memref<10000x128xf32, #tpu.memory_space<hbm>>) dst(%arg7 : memref<128x128xf32, #tpu.memory_space<vmem>>)
      %run_scoped3A_112 = arith.constant 3 : i32
      %run_scoped3A_113 = arith.constant 1 : i32
      "tpu.region"() ({
        %run_scoped3A_115 = tpu.sem_alloc : memref<!tpu.dma_semaphore, #tpu.memory_space<semaphore_mem>>
        %dma_start3A_116 = arith.constant 0 : i32
        %dma_start3A_117 = tpu.memref_slice %arg6[%run_scoped3A_112, %run_scoped3A_113, %dma_start3A_116] : memref<4x2x128xi32, #tpu.memory_space<vmem>> -> memref<1x1x128xi32, #tpu.memory_space<vmem>>
        %dma_start3A_118 = tpu.memref_squeeze %dma_start3A_117 : memref<1x1x128xi32, #tpu.memory_space<vmem>> -> memref<128xi32, #tpu.memory_space<vmem>>
        %dma_start3A_119 = arith.constant 0 : i32
        %dma_start3A_120 = arith.constant 0 : i32
        %dma_start3A_121 = tpu.memref_slice %arg5[%dma_start3A_119, %dma_start3A_120] : memref<10240x128xf32, #tpu.memory_space<vmem_shared>> -> memref<10240x128xf32, #tpu.memory_space<vmem_shared>>
        tpu.enqueue_indirect_dma source(%arg7 : memref<128x128xf32, #tpu.memory_space<vmem>>) target(%dma_start3A_121 : memref<10240x128xf32, #tpu.memory_space<vmem_shared>>) offsets(%dma_start3A_118 : memref<128xi32, #tpu.memory_space<vmem>>) semaphore(%run_scoped3A_115 : memref<!tpu.dma_semaphore, #tpu.memory_space<semaphore_mem>>) {add = true}
        %dma_wait3A_122 = arith.constant 0 : i32
        %dma_wait3A_123 = tpu.memref_slice %arg6[%run_scoped3A_112, %run_scoped3A_113, %dma_wait3A_122] : memref<4x2x128xi32, #tpu.memory_space<vmem>> -> memref<1x1x128xi32, #tpu.memory_space<vmem>>
        %dma_wait3A_124 = tpu.memref_squeeze %dma_wait3A_123 : memref<1x1x128xi32, #tpu.memory_space<vmem>> -> memref<128xi32, #tpu.memory_space<vmem>>
        %dma_wait3A_125 = arith.constant 0 : i32
        %dma_wait3A_126 = arith.constant 0 : i32
        %dma_wait3A_127 = tpu.memref_slice %arg5[%dma_wait3A_125, %dma_wait3A_126] : memref<10240x128xf32, #tpu.memory_space<vmem_shared>> -> memref<10240x128xf32, #tpu.memory_space<vmem_shared>>
        tpu.wait_indirect_dma semaphore(%run_scoped3A_115 : memref<!tpu.dma_semaphore, #tpu.memory_space<semaphore_mem>>) src(%arg7 : memref<128x128xf32, #tpu.memory_space<vmem>>) dst(%dma_wait3A_127 : memref<10240x128xf32, #tpu.memory_space<vmem_shared>>)
        tpu.yield
      }) : () -> ()
      %scan3A_114 = arith.constant 0 : i32
      scf.yield %scan3A_114 : i32
    }
    %scan3A_33 = arith.constant 40 : i32
    %barrier3A_34 = arith.constant 0 : index
    tpu.barrier barrier_id(%barrier3A_34)
    %mul3A_35 = arith.constant 624 : i32
    %mul3A_36 = arith.muli %arg1, %mul3A_35 : i32
    %mul3A_37 = arith.constant 624 : i32
    %mul3A_38 = arith.muli %arg1, %mul3A_37 : i32
    "tpu.region"() ({
      %run_scoped3A = tpu.sem_alloc : memref<!tpu.dma_semaphore, #tpu.memory_space<semaphore_mem>>
      %dma_start3A = arith.constant 0 : i32
      %dma_start3A_41 = tpu.memref_slice %arg4[%arg0, %mul3A_38, %dma_start3A] : memref<2x10000x128xf32, #tpu.memory_space<hbm>> -> memref<1x624x128xf32, #tpu.memory_space<hbm>>
      %dma_start3A_42 = tpu.memref_squeeze %dma_start3A_41 : memref<1x624x128xf32, #tpu.memory_space<hbm>> -> memref<624x128xf32, #tpu.memory_space<hbm>>
      %dma_start3A_43 = arith.constant 0 : i32
      %dma_start3A_44 = tpu.memref_slice %arg5[%mul3A_36, %dma_start3A_43] : memref<10240x128xf32, #tpu.memory_space<vmem_shared>> -> memref<624x128xf32, #tpu.memory_space<vmem_shared>>
      tpu.enqueue_dma source(%dma_start3A_44 : memref<624x128xf32, #tpu.memory_space<vmem_shared>>) target(%dma_start3A_42 : memref<624x128xf32, #tpu.memory_space<hbm>>) target_semaphore(%run_scoped3A : memref<!tpu.dma_semaphore, #tpu.memory_space<semaphore_mem>>)
      %dma_wait3A = arith.constant 0 : i32
      %dma_wait3A_45 = tpu.memref_slice %arg4[%arg0, %mul3A_38, %dma_wait3A] : memref<2x10000x128xf32, #tpu.memory_space<hbm>> -> memref<1x624x128xf32, #tpu.memory_space<hbm>>
      %dma_wait3A_46 = tpu.memref_squeeze %dma_wait3A_45 : memref<1x624x128xf32, #tpu.memory_space<hbm>> -> memref<624x128xf32, #tpu.memory_space<hbm>>
      %dma_wait3A_47 = arith.constant 0 : i32
      %dma_wait3A_48 = tpu.memref_slice %arg5[%mul3A_36, %dma_wait3A_47] : memref<10240x128xf32, #tpu.memory_space<vmem_shared>> -> memref<624x128xf32, #tpu.memory_space<vmem_shared>>
      tpu.wait_dma2 semaphore(%run_scoped3A : memref<!tpu.dma_semaphore, #tpu.memory_space<semaphore_mem>>) src(%dma_wait3A_48 : memref<624x128xf32, #tpu.memory_space<vmem_shared>>) dst(%dma_wait3A_46 : memref<624x128xf32, #tpu.memory_space<hbm>>)
      tpu.yield
    }) : () -> ()
    %eq3A = arith.constant 15 : i32
    %eq3A_39 = arith.cmpi eq, %arg1, %eq3A : i32
    %convert_element_type3A = arith.extui %eq3A_39 : i1 to i32
    %cond3A = arith.constant 0 : i32
    %cond3A_40 = arith.cmpi ne, %convert_element_type3A, %cond3A : i32
    scf.if %cond3A_40 {
      "tpu.region"() ({
        %run_scoped3A = tpu.sem_alloc : memref<!tpu.dma_semaphore, #tpu.memory_space<semaphore_mem>>
        %dma_start3A = arith.constant 9984 : i32
        %dma_start3A_41 = arith.constant 0 : i32
        %dma_start3A_42 = tpu.memref_slice %arg4[%arg0, %dma_start3A, %dma_start3A_41] : memref<2x10000x128xf32, #tpu.memory_space<hbm>> -> memref<1x16x128xf32, #tpu.memory_space<hbm>>
        %dma_start3A_43 = tpu.memref_squeeze %dma_start3A_42 : memref<1x16x128xf32, #tpu.memory_space<hbm>> -> memref<16x128xf32, #tpu.memory_space<hbm>>
        %dma_start3A_44 = arith.constant 9984 : i32
        %dma_start3A_45 = arith.constant 0 : i32
        %dma_start3A_46 = tpu.memref_slice %arg5[%dma_start3A_44, %dma_start3A_45] : memref<10240x128xf32, #tpu.memory_space<vmem_shared>> -> memref<16x128xf32, #tpu.memory_space<vmem_shared>>
        tpu.enqueue_dma source(%dma_start3A_46 : memref<16x128xf32, #tpu.memory_space<vmem_shared>>) target(%dma_start3A_43 : memref<16x128xf32, #tpu.memory_space<hbm>>) target_semaphore(%run_scoped3A : memref<!tpu.dma_semaphore, #tpu.memory_space<semaphore_mem>>)
        %dma_wait3A = arith.constant 9984 : i32
        %dma_wait3A_47 = arith.constant 0 : i32
        %dma_wait3A_48 = tpu.memref_slice %arg4[%arg0, %dma_wait3A, %dma_wait3A_47] : memref<2x10000x128xf32, #tpu.memory_space<hbm>> -> memref<1x16x128xf32, #tpu.memory_space<hbm>>
        %dma_wait3A_49 = tpu.memref_squeeze %dma_wait3A_48 : memref<1x16x128xf32, #tpu.memory_space<hbm>> -> memref<16x128xf32, #tpu.memory_space<hbm>>
        %dma_wait3A_50 = arith.constant 9984 : i32
        %dma_wait3A_51 = arith.constant 0 : i32
        %dma_wait3A_52 = tpu.memref_slice %arg5[%dma_wait3A_50, %dma_wait3A_51] : memref<10240x128xf32, #tpu.memory_space<vmem_shared>> -> memref<16x128xf32, #tpu.memory_space<vmem_shared>>
        tpu.wait_dma2 semaphore(%run_scoped3A : memref<!tpu.dma_semaphore, #tpu.memory_space<semaphore_mem>>) src(%dma_wait3A_52 : memref<16x128xf32, #tpu.memory_space<vmem_shared>>) dst(%dma_wait3A_49 : memref<16x128xf32, #tpu.memory_space<hbm>>)
        tpu.yield
      }) : () -> ()
    } else {
    }
    return
  }
}

#map = affine_map<(d0, d1) -> (0, 0, 0, 0)>
#map1 = affine_map<(d0, d1) -> (0, 0, 0)>
module attributes {stable_mosaic.version = 14 : i64} {
  func.func @deg_kernel(%arg0: i32, %arg1: i32, %arg2: memref<32x160x2x128xi32, #tpu.memory_space<hbm>>, %arg3: memref<2x1x10240xf32, #tpu.memory_space<hbm>>, %arg4: memref<16x10240xf32, #tpu.memory_space<vmem_shared>>, %arg5: memref<2x16x2x128xi32, #tpu.memory_space<vmem>>, %arg6: memref<10240xf32, #tpu.memory_space<vmem>>, %arg7: memref<16x640xf32, #tpu.memory_space<vmem>>, %arg8: memref<!tpu.dma_semaphore, #tpu.memory_space<semaphore_mem>>) attributes {dimension_semantics = [#tpu.dimension_semantics<core_parallel>, #tpu.dimension_semantics<subcore_parallel>], iteration_bounds = array<i64: 2, 16>, scalar_prefetch = 0 : i64, scratch_operands = 5 : i64, tpu.core_type = #tpu.core_type<sc_vector_subcore>, window_params = [{transform_indices = #map}, {transform_indices = #map1}]} {
    %mul3A = arith.constant 16 : i32
    %mul3A_0 = arith.muli %arg0, %mul3A : i32
    %add3A = arith.addi %mul3A_0, %arg1 : i32
    %scan3A = arith.constant 0 : i32
    %scan3A_1 = arith.constant 0 : i32
    %scan3A_2 = arith.constant 640 : i32
    %scan3A_3 = arith.addi %scan3A_1, %scan3A_2 : i32
    %scan3A_4 = arith.constant 1 : i32
    %scan3A_5 = scf.for %scan3A_109 = %scan3A_1 to %scan3A_3 step %scan3A_4 iter_args(%scan3A_110 = %scan3A) -> (i32)  : i32 {
      %broadcast_in_dim3A_111 = arith.constant 0.000000e+00 : f32
      %broadcast_in_dim3A_112 = vector.broadcast %broadcast_in_dim3A_111 : f32 to vector<16xf32>
      %mul3A_113 = arith.constant 16 : i32
      %mul3A_114 = arith.muli %scan3A_109, %mul3A_113 : i32
      %swap3A = arith.index_cast %mul3A_114 : i32 to index
      %swap3A_115 = tpu.vector_load %arg6[%swap3A] {strides = array<i32>} : memref<10240xf32, #tpu.memory_space<vmem>>, vector<16xf32>,
      tpu.vector_store %arg6[%swap3A], %broadcast_in_dim3A_112 {strides = array<i32>} : memref<10240xf32, #tpu.memory_space<vmem>>, vector<16xf32>,
      %scan3A_116 = arith.constant 0 : i32
      scf.yield %scan3A_116 : i32
    }
    %scan3A_6 = arith.constant 640 : i32
    %broadcast_in_dim3A = arith.constant 1.000000e+00 : f32
    %broadcast_in_dim3A_7 = vector.broadcast %broadcast_in_dim3A : f32 to vector<16xf32>
    %dma_start3A = arith.constant 0 : i32
    %dma_start3A_8 = arith.constant 0 : i32
    %dma_start3A_9 = arith.constant 0 : i32
    %dma_start3A_10 = arith.constant 0 : i32
    %dma_start3A_11 = tpu.memref_slice %arg5[%dma_start3A, %dma_start3A_8, %dma_start3A_9, %dma_start3A_10] : memref<2x16x2x128xi32, #tpu.memory_space<vmem>> -> memref<1x16x2x128xi32, #tpu.memory_space<vmem>>
    %dma_start3A_12 = tpu.memref_squeeze %dma_start3A_11 : memref<1x16x2x128xi32, #tpu.memory_space<vmem>> -> memref<16x2x128xi32, #tpu.memory_space<vmem>>
    %dma_start3A_13 = arith.constant 0 : i32
    %dma_start3A_14 = arith.constant 0 : i32
    %dma_start3A_15 = arith.constant 0 : i32
    %dma_start3A_16 = tpu.memref_slice %arg2[%add3A, %dma_start3A_13, %dma_start3A_14, %dma_start3A_15] : memref<32x160x2x128xi32, #tpu.memory_space<hbm>> -> memref<1x16x2x128xi32, #tpu.memory_space<hbm>>
    %dma_start3A_17 = tpu.memref_squeeze %dma_start3A_16 : memref<1x16x2x128xi32, #tpu.memory_space<hbm>> -> memref<16x2x128xi32, #tpu.memory_space<hbm>>
    %dma_start3A_18 = arith.constant 0 : i32
    %dma_start3A_19 = arith.constant 0 : i32
    %dma_start3A_20 = arith.constant 0 : i32
    %dma_start3A_21 = tpu.memref_slice %arg5[%dma_start3A, %dma_start3A_18, %dma_start3A_19, %dma_start3A_20] : memref<2x16x2x128xi32, #tpu.memory_space<vmem>> -> memref<1x16x2x128xi32, #tpu.memory_space<vmem>>
    %dma_start3A_22 = tpu.memref_squeeze %dma_start3A_21 : memref<1x16x2x128xi32, #tpu.memory_space<vmem>> -> memref<16x2x128xi32, #tpu.memory_space<vmem>>
    %dma_start3A_23 = arith.constant 0 : i32
    %dma_start3A_24 = arith.constant 0 : i32
    %dma_start3A_25 = arith.constant 0 : i32
    %dma_start3A_26 = tpu.memref_slice %arg2[%add3A, %dma_start3A_23, %dma_start3A_24, %dma_start3A_25] : memref<32x160x2x128xi32, #tpu.memory_space<hbm>> -> memref<1x16x2x128xi32, #tpu.memory_space<hbm>>
    %dma_start3A_27 = tpu.memref_squeeze %dma_start3A_26 : memref<1x16x2x128xi32, #tpu.memory_space<hbm>> -> memref<16x2x128xi32, #tpu.memory_space<hbm>>
    tpu.enqueue_dma source(%dma_start3A_27 : memref<16x2x128xi32, #tpu.memory_space<hbm>>) target(%dma_start3A_22 : memref<16x2x128xi32, #tpu.memory_space<vmem>>) target_semaphore(%arg8 : memref<!tpu.dma_semaphore, #tpu.memory_space<semaphore_mem>>)
    %scan3A_28 = arith.constant 0 : i32
    %scan3A_29 = arith.constant 0 : i32
    %scan3A_30 = arith.constant 10 : i32
    %scan3A_31 = arith.addi %scan3A_29, %scan3A_30 : i32
    %scan3A_32 = arith.constant 1 : i32
    %scan3A_33 = scf.for %scan3A_109 = %scan3A_29 to %scan3A_31 step %scan3A_32 iter_args(%scan3A_110 = %scan3A_28) -> (i32)  : i32 {
      %rem3A = arith.constant 2 : i32
      %rem3A_111 = arith.remsi %scan3A_109, %rem3A : i32
      %dma_wait3A = arith.constant 0 : i32
      %dma_wait3A_112 = arith.constant 0 : i32
      %dma_wait3A_113 = arith.constant 0 : i32
      %dma_wait3A_114 = arith.constant 0 : i32
      %dma_wait3A_115 = tpu.memref_slice %arg5[%dma_wait3A, %dma_wait3A_112, %dma_wait3A_113, %dma_wait3A_114] : memref<2x16x2x128xi32, #tpu.memory_space<vmem>> -> memref<1x16x2x128xi32, #tpu.memory_space<vmem>>
      %dma_wait3A_116 = tpu.memref_squeeze %dma_wait3A_115 : memref<1x16x2x128xi32, #tpu.memory_space<vmem>> -> memref<16x2x128xi32, #tpu.memory_space<vmem>>
      %dma_wait3A_117 = arith.constant 0 : i32
      %dma_wait3A_118 = arith.constant 0 : i32
      %dma_wait3A_119 = arith.constant 0 : i32
      %dma_wait3A_120 = tpu.memref_slice %arg2[%add3A, %dma_wait3A_117, %dma_wait3A_118, %dma_wait3A_119] : memref<32x160x2x128xi32, #tpu.memory_space<hbm>> -> memref<1x16x2x128xi32, #tpu.memory_space<hbm>>
      %dma_wait3A_121 = tpu.memref_squeeze %dma_wait3A_120 : memref<1x16x2x128xi32, #tpu.memory_space<hbm>> -> memref<16x2x128xi32, #tpu.memory_space<hbm>>
      %dma_wait3A_122 = arith.constant 0 : i32
      %dma_wait3A_123 = arith.constant 0 : i32
      %dma_wait3A_124 = arith.constant 0 : i32
      %dma_wait3A_125 = tpu.memref_slice %arg5[%dma_wait3A, %dma_wait3A_122, %dma_wait3A_123, %dma_wait3A_124] : memref<2x16x2x128xi32, #tpu.memory_space<vmem>> -> memref<1x16x2x128xi32, #tpu.memory_space<vmem>>
      %dma_wait3A_126 = tpu.memref_squeeze %dma_wait3A_125 : memref<1x16x2x128xi32, #tpu.memory_space<vmem>> -> memref<16x2x128xi32, #tpu.memory_space<vmem>>
      %dma_wait3A_127 = arith.constant 0 : i32
      %dma_wait3A_128 = arith.constant 0 : i32
      %dma_wait3A_129 = arith.constant 0 : i32
      %dma_wait3A_130 = tpu.memref_slice %arg2[%add3A, %dma_wait3A_127, %dma_wait3A_128, %dma_wait3A_129] : memref<32x160x2x128xi32, #tpu.memory_space<hbm>> -> memref<1x16x2x128xi32, #tpu.memory_space<hbm>>
      %dma_wait3A_131 = tpu.memref_squeeze %dma_wait3A_130 : memref<1x16x2x128xi32, #tpu.memory_space<hbm>> -> memref<16x2x128xi32, #tpu.memory_space<hbm>>
      tpu.wait_dma2 semaphore(%arg8 : memref<!tpu.dma_semaphore, #tpu.memory_space<semaphore_mem>>) src(%dma_wait3A_131 : memref<16x2x128xi32, #tpu.memory_space<hbm>>) dst(%dma_wait3A_126 : memref<16x2x128xi32, #tpu.memory_space<vmem>>)
      %add3A_132 = arith.constant 1 : i32
      %add3A_133 = arith.addi %scan3A_109, %add3A_132 : i32
      %lt3A = arith.constant 10 : i32
      %lt3A_134 = arith.cmpi slt, %add3A_133, %lt3A : i32
      %convert_element_type3A = arith.extui %lt3A_134 : i1 to i32
      %cond3A = arith.constant 0 : i32
      %cond3A_135 = arith.cmpi ne, %convert_element_type3A, %cond3A : i32
      scf.if %cond3A_135 {
        %add3A_1032 = arith.constant 1 : i32
        %add3A_1033 = arith.addi %scan3A_109, %add3A_1032 : i32
        %mul3A_1034 = arith.constant 16 : i32
        %mul3A_1035 = arith.muli %add3A_1033, %mul3A_1034 : i32
        %sub3A = arith.constant 1 : i32
        %sub3A_1036 = arith.subi %sub3A, %rem3A_111 : i32
        %dma_start3A_1037 = arith.constant 0 : i32
        %dma_start3A_1038 = arith.constant 0 : i32
        %dma_start3A_1039 = arith.constant 0 : i32
        %dma_start3A_1040 = tpu.memref_slice %arg5[%sub3A_1036, %dma_start3A_1037, %dma_start3A_1038, %dma_start3A_1039] : memref<2x16x2x128xi32, #tpu.memory_space<vmem>> -> memref<1x16x2x128xi32, #tpu.memory_space<vmem>>
        %dma_start3A_1041 = tpu.memref_squeeze %dma_start3A_1040 : memref<1x16x2x128xi32, #tpu.memory_space<vmem>> -> memref<16x2x128xi32, #tpu.memory_space<vmem>>
        %dma_start3A_1042 = arith.constant 0 : i32
        %dma_start3A_1043 = arith.constant 0 : i32
        %dma_start3A_1044 = tpu.memref_slice %arg2[%add3A, %mul3A_1035, %dma_start3A_1042, %dma_start3A_1043] : memref<32x160x2x128xi32, #tpu.memory_space<hbm>> -> memref<1x16x2x128xi32, #tpu.memory_space<hbm>>
        %dma_start3A_1045 = tpu.memref_squeeze %dma_start3A_1044 : memref<1x16x2x128xi32, #tpu.memory_space<hbm>> -> memref<16x2x128xi32, #tpu.memory_space<hbm>>
        %dma_start3A_1046 = arith.constant 0 : i32
        %dma_start3A_1047 = arith.constant 0 : i32
        %dma_start3A_1048 = arith.constant 0 : i32
        %dma_start3A_1049 = tpu.memref_slice %arg5[%sub3A_1036, %dma_start3A_1046, %dma_start3A_1047, %dma_start3A_1048] : memref<2x16x2x128xi32, #tpu.memory_space<vmem>> -> memref<1x16x2x128xi32, #tpu.memory_space<vmem>>
        %dma_start3A_1050 = tpu.memref_squeeze %dma_start3A_1049 : memref<1x16x2x128xi32, #tpu.memory_space<vmem>> -> memref<16x2x128xi32, #tpu.memory_space<vmem>>
        %dma_start3A_1051 = arith.constant 0 : i32
        %dma_start3A_1052 = arith.constant 0 : i32
        %dma_start3A_1053 = tpu.memref_slice %arg2[%add3A, %mul3A_1035, %dma_start3A_1051, %dma_start3A_1052] : memref<32x160x2x128xi32, #tpu.memory_space<hbm>> -> memref<1x16x2x128xi32, #tpu.memory_space<hbm>>
        %dma_start3A_1054 = tpu.memref_squeeze %dma_start3A_1053 : memref<1x16x2x128xi32, #tpu.memory_space<hbm>> -> memref<16x2x128xi32, #tpu.memory_space<hbm>>
        tpu.enqueue_dma source(%dma_start3A_1054 : memref<16x2x128xi32, #tpu.memory_space<hbm>>) target(%dma_start3A_1050 : memref<16x2x128xi32, #tpu.memory_space<vmem>>) target_semaphore(%arg8 : memref<!tpu.dma_semaphore, #tpu.memory_space<semaphore_mem>>)
      } else {
      }
      %get3A = arith.constant 0 : i32
      %get3A_136 = arith.constant 1 : i32
      %get3A_137 = arith.index_cast %rem3A_111 : i32 to index
      %get3A_138 = arith.index_cast %get3A : i32 to index
      %get3A_139 = arith.index_cast %get3A_136 : i32 to index
      %get3A_140 = arith.constant 0 : index
      %get3A_141 = tpu.vector_load %arg5[%get3A_137, %get3A_138, %get3A_139, %get3A_140] {strides = array<i32>} : memref<2x16x2x128xi32, #tpu.memory_space<vmem>>, vector<16xi32>,
      tpu.vector_store_idx %arg6[%get3A_141], %broadcast_in_dim3A_7 {add = true} : memref<10240xf32, #tpu.memory_space<vmem>>[vector<16xi32>], vector<16xf32>,
      %get3A_142 = arith.constant 0 : i32
      %get3A_143 = arith.constant 1 : i32
      %get3A_144 = arith.index_cast %rem3A_111 : i32 to index
      %get3A_145 = arith.index_cast %get3A_142 : i32 to index
      %get3A_146 = arith.index_cast %get3A_143 : i32 to index
      %get3A_147 = arith.constant 16 : index
      %get3A_148 = tpu.vector_load %arg5[%get3A_144, %get3A_145, %get3A_146, %get3A_147] {strides = array<i32>} : memref<2x16x2x128xi32, #tpu.memory_space<vmem>>, vector<16xi32>,
      tpu.vector_store_idx %arg6[%get3A_148], %broadcast_in_dim3A_7 {add = true} : memref<10240xf32, #tpu.memory_space<vmem>>[vector<16xi32>], vector<16xf32>,
      %get3A_149 = arith.constant 0 : i32
      %get3A_150 = arith.constant 1 : i32
      %get3A_151 = arith.index_cast %rem3A_111 : i32 to index
      %get3A_152 = arith.index_cast %get3A_149 : i32 to index
      %get3A_153 = arith.index_cast %get3A_150 : i32 to index
      %get3A_154 = arith.constant 32 : index
      %get3A_155 = tpu.vector_load %arg5[%get3A_151, %get3A_152, %get3A_153, %get3A_154] {strides = array<i32>} : memref<2x16x2x128xi32, #tpu.memory_space<vmem>>, vector<16xi32>,
      tpu.vector_store_idx %arg6[%get3A_155], %broadcast_in_dim3A_7 {add = true} : memref<10240xf32, #tpu.memory_space<vmem>>[vector<16xi32>], vector<16xf32>,
      %get3A_156 = arith.constant 0 : i32
      %get3A_157 = arith.constant 1 : i32
      %get3A_158 = arith.index_cast %rem3A_111 : i32 to index
      %get3A_159 = arith.index_cast %get3A_156 : i32 to index
      %get3A_160 = arith.index_cast %get3A_157 : i32 to index
      %get3A_161 = arith.constant 48 : index
      %get3A_162 = tpu.vector_load %arg5[%get3A_158, %get3A_159, %get3A_160, %get3A_161] {strides = array<i32>} : memref<2x16x2x128xi32, #tpu.memory_space<vmem>>, vector<16xi32>,
      tpu.vector_store_idx %arg6[%get3A_162], %broadcast_in_dim3A_7 {add = true} : memref<10240xf32, #tpu.memory_space<vmem>>[vector<16xi32>], vector<16xf32>,
      %get3A_163 = arith.constant 0 : i32
      %get3A_164 = arith.constant 1 : i32
      %get3A_165 = arith.index_cast %rem3A_111 : i32 to index
      %get3A_166 = arith.index_cast %get3A_163 : i32 to index
      %get3A_167 = arith.index_cast %get3A_164 : i32 to index
      %get3A_168 = arith.constant 64 : index
      %get3A_169 = tpu.vector_load %arg5[%get3A_165, %get3A_166, %get3A_167, %get3A_168] {strides = array<i32>} : memref<2x16x2x128xi32, #tpu.memory_space<vmem>>, vector<16xi32>,
      tpu.vector_store_idx %arg6[%get3A_169], %broadcast_in_dim3A_7 {add = true} : memref<10240xf32, #tpu.memory_space<vmem>>[vector<16xi32>], vector<16xf32>,
      %get3A_170 = arith.constant 0 : i32
      %get3A_171 = arith.constant 1 : i32
      %get3A_172 = arith.index_cast %rem3A_111 : i32 to index
      %get3A_173 = arith.index_cast %get3A_170 : i32 to index
      %get3A_174 = arith.index_cast %get3A_171 : i32 to index
      %get3A_175 = arith.constant 80 : index
      %get3A_176 = tpu.vector_load %arg5[%get3A_172, %get3A_173, %get3A_174, %get3A_175] {strides = array<i32>} : memref<2x16x2x128xi32, #tpu.memory_space<vmem>>, vector<16xi32>,
      tpu.vector_store_idx %arg6[%get3A_176], %broadcast_in_dim3A_7 {add = true} : memref<10240xf32, #tpu.memory_space<vmem>>[vector<16xi32>], vector<16xf32>,
      %get3A_177 = arith.constant 0 : i32
      %get3A_178 = arith.constant 1 : i32
      %get3A_179 = arith.index_cast %rem3A_111 : i32 to index
      %get3A_180 = arith.index_cast %get3A_177 : i32 to index
      %get3A_181 = arith.index_cast %get3A_178 : i32 to index
      %get3A_182 = arith.constant 96 : index
      %get3A_183 = tpu.vector_load %arg5[%get3A_179, %get3A_180, %get3A_181, %get3A_182] {strides = array<i32>} : memref<2x16x2x128xi32, #tpu.memory_space<vmem>>, vector<16xi32>,
      tpu.vector_store_idx %arg6[%get3A_183], %broadcast_in_dim3A_7 {add = true} : memref<10240xf32, #tpu.memory_space<vmem>>[vector<16xi32>], vector<16xf32>,
      %get3A_184 = arith.constant 0 : i32
      %get3A_185 = arith.constant 1 : i32
      %get3A_186 = arith.index_cast %rem3A_111 : i32 to index
      %get3A_187 = arith.index_cast %get3A_184 : i32 to index
      %get3A_188 = arith.index_cast %get3A_185 : i32 to index
      %get3A_189 = arith.constant 112 : index
      %get3A_190 = tpu.vector_load %arg5[%get3A_186, %get3A_187, %get3A_188, %get3A_189] {strides = array<i32>} : memref<2x16x2x128xi32, #tpu.memory_space<vmem>>, vector<16xi32>,
      tpu.vector_store_idx %arg6[%get3A_190], %broadcast_in_dim3A_7 {add = true} : memref<10240xf32, #tpu.memory_space<vmem>>[vector<16xi32>], vector<16xf32>,
      %get3A_191 = arith.constant 1 : i32
      %get3A_192 = arith.constant 1 : i32
      %get3A_193 = arith.index_cast %rem3A_111 : i32 to index
      %get3A_194 = arith.index_cast %get3A_191 : i32 to index
      %get3A_195 = arith.index_cast %get3A_192 : i32 to index
      %get3A_196 = arith.constant 0 : index
      %get3A_197 = tpu.vector_load %arg5[%get3A_193, %get3A_194, %get3A_195, %get3A_196] {strides = array<i32>} : memref<2x16x2x128xi32, #tpu.memory_space<vmem>>, vector<16xi32>,
      tpu.vector_store_idx %arg6[%get3A_197], %broadcast_in_dim3A_7 {add = true} : memref<10240xf32, #tpu.memory_space<vmem>>[vector<16xi32>], vector<16xf32>,
      %get3A_198 = arith.constant 1 : i32
      %get3A_199 = arith.constant 1 : i32
      %get3A_200 = arith.index_cast %rem3A_111 : i32 to index
      %get3A_201 = arith.index_cast %get3A_198 : i32 to index
      %get3A_202 = arith.index_cast %get3A_199 : i32 to index
      %get3A_203 = arith.constant 16 : index
      %get3A_204 = tpu.vector_load %arg5[%get3A_200, %get3A_201, %get3A_202, %get3A_203] {strides = array<i32>} : memref<2x16x2x128xi32, #tpu.memory_space<vmem>>, vector<16xi32>,
      tpu.vector_store_idx %arg6[%get3A_204], %broadcast_in_dim3A_7 {add = true} : memref<10240xf32, #tpu.memory_space<vmem>>[vector<16xi32>], vector<16xf32>,
      %get3A_205 = arith.constant 1 : i32
      %get3A_206 = arith.constant 1 : i32
      %get3A_207 = arith.index_cast %rem3A_111 : i32 to index
      %get3A_208 = arith.index_cast %get3A_205 : i32 to index
      %get3A_209 = arith.index_cast %get3A_206 : i32 to index
      %get3A_210 = arith.constant 32 : index
      %get3A_211 = tpu.vector_load %arg5[%get3A_207, %get3A_208, %get3A_209, %get3A_210] {strides = array<i32>} : memref<2x16x2x128xi32, #tpu.memory_space<vmem>>, vector<16xi32>,
      tpu.vector_store_idx %arg6[%get3A_211], %broadcast_in_dim3A_7 {add = true} : memref<10240xf32, #tpu.memory_space<vmem>>[vector<16xi32>], vector<16xf32>,
      %get3A_212 = arith.constant 1 : i32
      %get3A_213 = arith.constant 1 : i32
      %get3A_214 = arith.index_cast %rem3A_111 : i32 to index
      %get3A_215 = arith.index_cast %get3A_212 : i32 to index
      %get3A_216 = arith.index_cast %get3A_213 : i32 to index
      %get3A_217 = arith.constant 48 : index
      %get3A_218 = tpu.vector_load %arg5[%get3A_214, %get3A_215, %get3A_216, %get3A_217] {strides = array<i32>} : memref<2x16x2x128xi32, #tpu.memory_space<vmem>>, vector<16xi32>,
      tpu.vector_store_idx %arg6[%get3A_218], %broadcast_in_dim3A_7 {add = true} : memref<10240xf32, #tpu.memory_space<vmem>>[vector<16xi32>], vector<16xf32>,
      %get3A_219 = arith.constant 1 : i32
      %get3A_220 = arith.constant 1 : i32
      %get3A_221 = arith.index_cast %rem3A_111 : i32 to index
      %get3A_222 = arith.index_cast %get3A_219 : i32 to index
      %get3A_223 = arith.index_cast %get3A_220 : i32 to index
      %get3A_224 = arith.constant 64 : index
      %get3A_225 = tpu.vector_load %arg5[%get3A_221, %get3A_222, %get3A_223, %get3A_224] {strides = array<i32>} : memref<2x16x2x128xi32, #tpu.memory_space<vmem>>, vector<16xi32>,
      tpu.vector_store_idx %arg6[%get3A_225], %broadcast_in_dim3A_7 {add = true} : memref<10240xf32, #tpu.memory_space<vmem>>[vector<16xi32>], vector<16xf32>,
      %get3A_226 = arith.constant 1 : i32
      %get3A_227 = arith.constant 1 : i32
      %get3A_228 = arith.index_cast %rem3A_111 : i32 to index
      %get3A_229 = arith.index_cast %get3A_226 : i32 to index
      %get3A_230 = arith.index_cast %get3A_227 : i32 to index
      %get3A_231 = arith.constant 80 : index
      %get3A_232 = tpu.vector_load %arg5[%get3A_228, %get3A_229, %get3A_230, %get3A_231] {strides = array<i32>} : memref<2x16x2x128xi32, #tpu.memory_space<vmem>>, vector<16xi32>,
      tpu.vector_store_idx %arg6[%get3A_232], %broadcast_in_dim3A_7 {add = true} : memref<10240xf32, #tpu.memory_space<vmem>>[vector<16xi32>], vector<16xf32>,
      %get3A_233 = arith.constant 1 : i32
      %get3A_234 = arith.constant 1 : i32
      %get3A_235 = arith.index_cast %rem3A_111 : i32 to index
      %get3A_236 = arith.index_cast %get3A_233 : i32 to index
      %get3A_237 = arith.index_cast %get3A_234 : i32 to index
      %get3A_238 = arith.constant 96 : index
      %get3A_239 = tpu.vector_load %arg5[%get3A_235, %get3A_236, %get3A_237, %get3A_238] {strides = array<i32>} : memref<2x16x2x128xi32, #tpu.memory_space<vmem>>, vector<16xi32>,
      tpu.vector_store_idx %arg6[%get3A_239], %broadcast_in_dim3A_7 {add = true} : memref<10240xf32, #tpu.memory_space<vmem>>[vector<16xi32>], vector<16xf32>,
      %get3A_240 = arith.constant 1 : i32
      %get3A_241 = arith.constant 1 : i32
      %get3A_242 = arith.index_cast %rem3A_111 : i32 to index
      %get3A_243 = arith.index_cast %get3A_240 : i32 to index
      %get3A_244 = arith.index_cast %get3A_241 : i32 to index
      %get3A_245 = arith.constant 112 : index
      %get3A_246 = tpu.vector_load %arg5[%get3A_242, %get3A_243, %get3A_244, %get3A_245] {strides = array<i32>} : memref<2x16x2x128xi32, #tpu.memory_space<vmem>>, vector<16xi32>,
      tpu.vector_store_idx %arg6[%get3A_246], %broadcast_in_dim3A_7 {add = true} : memref<10240xf32, #tpu.memory_space<vmem>>[vector<16xi32>], vector<16xf32>,
      %get3A_247 = arith.constant 2 : i32
      %get3A_248 = arith.constant 1 : i32
      %get3A_249 = arith.index_cast %rem3A_111 : i32 to index
      %get3A_250 = arith.index_cast %get3A_247 : i32 to index
      %get3A_251 = arith.index_cast %get3A_248 : i32 to index
      %get3A_252 = arith.constant 0 : index
      %get3A_253 = tpu.vector_load %arg5[%get3A_249, %get3A_250, %get3A_251, %get3A_252] {strides = array<i32>} : memref<2x16x2x128xi32, #tpu.memory_space<vmem>>, vector<16xi32>,
      tpu.vector_store_idx %arg6[%get3A_253], %broadcast_in_dim3A_7 {add = true} : memref<10240xf32, #tpu.memory_space<vmem>>[vector<16xi32>], vector<16xf32>,
      %get3A_254 = arith.constant 2 : i32
      %get3A_255 = arith.constant 1 : i32
      %get3A_256 = arith.index_cast %rem3A_111 : i32 to index
      %get3A_257 = arith.index_cast %get3A_254 : i32 to index
      %get3A_258 = arith.index_cast %get3A_255 : i32 to index
      %get3A_259 = arith.constant 16 : index
      %get3A_260 = tpu.vector_load %arg5[%get3A_256, %get3A_257, %get3A_258, %get3A_259] {strides = array<i32>} : memref<2x16x2x128xi32, #tpu.memory_space<vmem>>, vector<16xi32>,
      tpu.vector_store_idx %arg6[%get3A_260], %broadcast_in_dim3A_7 {add = true} : memref<10240xf32, #tpu.memory_space<vmem>>[vector<16xi32>], vector<16xf32>,
      %get3A_261 = arith.constant 2 : i32
      %get3A_262 = arith.constant 1 : i32
      %get3A_263 = arith.index_cast %rem3A_111 : i32 to index
      %get3A_264 = arith.index_cast %get3A_261 : i32 to index
      %get3A_265 = arith.index_cast %get3A_262 : i32 to index
      %get3A_266 = arith.constant 32 : index
      %get3A_267 = tpu.vector_load %arg5[%get3A_263, %get3A_264, %get3A_265, %get3A_266] {strides = array<i32>} : memref<2x16x2x128xi32, #tpu.memory_space<vmem>>, vector<16xi32>,
      tpu.vector_store_idx %arg6[%get3A_267], %broadcast_in_dim3A_7 {add = true} : memref<10240xf32, #tpu.memory_space<vmem>>[vector<16xi32>], vector<16xf32>,
      %get3A_268 = arith.constant 2 : i32
      %get3A_269 = arith.constant 1 : i32
      %get3A_270 = arith.index_cast %rem3A_111 : i32 to index
      %get3A_271 = arith.index_cast %get3A_268 : i32 to index
      %get3A_272 = arith.index_cast %get3A_269 : i32 to index
      %get3A_273 = arith.constant 48 : index
      %get3A_274 = tpu.vector_load %arg5[%get3A_270, %get3A_271, %get3A_272, %get3A_273] {strides = array<i32>} : memref<2x16x2x128xi32, #tpu.memory_space<vmem>>, vector<16xi32>,
      tpu.vector_store_idx %arg6[%get3A_274], %broadcast_in_dim3A_7 {add = true} : memref<10240xf32, #tpu.memory_space<vmem>>[vector<16xi32>], vector<16xf32>,
      %get3A_275 = arith.constant 2 : i32
      %get3A_276 = arith.constant 1 : i32
      %get3A_277 = arith.index_cast %rem3A_111 : i32 to index
      %get3A_278 = arith.index_cast %get3A_275 : i32 to index
      %get3A_279 = arith.index_cast %get3A_276 : i32 to index
      %get3A_280 = arith.constant 64 : index
      %get3A_281 = tpu.vector_load %arg5[%get3A_277, %get3A_278, %get3A_279, %get3A_280] {strides = array<i32>} : memref<2x16x2x128xi32, #tpu.memory_space<vmem>>, vector<16xi32>,
      tpu.vector_store_idx %arg6[%get3A_281], %broadcast_in_dim3A_7 {add = true} : memref<10240xf32, #tpu.memory_space<vmem>>[vector<16xi32>], vector<16xf32>,
      %get3A_282 = arith.constant 2 : i32
      %get3A_283 = arith.constant 1 : i32
      %get3A_284 = arith.index_cast %rem3A_111 : i32 to index
      %get3A_285 = arith.index_cast %get3A_282 : i32 to index
      %get3A_286 = arith.index_cast %get3A_283 : i32 to index
      %get3A_287 = arith.constant 80 : index
      %get3A_288 = tpu.vector_load %arg5[%get3A_284, %get3A_285, %get3A_286, %get3A_287] {strides = array<i32>} : memref<2x16x2x128xi32, #tpu.memory_space<vmem>>, vector<16xi32>,
      tpu.vector_store_idx %arg6[%get3A_288], %broadcast_in_dim3A_7 {add = true} : memref<10240xf32, #tpu.memory_space<vmem>>[vector<16xi32>], vector<16xf32>,
      %get3A_289 = arith.constant 2 : i32
      %get3A_290 = arith.constant 1 : i32
      %get3A_291 = arith.index_cast %rem3A_111 : i32 to index
      %get3A_292 = arith.index_cast %get3A_289 : i32 to index
      %get3A_293 = arith.index_cast %get3A_290 : i32 to index
      %get3A_294 = arith.constant 96 : index
      %get3A_295 = tpu.vector_load %arg5[%get3A_291, %get3A_292, %get3A_293, %get3A_294] {strides = array<i32>} : memref<2x16x2x128xi32, #tpu.memory_space<vmem>>, vector<16xi32>,
      tpu.vector_store_idx %arg6[%get3A_295], %broadcast_in_dim3A_7 {add = true} : memref<10240xf32, #tpu.memory_space<vmem>>[vector<16xi32>], vector<16xf32>,
      %get3A_296 = arith.constant 2 : i32
      %get3A_297 = arith.constant 1 : i32
      %get3A_298 = arith.index_cast %rem3A_111 : i32 to index
      %get3A_299 = arith.index_cast %get3A_296 : i32 to index
      %get3A_300 = arith.index_cast %get3A_297 : i32 to index
      %get3A_301 = arith.constant 112 : index
      %get3A_302 = tpu.vector_load %arg5[%get3A_298, %get3A_299, %get3A_300, %get3A_301] {strides = array<i32>} : memref<2x16x2x128xi32, #tpu.memory_space<vmem>>, vector<16xi32>,
      tpu.vector_store_idx %arg6[%get3A_302], %broadcast_in_dim3A_7 {add = true} : memref<10240xf32, #tpu.memory_space<vmem>>[vector<16xi32>], vector<16xf32>,
      %get3A_303 = arith.constant 3 : i32
      %get3A_304 = arith.constant 1 : i32
      %get3A_305 = arith.index_cast %rem3A_111 : i32 to index
      %get3A_306 = arith.index_cast %get3A_303 : i32 to index
      %get3A_307 = arith.index_cast %get3A_304 : i32 to index
      %get3A_308 = arith.constant 0 : index
      %get3A_309 = tpu.vector_load %arg5[%get3A_305, %get3A_306, %get3A_307, %get3A_308] {strides = array<i32>} : memref<2x16x2x128xi32, #tpu.memory_space<vmem>>, vector<16xi32>,
      tpu.vector_store_idx %arg6[%get3A_309], %broadcast_in_dim3A_7 {add = true} : memref<10240xf32, #tpu.memory_space<vmem>>[vector<16xi32>], vector<16xf32>,
      %get3A_310 = arith.constant 3 : i32
      %get3A_311 = arith.constant 1 : i32
      %get3A_312 = arith.index_cast %rem3A_111 : i32 to index
      %get3A_313 = arith.index_cast %get3A_310 : i32 to index
      %get3A_314 = arith.index_cast %get3A_311 : i32 to index
      %get3A_315 = arith.constant 16 : index
      %get3A_316 = tpu.vector_load %arg5[%get3A_312, %get3A_313, %get3A_314, %get3A_315] {strides = array<i32>} : memref<2x16x2x128xi32, #tpu.memory_space<vmem>>, vector<16xi32>,
      tpu.vector_store_idx %arg6[%get3A_316], %broadcast_in_dim3A_7 {add = true} : memref<10240xf32, #tpu.memory_space<vmem>>[vector<16xi32>], vector<16xf32>,
      %get3A_317 = arith.constant 3 : i32
      %get3A_318 = arith.constant 1 : i32
      %get3A_319 = arith.index_cast %rem3A_111 : i32 to index
      %get3A_320 = arith.index_cast %get3A_317 : i32 to index
      %get3A_321 = arith.index_cast %get3A_318 : i32 to index
      %get3A_322 = arith.constant 32 : index
      %get3A_323 = tpu.vector_load %arg5[%get3A_319, %get3A_320, %get3A_321, %get3A_322] {strides = array<i32>} : memref<2x16x2x128xi32, #tpu.memory_space<vmem>>, vector<16xi32>,
      tpu.vector_store_idx %arg6[%get3A_323], %broadcast_in_dim3A_7 {add = true} : memref<10240xf32, #tpu.memory_space<vmem>>[vector<16xi32>], vector<16xf32>,
      %get3A_324 = arith.constant 3 : i32
      %get3A_325 = arith.constant 1 : i32
      %get3A_326 = arith.index_cast %rem3A_111 : i32 to index
      %get3A_327 = arith.index_cast %get3A_324 : i32 to index
      %get3A_328 = arith.index_cast %get3A_325 : i32 to index
      %get3A_329 = arith.constant 48 : index
      %get3A_330 = tpu.vector_load %arg5[%get3A_326, %get3A_327, %get3A_328, %get3A_329] {strides = array<i32>} : memref<2x16x2x128xi32, #tpu.memory_space<vmem>>, vector<16xi32>,
      tpu.vector_store_idx %arg6[%get3A_330], %broadcast_in_dim3A_7 {add = true} : memref<10240xf32, #tpu.memory_space<vmem>>[vector<16xi32>], vector<16xf32>,
      %get3A_331 = arith.constant 3 : i32
      %get3A_332 = arith.constant 1 : i32
      %get3A_333 = arith.index_cast %rem3A_111 : i32 to index
      %get3A_334 = arith.index_cast %get3A_331 : i32 to index
      %get3A_335 = arith.index_cast %get3A_332 : i32 to index
      %get3A_336 = arith.constant 64 : index
      %get3A_337 = tpu.vector_load %arg5[%get3A_333, %get3A_334, %get3A_335, %get3A_336] {strides = array<i32>} : memref<2x16x2x128xi32, #tpu.memory_space<vmem>>, vector<16xi32>,
      tpu.vector_store_idx %arg6[%get3A_337], %broadcast_in_dim3A_7 {add = true} : memref<10240xf32, #tpu.memory_space<vmem>>[vector<16xi32>], vector<16xf32>,
      %get3A_338 = arith.constant 3 : i32
      %get3A_339 = arith.constant 1 : i32
      %get3A_340 = arith.index_cast %rem3A_111 : i32 to index
      %get3A_341 = arith.index_cast %get3A_338 : i32 to index
      %get3A_342 = arith.index_cast %get3A_339 : i32 to index
      %get3A_343 = arith.constant 80 : index
      %get3A_344 = tpu.vector_load %arg5[%get3A_340, %get3A_341, %get3A_342, %get3A_343] {strides = array<i32>} : memref<2x16x2x128xi32, #tpu.memory_space<vmem>>, vector<16xi32>,
      tpu.vector_store_idx %arg6[%get3A_344], %broadcast_in_dim3A_7 {add = true} : memref<10240xf32, #tpu.memory_space<vmem>>[vector<16xi32>], vector<16xf32>,
      %get3A_345 = arith.constant 3 : i32
      %get3A_346 = arith.constant 1 : i32
      %get3A_347 = arith.index_cast %rem3A_111 : i32 to index
      %get3A_348 = arith.index_cast %get3A_345 : i32 to index
      %get3A_349 = arith.index_cast %get3A_346 : i32 to index
      %get3A_350 = arith.constant 96 : index
      %get3A_351 = tpu.vector_load %arg5[%get3A_347, %get3A_348, %get3A_349, %get3A_350] {strides = array<i32>} : memref<2x16x2x128xi32, #tpu.memory_space<vmem>>, vector<16xi32>,
      tpu.vector_store_idx %arg6[%get3A_351], %broadcast_in_dim3A_7 {add = true} : memref<10240xf32, #tpu.memory_space<vmem>>[vector<16xi32>], vector<16xf32>,
      %get3A_352 = arith.constant 3 : i32
      %get3A_353 = arith.constant 1 : i32
      %get3A_354 = arith.index_cast %rem3A_111 : i32 to index
      %get3A_355 = arith.index_cast %get3A_352 : i32 to index
      %get3A_356 = arith.index_cast %get3A_353 : i32 to index
      %get3A_357 = arith.constant 112 : index
      %get3A_358 = tpu.vector_load %arg5[%get3A_354, %get3A_355, %get3A_356, %get3A_357] {strides = array<i32>} : memref<2x16x2x128xi32, #tpu.memory_space<vmem>>, vector<16xi32>,
      tpu.vector_store_idx %arg6[%get3A_358], %broadcast_in_dim3A_7 {add = true} : memref<10240xf32, #tpu.memory_space<vmem>>[vector<16xi32>], vector<16xf32>,
      %get3A_359 = arith.constant 4 : i32
      %get3A_360 = arith.constant 1 : i32
      %get3A_361 = arith.index_cast %rem3A_111 : i32 to index
      %get3A_362 = arith.index_cast %get3A_359 : i32 to index
      %get3A_363 = arith.index_cast %get3A_360 : i32 to index
      %get3A_364 = arith.constant 0 : index
      %get3A_365 = tpu.vector_load %arg5[%get3A_361, %get3A_362, %get3A_363, %get3A_364] {strides = array<i32>} : memref<2x16x2x128xi32, #tpu.memory_space<vmem>>, vector<16xi32>,
      tpu.vector_store_idx %arg6[%get3A_365], %broadcast_in_dim3A_7 {add = true} : memref<10240xf32, #tpu.memory_space<vmem>>[vector<16xi32>], vector<16xf32>,
      %get3A_366 = arith.constant 4 : i32
      %get3A_367 = arith.constant 1 : i32
      %get3A_368 = arith.index_cast %rem3A_111 : i32 to index
      %get3A_369 = arith.index_cast %get3A_366 : i32 to index
      %get3A_370 = arith.index_cast %get3A_367 : i32 to index
      %get3A_371 = arith.constant 16 : index
      %get3A_372 = tpu.vector_load %arg5[%get3A_368, %get3A_369, %get3A_370, %get3A_371] {strides = array<i32>} : memref<2x16x2x128xi32, #tpu.memory_space<vmem>>, vector<16xi32>,
      tpu.vector_store_idx %arg6[%get3A_372], %broadcast_in_dim3A_7 {add = true} : memref<10240xf32, #tpu.memory_space<vmem>>[vector<16xi32>], vector<16xf32>,
      %get3A_373 = arith.constant 4 : i32
      %get3A_374 = arith.constant 1 : i32
      %get3A_375 = arith.index_cast %rem3A_111 : i32 to index
      %get3A_376 = arith.index_cast %get3A_373 : i32 to index
      %get3A_377 = arith.index_cast %get3A_374 : i32 to index
      %get3A_378 = arith.constant 32 : index
      %get3A_379 = tpu.vector_load %arg5[%get3A_375, %get3A_376, %get3A_377, %get3A_378] {strides = array<i32>} : memref<2x16x2x128xi32, #tpu.memory_space<vmem>>, vector<16xi32>,
      tpu.vector_store_idx %arg6[%get3A_379], %broadcast_in_dim3A_7 {add = true} : memref<10240xf32, #tpu.memory_space<vmem>>[vector<16xi32>], vector<16xf32>,
      %get3A_380 = arith.constant 4 : i32
      %get3A_381 = arith.constant 1 : i32
      %get3A_382 = arith.index_cast %rem3A_111 : i32 to index
      %get3A_383 = arith.index_cast %get3A_380 : i32 to index
      %get3A_384 = arith.index_cast %get3A_381 : i32 to index
      %get3A_385 = arith.constant 48 : index
      %get3A_386 = tpu.vector_load %arg5[%get3A_382, %get3A_383, %get3A_384, %get3A_385] {strides = array<i32>} : memref<2x16x2x128xi32, #tpu.memory_space<vmem>>, vector<16xi32>,
      tpu.vector_store_idx %arg6[%get3A_386], %broadcast_in_dim3A_7 {add = true} : memref<10240xf32, #tpu.memory_space<vmem>>[vector<16xi32>], vector<16xf32>,
      %get3A_387 = arith.constant 4 : i32
      %get3A_388 = arith.constant 1 : i32
      %get3A_389 = arith.index_cast %rem3A_111 : i32 to index
      %get3A_390 = arith.index_cast %get3A_387 : i32 to index
      %get3A_391 = arith.index_cast %get3A_388 : i32 to index
      %get3A_392 = arith.constant 64 : index
      %get3A_393 = tpu.vector_load %arg5[%get3A_389, %get3A_390, %get3A_391, %get3A_392] {strides = array<i32>} : memref<2x16x2x128xi32, #tpu.memory_space<vmem>>, vector<16xi32>,
      tpu.vector_store_idx %arg6[%get3A_393], %broadcast_in_dim3A_7 {add = true} : memref<10240xf32, #tpu.memory_space<vmem>>[vector<16xi32>], vector<16xf32>,
      %get3A_394 = arith.constant 4 : i32
      %get3A_395 = arith.constant 1 : i32
      %get3A_396 = arith.index_cast %rem3A_111 : i32 to index
      %get3A_397 = arith.index_cast %get3A_394 : i32 to index
      %get3A_398 = arith.index_cast %get3A_395 : i32 to index
      %get3A_399 = arith.constant 80 : index
      %get3A_400 = tpu.vector_load %arg5[%get3A_396, %get3A_397, %get3A_398, %get3A_399] {strides = array<i32>} : memref<2x16x2x128xi32, #tpu.memory_space<vmem>>, vector<16xi32>,
      tpu.vector_store_idx %arg6[%get3A_400], %broadcast_in_dim3A_7 {add = true} : memref<10240xf32, #tpu.memory_space<vmem>>[vector<16xi32>], vector<16xf32>,
      %get3A_401 = arith.constant 4 : i32
      %get3A_402 = arith.constant 1 : i32
      %get3A_403 = arith.index_cast %rem3A_111 : i32 to index
      %get3A_404 = arith.index_cast %get3A_401 : i32 to index
      %get3A_405 = arith.index_cast %get3A_402 : i32 to index
      %get3A_406 = arith.constant 96 : index
      %get3A_407 = tpu.vector_load %arg5[%get3A_403, %get3A_404, %get3A_405, %get3A_406] {strides = array<i32>} : memref<2x16x2x128xi32, #tpu.memory_space<vmem>>, vector<16xi32>,
      tpu.vector_store_idx %arg6[%get3A_407], %broadcast_in_dim3A_7 {add = true} : memref<10240xf32, #tpu.memory_space<vmem>>[vector<16xi32>], vector<16xf32>,
      %get3A_408 = arith.constant 4 : i32
      %get3A_409 = arith.constant 1 : i32
      %get3A_410 = arith.index_cast %rem3A_111 : i32 to index
      %get3A_411 = arith.index_cast %get3A_408 : i32 to index
      %get3A_412 = arith.index_cast %get3A_409 : i32 to index
      %get3A_413 = arith.constant 112 : index
      %get3A_414 = tpu.vector_load %arg5[%get3A_410, %get3A_411, %get3A_412, %get3A_413] {strides = array<i32>} : memref<2x16x2x128xi32, #tpu.memory_space<vmem>>, vector<16xi32>,
      tpu.vector_store_idx %arg6[%get3A_414], %broadcast_in_dim3A_7 {add = true} : memref<10240xf32, #tpu.memory_space<vmem>>[vector<16xi32>], vector<16xf32>,
      %get3A_415 = arith.constant 5 : i32
      %get3A_416 = arith.constant 1 : i32
      %get3A_417 = arith.index_cast %rem3A_111 : i32 to index
      %get3A_418 = arith.index_cast %get3A_415 : i32 to index
      %get3A_419 = arith.index_cast %get3A_416 : i32 to index
      %get3A_420 = arith.constant 0 : index
      %get3A_421 = tpu.vector_load %arg5[%get3A_417, %get3A_418, %get3A_419, %get3A_420] {strides = array<i32>} : memref<2x16x2x128xi32, #tpu.memory_space<vmem>>, vector<16xi32>,
      tpu.vector_store_idx %arg6[%get3A_421], %broadcast_in_dim3A_7 {add = true} : memref<10240xf32, #tpu.memory_space<vmem>>[vector<16xi32>], vector<16xf32>,
      %get3A_422 = arith.constant 5 : i32
      %get3A_423 = arith.constant 1 : i32
      %get3A_424 = arith.index_cast %rem3A_111 : i32 to index
      %get3A_425 = arith.index_cast %get3A_422 : i32 to index
      %get3A_426 = arith.index_cast %get3A_423 : i32 to index
      %get3A_427 = arith.constant 16 : index
      %get3A_428 = tpu.vector_load %arg5[%get3A_424, %get3A_425, %get3A_426, %get3A_427] {strides = array<i32>} : memref<2x16x2x128xi32, #tpu.memory_space<vmem>>, vector<16xi32>,
      tpu.vector_store_idx %arg6[%get3A_428], %broadcast_in_dim3A_7 {add = true} : memref<10240xf32, #tpu.memory_space<vmem>>[vector<16xi32>], vector<16xf32>,
      %get3A_429 = arith.constant 5 : i32
      %get3A_430 = arith.constant 1 : i32
      %get3A_431 = arith.index_cast %rem3A_111 : i32 to index
      %get3A_432 = arith.index_cast %get3A_429 : i32 to index
      %get3A_433 = arith.index_cast %get3A_430 : i32 to index
      %get3A_434 = arith.constant 32 : index
      %get3A_435 = tpu.vector_load %arg5[%get3A_431, %get3A_432, %get3A_433, %get3A_434] {strides = array<i32>} : memref<2x16x2x128xi32, #tpu.memory_space<vmem>>, vector<16xi32>,
      tpu.vector_store_idx %arg6[%get3A_435], %broadcast_in_dim3A_7 {add = true} : memref<10240xf32, #tpu.memory_space<vmem>>[vector<16xi32>], vector<16xf32>,
      %get3A_436 = arith.constant 5 : i32
      %get3A_437 = arith.constant 1 : i32
      %get3A_438 = arith.index_cast %rem3A_111 : i32 to index
      %get3A_439 = arith.index_cast %get3A_436 : i32 to index
      %get3A_440 = arith.index_cast %get3A_437 : i32 to index
      %get3A_441 = arith.constant 48 : index
      %get3A_442 = tpu.vector_load %arg5[%get3A_438, %get3A_439, %get3A_440, %get3A_441] {strides = array<i32>} : memref<2x16x2x128xi32, #tpu.memory_space<vmem>>, vector<16xi32>,
      tpu.vector_store_idx %arg6[%get3A_442], %broadcast_in_dim3A_7 {add = true} : memref<10240xf32, #tpu.memory_space<vmem>>[vector<16xi32>], vector<16xf32>,
      %get3A_443 = arith.constant 5 : i32
      %get3A_444 = arith.constant 1 : i32
      %get3A_445 = arith.index_cast %rem3A_111 : i32 to index
      %get3A_446 = arith.index_cast %get3A_443 : i32 to index
      %get3A_447 = arith.index_cast %get3A_444 : i32 to index
      %get3A_448 = arith.constant 64 : index
      %get3A_449 = tpu.vector_load %arg5[%get3A_445, %get3A_446, %get3A_447, %get3A_448] {strides = array<i32>} : memref<2x16x2x128xi32, #tpu.memory_space<vmem>>, vector<16xi32>,
      tpu.vector_store_idx %arg6[%get3A_449], %broadcast_in_dim3A_7 {add = true} : memref<10240xf32, #tpu.memory_space<vmem>>[vector<16xi32>], vector<16xf32>,
      %get3A_450 = arith.constant 5 : i32
      %get3A_451 = arith.constant 1 : i32
      %get3A_452 = arith.index_cast %rem3A_111 : i32 to index
      %get3A_453 = arith.index_cast %get3A_450 : i32 to index
      %get3A_454 = arith.index_cast %get3A_451 : i32 to index
      %get3A_455 = arith.constant 80 : index
      %get3A_456 = tpu.vector_load %arg5[%get3A_452, %get3A_453, %get3A_454, %get3A_455] {strides = array<i32>} : memref<2x16x2x128xi32, #tpu.memory_space<vmem>>, vector<16xi32>,
      tpu.vector_store_idx %arg6[%get3A_456], %broadcast_in_dim3A_7 {add = true} : memref<10240xf32, #tpu.memory_space<vmem>>[vector<16xi32>], vector<16xf32>,
      %get3A_457 = arith.constant 5 : i32
      %get3A_458 = arith.constant 1 : i32
      %get3A_459 = arith.index_cast %rem3A_111 : i32 to index
      %get3A_460 = arith.index_cast %get3A_457 : i32 to index
      %get3A_461 = arith.index_cast %get3A_458 : i32 to index
      %get3A_462 = arith.constant 96 : index
      %get3A_463 = tpu.vector_load %arg5[%get3A_459, %get3A_460, %get3A_461, %get3A_462] {strides = array<i32>} : memref<2x16x2x128xi32, #tpu.memory_space<vmem>>, vector<16xi32>,
      tpu.vector_store_idx %arg6[%get3A_463], %broadcast_in_dim3A_7 {add = true} : memref<10240xf32, #tpu.memory_space<vmem>>[vector<16xi32>], vector<16xf32>,
      %get3A_464 = arith.constant 5 : i32
      %get3A_465 = arith.constant 1 : i32
      %get3A_466 = arith.index_cast %rem3A_111 : i32 to index
      %get3A_467 = arith.index_cast %get3A_464 : i32 to index
      %get3A_468 = arith.index_cast %get3A_465 : i32 to index
      %get3A_469 = arith.constant 112 : index
      %get3A_470 = tpu.vector_load %arg5[%get3A_466, %get3A_467, %get3A_468, %get3A_469] {strides = array<i32>} : memref<2x16x2x128xi32, #tpu.memory_space<vmem>>, vector<16xi32>,
      tpu.vector_store_idx %arg6[%get3A_470], %broadcast_in_dim3A_7 {add = true} : memref<10240xf32, #tpu.memory_space<vmem>>[vector<16xi32>], vector<16xf32>,
      %get3A_471 = arith.constant 6 : i32
      %get3A_472 = arith.constant 1 : i32
      %get3A_473 = arith.index_cast %rem3A_111 : i32 to index
      %get3A_474 = arith.index_cast %get3A_471 : i32 to index
      %get3A_475 = arith.index_cast %get3A_472 : i32 to index
      %get3A_476 = arith.constant 0 : index
      %get3A_477 = tpu.vector_load %arg5[%get3A_473, %get3A_474, %get3A_475, %get3A_476] {strides = array<i32>} : memref<2x16x2x128xi32, #tpu.memory_space<vmem>>, vector<16xi32>,
      tpu.vector_store_idx %arg6[%get3A_477], %broadcast_in_dim3A_7 {add = true} : memref<10240xf32, #tpu.memory_space<vmem>>[vector<16xi32>], vector<16xf32>,
      %get3A_478 = arith.constant 6 : i32
      %get3A_479 = arith.constant 1 : i32
      %get3A_480 = arith.index_cast %rem3A_111 : i32 to index
      %get3A_481 = arith.index_cast %get3A_478 : i32 to index
      %get3A_482 = arith.index_cast %get3A_479 : i32 to index
      %get3A_483 = arith.constant 16 : index
      %get3A_484 = tpu.vector_load %arg5[%get3A_480, %get3A_481, %get3A_482, %get3A_483] {strides = array<i32>} : memref<2x16x2x128xi32, #tpu.memory_space<vmem>>, vector<16xi32>,
      tpu.vector_store_idx %arg6[%get3A_484], %broadcast_in_dim3A_7 {add = true} : memref<10240xf32, #tpu.memory_space<vmem>>[vector<16xi32>], vector<16xf32>,
      %get3A_485 = arith.constant 6 : i32
      %get3A_486 = arith.constant 1 : i32
      %get3A_487 = arith.index_cast %rem3A_111 : i32 to index
      %get3A_488 = arith.index_cast %get3A_485 : i32 to index
      %get3A_489 = arith.index_cast %get3A_486 : i32 to index
      %get3A_490 = arith.constant 32 : index
      %get3A_491 = tpu.vector_load %arg5[%get3A_487, %get3A_488, %get3A_489, %get3A_490] {strides = array<i32>} : memref<2x16x2x128xi32, #tpu.memory_space<vmem>>, vector<16xi32>,
      tpu.vector_store_idx %arg6[%get3A_491], %broadcast_in_dim3A_7 {add = true} : memref<10240xf32, #tpu.memory_space<vmem>>[vector<16xi32>], vector<16xf32>,
      %get3A_492 = arith.constant 6 : i32
      %get3A_493 = arith.constant 1 : i32
      %get3A_494 = arith.index_cast %rem3A_111 : i32 to index
      %get3A_495 = arith.index_cast %get3A_492 : i32 to index
      %get3A_496 = arith.index_cast %get3A_493 : i32 to index
      %get3A_497 = arith.constant 48 : index
      %get3A_498 = tpu.vector_load %arg5[%get3A_494, %get3A_495, %get3A_496, %get3A_497] {strides = array<i32>} : memref<2x16x2x128xi32, #tpu.memory_space<vmem>>, vector<16xi32>,
      tpu.vector_store_idx %arg6[%get3A_498], %broadcast_in_dim3A_7 {add = true} : memref<10240xf32, #tpu.memory_space<vmem>>[vector<16xi32>], vector<16xf32>,
      %get3A_499 = arith.constant 6 : i32
      %get3A_500 = arith.constant 1 : i32
      %get3A_501 = arith.index_cast %rem3A_111 : i32 to index
      %get3A_502 = arith.index_cast %get3A_499 : i32 to index
      %get3A_503 = arith.index_cast %get3A_500 : i32 to index
      %get3A_504 = arith.constant 64 : index
      %get3A_505 = tpu.vector_load %arg5[%get3A_501, %get3A_502, %get3A_503, %get3A_504] {strides = array<i32>} : memref<2x16x2x128xi32, #tpu.memory_space<vmem>>, vector<16xi32>,
      tpu.vector_store_idx %arg6[%get3A_505], %broadcast_in_dim3A_7 {add = true} : memref<10240xf32, #tpu.memory_space<vmem>>[vector<16xi32>], vector<16xf32>,
      %get3A_506 = arith.constant 6 : i32
      %get3A_507 = arith.constant 1 : i32
      %get3A_508 = arith.index_cast %rem3A_111 : i32 to index
      %get3A_509 = arith.index_cast %get3A_506 : i32 to index
      %get3A_510 = arith.index_cast %get3A_507 : i32 to index
      %get3A_511 = arith.constant 80 : index
      %get3A_512 = tpu.vector_load %arg5[%get3A_508, %get3A_509, %get3A_510, %get3A_511] {strides = array<i32>} : memref<2x16x2x128xi32, #tpu.memory_space<vmem>>, vector<16xi32>,
      tpu.vector_store_idx %arg6[%get3A_512], %broadcast_in_dim3A_7 {add = true} : memref<10240xf32, #tpu.memory_space<vmem>>[vector<16xi32>], vector<16xf32>,
      %get3A_513 = arith.constant 6 : i32
      %get3A_514 = arith.constant 1 : i32
      %get3A_515 = arith.index_cast %rem3A_111 : i32 to index
      %get3A_516 = arith.index_cast %get3A_513 : i32 to index
      %get3A_517 = arith.index_cast %get3A_514 : i32 to index
      %get3A_518 = arith.constant 96 : index
      %get3A_519 = tpu.vector_load %arg5[%get3A_515, %get3A_516, %get3A_517, %get3A_518] {strides = array<i32>} : memref<2x16x2x128xi32, #tpu.memory_space<vmem>>, vector<16xi32>,
      tpu.vector_store_idx %arg6[%get3A_519], %broadcast_in_dim3A_7 {add = true} : memref<10240xf32, #tpu.memory_space<vmem>>[vector<16xi32>], vector<16xf32>,
      %get3A_520 = arith.constant 6 : i32
      %get3A_521 = arith.constant 1 : i32
      %get3A_522 = arith.index_cast %rem3A_111 : i32 to index
      %get3A_523 = arith.index_cast %get3A_520 : i32 to index
      %get3A_524 = arith.index_cast %get3A_521 : i32 to index
      %get3A_525 = arith.constant 112 : index
      %get3A_526 = tpu.vector_load %arg5[%get3A_522, %get3A_523, %get3A_524, %get3A_525] {strides = array<i32>} : memref<2x16x2x128xi32, #tpu.memory_space<vmem>>, vector<16xi32>,
      tpu.vector_store_idx %arg6[%get3A_526], %broadcast_in_dim3A_7 {add = true} : memref<10240xf32, #tpu.memory_space<vmem>>[vector<16xi32>], vector<16xf32>,
      %get3A_527 = arith.constant 7 : i32
      %get3A_528 = arith.constant 1 : i32
      %get3A_529 = arith.index_cast %rem3A_111 : i32 to index
      %get3A_530 = arith.index_cast %get3A_527 : i32 to index
      %get3A_531 = arith.index_cast %get3A_528 : i32 to index
      %get3A_532 = arith.constant 0 : index
      %get3A_533 = tpu.vector_load %arg5[%get3A_529, %get3A_530, %get3A_531, %get3A_532] {strides = array<i32>} : memref<2x16x2x128xi32, #tpu.memory_space<vmem>>, vector<16xi32>,
      tpu.vector_store_idx %arg6[%get3A_533], %broadcast_in_dim3A_7 {add = true} : memref<10240xf32, #tpu.memory_space<vmem>>[vector<16xi32>], vector<16xf32>,
      %get3A_534 = arith.constant 7 : i32
      %get3A_535 = arith.constant 1 : i32
      %get3A_536 = arith.index_cast %rem3A_111 : i32 to index
      %get3A_537 = arith.index_cast %get3A_534 : i32 to index
      %get3A_538 = arith.index_cast %get3A_535 : i32 to index
      %get3A_539 = arith.constant 16 : index
      %get3A_540 = tpu.vector_load %arg5[%get3A_536, %get3A_537, %get3A_538, %get3A_539] {strides = array<i32>} : memref<2x16x2x128xi32, #tpu.memory_space<vmem>>, vector<16xi32>,
      tpu.vector_store_idx %arg6[%get3A_540], %broadcast_in_dim3A_7 {add = true} : memref<10240xf32, #tpu.memory_space<vmem>>[vector<16xi32>], vector<16xf32>,
      %get3A_541 = arith.constant 7 : i32
      %get3A_542 = arith.constant 1 : i32
      %get3A_543 = arith.index_cast %rem3A_111 : i32 to index
      %get3A_544 = arith.index_cast %get3A_541 : i32 to index
      %get3A_545 = arith.index_cast %get3A_542 : i32 to index
      %get3A_546 = arith.constant 32 : index
      %get3A_547 = tpu.vector_load %arg5[%get3A_543, %get3A_544, %get3A_545, %get3A_546] {strides = array<i32>} : memref<2x16x2x128xi32, #tpu.memory_space<vmem>>, vector<16xi32>,
      tpu.vector_store_idx %arg6[%get3A_547], %broadcast_in_dim3A_7 {add = true} : memref<10240xf32, #tpu.memory_space<vmem>>[vector<16xi32>], vector<16xf32>,
      %get3A_548 = arith.constant 7 : i32
      %get3A_549 = arith.constant 1 : i32
      %get3A_550 = arith.index_cast %rem3A_111 : i32 to index
      %get3A_551 = arith.index_cast %get3A_548 : i32 to index
      %get3A_552 = arith.index_cast %get3A_549 : i32 to index
      %get3A_553 = arith.constant 48 : index
      %get3A_554 = tpu.vector_load %arg5[%get3A_550, %get3A_551, %get3A_552, %get3A_553] {strides = array<i32>} : memref<2x16x2x128xi32, #tpu.memory_space<vmem>>, vector<16xi32>,
      tpu.vector_store_idx %arg6[%get3A_554], %broadcast_in_dim3A_7 {add = true} : memref<10240xf32, #tpu.memory_space<vmem>>[vector<16xi32>], vector<16xf32>,
      %get3A_555 = arith.constant 7 : i32
      %get3A_556 = arith.constant 1 : i32
      %get3A_557 = arith.index_cast %rem3A_111 : i32 to index
      %get3A_558 = arith.index_cast %get3A_555 : i32 to index
      %get3A_559 = arith.index_cast %get3A_556 : i32 to index
      %get3A_560 = arith.constant 64 : index
      %get3A_561 = tpu.vector_load %arg5[%get3A_557, %get3A_558, %get3A_559, %get3A_560] {strides = array<i32>} : memref<2x16x2x128xi32, #tpu.memory_space<vmem>>, vector<16xi32>,
      tpu.vector_store_idx %arg6[%get3A_561], %broadcast_in_dim3A_7 {add = true} : memref<10240xf32, #tpu.memory_space<vmem>>[vector<16xi32>], vector<16xf32>,
      %get3A_562 = arith.constant 7 : i32
      %get3A_563 = arith.constant 1 : i32
      %get3A_564 = arith.index_cast %rem3A_111 : i32 to index
      %get3A_565 = arith.index_cast %get3A_562 : i32 to index
      %get3A_566 = arith.index_cast %get3A_563 : i32 to index
      %get3A_567 = arith.constant 80 : index
      %get3A_568 = tpu.vector_load %arg5[%get3A_564, %get3A_565, %get3A_566, %get3A_567] {strides = array<i32>} : memref<2x16x2x128xi32, #tpu.memory_space<vmem>>, vector<16xi32>,
      tpu.vector_store_idx %arg6[%get3A_568], %broadcast_in_dim3A_7 {add = true} : memref<10240xf32, #tpu.memory_space<vmem>>[vector<16xi32>], vector<16xf32>,
      %get3A_569 = arith.constant 7 : i32
      %get3A_570 = arith.constant 1 : i32
      %get3A_571 = arith.index_cast %rem3A_111 : i32 to index
      %get3A_572 = arith.index_cast %get3A_569 : i32 to index
      %get3A_573 = arith.index_cast %get3A_570 : i32 to index
      %get3A_574 = arith.constant 96 : index
      %get3A_575 = tpu.vector_load %arg5[%get3A_571, %get3A_572, %get3A_573, %get3A_574] {strides = array<i32>} : memref<2x16x2x128xi32, #tpu.memory_space<vmem>>, vector<16xi32>,
      tpu.vector_store_idx %arg6[%get3A_575], %broadcast_in_dim3A_7 {add = true} : memref<10240xf32, #tpu.memory_space<vmem>>[vector<16xi32>], vector<16xf32>,
      %get3A_576 = arith.constant 7 : i32
      %get3A_577 = arith.constant 1 : i32
      %get3A_578 = arith.index_cast %rem3A_111 : i32 to index
      %get3A_579 = arith.index_cast %get3A_576 : i32 to index
      %get3A_580 = arith.index_cast %get3A_577 : i32 to index
      %get3A_581 = arith.constant 112 : index
      %get3A_582 = tpu.vector_load %arg5[%get3A_578, %get3A_579, %get3A_580, %get3A_581] {strides = array<i32>} : memref<2x16x2x128xi32, #tpu.memory_space<vmem>>, vector<16xi32>,
      tpu.vector_store_idx %arg6[%get3A_582], %broadcast_in_dim3A_7 {add = true} : memref<10240xf32, #tpu.memory_space<vmem>>[vector<16xi32>], vector<16xf32>,
      %get3A_583 = arith.constant 8 : i32
      %get3A_584 = arith.constant 1 : i32
      %get3A_585 = arith.index_cast %rem3A_111 : i32 to index
      %get3A_586 = arith.index_cast %get3A_583 : i32 to index
      %get3A_587 = arith.index_cast %get3A_584 : i32 to index
      %get3A_588 = arith.constant 0 : index
      %get3A_589 = tpu.vector_load %arg5[%get3A_585, %get3A_586, %get3A_587, %get3A_588] {strides = array<i32>} : memref<2x16x2x128xi32, #tpu.memory_space<vmem>>, vector<16xi32>,
      tpu.vector_store_idx %arg6[%get3A_589], %broadcast_in_dim3A_7 {add = true} : memref<10240xf32, #tpu.memory_space<vmem>>[vector<16xi32>], vector<16xf32>,
      %get3A_590 = arith.constant 8 : i32
      %get3A_591 = arith.constant 1 : i32
      %get3A_592 = arith.index_cast %rem3A_111 : i32 to index
      %get3A_593 = arith.index_cast %get3A_590 : i32 to index
      %get3A_594 = arith.index_cast %get3A_591 : i32 to index
      %get3A_595 = arith.constant 16 : index
      %get3A_596 = tpu.vector_load %arg5[%get3A_592, %get3A_593, %get3A_594, %get3A_595] {strides = array<i32>} : memref<2x16x2x128xi32, #tpu.memory_space<vmem>>, vector<16xi32>,
      tpu.vector_store_idx %arg6[%get3A_596], %broadcast_in_dim3A_7 {add = true} : memref<10240xf32, #tpu.memory_space<vmem>>[vector<16xi32>], vector<16xf32>,
      %get3A_597 = arith.constant 8 : i32
      %get3A_598 = arith.constant 1 : i32
      %get3A_599 = arith.index_cast %rem3A_111 : i32 to index
      %get3A_600 = arith.index_cast %get3A_597 : i32 to index
      %get3A_601 = arith.index_cast %get3A_598 : i32 to index
      %get3A_602 = arith.constant 32 : index
      %get3A_603 = tpu.vector_load %arg5[%get3A_599, %get3A_600, %get3A_601, %get3A_602] {strides = array<i32>} : memref<2x16x2x128xi32, #tpu.memory_space<vmem>>, vector<16xi32>,
      tpu.vector_store_idx %arg6[%get3A_603], %broadcast_in_dim3A_7 {add = true} : memref<10240xf32, #tpu.memory_space<vmem>>[vector<16xi32>], vector<16xf32>,
      %get3A_604 = arith.constant 8 : i32
      %get3A_605 = arith.constant 1 : i32
      %get3A_606 = arith.index_cast %rem3A_111 : i32 to index
      %get3A_607 = arith.index_cast %get3A_604 : i32 to index
      %get3A_608 = arith.index_cast %get3A_605 : i32 to index
      %get3A_609 = arith.constant 48 : index
      %get3A_610 = tpu.vector_load %arg5[%get3A_606, %get3A_607, %get3A_608, %get3A_609] {strides = array<i32>} : memref<2x16x2x128xi32, #tpu.memory_space<vmem>>, vector<16xi32>,
      tpu.vector_store_idx %arg6[%get3A_610], %broadcast_in_dim3A_7 {add = true} : memref<10240xf32, #tpu.memory_space<vmem>>[vector<16xi32>], vector<16xf32>,
      %get3A_611 = arith.constant 8 : i32
      %get3A_612 = arith.constant 1 : i32
      %get3A_613 = arith.index_cast %rem3A_111 : i32 to index
      %get3A_614 = arith.index_cast %get3A_611 : i32 to index
      %get3A_615 = arith.index_cast %get3A_612 : i32 to index
      %get3A_616 = arith.constant 64 : index
      %get3A_617 = tpu.vector_load %arg5[%get3A_613, %get3A_614, %get3A_615, %get3A_616] {strides = array<i32>} : memref<2x16x2x128xi32, #tpu.memory_space<vmem>>, vector<16xi32>,
      tpu.vector_store_idx %arg6[%get3A_617], %broadcast_in_dim3A_7 {add = true} : memref<10240xf32, #tpu.memory_space<vmem>>[vector<16xi32>], vector<16xf32>,
      %get3A_618 = arith.constant 8 : i32
      %get3A_619 = arith.constant 1 : i32
      %get3A_620 = arith.index_cast %rem3A_111 : i32 to index
      %get3A_621 = arith.index_cast %get3A_618 : i32 to index
      %get3A_622 = arith.index_cast %get3A_619 : i32 to index
      %get3A_623 = arith.constant 80 : index
      %get3A_624 = tpu.vector_load %arg5[%get3A_620, %get3A_621, %get3A_622, %get3A_623] {strides = array<i32>} : memref<2x16x2x128xi32, #tpu.memory_space<vmem>>, vector<16xi32>,
      tpu.vector_store_idx %arg6[%get3A_624], %broadcast_in_dim3A_7 {add = true} : memref<10240xf32, #tpu.memory_space<vmem>>[vector<16xi32>], vector<16xf32>,
      %get3A_625 = arith.constant 8 : i32
      %get3A_626 = arith.constant 1 : i32
      %get3A_627 = arith.index_cast %rem3A_111 : i32 to index
      %get3A_628 = arith.index_cast %get3A_625 : i32 to index
      %get3A_629 = arith.index_cast %get3A_626 : i32 to index
      %get3A_630 = arith.constant 96 : index
      %get3A_631 = tpu.vector_load %arg5[%get3A_627, %get3A_628, %get3A_629, %get3A_630] {strides = array<i32>} : memref<2x16x2x128xi32, #tpu.memory_space<vmem>>, vector<16xi32>,
      tpu.vector_store_idx %arg6[%get3A_631], %broadcast_in_dim3A_7 {add = true} : memref<10240xf32, #tpu.memory_space<vmem>>[vector<16xi32>], vector<16xf32>,
      %get3A_632 = arith.constant 8 : i32
      %get3A_633 = arith.constant 1 : i32
      %get3A_634 = arith.index_cast %rem3A_111 : i32 to index
      %get3A_635 = arith.index_cast %get3A_632 : i32 to index
      %get3A_636 = arith.index_cast %get3A_633 : i32 to index
      %get3A_637 = arith.constant 112 : index
      %get3A_638 = tpu.vector_load %arg5[%get3A_634, %get3A_635, %get3A_636, %get3A_637] {strides = array<i32>} : memref<2x16x2x128xi32, #tpu.memory_space<vmem>>, vector<16xi32>,
      tpu.vector_store_idx %arg6[%get3A_638], %broadcast_in_dim3A_7 {add = true} : memref<10240xf32, #tpu.memory_space<vmem>>[vector<16xi32>], vector<16xf32>,
      %get3A_639 = arith.constant 9 : i32
      %get3A_640 = arith.constant 1 : i32
      %get3A_641 = arith.index_cast %rem3A_111 : i32 to index
      %get3A_642 = arith.index_cast %get3A_639 : i32 to index
      %get3A_643 = arith.index_cast %get3A_640 : i32 to index
      %get3A_644 = arith.constant 0 : index
      %get3A_645 = tpu.vector_load %arg5[%get3A_641, %get3A_642, %get3A_643, %get3A_644] {strides = array<i32>} : memref<2x16x2x128xi32, #tpu.memory_space<vmem>>, vector<16xi32>,
      tpu.vector_store_idx %arg6[%get3A_645], %broadcast_in_dim3A_7 {add = true} : memref<10240xf32, #tpu.memory_space<vmem>>[vector<16xi32>], vector<16xf32>,
      %get3A_646 = arith.constant 9 : i32
      %get3A_647 = arith.constant 1 : i32
      %get3A_648 = arith.index_cast %rem3A_111 : i32 to index
      %get3A_649 = arith.index_cast %get3A_646 : i32 to index
      %get3A_650 = arith.index_cast %get3A_647 : i32 to index
      %get3A_651 = arith.constant 16 : index
      %get3A_652 = tpu.vector_load %arg5[%get3A_648, %get3A_649, %get3A_650, %get3A_651] {strides = array<i32>} : memref<2x16x2x128xi32, #tpu.memory_space<vmem>>, vector<16xi32>,
      tpu.vector_store_idx %arg6[%get3A_652], %broadcast_in_dim3A_7 {add = true} : memref<10240xf32, #tpu.memory_space<vmem>>[vector<16xi32>], vector<16xf32>,
      %get3A_653 = arith.constant 9 : i32
      %get3A_654 = arith.constant 1 : i32
      %get3A_655 = arith.index_cast %rem3A_111 : i32 to index
      %get3A_656 = arith.index_cast %get3A_653 : i32 to index
      %get3A_657 = arith.index_cast %get3A_654 : i32 to index
      %get3A_658 = arith.constant 32 : index
      %get3A_659 = tpu.vector_load %arg5[%get3A_655, %get3A_656, %get3A_657, %get3A_658] {strides = array<i32>} : memref<2x16x2x128xi32, #tpu.memory_space<vmem>>, vector<16xi32>,
      tpu.vector_store_idx %arg6[%get3A_659], %broadcast_in_dim3A_7 {add = true} : memref<10240xf32, #tpu.memory_space<vmem>>[vector<16xi32>], vector<16xf32>,
      %get3A_660 = arith.constant 9 : i32
      %get3A_661 = arith.constant 1 : i32
      %get3A_662 = arith.index_cast %rem3A_111 : i32 to index
      %get3A_663 = arith.index_cast %get3A_660 : i32 to index
      %get3A_664 = arith.index_cast %get3A_661 : i32 to index
      %get3A_665 = arith.constant 48 : index
      %get3A_666 = tpu.vector_load %arg5[%get3A_662, %get3A_663, %get3A_664, %get3A_665] {strides = array<i32>} : memref<2x16x2x128xi32, #tpu.memory_space<vmem>>, vector<16xi32>,
      tpu.vector_store_idx %arg6[%get3A_666], %broadcast_in_dim3A_7 {add = true} : memref<10240xf32, #tpu.memory_space<vmem>>[vector<16xi32>], vector<16xf32>,
      %get3A_667 = arith.constant 9 : i32
      %get3A_668 = arith.constant 1 : i32
      %get3A_669 = arith.index_cast %rem3A_111 : i32 to index
      %get3A_670 = arith.index_cast %get3A_667 : i32 to index
      %get3A_671 = arith.index_cast %get3A_668 : i32 to index
      %get3A_672 = arith.constant 64 : index
      %get3A_673 = tpu.vector_load %arg5[%get3A_669, %get3A_670, %get3A_671, %get3A_672] {strides = array<i32>} : memref<2x16x2x128xi32, #tpu.memory_space<vmem>>, vector<16xi32>,
      tpu.vector_store_idx %arg6[%get3A_673], %broadcast_in_dim3A_7 {add = true} : memref<10240xf32, #tpu.memory_space<vmem>>[vector<16xi32>], vector<16xf32>,
      %get3A_674 = arith.constant 9 : i32
      %get3A_675 = arith.constant 1 : i32
      %get3A_676 = arith.index_cast %rem3A_111 : i32 to index
      %get3A_677 = arith.index_cast %get3A_674 : i32 to index
      %get3A_678 = arith.index_cast %get3A_675 : i32 to index
      %get3A_679 = arith.constant 80 : index
      %get3A_680 = tpu.vector_load %arg5[%get3A_676, %get3A_677, %get3A_678, %get3A_679] {strides = array<i32>} : memref<2x16x2x128xi32, #tpu.memory_space<vmem>>, vector<16xi32>,
      tpu.vector_store_idx %arg6[%get3A_680], %broadcast_in_dim3A_7 {add = true} : memref<10240xf32, #tpu.memory_space<vmem>>[vector<16xi32>], vector<16xf32>,
      %get3A_681 = arith.constant 9 : i32
      %get3A_682 = arith.constant 1 : i32
      %get3A_683 = arith.index_cast %rem3A_111 : i32 to index
      %get3A_684 = arith.index_cast %get3A_681 : i32 to index
      %get3A_685 = arith.index_cast %get3A_682 : i32 to index
      %get3A_686 = arith.constant 96 : index
      %get3A_687 = tpu.vector_load %arg5[%get3A_683, %get3A_684, %get3A_685, %get3A_686] {strides = array<i32>} : memref<2x16x2x128xi32, #tpu.memory_space<vmem>>, vector<16xi32>,
      tpu.vector_store_idx %arg6[%get3A_687], %broadcast_in_dim3A_7 {add = true} : memref<10240xf32, #tpu.memory_space<vmem>>[vector<16xi32>], vector<16xf32>,
      %get3A_688 = arith.constant 9 : i32
      %get3A_689 = arith.constant 1 : i32
      %get3A_690 = arith.index_cast %rem3A_111 : i32 to index
      %get3A_691 = arith.index_cast %get3A_688 : i32 to index
      %get3A_692 = arith.index_cast %get3A_689 : i32 to index
      %get3A_693 = arith.constant 112 : index
      %get3A_694 = tpu.vector_load %arg5[%get3A_690, %get3A_691, %get3A_692, %get3A_693] {strides = array<i32>} : memref<2x16x2x128xi32, #tpu.memory_space<vmem>>, vector<16xi32>,
      tpu.vector_store_idx %arg6[%get3A_694], %broadcast_in_dim3A_7 {add = true} : memref<10240xf32, #tpu.memory_space<vmem>>[vector<16xi32>], vector<16xf32>,
      %get3A_695 = arith.constant 10 : i32
      %get3A_696 = arith.constant 1 : i32
      %get3A_697 = arith.index_cast %rem3A_111 : i32 to index
      %get3A_698 = arith.index_cast %get3A_695 : i32 to index
      %get3A_699 = arith.index_cast %get3A_696 : i32 to index
      %get3A_700 = arith.constant 0 : index
      %get3A_701 = tpu.vector_load %arg5[%get3A_697, %get3A_698, %get3A_699, %get3A_700] {strides = array<i32>} : memref<2x16x2x128xi32, #tpu.memory_space<vmem>>, vector<16xi32>,
      tpu.vector_store_idx %arg6[%get3A_701], %broadcast_in_dim3A_7 {add = true} : memref<10240xf32, #tpu.memory_space<vmem>>[vector<16xi32>], vector<16xf32>,
      %get3A_702 = arith.constant 10 : i32
      %get3A_703 = arith.constant 1 : i32
      %get3A_704 = arith.index_cast %rem3A_111 : i32 to index
      %get3A_705 = arith.index_cast %get3A_702 : i32 to index
      %get3A_706 = arith.index_cast %get3A_703 : i32 to index
      %get3A_707 = arith.constant 16 : index
      %get3A_708 = tpu.vector_load %arg5[%get3A_704, %get3A_705, %get3A_706, %get3A_707] {strides = array<i32>} : memref<2x16x2x128xi32, #tpu.memory_space<vmem>>, vector<16xi32>,
      tpu.vector_store_idx %arg6[%get3A_708], %broadcast_in_dim3A_7 {add = true} : memref<10240xf32, #tpu.memory_space<vmem>>[vector<16xi32>], vector<16xf32>,
      %get3A_709 = arith.constant 10 : i32
      %get3A_710 = arith.constant 1 : i32
      %get3A_711 = arith.index_cast %rem3A_111 : i32 to index
      %get3A_712 = arith.index_cast %get3A_709 : i32 to index
      %get3A_713 = arith.index_cast %get3A_710 : i32 to index
      %get3A_714 = arith.constant 32 : index
      %get3A_715 = tpu.vector_load %arg5[%get3A_711, %get3A_712, %get3A_713, %get3A_714] {strides = array<i32>} : memref<2x16x2x128xi32, #tpu.memory_space<vmem>>, vector<16xi32>,
      tpu.vector_store_idx %arg6[%get3A_715], %broadcast_in_dim3A_7 {add = true} : memref<10240xf32, #tpu.memory_space<vmem>>[vector<16xi32>], vector<16xf32>,
      %get3A_716 = arith.constant 10 : i32
      %get3A_717 = arith.constant 1 : i32
      %get3A_718 = arith.index_cast %rem3A_111 : i32 to index
      %get3A_719 = arith.index_cast %get3A_716 : i32 to index
      %get3A_720 = arith.index_cast %get3A_717 : i32 to index
      %get3A_721 = arith.constant 48 : index
      %get3A_722 = tpu.vector_load %arg5[%get3A_718, %get3A_719, %get3A_720, %get3A_721] {strides = array<i32>} : memref<2x16x2x128xi32, #tpu.memory_space<vmem>>, vector<16xi32>,
      tpu.vector_store_idx %arg6[%get3A_722], %broadcast_in_dim3A_7 {add = true} : memref<10240xf32, #tpu.memory_space<vmem>>[vector<16xi32>], vector<16xf32>,
      %get3A_723 = arith.constant 10 : i32
      %get3A_724 = arith.constant 1 : i32
      %get3A_725 = arith.index_cast %rem3A_111 : i32 to index
      %get3A_726 = arith.index_cast %get3A_723 : i32 to index
      %get3A_727 = arith.index_cast %get3A_724 : i32 to index
      %get3A_728 = arith.constant 64 : index
      %get3A_729 = tpu.vector_load %arg5[%get3A_725, %get3A_726, %get3A_727, %get3A_728] {strides = array<i32>} : memref<2x16x2x128xi32, #tpu.memory_space<vmem>>, vector<16xi32>,
      tpu.vector_store_idx %arg6[%get3A_729], %broadcast_in_dim3A_7 {add = true} : memref<10240xf32, #tpu.memory_space<vmem>>[vector<16xi32>], vector<16xf32>,
      %get3A_730 = arith.constant 10 : i32
      %get3A_731 = arith.constant 1 : i32
      %get3A_732 = arith.index_cast %rem3A_111 : i32 to index
      %get3A_733 = arith.index_cast %get3A_730 : i32 to index
      %get3A_734 = arith.index_cast %get3A_731 : i32 to index
      %get3A_735 = arith.constant 80 : index
      %get3A_736 = tpu.vector_load %arg5[%get3A_732, %get3A_733, %get3A_734, %get3A_735] {strides = array<i32>} : memref<2x16x2x128xi32, #tpu.memory_space<vmem>>, vector<16xi32>,
      tpu.vector_store_idx %arg6[%get3A_736], %broadcast_in_dim3A_7 {add = true} : memref<10240xf32, #tpu.memory_space<vmem>>[vector<16xi32>], vector<16xf32>,
      %get3A_737 = arith.constant 10 : i32
      %get3A_738 = arith.constant 1 : i32
      %get3A_739 = arith.index_cast %rem3A_111 : i32 to index
      %get3A_740 = arith.index_cast %get3A_737 : i32 to index
      %get3A_741 = arith.index_cast %get3A_738 : i32 to index
      %get3A_742 = arith.constant 96 : index
      %get3A_743 = tpu.vector_load %arg5[%get3A_739, %get3A_740, %get3A_741, %get3A_742] {strides = array<i32>} : memref<2x16x2x128xi32, #tpu.memory_space<vmem>>, vector<16xi32>,
      tpu.vector_store_idx %arg6[%get3A_743], %broadcast_in_dim3A_7 {add = true} : memref<10240xf32, #tpu.memory_space<vmem>>[vector<16xi32>], vector<16xf32>,
      %get3A_744 = arith.constant 10 : i32
      %get3A_745 = arith.constant 1 : i32
      %get3A_746 = arith.index_cast %rem3A_111 : i32 to index
      %get3A_747 = arith.index_cast %get3A_744 : i32 to index
      %get3A_748 = arith.index_cast %get3A_745 : i32 to index
      %get3A_749 = arith.constant 112 : index
      %get3A_750 = tpu.vector_load %arg5[%get3A_746, %get3A_747, %get3A_748, %get3A_749] {strides = array<i32>} : memref<2x16x2x128xi32, #tpu.memory_space<vmem>>, vector<16xi32>,
      tpu.vector_store_idx %arg6[%get3A_750], %broadcast_in_dim3A_7 {add = true} : memref<10240xf32, #tpu.memory_space<vmem>>[vector<16xi32>], vector<16xf32>,
      %get3A_751 = arith.constant 11 : i32
      %get3A_752 = arith.constant 1 : i32
      %get3A_753 = arith.index_cast %rem3A_111 : i32 to index
      %get3A_754 = arith.index_cast %get3A_751 : i32 to index
      %get3A_755 = arith.index_cast %get3A_752 : i32 to index
      %get3A_756 = arith.constant 0 : index
      %get3A_757 = tpu.vector_load %arg5[%get3A_753, %get3A_754, %get3A_755, %get3A_756] {strides = array<i32>} : memref<2x16x2x128xi32, #tpu.memory_space<vmem>>, vector<16xi32>,
      tpu.vector_store_idx %arg6[%get3A_757], %broadcast_in_dim3A_7 {add = true} : memref<10240xf32, #tpu.memory_space<vmem>>[vector<16xi32>], vector<16xf32>,
      %get3A_758 = arith.constant 11 : i32
      %get3A_759 = arith.constant 1 : i32
      %get3A_760 = arith.index_cast %rem3A_111 : i32 to index
      %get3A_761 = arith.index_cast %get3A_758 : i32 to index
      %get3A_762 = arith.index_cast %get3A_759 : i32 to index
      %get3A_763 = arith.constant 16 : index
      %get3A_764 = tpu.vector_load %arg5[%get3A_760, %get3A_761, %get3A_762, %get3A_763] {strides = array<i32>} : memref<2x16x2x128xi32, #tpu.memory_space<vmem>>, vector<16xi32>,
      tpu.vector_store_idx %arg6[%get3A_764], %broadcast_in_dim3A_7 {add = true} : memref<10240xf32, #tpu.memory_space<vmem>>[vector<16xi32>], vector<16xf32>,
      %get3A_765 = arith.constant 11 : i32
      %get3A_766 = arith.constant 1 : i32
      %get3A_767 = arith.index_cast %rem3A_111 : i32 to index
      %get3A_768 = arith.index_cast %get3A_765 : i32 to index
      %get3A_769 = arith.index_cast %get3A_766 : i32 to index
      %get3A_770 = arith.constant 32 : index
      %get3A_771 = tpu.vector_load %arg5[%get3A_767, %get3A_768, %get3A_769, %get3A_770] {strides = array<i32>} : memref<2x16x2x128xi32, #tpu.memory_space<vmem>>, vector<16xi32>,
      tpu.vector_store_idx %arg6[%get3A_771], %broadcast_in_dim3A_7 {add = true} : memref<10240xf32, #tpu.memory_space<vmem>>[vector<16xi32>], vector<16xf32>,
      %get3A_772 = arith.constant 11 : i32
      %get3A_773 = arith.constant 1 : i32
      %get3A_774 = arith.index_cast %rem3A_111 : i32 to index
      %get3A_775 = arith.index_cast %get3A_772 : i32 to index
      %get3A_776 = arith.index_cast %get3A_773 : i32 to index
      %get3A_777 = arith.constant 48 : index
      %get3A_778 = tpu.vector_load %arg5[%get3A_774, %get3A_775, %get3A_776, %get3A_777] {strides = array<i32>} : memref<2x16x2x128xi32, #tpu.memory_space<vmem>>, vector<16xi32>,
      tpu.vector_store_idx %arg6[%get3A_778], %broadcast_in_dim3A_7 {add = true} : memref<10240xf32, #tpu.memory_space<vmem>>[vector<16xi32>], vector<16xf32>,
      %get3A_779 = arith.constant 11 : i32
      %get3A_780 = arith.constant 1 : i32
      %get3A_781 = arith.index_cast %rem3A_111 : i32 to index
      %get3A_782 = arith.index_cast %get3A_779 : i32 to index
      %get3A_783 = arith.index_cast %get3A_780 : i32 to index
      %get3A_784 = arith.constant 64 : index
      %get3A_785 = tpu.vector_load %arg5[%get3A_781, %get3A_782, %get3A_783, %get3A_784] {strides = array<i32>} : memref<2x16x2x128xi32, #tpu.memory_space<vmem>>, vector<16xi32>,
      tpu.vector_store_idx %arg6[%get3A_785], %broadcast_in_dim3A_7 {add = true} : memref<10240xf32, #tpu.memory_space<vmem>>[vector<16xi32>], vector<16xf32>,
      %get3A_786 = arith.constant 11 : i32
      %get3A_787 = arith.constant 1 : i32
      %get3A_788 = arith.index_cast %rem3A_111 : i32 to index
      %get3A_789 = arith.index_cast %get3A_786 : i32 to index
      %get3A_790 = arith.index_cast %get3A_787 : i32 to index
      %get3A_791 = arith.constant 80 : index
      %get3A_792 = tpu.vector_load %arg5[%get3A_788, %get3A_789, %get3A_790, %get3A_791] {strides = array<i32>} : memref<2x16x2x128xi32, #tpu.memory_space<vmem>>, vector<16xi32>,
      tpu.vector_store_idx %arg6[%get3A_792], %broadcast_in_dim3A_7 {add = true} : memref<10240xf32, #tpu.memory_space<vmem>>[vector<16xi32>], vector<16xf32>,
      %get3A_793 = arith.constant 11 : i32
      %get3A_794 = arith.constant 1 : i32
      %get3A_795 = arith.index_cast %rem3A_111 : i32 to index
      %get3A_796 = arith.index_cast %get3A_793 : i32 to index
      %get3A_797 = arith.index_cast %get3A_794 : i32 to index
      %get3A_798 = arith.constant 96 : index
      %get3A_799 = tpu.vector_load %arg5[%get3A_795, %get3A_796, %get3A_797, %get3A_798] {strides = array<i32>} : memref<2x16x2x128xi32, #tpu.memory_space<vmem>>, vector<16xi32>,
      tpu.vector_store_idx %arg6[%get3A_799], %broadcast_in_dim3A_7 {add = true} : memref<10240xf32, #tpu.memory_space<vmem>>[vector<16xi32>], vector<16xf32>,
      %get3A_800 = arith.constant 11 : i32
      %get3A_801 = arith.constant 1 : i32
      %get3A_802 = arith.index_cast %rem3A_111 : i32 to index
      %get3A_803 = arith.index_cast %get3A_800 : i32 to index
      %get3A_804 = arith.index_cast %get3A_801 : i32 to index
      %get3A_805 = arith.constant 112 : index
      %get3A_806 = tpu.vector_load %arg5[%get3A_802, %get3A_803, %get3A_804, %get3A_805] {strides = array<i32>} : memref<2x16x2x128xi32, #tpu.memory_space<vmem>>, vector<16xi32>,
      tpu.vector_store_idx %arg6[%get3A_806], %broadcast_in_dim3A_7 {add = true} : memref<10240xf32, #tpu.memory_space<vmem>>[vector<16xi32>], vector<16xf32>,
      %get3A_807 = arith.constant 12 : i32
      %get3A_808 = arith.constant 1 : i32
      %get3A_809 = arith.index_cast %rem3A_111 : i32 to index
      %get3A_810 = arith.index_cast %get3A_807 : i32 to index
      %get3A_811 = arith.index_cast %get3A_808 : i32 to index
      %get3A_812 = arith.constant 0 : index
      %get3A_813 = tpu.vector_load %arg5[%get3A_809, %get3A_810, %get3A_811, %get3A_812] {strides = array<i32>} : memref<2x16x2x128xi32, #tpu.memory_space<vmem>>, vector<16xi32>,
      tpu.vector_store_idx %arg6[%get3A_813], %broadcast_in_dim3A_7 {add = true} : memref<10240xf32, #tpu.memory_space<vmem>>[vector<16xi32>], vector<16xf32>,
      %get3A_814 = arith.constant 12 : i32
      %get3A_815 = arith.constant 1 : i32
      %get3A_816 = arith.index_cast %rem3A_111 : i32 to index
      %get3A_817 = arith.index_cast %get3A_814 : i32 to index
      %get3A_818 = arith.index_cast %get3A_815 : i32 to index
      %get3A_819 = arith.constant 16 : index
      %get3A_820 = tpu.vector_load %arg5[%get3A_816, %get3A_817, %get3A_818, %get3A_819] {strides = array<i32>} : memref<2x16x2x128xi32, #tpu.memory_space<vmem>>, vector<16xi32>,
      tpu.vector_store_idx %arg6[%get3A_820], %broadcast_in_dim3A_7 {add = true} : memref<10240xf32, #tpu.memory_space<vmem>>[vector<16xi32>], vector<16xf32>,
      %get3A_821 = arith.constant 12 : i32
      %get3A_822 = arith.constant 1 : i32
      %get3A_823 = arith.index_cast %rem3A_111 : i32 to index
      %get3A_824 = arith.index_cast %get3A_821 : i32 to index
      %get3A_825 = arith.index_cast %get3A_822 : i32 to index
      %get3A_826 = arith.constant 32 : index
      %get3A_827 = tpu.vector_load %arg5[%get3A_823, %get3A_824, %get3A_825, %get3A_826] {strides = array<i32>} : memref<2x16x2x128xi32, #tpu.memory_space<vmem>>, vector<16xi32>,
      tpu.vector_store_idx %arg6[%get3A_827], %broadcast_in_dim3A_7 {add = true} : memref<10240xf32, #tpu.memory_space<vmem>>[vector<16xi32>], vector<16xf32>,
      %get3A_828 = arith.constant 12 : i32
      %get3A_829 = arith.constant 1 : i32
      %get3A_830 = arith.index_cast %rem3A_111 : i32 to index
      %get3A_831 = arith.index_cast %get3A_828 : i32 to index
      %get3A_832 = arith.index_cast %get3A_829 : i32 to index
      %get3A_833 = arith.constant 48 : index
      %get3A_834 = tpu.vector_load %arg5[%get3A_830, %get3A_831, %get3A_832, %get3A_833] {strides = array<i32>} : memref<2x16x2x128xi32, #tpu.memory_space<vmem>>, vector<16xi32>,
      tpu.vector_store_idx %arg6[%get3A_834], %broadcast_in_dim3A_7 {add = true} : memref<10240xf32, #tpu.memory_space<vmem>>[vector<16xi32>], vector<16xf32>,
      %get3A_835 = arith.constant 12 : i32
      %get3A_836 = arith.constant 1 : i32
      %get3A_837 = arith.index_cast %rem3A_111 : i32 to index
      %get3A_838 = arith.index_cast %get3A_835 : i32 to index
      %get3A_839 = arith.index_cast %get3A_836 : i32 to index
      %get3A_840 = arith.constant 64 : index
      %get3A_841 = tpu.vector_load %arg5[%get3A_837, %get3A_838, %get3A_839, %get3A_840] {strides = array<i32>} : memref<2x16x2x128xi32, #tpu.memory_space<vmem>>, vector<16xi32>,
      tpu.vector_store_idx %arg6[%get3A_841], %broadcast_in_dim3A_7 {add = true} : memref<10240xf32, #tpu.memory_space<vmem>>[vector<16xi32>], vector<16xf32>,
      %get3A_842 = arith.constant 12 : i32
      %get3A_843 = arith.constant 1 : i32
      %get3A_844 = arith.index_cast %rem3A_111 : i32 to index
      %get3A_845 = arith.index_cast %get3A_842 : i32 to index
      %get3A_846 = arith.index_cast %get3A_843 : i32 to index
      %get3A_847 = arith.constant 80 : index
      %get3A_848 = tpu.vector_load %arg5[%get3A_844, %get3A_845, %get3A_846, %get3A_847] {strides = array<i32>} : memref<2x16x2x128xi32, #tpu.memory_space<vmem>>, vector<16xi32>,
      tpu.vector_store_idx %arg6[%get3A_848], %broadcast_in_dim3A_7 {add = true} : memref<10240xf32, #tpu.memory_space<vmem>>[vector<16xi32>], vector<16xf32>,
      %get3A_849 = arith.constant 12 : i32
      %get3A_850 = arith.constant 1 : i32
      %get3A_851 = arith.index_cast %rem3A_111 : i32 to index
      %get3A_852 = arith.index_cast %get3A_849 : i32 to index
      %get3A_853 = arith.index_cast %get3A_850 : i32 to index
      %get3A_854 = arith.constant 96 : index
      %get3A_855 = tpu.vector_load %arg5[%get3A_851, %get3A_852, %get3A_853, %get3A_854] {strides = array<i32>} : memref<2x16x2x128xi32, #tpu.memory_space<vmem>>, vector<16xi32>,
      tpu.vector_store_idx %arg6[%get3A_855], %broadcast_in_dim3A_7 {add = true} : memref<10240xf32, #tpu.memory_space<vmem>>[vector<16xi32>], vector<16xf32>,
      %get3A_856 = arith.constant 12 : i32
      %get3A_857 = arith.constant 1 : i32
      %get3A_858 = arith.index_cast %rem3A_111 : i32 to index
      %get3A_859 = arith.index_cast %get3A_856 : i32 to index
      %get3A_860 = arith.index_cast %get3A_857 : i32 to index
      %get3A_861 = arith.constant 112 : index
      %get3A_862 = tpu.vector_load %arg5[%get3A_858, %get3A_859, %get3A_860, %get3A_861] {strides = array<i32>} : memref<2x16x2x128xi32, #tpu.memory_space<vmem>>, vector<16xi32>,
      tpu.vector_store_idx %arg6[%get3A_862], %broadcast_in_dim3A_7 {add = true} : memref<10240xf32, #tpu.memory_space<vmem>>[vector<16xi32>], vector<16xf32>,
      %get3A_863 = arith.constant 13 : i32
      %get3A_864 = arith.constant 1 : i32
      %get3A_865 = arith.index_cast %rem3A_111 : i32 to index
      %get3A_866 = arith.index_cast %get3A_863 : i32 to index
      %get3A_867 = arith.index_cast %get3A_864 : i32 to index
      %get3A_868 = arith.constant 0 : index
      %get3A_869 = tpu.vector_load %arg5[%get3A_865, %get3A_866, %get3A_867, %get3A_868] {strides = array<i32>} : memref<2x16x2x128xi32, #tpu.memory_space<vmem>>, vector<16xi32>,
      tpu.vector_store_idx %arg6[%get3A_869], %broadcast_in_dim3A_7 {add = true} : memref<10240xf32, #tpu.memory_space<vmem>>[vector<16xi32>], vector<16xf32>,
      %get3A_870 = arith.constant 13 : i32
      %get3A_871 = arith.constant 1 : i32
      %get3A_872 = arith.index_cast %rem3A_111 : i32 to index
      %get3A_873 = arith.index_cast %get3A_870 : i32 to index
      %get3A_874 = arith.index_cast %get3A_871 : i32 to index
      %get3A_875 = arith.constant 16 : index
      %get3A_876 = tpu.vector_load %arg5[%get3A_872, %get3A_873, %get3A_874, %get3A_875] {strides = array<i32>} : memref<2x16x2x128xi32, #tpu.memory_space<vmem>>, vector<16xi32>,
      tpu.vector_store_idx %arg6[%get3A_876], %broadcast_in_dim3A_7 {add = true} : memref<10240xf32, #tpu.memory_space<vmem>>[vector<16xi32>], vector<16xf32>,
      %get3A_877 = arith.constant 13 : i32
      %get3A_878 = arith.constant 1 : i32
      %get3A_879 = arith.index_cast %rem3A_111 : i32 to index
      %get3A_880 = arith.index_cast %get3A_877 : i32 to index
      %get3A_881 = arith.index_cast %get3A_878 : i32 to index
      %get3A_882 = arith.constant 32 : index
      %get3A_883 = tpu.vector_load %arg5[%get3A_879, %get3A_880, %get3A_881, %get3A_882] {strides = array<i32>} : memref<2x16x2x128xi32, #tpu.memory_space<vmem>>, vector<16xi32>,
      tpu.vector_store_idx %arg6[%get3A_883], %broadcast_in_dim3A_7 {add = true} : memref<10240xf32, #tpu.memory_space<vmem>>[vector<16xi32>], vector<16xf32>,
      %get3A_884 = arith.constant 13 : i32
      %get3A_885 = arith.constant 1 : i32
      %get3A_886 = arith.index_cast %rem3A_111 : i32 to index
      %get3A_887 = arith.index_cast %get3A_884 : i32 to index
      %get3A_888 = arith.index_cast %get3A_885 : i32 to index
      %get3A_889 = arith.constant 48 : index
      %get3A_890 = tpu.vector_load %arg5[%get3A_886, %get3A_887, %get3A_888, %get3A_889] {strides = array<i32>} : memref<2x16x2x128xi32, #tpu.memory_space<vmem>>, vector<16xi32>,
      tpu.vector_store_idx %arg6[%get3A_890], %broadcast_in_dim3A_7 {add = true} : memref<10240xf32, #tpu.memory_space<vmem>>[vector<16xi32>], vector<16xf32>,
      %get3A_891 = arith.constant 13 : i32
      %get3A_892 = arith.constant 1 : i32
      %get3A_893 = arith.index_cast %rem3A_111 : i32 to index
      %get3A_894 = arith.index_cast %get3A_891 : i32 to index
      %get3A_895 = arith.index_cast %get3A_892 : i32 to index
      %get3A_896 = arith.constant 64 : index
      %get3A_897 = tpu.vector_load %arg5[%get3A_893, %get3A_894, %get3A_895, %get3A_896] {strides = array<i32>} : memref<2x16x2x128xi32, #tpu.memory_space<vmem>>, vector<16xi32>,
      tpu.vector_store_idx %arg6[%get3A_897], %broadcast_in_dim3A_7 {add = true} : memref<10240xf32, #tpu.memory_space<vmem>>[vector<16xi32>], vector<16xf32>,
      %get3A_898 = arith.constant 13 : i32
      %get3A_899 = arith.constant 1 : i32
      %get3A_900 = arith.index_cast %rem3A_111 : i32 to index
      %get3A_901 = arith.index_cast %get3A_898 : i32 to index
      %get3A_902 = arith.index_cast %get3A_899 : i32 to index
      %get3A_903 = arith.constant 80 : index
      %get3A_904 = tpu.vector_load %arg5[%get3A_900, %get3A_901, %get3A_902, %get3A_903] {strides = array<i32>} : memref<2x16x2x128xi32, #tpu.memory_space<vmem>>, vector<16xi32>,
      tpu.vector_store_idx %arg6[%get3A_904], %broadcast_in_dim3A_7 {add = true} : memref<10240xf32, #tpu.memory_space<vmem>>[vector<16xi32>], vector<16xf32>,
      %get3A_905 = arith.constant 13 : i32
      %get3A_906 = arith.constant 1 : i32
      %get3A_907 = arith.index_cast %rem3A_111 : i32 to index
      %get3A_908 = arith.index_cast %get3A_905 : i32 to index
      %get3A_909 = arith.index_cast %get3A_906 : i32 to index
      %get3A_910 = arith.constant 96 : index
      %get3A_911 = tpu.vector_load %arg5[%get3A_907, %get3A_908, %get3A_909, %get3A_910] {strides = array<i32>} : memref<2x16x2x128xi32, #tpu.memory_space<vmem>>, vector<16xi32>,
      tpu.vector_store_idx %arg6[%get3A_911], %broadcast_in_dim3A_7 {add = true} : memref<10240xf32, #tpu.memory_space<vmem>>[vector<16xi32>], vector<16xf32>,
      %get3A_912 = arith.constant 13 : i32
      %get3A_913 = arith.constant 1 : i32
      %get3A_914 = arith.index_cast %rem3A_111 : i32 to index
      %get3A_915 = arith.index_cast %get3A_912 : i32 to index
      %get3A_916 = arith.index_cast %get3A_913 : i32 to index
      %get3A_917 = arith.constant 112 : index
      %get3A_918 = tpu.vector_load %arg5[%get3A_914, %get3A_915, %get3A_916, %get3A_917] {strides = array<i32>} : memref<2x16x2x128xi32, #tpu.memory_space<vmem>>, vector<16xi32>,
      tpu.vector_store_idx %arg6[%get3A_918], %broadcast_in_dim3A_7 {add = true} : memref<10240xf32, #tpu.memory_space<vmem>>[vector<16xi32>], vector<16xf32>,
      %get3A_919 = arith.constant 14 : i32
      %get3A_920 = arith.constant 1 : i32
      %get3A_921 = arith.index_cast %rem3A_111 : i32 to index
      %get3A_922 = arith.index_cast %get3A_919 : i32 to index
      %get3A_923 = arith.index_cast %get3A_920 : i32 to index
      %get3A_924 = arith.constant 0 : index
      %get3A_925 = tpu.vector_load %arg5[%get3A_921, %get3A_922, %get3A_923, %get3A_924] {strides = array<i32>} : memref<2x16x2x128xi32, #tpu.memory_space<vmem>>, vector<16xi32>,
      tpu.vector_store_idx %arg6[%get3A_925], %broadcast_in_dim3A_7 {add = true} : memref<10240xf32, #tpu.memory_space<vmem>>[vector<16xi32>], vector<16xf32>,
      %get3A_926 = arith.constant 14 : i32
      %get3A_927 = arith.constant 1 : i32
      %get3A_928 = arith.index_cast %rem3A_111 : i32 to index
      %get3A_929 = arith.index_cast %get3A_926 : i32 to index
      %get3A_930 = arith.index_cast %get3A_927 : i32 to index
      %get3A_931 = arith.constant 16 : index
      %get3A_932 = tpu.vector_load %arg5[%get3A_928, %get3A_929, %get3A_930, %get3A_931] {strides = array<i32>} : memref<2x16x2x128xi32, #tpu.memory_space<vmem>>, vector<16xi32>,
      tpu.vector_store_idx %arg6[%get3A_932], %broadcast_in_dim3A_7 {add = true} : memref<10240xf32, #tpu.memory_space<vmem>>[vector<16xi32>], vector<16xf32>,
      %get3A_933 = arith.constant 14 : i32
      %get3A_934 = arith.constant 1 : i32
      %get3A_935 = arith.index_cast %rem3A_111 : i32 to index
      %get3A_936 = arith.index_cast %get3A_933 : i32 to index
      %get3A_937 = arith.index_cast %get3A_934 : i32 to index
      %get3A_938 = arith.constant 32 : index
      %get3A_939 = tpu.vector_load %arg5[%get3A_935, %get3A_936, %get3A_937, %get3A_938] {strides = array<i32>} : memref<2x16x2x128xi32, #tpu.memory_space<vmem>>, vector<16xi32>,
      tpu.vector_store_idx %arg6[%get3A_939], %broadcast_in_dim3A_7 {add = true} : memref<10240xf32, #tpu.memory_space<vmem>>[vector<16xi32>], vector<16xf32>,
      %get3A_940 = arith.constant 14 : i32
      %get3A_941 = arith.constant 1 : i32
      %get3A_942 = arith.index_cast %rem3A_111 : i32 to index
      %get3A_943 = arith.index_cast %get3A_940 : i32 to index
      %get3A_944 = arith.index_cast %get3A_941 : i32 to index
      %get3A_945 = arith.constant 48 : index
      %get3A_946 = tpu.vector_load %arg5[%get3A_942, %get3A_943, %get3A_944, %get3A_945] {strides = array<i32>} : memref<2x16x2x128xi32, #tpu.memory_space<vmem>>, vector<16xi32>,
      tpu.vector_store_idx %arg6[%get3A_946], %broadcast_in_dim3A_7 {add = true} : memref<10240xf32, #tpu.memory_space<vmem>>[vector<16xi32>], vector<16xf32>,
      %get3A_947 = arith.constant 14 : i32
      %get3A_948 = arith.constant 1 : i32
      %get3A_949 = arith.index_cast %rem3A_111 : i32 to index
      %get3A_950 = arith.index_cast %get3A_947 : i32 to index
      %get3A_951 = arith.index_cast %get3A_948 : i32 to index
      %get3A_952 = arith.constant 64 : index
      %get3A_953 = tpu.vector_load %arg5[%get3A_949, %get3A_950, %get3A_951, %get3A_952] {strides = array<i32>} : memref<2x16x2x128xi32, #tpu.memory_space<vmem>>, vector<16xi32>,
      tpu.vector_store_idx %arg6[%get3A_953], %broadcast_in_dim3A_7 {add = true} : memref<10240xf32, #tpu.memory_space<vmem>>[vector<16xi32>], vector<16xf32>,
      %get3A_954 = arith.constant 14 : i32
      %get3A_955 = arith.constant 1 : i32
      %get3A_956 = arith.index_cast %rem3A_111 : i32 to index
      %get3A_957 = arith.index_cast %get3A_954 : i32 to index
      %get3A_958 = arith.index_cast %get3A_955 : i32 to index
      %get3A_959 = arith.constant 80 : index
      %get3A_960 = tpu.vector_load %arg5[%get3A_956, %get3A_957, %get3A_958, %get3A_959] {strides = array<i32>} : memref<2x16x2x128xi32, #tpu.memory_space<vmem>>, vector<16xi32>,
      tpu.vector_store_idx %arg6[%get3A_960], %broadcast_in_dim3A_7 {add = true} : memref<10240xf32, #tpu.memory_space<vmem>>[vector<16xi32>], vector<16xf32>,
      %get3A_961 = arith.constant 14 : i32
      %get3A_962 = arith.constant 1 : i32
      %get3A_963 = arith.index_cast %rem3A_111 : i32 to index
      %get3A_964 = arith.index_cast %get3A_961 : i32 to index
      %get3A_965 = arith.index_cast %get3A_962 : i32 to index
      %get3A_966 = arith.constant 96 : index
      %get3A_967 = tpu.vector_load %arg5[%get3A_963, %get3A_964, %get3A_965, %get3A_966] {strides = array<i32>} : memref<2x16x2x128xi32, #tpu.memory_space<vmem>>, vector<16xi32>,
      tpu.vector_store_idx %arg6[%get3A_967], %broadcast_in_dim3A_7 {add = true} : memref<10240xf32, #tpu.memory_space<vmem>>[vector<16xi32>], vector<16xf32>,
      %get3A_968 = arith.constant 14 : i32
      %get3A_969 = arith.constant 1 : i32
      %get3A_970 = arith.index_cast %rem3A_111 : i32 to index
      %get3A_971 = arith.index_cast %get3A_968 : i32 to index
      %get3A_972 = arith.index_cast %get3A_969 : i32 to index
      %get3A_973 = arith.constant 112 : index
      %get3A_974 = tpu.vector_load %arg5[%get3A_970, %get3A_971, %get3A_972, %get3A_973] {strides = array<i32>} : memref<2x16x2x128xi32, #tpu.memory_space<vmem>>, vector<16xi32>,
      tpu.vector_store_idx %arg6[%get3A_974], %broadcast_in_dim3A_7 {add = true} : memref<10240xf32, #tpu.memory_space<vmem>>[vector<16xi32>], vector<16xf32>,
      %get3A_975 = arith.constant 15 : i32
      %get3A_976 = arith.constant 1 : i32
      %get3A_977 = arith.index_cast %rem3A_111 : i32 to index
      %get3A_978 = arith.index_cast %get3A_975 : i32 to index
      %get3A_979 = arith.index_cast %get3A_976 : i32 to index
      %get3A_980 = arith.constant 0 : index
      %get3A_981 = tpu.vector_load %arg5[%get3A_977, %get3A_978, %get3A_979, %get3A_980] {strides = array<i32>} : memref<2x16x2x128xi32, #tpu.memory_space<vmem>>, vector<16xi32>,
      tpu.vector_store_idx %arg6[%get3A_981], %broadcast_in_dim3A_7 {add = true} : memref<10240xf32, #tpu.memory_space<vmem>>[vector<16xi32>], vector<16xf32>,
      %get3A_982 = arith.constant 15 : i32
      %get3A_983 = arith.constant 1 : i32
      %get3A_984 = arith.index_cast %rem3A_111 : i32 to index
      %get3A_985 = arith.index_cast %get3A_982 : i32 to index
      %get3A_986 = arith.index_cast %get3A_983 : i32 to index
      %get3A_987 = arith.constant 16 : index
      %get3A_988 = tpu.vector_load %arg5[%get3A_984, %get3A_985, %get3A_986, %get3A_987] {strides = array<i32>} : memref<2x16x2x128xi32, #tpu.memory_space<vmem>>, vector<16xi32>,
      tpu.vector_store_idx %arg6[%get3A_988], %broadcast_in_dim3A_7 {add = true} : memref<10240xf32, #tpu.memory_space<vmem>>[vector<16xi32>], vector<16xf32>,
      %get3A_989 = arith.constant 15 : i32
      %get3A_990 = arith.constant 1 : i32
      %get3A_991 = arith.index_cast %rem3A_111 : i32 to index
      %get3A_992 = arith.index_cast %get3A_989 : i32 to index
      %get3A_993 = arith.index_cast %get3A_990 : i32 to index
      %get3A_994 = arith.constant 32 : index
      %get3A_995 = tpu.vector_load %arg5[%get3A_991, %get3A_992, %get3A_993, %get3A_994] {strides = array<i32>} : memref<2x16x2x128xi32, #tpu.memory_space<vmem>>, vector<16xi32>,
      tpu.vector_store_idx %arg6[%get3A_995], %broadcast_in_dim3A_7 {add = true} : memref<10240xf32, #tpu.memory_space<vmem>>[vector<16xi32>], vector<16xf32>,
      %get3A_996 = arith.constant 15 : i32
      %get3A_997 = arith.constant 1 : i32
      %get3A_998 = arith.index_cast %rem3A_111 : i32 to index
      %get3A_999 = arith.index_cast %get3A_996 : i32 to index
      %get3A_1000 = arith.index_cast %get3A_997 : i32 to index
      %get3A_1001 = arith.constant 48 : index
      %get3A_1002 = tpu.vector_load %arg5[%get3A_998, %get3A_999, %get3A_1000, %get3A_1001] {strides = array<i32>} : memref<2x16x2x128xi32, #tpu.memory_space<vmem>>, vector<16xi32>,
      tpu.vector_store_idx %arg6[%get3A_1002], %broadcast_in_dim3A_7 {add = true} : memref<10240xf32, #tpu.memory_space<vmem>>[vector<16xi32>], vector<16xf32>,
      %get3A_1003 = arith.constant 15 : i32
      %get3A_1004 = arith.constant 1 : i32
      %get3A_1005 = arith.index_cast %rem3A_111 : i32 to index
      %get3A_1006 = arith.index_cast %get3A_1003 : i32 to index
      %get3A_1007 = arith.index_cast %get3A_1004 : i32 to index
      %get3A_1008 = arith.constant 64 : index
      %get3A_1009 = tpu.vector_load %arg5[%get3A_1005, %get3A_1006, %get3A_1007, %get3A_1008] {strides = array<i32>} : memref<2x16x2x128xi32, #tpu.memory_space<vmem>>, vector<16xi32>,
      tpu.vector_store_idx %arg6[%get3A_1009], %broadcast_in_dim3A_7 {add = true} : memref<10240xf32, #tpu.memory_space<vmem>>[vector<16xi32>], vector<16xf32>,
      %get3A_1010 = arith.constant 15 : i32
      %get3A_1011 = arith.constant 1 : i32
      %get3A_1012 = arith.index_cast %rem3A_111 : i32 to index
      %get3A_1013 = arith.index_cast %get3A_1010 : i32 to index
      %get3A_1014 = arith.index_cast %get3A_1011 : i32 to index
      %get3A_1015 = arith.constant 80 : index
      %get3A_1016 = tpu.vector_load %arg5[%get3A_1012, %get3A_1013, %get3A_1014, %get3A_1015] {strides = array<i32>} : memref<2x16x2x128xi32, #tpu.memory_space<vmem>>, vector<16xi32>,
      tpu.vector_store_idx %arg6[%get3A_1016], %broadcast_in_dim3A_7 {add = true} : memref<10240xf32, #tpu.memory_space<vmem>>[vector<16xi32>], vector<16xf32>,
      %get3A_1017 = arith.constant 15 : i32
      %get3A_1018 = arith.constant 1 : i32
      %get3A_1019 = arith.index_cast %rem3A_111 : i32 to index
      %get3A_1020 = arith.index_cast %get3A_1017 : i32 to index
      %get3A_1021 = arith.index_cast %get3A_1018 : i32 to index
      %get3A_1022 = arith.constant 96 : index
      %get3A_1023 = tpu.vector_load %arg5[%get3A_1019, %get3A_1020, %get3A_1021, %get3A_1022] {strides = array<i32>} : memref<2x16x2x128xi32, #tpu.memory_space<vmem>>, vector<16xi32>,
      tpu.vector_store_idx %arg6[%get3A_1023], %broadcast_in_dim3A_7 {add = true} : memref<10240xf32, #tpu.memory_space<vmem>>[vector<16xi32>], vector<16xf32>,
      %get3A_1024 = arith.constant 15 : i32
      %get3A_1025 = arith.constant 1 : i32
      %get3A_1026 = arith.index_cast %rem3A_111 : i32 to index
      %get3A_1027 = arith.index_cast %get3A_1024 : i32 to index
      %get3A_1028 = arith.index_cast %get3A_1025 : i32 to index
      %get3A_1029 = arith.constant 112 : index
      %get3A_1030 = tpu.vector_load %arg5[%get3A_1026, %get3A_1027, %get3A_1028, %get3A_1029] {strides = array<i32>} : memref<2x16x2x128xi32, #tpu.memory_space<vmem>>, vector<16xi32>,
      tpu.vector_store_idx %arg6[%get3A_1030], %broadcast_in_dim3A_7 {add = true} : memref<10240xf32, #tpu.memory_space<vmem>>[vector<16xi32>], vector<16xf32>,
      %scan3A_1031 = arith.constant 0 : i32
      scf.yield %scan3A_1031 : i32
    }
    %scan3A_34 = arith.constant 10 : i32
    "tpu.region"() ({
      %run_scoped3A_109 = tpu.sem_alloc : memref<!tpu.dma_semaphore, #tpu.memory_space<semaphore_mem>>
      %dma_start3A_110 = arith.constant 0 : i32
      %dma_start3A_111 = tpu.memref_slice %arg4[%arg1, %dma_start3A_110] : memref<16x10240xf32, #tpu.memory_space<vmem_shared>> -> memref<1x10240xf32, #tpu.memory_space<vmem_shared>>
      %dma_start3A_112 = tpu.memref_squeeze %dma_start3A_111 : memref<1x10240xf32, #tpu.memory_space<vmem_shared>> -> memref<10240xf32, #tpu.memory_space<vmem_shared>>
      %dma_start3A_113 = arith.constant 0 : i32
      %dma_start3A_114 = tpu.memref_slice %arg4[%arg1, %dma_start3A_113] : memref<16x10240xf32, #tpu.memory_space<vmem_shared>> -> memref<1x10240xf32, #tpu.memory_space<vmem_shared>>
      %dma_start3A_115 = tpu.memref_squeeze %dma_start3A_114 : memref<1x10240xf32, #tpu.memory_space<vmem_shared>> -> memref<10240xf32, #tpu.memory_space<vmem_shared>>
      tpu.enqueue_dma source(%arg6 : memref<10240xf32, #tpu.memory_space<vmem>>) target(%dma_start3A_115 : memref<10240xf32, #tpu.memory_space<vmem_shared>>) target_semaphore(%run_scoped3A_109 : memref<!tpu.dma_semaphore, #tpu.memory_space<semaphore_mem>>)
      %dma_wait3A = arith.constant 0 : i32
      %dma_wait3A_116 = tpu.memref_slice %arg4[%arg1, %dma_wait3A] : memref<16x10240xf32, #tpu.memory_space<vmem_shared>> -> memref<1x10240xf32, #tpu.memory_space<vmem_shared>>
      %dma_wait3A_117 = tpu.memref_squeeze %dma_wait3A_116 : memref<1x10240xf32, #tpu.memory_space<vmem_shared>> -> memref<10240xf32, #tpu.memory_space<vmem_shared>>
      %dma_wait3A_118 = arith.constant 0 : i32
      %dma_wait3A_119 = tpu.memref_slice %arg4[%arg1, %dma_wait3A_118] : memref<16x10240xf32, #tpu.memory_space<vmem_shared>> -> memref<1x10240xf32, #tpu.memory_space<vmem_shared>>
      %dma_wait3A_120 = tpu.memref_squeeze %dma_wait3A_119 : memref<1x10240xf32, #tpu.memory_space<vmem_shared>> -> memref<10240xf32, #tpu.memory_space<vmem_shared>>
      tpu.wait_dma2 semaphore(%run_scoped3A_109 : memref<!tpu.dma_semaphore, #tpu.memory_space<semaphore_mem>>) src(%arg6 : memref<10240xf32, #tpu.memory_space<vmem>>) dst(%dma_wait3A_120 : memref<10240xf32, #tpu.memory_space<vmem_shared>>)
      tpu.yield
    }) : () -> ()
    %barrier3A = arith.constant 0 : index
    tpu.barrier barrier_id(%barrier3A)
    %mul3A_35 = arith.constant 640 : i32
    %mul3A_36 = arith.muli %arg1, %mul3A_35 : i32
    %run_scoped3A = arith.constant 0 : i32
    %run_scoped3A_37 = arith.constant 0 : i32
    "tpu.region"() ({
      %run_scoped3A_109 = tpu.sem_alloc : memref<!tpu.dma_semaphore, #tpu.memory_space<semaphore_mem>>
      %dma_start3A_110 = arith.constant 0 : i32
      %dma_start3A_111 = tpu.memref_slice %arg7[%run_scoped3A_37, %dma_start3A_110] : memref<16x640xf32, #tpu.memory_space<vmem>> -> memref<1x640xf32, #tpu.memory_space<vmem>>
      %dma_start3A_112 = tpu.memref_squeeze %dma_start3A_111 : memref<1x640xf32, #tpu.memory_space<vmem>> -> memref<640xf32, #tpu.memory_space<vmem>>
      %dma_start3A_113 = tpu.memref_slice %arg4[%run_scoped3A, %mul3A_36] : memref<16x10240xf32, #tpu.memory_space<vmem_shared>> -> memref<1x640xf32, #tpu.memory_space<vmem_shared>>
      %dma_start3A_114 = tpu.memref_squeeze %dma_start3A_113 : memref<1x640xf32, #tpu.memory_space<vmem_shared>> -> memref<640xf32, #tpu.memory_space<vmem_shared>>
      %dma_start3A_115 = arith.constant 0 : i32
      %dma_start3A_116 = tpu.memref_slice %arg7[%run_scoped3A_37, %dma_start3A_115] : memref<16x640xf32, #tpu.memory_space<vmem>> -> memref<1x640xf32, #tpu.memory_space<vmem>>
      %dma_start3A_117 = tpu.memref_squeeze %dma_start3A_116 : memref<1x640xf32, #tpu.memory_space<vmem>> -> memref<640xf32, #tpu.memory_space<vmem>>
      %dma_start3A_118 = tpu.memref_slice %arg4[%run_scoped3A, %mul3A_36] : memref<16x10240xf32, #tpu.memory_space<vmem_shared>> -> memref<1x640xf32, #tpu.memory_space<vmem_shared>>
      %dma_start3A_119 = tpu.memref_squeeze %dma_start3A_118 : memref<1x640xf32, #tpu.memory_space<vmem_shared>> -> memref<640xf32, #tpu.memory_space<vmem_shared>>
      tpu.enqueue_dma source(%dma_start3A_119 : memref<640xf32, #tpu.memory_space<vmem_shared>>) target(%dma_start3A_117 : memref<640xf32, #tpu.memory_space<vmem>>) target_semaphore(%run_scoped3A_109 : memref<!tpu.dma_semaphore, #tpu.memory_space<semaphore_mem>>)
      %dma_wait3A = arith.constant 0 : i32
      %dma_wait3A_120 = tpu.memref_slice %arg7[%run_scoped3A_37, %dma_wait3A] : memref<16x640xf32, #tpu.memory_space<vmem>> -> memref<1x640xf32, #tpu.memory_space<vmem>>
      %dma_wait3A_121 = tpu.memref_squeeze %dma_wait3A_120 : memref<1x640xf32, #tpu.memory_space<vmem>> -> memref<640xf32, #tpu.memory_space<vmem>>
      %dma_wait3A_122 = tpu.memref_slice %arg4[%run_scoped3A, %mul3A_36] : memref<16x10240xf32, #tpu.memory_space<vmem_shared>> -> memref<1x640xf32, #tpu.memory_space<vmem_shared>>
      %dma_wait3A_123 = tpu.memref_squeeze %dma_wait3A_122 : memref<1x640xf32, #tpu.memory_space<vmem_shared>> -> memref<640xf32, #tpu.memory_space<vmem_shared>>
      %dma_wait3A_124 = arith.constant 0 : i32
      %dma_wait3A_125 = tpu.memref_slice %arg7[%run_scoped3A_37, %dma_wait3A_124] : memref<16x640xf32, #tpu.memory_space<vmem>> -> memref<1x640xf32, #tpu.memory_space<vmem>>
      %dma_wait3A_126 = tpu.memref_squeeze %dma_wait3A_125 : memref<1x640xf32, #tpu.memory_space<vmem>> -> memref<640xf32, #tpu.memory_space<vmem>>
      %dma_wait3A_127 = tpu.memref_slice %arg4[%run_scoped3A, %mul3A_36] : memref<16x10240xf32, #tpu.memory_space<vmem_shared>> -> memref<1x640xf32, #tpu.memory_space<vmem_shared>>
      %dma_wait3A_128 = tpu.memref_squeeze %dma_wait3A_127 : memref<1x640xf32, #tpu.memory_space<vmem_shared>> -> memref<640xf32, #tpu.memory_space<vmem_shared>>
      tpu.wait_dma2 semaphore(%run_scoped3A_109 : memref<!tpu.dma_semaphore, #tpu.memory_space<semaphore_mem>>) src(%dma_wait3A_128 : memref<640xf32, #tpu.memory_space<vmem_shared>>) dst(%dma_wait3A_126 : memref<640xf32, #tpu.memory_space<vmem>>)
      tpu.yield
    }) : () -> ()
    %mul3A_38 = arith.constant 640 : i32
    %mul3A_39 = arith.muli %arg1, %mul3A_38 : i32
    %run_scoped3A_40 = arith.constant 1 : i32
    %run_scoped3A_41 = arith.constant 1 : i32
    "tpu.region"() ({
      %run_scoped3A_109 = tpu.sem_alloc : memref<!tpu.dma_semaphore, #tpu.memory_space<semaphore_mem>>
      %dma_start3A_110 = arith.constant 0 : i32
      %dma_start3A_111 = tpu.memref_slice %arg7[%run_scoped3A_41, %dma_start3A_110] : memref<16x640xf32, #tpu.memory_space<vmem>> -> memref<1x640xf32, #tpu.memory_space<vmem>>
      %dma_start3A_112 = tpu.memref_squeeze %dma_start3A_111 : memref<1x640xf32, #tpu.memory_space<vmem>> -> memref<640xf32, #tpu.memory_space<vmem>>
      %dma_start3A_113 = tpu.memref_slice %arg4[%run_scoped3A_40, %mul3A_39] : memref<16x10240xf32, #tpu.memory_space<vmem_shared>> -> memref<1x640xf32, #tpu.memory_space<vmem_shared>>
      %dma_start3A_114 = tpu.memref_squeeze %dma_start3A_113 : memref<1x640xf32, #tpu.memory_space<vmem_shared>> -> memref<640xf32, #tpu.memory_space<vmem_shared>>
      %dma_start3A_115 = arith.constant 0 : i32
      %dma_start3A_116 = tpu.memref_slice %arg7[%run_scoped3A_41, %dma_start3A_115] : memref<16x640xf32, #tpu.memory_space<vmem>> -> memref<1x640xf32, #tpu.memory_space<vmem>>
      %dma_start3A_117 = tpu.memref_squeeze %dma_start3A_116 : memref<1x640xf32, #tpu.memory_space<vmem>> -> memref<640xf32, #tpu.memory_space<vmem>>
      %dma_start3A_118 = tpu.memref_slice %arg4[%run_scoped3A_40, %mul3A_39] : memref<16x10240xf32, #tpu.memory_space<vmem_shared>> -> memref<1x640xf32, #tpu.memory_space<vmem_shared>>
      %dma_start3A_119 = tpu.memref_squeeze %dma_start3A_118 : memref<1x640xf32, #tpu.memory_space<vmem_shared>> -> memref<640xf32, #tpu.memory_space<vmem_shared>>
      tpu.enqueue_dma source(%dma_start3A_119 : memref<640xf32, #tpu.memory_space<vmem_shared>>) target(%dma_start3A_117 : memref<640xf32, #tpu.memory_space<vmem>>) target_semaphore(%run_scoped3A_109 : memref<!tpu.dma_semaphore, #tpu.memory_space<semaphore_mem>>)
      %dma_wait3A = arith.constant 0 : i32
      %dma_wait3A_120 = tpu.memref_slice %arg7[%run_scoped3A_41, %dma_wait3A] : memref<16x640xf32, #tpu.memory_space<vmem>> -> memref<1x640xf32, #tpu.memory_space<vmem>>
      %dma_wait3A_121 = tpu.memref_squeeze %dma_wait3A_120 : memref<1x640xf32, #tpu.memory_space<vmem>> -> memref<640xf32, #tpu.memory_space<vmem>>
      %dma_wait3A_122 = tpu.memref_slice %arg4[%run_scoped3A_40, %mul3A_39] : memref<16x10240xf32, #tpu.memory_space<vmem_shared>> -> memref<1x640xf32, #tpu.memory_space<vmem_shared>>
      %dma_wait3A_123 = tpu.memref_squeeze %dma_wait3A_122 : memref<1x640xf32, #tpu.memory_space<vmem_shared>> -> memref<640xf32, #tpu.memory_space<vmem_shared>>
      %dma_wait3A_124 = arith.constant 0 : i32
      %dma_wait3A_125 = tpu.memref_slice %arg7[%run_scoped3A_41, %dma_wait3A_124] : memref<16x640xf32, #tpu.memory_space<vmem>> -> memref<1x640xf32, #tpu.memory_space<vmem>>
      %dma_wait3A_126 = tpu.memref_squeeze %dma_wait3A_125 : memref<1x640xf32, #tpu.memory_space<vmem>> -> memref<640xf32, #tpu.memory_space<vmem>>
      %dma_wait3A_127 = tpu.memref_slice %arg4[%run_scoped3A_40, %mul3A_39] : memref<16x10240xf32, #tpu.memory_space<vmem_shared>> -> memref<1x640xf32, #tpu.memory_space<vmem_shared>>
      %dma_wait3A_128 = tpu.memref_squeeze %dma_wait3A_127 : memref<1x640xf32, #tpu.memory_space<vmem_shared>> -> memref<640xf32, #tpu.memory_space<vmem_shared>>
      tpu.wait_dma2 semaphore(%run_scoped3A_109 : memref<!tpu.dma_semaphore, #tpu.memory_space<semaphore_mem>>) src(%dma_wait3A_128 : memref<640xf32, #tpu.memory_space<vmem_shared>>) dst(%dma_wait3A_126 : memref<640xf32, #tpu.memory_space<vmem>>)
      tpu.yield
    }) : () -> ()
    %mul3A_42 = arith.constant 640 : i32
    %mul3A_43 = arith.muli %arg1, %mul3A_42 : i32
    %run_scoped3A_44 = arith.constant 2 : i32
    %run_scoped3A_45 = arith.constant 2 : i32
    "tpu.region"() ({
      %run_scoped3A_109 = tpu.sem_alloc : memref<!tpu.dma_semaphore, #tpu.memory_space<semaphore_mem>>
      %dma_start3A_110 = arith.constant 0 : i32
      %dma_start3A_111 = tpu.memref_slice %arg7[%run_scoped3A_45, %dma_start3A_110] : memref<16x640xf32, #tpu.memory_space<vmem>> -> memref<1x640xf32, #tpu.memory_space<vmem>>
      %dma_start3A_112 = tpu.memref_squeeze %dma_start3A_111 : memref<1x640xf32, #tpu.memory_space<vmem>> -> memref<640xf32, #tpu.memory_space<vmem>>
      %dma_start3A_113 = tpu.memref_slice %arg4[%run_scoped3A_44, %mul3A_43] : memref<16x10240xf32, #tpu.memory_space<vmem_shared>> -> memref<1x640xf32, #tpu.memory_space<vmem_shared>>
      %dma_start3A_114 = tpu.memref_squeeze %dma_start3A_113 : memref<1x640xf32, #tpu.memory_space<vmem_shared>> -> memref<640xf32, #tpu.memory_space<vmem_shared>>
      %dma_start3A_115 = arith.constant 0 : i32
      %dma_start3A_116 = tpu.memref_slice %arg7[%run_scoped3A_45, %dma_start3A_115] : memref<16x640xf32, #tpu.memory_space<vmem>> -> memref<1x640xf32, #tpu.memory_space<vmem>>
      %dma_start3A_117 = tpu.memref_squeeze %dma_start3A_116 : memref<1x640xf32, #tpu.memory_space<vmem>> -> memref<640xf32, #tpu.memory_space<vmem>>
      %dma_start3A_118 = tpu.memref_slice %arg4[%run_scoped3A_44, %mul3A_43] : memref<16x10240xf32, #tpu.memory_space<vmem_shared>> -> memref<1x640xf32, #tpu.memory_space<vmem_shared>>
      %dma_start3A_119 = tpu.memref_squeeze %dma_start3A_118 : memref<1x640xf32, #tpu.memory_space<vmem_shared>> -> memref<640xf32, #tpu.memory_space<vmem_shared>>
      tpu.enqueue_dma source(%dma_start3A_119 : memref<640xf32, #tpu.memory_space<vmem_shared>>) target(%dma_start3A_117 : memref<640xf32, #tpu.memory_space<vmem>>) target_semaphore(%run_scoped3A_109 : memref<!tpu.dma_semaphore, #tpu.memory_space<semaphore_mem>>)
      %dma_wait3A = arith.constant 0 : i32
      %dma_wait3A_120 = tpu.memref_slice %arg7[%run_scoped3A_45, %dma_wait3A] : memref<16x640xf32, #tpu.memory_space<vmem>> -> memref<1x640xf32, #tpu.memory_space<vmem>>
      %dma_wait3A_121 = tpu.memref_squeeze %dma_wait3A_120 : memref<1x640xf32, #tpu.memory_space<vmem>> -> memref<640xf32, #tpu.memory_space<vmem>>
      %dma_wait3A_122 = tpu.memref_slice %arg4[%run_scoped3A_44, %mul3A_43] : memref<16x10240xf32, #tpu.memory_space<vmem_shared>> -> memref<1x640xf32, #tpu.memory_space<vmem_shared>>
      %dma_wait3A_123 = tpu.memref_squeeze %dma_wait3A_122 : memref<1x640xf32, #tpu.memory_space<vmem_shared>> -> memref<640xf32, #tpu.memory_space<vmem_shared>>
      %dma_wait3A_124 = arith.constant 0 : i32
      %dma_wait3A_125 = tpu.memref_slice %arg7[%run_scoped3A_45, %dma_wait3A_124] : memref<16x640xf32, #tpu.memory_space<vmem>> -> memref<1x640xf32, #tpu.memory_space<vmem>>
      %dma_wait3A_126 = tpu.memref_squeeze %dma_wait3A_125 : memref<1x640xf32, #tpu.memory_space<vmem>> -> memref<640xf32, #tpu.memory_space<vmem>>
      %dma_wait3A_127 = tpu.memref_slice %arg4[%run_scoped3A_44, %mul3A_43] : memref<16x10240xf32, #tpu.memory_space<vmem_shared>> -> memref<1x640xf32, #tpu.memory_space<vmem_shared>>
      %dma_wait3A_128 = tpu.memref_squeeze %dma_wait3A_127 : memref<1x640xf32, #tpu.memory_space<vmem_shared>> -> memref<640xf32, #tpu.memory_space<vmem_shared>>
      tpu.wait_dma2 semaphore(%run_scoped3A_109 : memref<!tpu.dma_semaphore, #tpu.memory_space<semaphore_mem>>) src(%dma_wait3A_128 : memref<640xf32, #tpu.memory_space<vmem_shared>>) dst(%dma_wait3A_126 : memref<640xf32, #tpu.memory_space<vmem>>)
      tpu.yield
    }) : () -> ()
    %mul3A_46 = arith.constant 640 : i32
    %mul3A_47 = arith.muli %arg1, %mul3A_46 : i32
    %run_scoped3A_48 = arith.constant 3 : i32
    %run_scoped3A_49 = arith.constant 3 : i32
    "tpu.region"() ({
      %run_scoped3A_109 = tpu.sem_alloc : memref<!tpu.dma_semaphore, #tpu.memory_space<semaphore_mem>>
      %dma_start3A_110 = arith.constant 0 : i32
      %dma_start3A_111 = tpu.memref_slice %arg7[%run_scoped3A_49, %dma_start3A_110] : memref<16x640xf32, #tpu.memory_space<vmem>> -> memref<1x640xf32, #tpu.memory_space<vmem>>
      %dma_start3A_112 = tpu.memref_squeeze %dma_start3A_111 : memref<1x640xf32, #tpu.memory_space<vmem>> -> memref<640xf32, #tpu.memory_space<vmem>>
      %dma_start3A_113 = tpu.memref_slice %arg4[%run_scoped3A_48, %mul3A_47] : memref<16x10240xf32, #tpu.memory_space<vmem_shared>> -> memref<1x640xf32, #tpu.memory_space<vmem_shared>>
      %dma_start3A_114 = tpu.memref_squeeze %dma_start3A_113 : memref<1x640xf32, #tpu.memory_space<vmem_shared>> -> memref<640xf32, #tpu.memory_space<vmem_shared>>
      %dma_start3A_115 = arith.constant 0 : i32
      %dma_start3A_116 = tpu.memref_slice %arg7[%run_scoped3A_49, %dma_start3A_115] : memref<16x640xf32, #tpu.memory_space<vmem>> -> memref<1x640xf32, #tpu.memory_space<vmem>>
      %dma_start3A_117 = tpu.memref_squeeze %dma_start3A_116 : memref<1x640xf32, #tpu.memory_space<vmem>> -> memref<640xf32, #tpu.memory_space<vmem>>
      %dma_start3A_118 = tpu.memref_slice %arg4[%run_scoped3A_48, %mul3A_47] : memref<16x10240xf32, #tpu.memory_space<vmem_shared>> -> memref<1x640xf32, #tpu.memory_space<vmem_shared>>
      %dma_start3A_119 = tpu.memref_squeeze %dma_start3A_118 : memref<1x640xf32, #tpu.memory_space<vmem_shared>> -> memref<640xf32, #tpu.memory_space<vmem_shared>>
      tpu.enqueue_dma source(%dma_start3A_119 : memref<640xf32, #tpu.memory_space<vmem_shared>>) target(%dma_start3A_117 : memref<640xf32, #tpu.memory_space<vmem>>) target_semaphore(%run_scoped3A_109 : memref<!tpu.dma_semaphore, #tpu.memory_space<semaphore_mem>>)
      %dma_wait3A = arith.constant 0 : i32
      %dma_wait3A_120 = tpu.memref_slice %arg7[%run_scoped3A_49, %dma_wait3A] : memref<16x640xf32, #tpu.memory_space<vmem>> -> memref<1x640xf32, #tpu.memory_space<vmem>>
      %dma_wait3A_121 = tpu.memref_squeeze %dma_wait3A_120 : memref<1x640xf32, #tpu.memory_space<vmem>> -> memref<640xf32, #tpu.memory_space<vmem>>
      %dma_wait3A_122 = tpu.memref_slice %arg4[%run_scoped3A_48, %mul3A_47] : memref<16x10240xf32, #tpu.memory_space<vmem_shared>> -> memref<1x640xf32, #tpu.memory_space<vmem_shared>>
      %dma_wait3A_123 = tpu.memref_squeeze %dma_wait3A_122 : memref<1x640xf32, #tpu.memory_space<vmem_shared>> -> memref<640xf32, #tpu.memory_space<vmem_shared>>
      %dma_wait3A_124 = arith.constant 0 : i32
      %dma_wait3A_125 = tpu.memref_slice %arg7[%run_scoped3A_49, %dma_wait3A_124] : memref<16x640xf32, #tpu.memory_space<vmem>> -> memref<1x640xf32, #tpu.memory_space<vmem>>
      %dma_wait3A_126 = tpu.memref_squeeze %dma_wait3A_125 : memref<1x640xf32, #tpu.memory_space<vmem>> -> memref<640xf32, #tpu.memory_space<vmem>>
      %dma_wait3A_127 = tpu.memref_slice %arg4[%run_scoped3A_48, %mul3A_47] : memref<16x10240xf32, #tpu.memory_space<vmem_shared>> -> memref<1x640xf32, #tpu.memory_space<vmem_shared>>
      %dma_wait3A_128 = tpu.memref_squeeze %dma_wait3A_127 : memref<1x640xf32, #tpu.memory_space<vmem_shared>> -> memref<640xf32, #tpu.memory_space<vmem_shared>>
      tpu.wait_dma2 semaphore(%run_scoped3A_109 : memref<!tpu.dma_semaphore, #tpu.memory_space<semaphore_mem>>) src(%dma_wait3A_128 : memref<640xf32, #tpu.memory_space<vmem_shared>>) dst(%dma_wait3A_126 : memref<640xf32, #tpu.memory_space<vmem>>)
      tpu.yield
    }) : () -> ()
    %mul3A_50 = arith.constant 640 : i32
    %mul3A_51 = arith.muli %arg1, %mul3A_50 : i32
    %run_scoped3A_52 = arith.constant 4 : i32
    %run_scoped3A_53 = arith.constant 4 : i32
    "tpu.region"() ({
      %run_scoped3A_109 = tpu.sem_alloc : memref<!tpu.dma_semaphore, #tpu.memory_space<semaphore_mem>>
      %dma_start3A_110 = arith.constant 0 : i32
      %dma_start3A_111 = tpu.memref_slice %arg7[%run_scoped3A_53, %dma_start3A_110] : memref<16x640xf32, #tpu.memory_space<vmem>> -> memref<1x640xf32, #tpu.memory_space<vmem>>
      %dma_start3A_112 = tpu.memref_squeeze %dma_start3A_111 : memref<1x640xf32, #tpu.memory_space<vmem>> -> memref<640xf32, #tpu.memory_space<vmem>>
      %dma_start3A_113 = tpu.memref_slice %arg4[%run_scoped3A_52, %mul3A_51] : memref<16x10240xf32, #tpu.memory_space<vmem_shared>> -> memref<1x640xf32, #tpu.memory_space<vmem_shared>>
      %dma_start3A_114 = tpu.memref_squeeze %dma_start3A_113 : memref<1x640xf32, #tpu.memory_space<vmem_shared>> -> memref<640xf32, #tpu.memory_space<vmem_shared>>
      %dma_start3A_115 = arith.constant 0 : i32
      %dma_start3A_116 = tpu.memref_slice %arg7[%run_scoped3A_53, %dma_start3A_115] : memref<16x640xf32, #tpu.memory_space<vmem>> -> memref<1x640xf32, #tpu.memory_space<vmem>>
      %dma_start3A_117 = tpu.memref_squeeze %dma_start3A_116 : memref<1x640xf32, #tpu.memory_space<vmem>> -> memref<640xf32, #tpu.memory_space<vmem>>
      %dma_start3A_118 = tpu.memref_slice %arg4[%run_scoped3A_52, %mul3A_51] : memref<16x10240xf32, #tpu.memory_space<vmem_shared>> -> memref<1x640xf32, #tpu.memory_space<vmem_shared>>
      %dma_start3A_119 = tpu.memref_squeeze %dma_start3A_118 : memref<1x640xf32, #tpu.memory_space<vmem_shared>> -> memref<640xf32, #tpu.memory_space<vmem_shared>>
      tpu.enqueue_dma source(%dma_start3A_119 : memref<640xf32, #tpu.memory_space<vmem_shared>>) target(%dma_start3A_117 : memref<640xf32, #tpu.memory_space<vmem>>) target_semaphore(%run_scoped3A_109 : memref<!tpu.dma_semaphore, #tpu.memory_space<semaphore_mem>>)
      %dma_wait3A = arith.constant 0 : i32
      %dma_wait3A_120 = tpu.memref_slice %arg7[%run_scoped3A_53, %dma_wait3A] : memref<16x640xf32, #tpu.memory_space<vmem>> -> memref<1x640xf32, #tpu.memory_space<vmem>>
      %dma_wait3A_121 = tpu.memref_squeeze %dma_wait3A_120 : memref<1x640xf32, #tpu.memory_space<vmem>> -> memref<640xf32, #tpu.memory_space<vmem>>
      %dma_wait3A_122 = tpu.memref_slice %arg4[%run_scoped3A_52, %mul3A_51] : memref<16x10240xf32, #tpu.memory_space<vmem_shared>> -> memref<1x640xf32, #tpu.memory_space<vmem_shared>>
      %dma_wait3A_123 = tpu.memref_squeeze %dma_wait3A_122 : memref<1x640xf32, #tpu.memory_space<vmem_shared>> -> memref<640xf32, #tpu.memory_space<vmem_shared>>
      %dma_wait3A_124 = arith.constant 0 : i32
      %dma_wait3A_125 = tpu.memref_slice %arg7[%run_scoped3A_53, %dma_wait3A_124] : memref<16x640xf32, #tpu.memory_space<vmem>> -> memref<1x640xf32, #tpu.memory_space<vmem>>
      %dma_wait3A_126 = tpu.memref_squeeze %dma_wait3A_125 : memref<1x640xf32, #tpu.memory_space<vmem>> -> memref<640xf32, #tpu.memory_space<vmem>>
      %dma_wait3A_127 = tpu.memref_slice %arg4[%run_scoped3A_52, %mul3A_51] : memref<16x10240xf32, #tpu.memory_space<vmem_shared>> -> memref<1x640xf32, #tpu.memory_space<vmem_shared>>
      %dma_wait3A_128 = tpu.memref_squeeze %dma_wait3A_127 : memref<1x640xf32, #tpu.memory_space<vmem_shared>> -> memref<640xf32, #tpu.memory_space<vmem_shared>>
      tpu.wait_dma2 semaphore(%run_scoped3A_109 : memref<!tpu.dma_semaphore, #tpu.memory_space<semaphore_mem>>) src(%dma_wait3A_128 : memref<640xf32, #tpu.memory_space<vmem_shared>>) dst(%dma_wait3A_126 : memref<640xf32, #tpu.memory_space<vmem>>)
      tpu.yield
    }) : () -> ()
    %mul3A_54 = arith.constant 640 : i32
    %mul3A_55 = arith.muli %arg1, %mul3A_54 : i32
    %run_scoped3A_56 = arith.constant 5 : i32
    %run_scoped3A_57 = arith.constant 5 : i32
    "tpu.region"() ({
      %run_scoped3A_109 = tpu.sem_alloc : memref<!tpu.dma_semaphore, #tpu.memory_space<semaphore_mem>>
      %dma_start3A_110 = arith.constant 0 : i32
      %dma_start3A_111 = tpu.memref_slice %arg7[%run_scoped3A_57, %dma_start3A_110] : memref<16x640xf32, #tpu.memory_space<vmem>> -> memref<1x640xf32, #tpu.memory_space<vmem>>
      %dma_start3A_112 = tpu.memref_squeeze %dma_start3A_111 : memref<1x640xf32, #tpu.memory_space<vmem>> -> memref<640xf32, #tpu.memory_space<vmem>>
      %dma_start3A_113 = tpu.memref_slice %arg4[%run_scoped3A_56, %mul3A_55] : memref<16x10240xf32, #tpu.memory_space<vmem_shared>> -> memref<1x640xf32, #tpu.memory_space<vmem_shared>>
      %dma_start3A_114 = tpu.memref_squeeze %dma_start3A_113 : memref<1x640xf32, #tpu.memory_space<vmem_shared>> -> memref<640xf32, #tpu.memory_space<vmem_shared>>
      %dma_start3A_115 = arith.constant 0 : i32
      %dma_start3A_116 = tpu.memref_slice %arg7[%run_scoped3A_57, %dma_start3A_115] : memref<16x640xf32, #tpu.memory_space<vmem>> -> memref<1x640xf32, #tpu.memory_space<vmem>>
      %dma_start3A_117 = tpu.memref_squeeze %dma_start3A_116 : memref<1x640xf32, #tpu.memory_space<vmem>> -> memref<640xf32, #tpu.memory_space<vmem>>
      %dma_start3A_118 = tpu.memref_slice %arg4[%run_scoped3A_56, %mul3A_55] : memref<16x10240xf32, #tpu.memory_space<vmem_shared>> -> memref<1x640xf32, #tpu.memory_space<vmem_shared>>
      %dma_start3A_119 = tpu.memref_squeeze %dma_start3A_118 : memref<1x640xf32, #tpu.memory_space<vmem_shared>> -> memref<640xf32, #tpu.memory_space<vmem_shared>>
      tpu.enqueue_dma source(%dma_start3A_119 : memref<640xf32, #tpu.memory_space<vmem_shared>>) target(%dma_start3A_117 : memref<640xf32, #tpu.memory_space<vmem>>) target_semaphore(%run_scoped3A_109 : memref<!tpu.dma_semaphore, #tpu.memory_space<semaphore_mem>>)
      %dma_wait3A = arith.constant 0 : i32
      %dma_wait3A_120 = tpu.memref_slice %arg7[%run_scoped3A_57, %dma_wait3A] : memref<16x640xf32, #tpu.memory_space<vmem>> -> memref<1x640xf32, #tpu.memory_space<vmem>>
      %dma_wait3A_121 = tpu.memref_squeeze %dma_wait3A_120 : memref<1x640xf32, #tpu.memory_space<vmem>> -> memref<640xf32, #tpu.memory_space<vmem>>
      %dma_wait3A_122 = tpu.memref_slice %arg4[%run_scoped3A_56, %mul3A_55] : memref<16x10240xf32, #tpu.memory_space<vmem_shared>> -> memref<1x640xf32, #tpu.memory_space<vmem_shared>>
      %dma_wait3A_123 = tpu.memref_squeeze %dma_wait3A_122 : memref<1x640xf32, #tpu.memory_space<vmem_shared>> -> memref<640xf32, #tpu.memory_space<vmem_shared>>
      %dma_wait3A_124 = arith.constant 0 : i32
      %dma_wait3A_125 = tpu.memref_slice %arg7[%run_scoped3A_57, %dma_wait3A_124] : memref<16x640xf32, #tpu.memory_space<vmem>> -> memref<1x640xf32, #tpu.memory_space<vmem>>
      %dma_wait3A_126 = tpu.memref_squeeze %dma_wait3A_125 : memref<1x640xf32, #tpu.memory_space<vmem>> -> memref<640xf32, #tpu.memory_space<vmem>>
      %dma_wait3A_127 = tpu.memref_slice %arg4[%run_scoped3A_56, %mul3A_55] : memref<16x10240xf32, #tpu.memory_space<vmem_shared>> -> memref<1x640xf32, #tpu.memory_space<vmem_shared>>
      %dma_wait3A_128 = tpu.memref_squeeze %dma_wait3A_127 : memref<1x640xf32, #tpu.memory_space<vmem_shared>> -> memref<640xf32, #tpu.memory_space<vmem_shared>>
      tpu.wait_dma2 semaphore(%run_scoped3A_109 : memref<!tpu.dma_semaphore, #tpu.memory_space<semaphore_mem>>) src(%dma_wait3A_128 : memref<640xf32, #tpu.memory_space<vmem_shared>>) dst(%dma_wait3A_126 : memref<640xf32, #tpu.memory_space<vmem>>)
      tpu.yield
    }) : () -> ()
    %mul3A_58 = arith.constant 640 : i32
    %mul3A_59 = arith.muli %arg1, %mul3A_58 : i32
    %run_scoped3A_60 = arith.constant 6 : i32
    %run_scoped3A_61 = arith.constant 6 : i32
    "tpu.region"() ({
      %run_scoped3A_109 = tpu.sem_alloc : memref<!tpu.dma_semaphore, #tpu.memory_space<semaphore_mem>>
      %dma_start3A_110 = arith.constant 0 : i32
      %dma_start3A_111 = tpu.memref_slice %arg7[%run_scoped3A_61, %dma_start3A_110] : memref<16x640xf32, #tpu.memory_space<vmem>> -> memref<1x640xf32, #tpu.memory_space<vmem>>
      %dma_start3A_112 = tpu.memref_squeeze %dma_start3A_111 : memref<1x640xf32, #tpu.memory_space<vmem>> -> memref<640xf32, #tpu.memory_space<vmem>>
      %dma_start3A_113 = tpu.memref_slice %arg4[%run_scoped3A_60, %mul3A_59] : memref<16x10240xf32, #tpu.memory_space<vmem_shared>> -> memref<1x640xf32, #tpu.memory_space<vmem_shared>>
      %dma_start3A_114 = tpu.memref_squeeze %dma_start3A_113 : memref<1x640xf32, #tpu.memory_space<vmem_shared>> -> memref<640xf32, #tpu.memory_space<vmem_shared>>
      %dma_start3A_115 = arith.constant 0 : i32
      %dma_start3A_116 = tpu.memref_slice %arg7[%run_scoped3A_61, %dma_start3A_115] : memref<16x640xf32, #tpu.memory_space<vmem>> -> memref<1x640xf32, #tpu.memory_space<vmem>>
      %dma_start3A_117 = tpu.memref_squeeze %dma_start3A_116 : memref<1x640xf32, #tpu.memory_space<vmem>> -> memref<640xf32, #tpu.memory_space<vmem>>
      %dma_start3A_118 = tpu.memref_slice %arg4[%run_scoped3A_60, %mul3A_59] : memref<16x10240xf32, #tpu.memory_space<vmem_shared>> -> memref<1x640xf32, #tpu.memory_space<vmem_shared>>
      %dma_start3A_119 = tpu.memref_squeeze %dma_start3A_118 : memref<1x640xf32, #tpu.memory_space<vmem_shared>> -> memref<640xf32, #tpu.memory_space<vmem_shared>>
      tpu.enqueue_dma source(%dma_start3A_119 : memref<640xf32, #tpu.memory_space<vmem_shared>>) target(%dma_start3A_117 : memref<640xf32, #tpu.memory_space<vmem>>) target_semaphore(%run_scoped3A_109 : memref<!tpu.dma_semaphore, #tpu.memory_space<semaphore_mem>>)
      %dma_wait3A = arith.constant 0 : i32
      %dma_wait3A_120 = tpu.memref_slice %arg7[%run_scoped3A_61, %dma_wait3A] : memref<16x640xf32, #tpu.memory_space<vmem>> -> memref<1x640xf32, #tpu.memory_space<vmem>>
      %dma_wait3A_121 = tpu.memref_squeeze %dma_wait3A_120 : memref<1x640xf32, #tpu.memory_space<vmem>> -> memref<640xf32, #tpu.memory_space<vmem>>
      %dma_wait3A_122 = tpu.memref_slice %arg4[%run_scoped3A_60, %mul3A_59] : memref<16x10240xf32, #tpu.memory_space<vmem_shared>> -> memref<1x640xf32, #tpu.memory_space<vmem_shared>>
      %dma_wait3A_123 = tpu.memref_squeeze %dma_wait3A_122 : memref<1x640xf32, #tpu.memory_space<vmem_shared>> -> memref<640xf32, #tpu.memory_space<vmem_shared>>
      %dma_wait3A_124 = arith.constant 0 : i32
      %dma_wait3A_125 = tpu.memref_slice %arg7[%run_scoped3A_61, %dma_wait3A_124] : memref<16x640xf32, #tpu.memory_space<vmem>> -> memref<1x640xf32, #tpu.memory_space<vmem>>
      %dma_wait3A_126 = tpu.memref_squeeze %dma_wait3A_125 : memref<1x640xf32, #tpu.memory_space<vmem>> -> memref<640xf32, #tpu.memory_space<vmem>>
      %dma_wait3A_127 = tpu.memref_slice %arg4[%run_scoped3A_60, %mul3A_59] : memref<16x10240xf32, #tpu.memory_space<vmem_shared>> -> memref<1x640xf32, #tpu.memory_space<vmem_shared>>
      %dma_wait3A_128 = tpu.memref_squeeze %dma_wait3A_127 : memref<1x640xf32, #tpu.memory_space<vmem_shared>> -> memref<640xf32, #tpu.memory_space<vmem_shared>>
      tpu.wait_dma2 semaphore(%run_scoped3A_109 : memref<!tpu.dma_semaphore, #tpu.memory_space<semaphore_mem>>) src(%dma_wait3A_128 : memref<640xf32, #tpu.memory_space<vmem_shared>>) dst(%dma_wait3A_126 : memref<640xf32, #tpu.memory_space<vmem>>)
      tpu.yield
    }) : () -> ()
    %mul3A_62 = arith.constant 640 : i32
    %mul3A_63 = arith.muli %arg1, %mul3A_62 : i32
    %run_scoped3A_64 = arith.constant 7 : i32
    %run_scoped3A_65 = arith.constant 7 : i32
    "tpu.region"() ({
      %run_scoped3A_109 = tpu.sem_alloc : memref<!tpu.dma_semaphore, #tpu.memory_space<semaphore_mem>>
      %dma_start3A_110 = arith.constant 0 : i32
      %dma_start3A_111 = tpu.memref_slice %arg7[%run_scoped3A_65, %dma_start3A_110] : memref<16x640xf32, #tpu.memory_space<vmem>> -> memref<1x640xf32, #tpu.memory_space<vmem>>
      %dma_start3A_112 = tpu.memref_squeeze %dma_start3A_111 : memref<1x640xf32, #tpu.memory_space<vmem>> -> memref<640xf32, #tpu.memory_space<vmem>>
      %dma_start3A_113 = tpu.memref_slice %arg4[%run_scoped3A_64, %mul3A_63] : memref<16x10240xf32, #tpu.memory_space<vmem_shared>> -> memref<1x640xf32, #tpu.memory_space<vmem_shared>>
      %dma_start3A_114 = tpu.memref_squeeze %dma_start3A_113 : memref<1x640xf32, #tpu.memory_space<vmem_shared>> -> memref<640xf32, #tpu.memory_space<vmem_shared>>
      %dma_start3A_115 = arith.constant 0 : i32
      %dma_start3A_116 = tpu.memref_slice %arg7[%run_scoped3A_65, %dma_start3A_115] : memref<16x640xf32, #tpu.memory_space<vmem>> -> memref<1x640xf32, #tpu.memory_space<vmem>>
      %dma_start3A_117 = tpu.memref_squeeze %dma_start3A_116 : memref<1x640xf32, #tpu.memory_space<vmem>> -> memref<640xf32, #tpu.memory_space<vmem>>
      %dma_start3A_118 = tpu.memref_slice %arg4[%run_scoped3A_64, %mul3A_63] : memref<16x10240xf32, #tpu.memory_space<vmem_shared>> -> memref<1x640xf32, #tpu.memory_space<vmem_shared>>
      %dma_start3A_119 = tpu.memref_squeeze %dma_start3A_118 : memref<1x640xf32, #tpu.memory_space<vmem_shared>> -> memref<640xf32, #tpu.memory_space<vmem_shared>>
      tpu.enqueue_dma source(%dma_start3A_119 : memref<640xf32, #tpu.memory_space<vmem_shared>>) target(%dma_start3A_117 : memref<640xf32, #tpu.memory_space<vmem>>) target_semaphore(%run_scoped3A_109 : memref<!tpu.dma_semaphore, #tpu.memory_space<semaphore_mem>>)
      %dma_wait3A = arith.constant 0 : i32
      %dma_wait3A_120 = tpu.memref_slice %arg7[%run_scoped3A_65, %dma_wait3A] : memref<16x640xf32, #tpu.memory_space<vmem>> -> memref<1x640xf32, #tpu.memory_space<vmem>>
      %dma_wait3A_121 = tpu.memref_squeeze %dma_wait3A_120 : memref<1x640xf32, #tpu.memory_space<vmem>> -> memref<640xf32, #tpu.memory_space<vmem>>
      %dma_wait3A_122 = tpu.memref_slice %arg4[%run_scoped3A_64, %mul3A_63] : memref<16x10240xf32, #tpu.memory_space<vmem_shared>> -> memref<1x640xf32, #tpu.memory_space<vmem_shared>>
      %dma_wait3A_123 = tpu.memref_squeeze %dma_wait3A_122 : memref<1x640xf32, #tpu.memory_space<vmem_shared>> -> memref<640xf32, #tpu.memory_space<vmem_shared>>
      %dma_wait3A_124 = arith.constant 0 : i32
      %dma_wait3A_125 = tpu.memref_slice %arg7[%run_scoped3A_65, %dma_wait3A_124] : memref<16x640xf32, #tpu.memory_space<vmem>> -> memref<1x640xf32, #tpu.memory_space<vmem>>
      %dma_wait3A_126 = tpu.memref_squeeze %dma_wait3A_125 : memref<1x640xf32, #tpu.memory_space<vmem>> -> memref<640xf32, #tpu.memory_space<vmem>>
      %dma_wait3A_127 = tpu.memref_slice %arg4[%run_scoped3A_64, %mul3A_63] : memref<16x10240xf32, #tpu.memory_space<vmem_shared>> -> memref<1x640xf32, #tpu.memory_space<vmem_shared>>
      %dma_wait3A_128 = tpu.memref_squeeze %dma_wait3A_127 : memref<1x640xf32, #tpu.memory_space<vmem_shared>> -> memref<640xf32, #tpu.memory_space<vmem_shared>>
      tpu.wait_dma2 semaphore(%run_scoped3A_109 : memref<!tpu.dma_semaphore, #tpu.memory_space<semaphore_mem>>) src(%dma_wait3A_128 : memref<640xf32, #tpu.memory_space<vmem_shared>>) dst(%dma_wait3A_126 : memref<640xf32, #tpu.memory_space<vmem>>)
      tpu.yield
    }) : () -> ()
    %mul3A_66 = arith.constant 640 : i32
    %mul3A_67 = arith.muli %arg1, %mul3A_66 : i32
    %run_scoped3A_68 = arith.constant 8 : i32
    %run_scoped3A_69 = arith.constant 8 : i32
    "tpu.region"() ({
      %run_scoped3A_109 = tpu.sem_alloc : memref<!tpu.dma_semaphore, #tpu.memory_space<semaphore_mem>>
      %dma_start3A_110 = arith.constant 0 : i32
      %dma_start3A_111 = tpu.memref_slice %arg7[%run_scoped3A_69, %dma_start3A_110] : memref<16x640xf32, #tpu.memory_space<vmem>> -> memref<1x640xf32, #tpu.memory_space<vmem>>
      %dma_start3A_112 = tpu.memref_squeeze %dma_start3A_111 : memref<1x640xf32, #tpu.memory_space<vmem>> -> memref<640xf32, #tpu.memory_space<vmem>>
      %dma_start3A_113 = tpu.memref_slice %arg4[%run_scoped3A_68, %mul3A_67] : memref<16x10240xf32, #tpu.memory_space<vmem_shared>> -> memref<1x640xf32, #tpu.memory_space<vmem_shared>>
      %dma_start3A_114 = tpu.memref_squeeze %dma_start3A_113 : memref<1x640xf32, #tpu.memory_space<vmem_shared>> -> memref<640xf32, #tpu.memory_space<vmem_shared>>
      %dma_start3A_115 = arith.constant 0 : i32
      %dma_start3A_116 = tpu.memref_slice %arg7[%run_scoped3A_69, %dma_start3A_115] : memref<16x640xf32, #tpu.memory_space<vmem>> -> memref<1x640xf32, #tpu.memory_space<vmem>>
      %dma_start3A_117 = tpu.memref_squeeze %dma_start3A_116 : memref<1x640xf32, #tpu.memory_space<vmem>> -> memref<640xf32, #tpu.memory_space<vmem>>
      %dma_start3A_118 = tpu.memref_slice %arg4[%run_scoped3A_68, %mul3A_67] : memref<16x10240xf32, #tpu.memory_space<vmem_shared>> -> memref<1x640xf32, #tpu.memory_space<vmem_shared>>
      %dma_start3A_119 = tpu.memref_squeeze %dma_start3A_118 : memref<1x640xf32, #tpu.memory_space<vmem_shared>> -> memref<640xf32, #tpu.memory_space<vmem_shared>>
      tpu.enqueue_dma source(%dma_start3A_119 : memref<640xf32, #tpu.memory_space<vmem_shared>>) target(%dma_start3A_117 : memref<640xf32, #tpu.memory_space<vmem>>) target_semaphore(%run_scoped3A_109 : memref<!tpu.dma_semaphore, #tpu.memory_space<semaphore_mem>>)
      %dma_wait3A = arith.constant 0 : i32
      %dma_wait3A_120 = tpu.memref_slice %arg7[%run_scoped3A_69, %dma_wait3A] : memref<16x640xf32, #tpu.memory_space<vmem>> -> memref<1x640xf32, #tpu.memory_space<vmem>>
      %dma_wait3A_121 = tpu.memref_squeeze %dma_wait3A_120 : memref<1x640xf32, #tpu.memory_space<vmem>> -> memref<640xf32, #tpu.memory_space<vmem>>
      %dma_wait3A_122 = tpu.memref_slice %arg4[%run_scoped3A_68, %mul3A_67] : memref<16x10240xf32, #tpu.memory_space<vmem_shared>> -> memref<1x640xf32, #tpu.memory_space<vmem_shared>>
      %dma_wait3A_123 = tpu.memref_squeeze %dma_wait3A_122 : memref<1x640xf32, #tpu.memory_space<vmem_shared>> -> memref<640xf32, #tpu.memory_space<vmem_shared>>
      %dma_wait3A_124 = arith.constant 0 : i32
      %dma_wait3A_125 = tpu.memref_slice %arg7[%run_scoped3A_69, %dma_wait3A_124] : memref<16x640xf32, #tpu.memory_space<vmem>> -> memref<1x640xf32, #tpu.memory_space<vmem>>
      %dma_wait3A_126 = tpu.memref_squeeze %dma_wait3A_125 : memref<1x640xf32, #tpu.memory_space<vmem>> -> memref<640xf32, #tpu.memory_space<vmem>>
      %dma_wait3A_127 = tpu.memref_slice %arg4[%run_scoped3A_68, %mul3A_67] : memref<16x10240xf32, #tpu.memory_space<vmem_shared>> -> memref<1x640xf32, #tpu.memory_space<vmem_shared>>
      %dma_wait3A_128 = tpu.memref_squeeze %dma_wait3A_127 : memref<1x640xf32, #tpu.memory_space<vmem_shared>> -> memref<640xf32, #tpu.memory_space<vmem_shared>>
      tpu.wait_dma2 semaphore(%run_scoped3A_109 : memref<!tpu.dma_semaphore, #tpu.memory_space<semaphore_mem>>) src(%dma_wait3A_128 : memref<640xf32, #tpu.memory_space<vmem_shared>>) dst(%dma_wait3A_126 : memref<640xf32, #tpu.memory_space<vmem>>)
      tpu.yield
    }) : () -> ()
    %mul3A_70 = arith.constant 640 : i32
    %mul3A_71 = arith.muli %arg1, %mul3A_70 : i32
    %run_scoped3A_72 = arith.constant 9 : i32
    %run_scoped3A_73 = arith.constant 9 : i32
    "tpu.region"() ({
      %run_scoped3A_109 = tpu.sem_alloc : memref<!tpu.dma_semaphore, #tpu.memory_space<semaphore_mem>>
      %dma_start3A_110 = arith.constant 0 : i32
      %dma_start3A_111 = tpu.memref_slice %arg7[%run_scoped3A_73, %dma_start3A_110] : memref<16x640xf32, #tpu.memory_space<vmem>> -> memref<1x640xf32, #tpu.memory_space<vmem>>
      %dma_start3A_112 = tpu.memref_squeeze %dma_start3A_111 : memref<1x640xf32, #tpu.memory_space<vmem>> -> memref<640xf32, #tpu.memory_space<vmem>>
      %dma_start3A_113 = tpu.memref_slice %arg4[%run_scoped3A_72, %mul3A_71] : memref<16x10240xf32, #tpu.memory_space<vmem_shared>> -> memref<1x640xf32, #tpu.memory_space<vmem_shared>>
      %dma_start3A_114 = tpu.memref_squeeze %dma_start3A_113 : memref<1x640xf32, #tpu.memory_space<vmem_shared>> -> memref<640xf32, #tpu.memory_space<vmem_shared>>
      %dma_start3A_115 = arith.constant 0 : i32
      %dma_start3A_116 = tpu.memref_slice %arg7[%run_scoped3A_73, %dma_start3A_115] : memref<16x640xf32, #tpu.memory_space<vmem>> -> memref<1x640xf32, #tpu.memory_space<vmem>>
      %dma_start3A_117 = tpu.memref_squeeze %dma_start3A_116 : memref<1x640xf32, #tpu.memory_space<vmem>> -> memref<640xf32, #tpu.memory_space<vmem>>
      %dma_start3A_118 = tpu.memref_slice %arg4[%run_scoped3A_72, %mul3A_71] : memref<16x10240xf32, #tpu.memory_space<vmem_shared>> -> memref<1x640xf32, #tpu.memory_space<vmem_shared>>
      %dma_start3A_119 = tpu.memref_squeeze %dma_start3A_118 : memref<1x640xf32, #tpu.memory_space<vmem_shared>> -> memref<640xf32, #tpu.memory_space<vmem_shared>>
      tpu.enqueue_dma source(%dma_start3A_119 : memref<640xf32, #tpu.memory_space<vmem_shared>>) target(%dma_start3A_117 : memref<640xf32, #tpu.memory_space<vmem>>) target_semaphore(%run_scoped3A_109 : memref<!tpu.dma_semaphore, #tpu.memory_space<semaphore_mem>>)
      %dma_wait3A = arith.constant 0 : i32
      %dma_wait3A_120 = tpu.memref_slice %arg7[%run_scoped3A_73, %dma_wait3A] : memref<16x640xf32, #tpu.memory_space<vmem>> -> memref<1x640xf32, #tpu.memory_space<vmem>>
      %dma_wait3A_121 = tpu.memref_squeeze %dma_wait3A_120 : memref<1x640xf32, #tpu.memory_space<vmem>> -> memref<640xf32, #tpu.memory_space<vmem>>
      %dma_wait3A_122 = tpu.memref_slice %arg4[%run_scoped3A_72, %mul3A_71] : memref<16x10240xf32, #tpu.memory_space<vmem_shared>> -> memref<1x640xf32, #tpu.memory_space<vmem_shared>>
      %dma_wait3A_123 = tpu.memref_squeeze %dma_wait3A_122 : memref<1x640xf32, #tpu.memory_space<vmem_shared>> -> memref<640xf32, #tpu.memory_space<vmem_shared>>
      %dma_wait3A_124 = arith.constant 0 : i32
      %dma_wait3A_125 = tpu.memref_slice %arg7[%run_scoped3A_73, %dma_wait3A_124] : memref<16x640xf32, #tpu.memory_space<vmem>> -> memref<1x640xf32, #tpu.memory_space<vmem>>
      %dma_wait3A_126 = tpu.memref_squeeze %dma_wait3A_125 : memref<1x640xf32, #tpu.memory_space<vmem>> -> memref<640xf32, #tpu.memory_space<vmem>>
      %dma_wait3A_127 = tpu.memref_slice %arg4[%run_scoped3A_72, %mul3A_71] : memref<16x10240xf32, #tpu.memory_space<vmem_shared>> -> memref<1x640xf32, #tpu.memory_space<vmem_shared>>
      %dma_wait3A_128 = tpu.memref_squeeze %dma_wait3A_127 : memref<1x640xf32, #tpu.memory_space<vmem_shared>> -> memref<640xf32, #tpu.memory_space<vmem_shared>>
      tpu.wait_dma2 semaphore(%run_scoped3A_109 : memref<!tpu.dma_semaphore, #tpu.memory_space<semaphore_mem>>) src(%dma_wait3A_128 : memref<640xf32, #tpu.memory_space<vmem_shared>>) dst(%dma_wait3A_126 : memref<640xf32, #tpu.memory_space<vmem>>)
      tpu.yield
    }) : () -> ()
    %mul3A_74 = arith.constant 640 : i32
    %mul3A_75 = arith.muli %arg1, %mul3A_74 : i32
    %run_scoped3A_76 = arith.constant 10 : i32
    %run_scoped3A_77 = arith.constant 10 : i32
    "tpu.region"() ({
      %run_scoped3A_109 = tpu.sem_alloc : memref<!tpu.dma_semaphore, #tpu.memory_space<semaphore_mem>>
      %dma_start3A_110 = arith.constant 0 : i32
      %dma_start3A_111 = tpu.memref_slice %arg7[%run_scoped3A_77, %dma_start3A_110] : memref<16x640xf32, #tpu.memory_space<vmem>> -> memref<1x640xf32, #tpu.memory_space<vmem>>
      %dma_start3A_112 = tpu.memref_squeeze %dma_start3A_111 : memref<1x640xf32, #tpu.memory_space<vmem>> -> memref<640xf32, #tpu.memory_space<vmem>>
      %dma_start3A_113 = tpu.memref_slice %arg4[%run_scoped3A_76, %mul3A_75] : memref<16x10240xf32, #tpu.memory_space<vmem_shared>> -> memref<1x640xf32, #tpu.memory_space<vmem_shared>>
      %dma_start3A_114 = tpu.memref_squeeze %dma_start3A_113 : memref<1x640xf32, #tpu.memory_space<vmem_shared>> -> memref<640xf32, #tpu.memory_space<vmem_shared>>
      %dma_start3A_115 = arith.constant 0 : i32
      %dma_start3A_116 = tpu.memref_slice %arg7[%run_scoped3A_77, %dma_start3A_115] : memref<16x640xf32, #tpu.memory_space<vmem>> -> memref<1x640xf32, #tpu.memory_space<vmem>>
      %dma_start3A_117 = tpu.memref_squeeze %dma_start3A_116 : memref<1x640xf32, #tpu.memory_space<vmem>> -> memref<640xf32, #tpu.memory_space<vmem>>
      %dma_start3A_118 = tpu.memref_slice %arg4[%run_scoped3A_76, %mul3A_75] : memref<16x10240xf32, #tpu.memory_space<vmem_shared>> -> memref<1x640xf32, #tpu.memory_space<vmem_shared>>
      %dma_start3A_119 = tpu.memref_squeeze %dma_start3A_118 : memref<1x640xf32, #tpu.memory_space<vmem_shared>> -> memref<640xf32, #tpu.memory_space<vmem_shared>>
      tpu.enqueue_dma source(%dma_start3A_119 : memref<640xf32, #tpu.memory_space<vmem_shared>>) target(%dma_start3A_117 : memref<640xf32, #tpu.memory_space<vmem>>) target_semaphore(%run_scoped3A_109 : memref<!tpu.dma_semaphore, #tpu.memory_space<semaphore_mem>>)
      %dma_wait3A = arith.constant 0 : i32
      %dma_wait3A_120 = tpu.memref_slice %arg7[%run_scoped3A_77, %dma_wait3A] : memref<16x640xf32, #tpu.memory_space<vmem>> -> memref<1x640xf32, #tpu.memory_space<vmem>>
      %dma_wait3A_121 = tpu.memref_squeeze %dma_wait3A_120 : memref<1x640xf32, #tpu.memory_space<vmem>> -> memref<640xf32, #tpu.memory_space<vmem>>
      %dma_wait3A_122 = tpu.memref_slice %arg4[%run_scoped3A_76, %mul3A_75] : memref<16x10240xf32, #tpu.memory_space<vmem_shared>> -> memref<1x640xf32, #tpu.memory_space<vmem_shared>>
      %dma_wait3A_123 = tpu.memref_squeeze %dma_wait3A_122 : memref<1x640xf32, #tpu.memory_space<vmem_shared>> -> memref<640xf32, #tpu.memory_space<vmem_shared>>
      %dma_wait3A_124 = arith.constant 0 : i32
      %dma_wait3A_125 = tpu.memref_slice %arg7[%run_scoped3A_77, %dma_wait3A_124] : memref<16x640xf32, #tpu.memory_space<vmem>> -> memref<1x640xf32, #tpu.memory_space<vmem>>
      %dma_wait3A_126 = tpu.memref_squeeze %dma_wait3A_125 : memref<1x640xf32, #tpu.memory_space<vmem>> -> memref<640xf32, #tpu.memory_space<vmem>>
      %dma_wait3A_127 = tpu.memref_slice %arg4[%run_scoped3A_76, %mul3A_75] : memref<16x10240xf32, #tpu.memory_space<vmem_shared>> -> memref<1x640xf32, #tpu.memory_space<vmem_shared>>
      %dma_wait3A_128 = tpu.memref_squeeze %dma_wait3A_127 : memref<1x640xf32, #tpu.memory_space<vmem_shared>> -> memref<640xf32, #tpu.memory_space<vmem_shared>>
      tpu.wait_dma2 semaphore(%run_scoped3A_109 : memref<!tpu.dma_semaphore, #tpu.memory_space<semaphore_mem>>) src(%dma_wait3A_128 : memref<640xf32, #tpu.memory_space<vmem_shared>>) dst(%dma_wait3A_126 : memref<640xf32, #tpu.memory_space<vmem>>)
      tpu.yield
    }) : () -> ()
    %mul3A_78 = arith.constant 640 : i32
    %mul3A_79 = arith.muli %arg1, %mul3A_78 : i32
    %run_scoped3A_80 = arith.constant 11 : i32
    %run_scoped3A_81 = arith.constant 11 : i32
    "tpu.region"() ({
      %run_scoped3A_109 = tpu.sem_alloc : memref<!tpu.dma_semaphore, #tpu.memory_space<semaphore_mem>>
      %dma_start3A_110 = arith.constant 0 : i32
      %dma_start3A_111 = tpu.memref_slice %arg7[%run_scoped3A_81, %dma_start3A_110] : memref<16x640xf32, #tpu.memory_space<vmem>> -> memref<1x640xf32, #tpu.memory_space<vmem>>
      %dma_start3A_112 = tpu.memref_squeeze %dma_start3A_111 : memref<1x640xf32, #tpu.memory_space<vmem>> -> memref<640xf32, #tpu.memory_space<vmem>>
      %dma_start3A_113 = tpu.memref_slice %arg4[%run_scoped3A_80, %mul3A_79] : memref<16x10240xf32, #tpu.memory_space<vmem_shared>> -> memref<1x640xf32, #tpu.memory_space<vmem_shared>>
      %dma_start3A_114 = tpu.memref_squeeze %dma_start3A_113 : memref<1x640xf32, #tpu.memory_space<vmem_shared>> -> memref<640xf32, #tpu.memory_space<vmem_shared>>
      %dma_start3A_115 = arith.constant 0 : i32
      %dma_start3A_116 = tpu.memref_slice %arg7[%run_scoped3A_81, %dma_start3A_115] : memref<16x640xf32, #tpu.memory_space<vmem>> -> memref<1x640xf32, #tpu.memory_space<vmem>>
      %dma_start3A_117 = tpu.memref_squeeze %dma_start3A_116 : memref<1x640xf32, #tpu.memory_space<vmem>> -> memref<640xf32, #tpu.memory_space<vmem>>
      %dma_start3A_118 = tpu.memref_slice %arg4[%run_scoped3A_80, %mul3A_79] : memref<16x10240xf32, #tpu.memory_space<vmem_shared>> -> memref<1x640xf32, #tpu.memory_space<vmem_shared>>
      %dma_start3A_119 = tpu.memref_squeeze %dma_start3A_118 : memref<1x640xf32, #tpu.memory_space<vmem_shared>> -> memref<640xf32, #tpu.memory_space<vmem_shared>>
      tpu.enqueue_dma source(%dma_start3A_119 : memref<640xf32, #tpu.memory_space<vmem_shared>>) target(%dma_start3A_117 : memref<640xf32, #tpu.memory_space<vmem>>) target_semaphore(%run_scoped3A_109 : memref<!tpu.dma_semaphore, #tpu.memory_space<semaphore_mem>>)
      %dma_wait3A = arith.constant 0 : i32
      %dma_wait3A_120 = tpu.memref_slice %arg7[%run_scoped3A_81, %dma_wait3A] : memref<16x640xf32, #tpu.memory_space<vmem>> -> memref<1x640xf32, #tpu.memory_space<vmem>>
      %dma_wait3A_121 = tpu.memref_squeeze %dma_wait3A_120 : memref<1x640xf32, #tpu.memory_space<vmem>> -> memref<640xf32, #tpu.memory_space<vmem>>
      %dma_wait3A_122 = tpu.memref_slice %arg4[%run_scoped3A_80, %mul3A_79] : memref<16x10240xf32, #tpu.memory_space<vmem_shared>> -> memref<1x640xf32, #tpu.memory_space<vmem_shared>>
      %dma_wait3A_123 = tpu.memref_squeeze %dma_wait3A_122 : memref<1x640xf32, #tpu.memory_space<vmem_shared>> -> memref<640xf32, #tpu.memory_space<vmem_shared>>
      %dma_wait3A_124 = arith.constant 0 : i32
      %dma_wait3A_125 = tpu.memref_slice %arg7[%run_scoped3A_81, %dma_wait3A_124] : memref<16x640xf32, #tpu.memory_space<vmem>> -> memref<1x640xf32, #tpu.memory_space<vmem>>
      %dma_wait3A_126 = tpu.memref_squeeze %dma_wait3A_125 : memref<1x640xf32, #tpu.memory_space<vmem>> -> memref<640xf32, #tpu.memory_space<vmem>>
      %dma_wait3A_127 = tpu.memref_slice %arg4[%run_scoped3A_80, %mul3A_79] : memref<16x10240xf32, #tpu.memory_space<vmem_shared>> -> memref<1x640xf32, #tpu.memory_space<vmem_shared>>
      %dma_wait3A_128 = tpu.memref_squeeze %dma_wait3A_127 : memref<1x640xf32, #tpu.memory_space<vmem_shared>> -> memref<640xf32, #tpu.memory_space<vmem_shared>>
      tpu.wait_dma2 semaphore(%run_scoped3A_109 : memref<!tpu.dma_semaphore, #tpu.memory_space<semaphore_mem>>) src(%dma_wait3A_128 : memref<640xf32, #tpu.memory_space<vmem_shared>>) dst(%dma_wait3A_126 : memref<640xf32, #tpu.memory_space<vmem>>)
      tpu.yield
    }) : () -> ()
    %mul3A_82 = arith.constant 640 : i32
    %mul3A_83 = arith.muli %arg1, %mul3A_82 : i32
    %run_scoped3A_84 = arith.constant 12 : i32
    %run_scoped3A_85 = arith.constant 12 : i32
    "tpu.region"() ({
      %run_scoped3A_109 = tpu.sem_alloc : memref<!tpu.dma_semaphore, #tpu.memory_space<semaphore_mem>>
      %dma_start3A_110 = arith.constant 0 : i32
      %dma_start3A_111 = tpu.memref_slice %arg7[%run_scoped3A_85, %dma_start3A_110] : memref<16x640xf32, #tpu.memory_space<vmem>> -> memref<1x640xf32, #tpu.memory_space<vmem>>
      %dma_start3A_112 = tpu.memref_squeeze %dma_start3A_111 : memref<1x640xf32, #tpu.memory_space<vmem>> -> memref<640xf32, #tpu.memory_space<vmem>>
      %dma_start3A_113 = tpu.memref_slice %arg4[%run_scoped3A_84, %mul3A_83] : memref<16x10240xf32, #tpu.memory_space<vmem_shared>> -> memref<1x640xf32, #tpu.memory_space<vmem_shared>>
      %dma_start3A_114 = tpu.memref_squeeze %dma_start3A_113 : memref<1x640xf32, #tpu.memory_space<vmem_shared>> -> memref<640xf32, #tpu.memory_space<vmem_shared>>
      %dma_start3A_115 = arith.constant 0 : i32
      %dma_start3A_116 = tpu.memref_slice %arg7[%run_scoped3A_85, %dma_start3A_115] : memref<16x640xf32, #tpu.memory_space<vmem>> -> memref<1x640xf32, #tpu.memory_space<vmem>>
      %dma_start3A_117 = tpu.memref_squeeze %dma_start3A_116 : memref<1x640xf32, #tpu.memory_space<vmem>> -> memref<640xf32, #tpu.memory_space<vmem>>
      %dma_start3A_118 = tpu.memref_slice %arg4[%run_scoped3A_84, %mul3A_83] : memref<16x10240xf32, #tpu.memory_space<vmem_shared>> -> memref<1x640xf32, #tpu.memory_space<vmem_shared>>
      %dma_start3A_119 = tpu.memref_squeeze %dma_start3A_118 : memref<1x640xf32, #tpu.memory_space<vmem_shared>> -> memref<640xf32, #tpu.memory_space<vmem_shared>>
      tpu.enqueue_dma source(%dma_start3A_119 : memref<640xf32, #tpu.memory_space<vmem_shared>>) target(%dma_start3A_117 : memref<640xf32, #tpu.memory_space<vmem>>) target_semaphore(%run_scoped3A_109 : memref<!tpu.dma_semaphore, #tpu.memory_space<semaphore_mem>>)
      %dma_wait3A = arith.constant 0 : i32
      %dma_wait3A_120 = tpu.memref_slice %arg7[%run_scoped3A_85, %dma_wait3A] : memref<16x640xf32, #tpu.memory_space<vmem>> -> memref<1x640xf32, #tpu.memory_space<vmem>>
      %dma_wait3A_121 = tpu.memref_squeeze %dma_wait3A_120 : memref<1x640xf32, #tpu.memory_space<vmem>> -> memref<640xf32, #tpu.memory_space<vmem>>
      %dma_wait3A_122 = tpu.memref_slice %arg4[%run_scoped3A_84, %mul3A_83] : memref<16x10240xf32, #tpu.memory_space<vmem_shared>> -> memref<1x640xf32, #tpu.memory_space<vmem_shared>>
      %dma_wait3A_123 = tpu.memref_squeeze %dma_wait3A_122 : memref<1x640xf32, #tpu.memory_space<vmem_shared>> -> memref<640xf32, #tpu.memory_space<vmem_shared>>
      %dma_wait3A_124 = arith.constant 0 : i32
      %dma_wait3A_125 = tpu.memref_slice %arg7[%run_scoped3A_85, %dma_wait3A_124] : memref<16x640xf32, #tpu.memory_space<vmem>> -> memref<1x640xf32, #tpu.memory_space<vmem>>
      %dma_wait3A_126 = tpu.memref_squeeze %dma_wait3A_125 : memref<1x640xf32, #tpu.memory_space<vmem>> -> memref<640xf32, #tpu.memory_space<vmem>>
      %dma_wait3A_127 = tpu.memref_slice %arg4[%run_scoped3A_84, %mul3A_83] : memref<16x10240xf32, #tpu.memory_space<vmem_shared>> -> memref<1x640xf32, #tpu.memory_space<vmem_shared>>
      %dma_wait3A_128 = tpu.memref_squeeze %dma_wait3A_127 : memref<1x640xf32, #tpu.memory_space<vmem_shared>> -> memref<640xf32, #tpu.memory_space<vmem_shared>>
      tpu.wait_dma2 semaphore(%run_scoped3A_109 : memref<!tpu.dma_semaphore, #tpu.memory_space<semaphore_mem>>) src(%dma_wait3A_128 : memref<640xf32, #tpu.memory_space<vmem_shared>>) dst(%dma_wait3A_126 : memref<640xf32, #tpu.memory_space<vmem>>)
      tpu.yield
    }) : () -> ()
    %mul3A_86 = arith.constant 640 : i32
    %mul3A_87 = arith.muli %arg1, %mul3A_86 : i32
    %run_scoped3A_88 = arith.constant 13 : i32
    %run_scoped3A_89 = arith.constant 13 : i32
    "tpu.region"() ({
      %run_scoped3A_109 = tpu.sem_alloc : memref<!tpu.dma_semaphore, #tpu.memory_space<semaphore_mem>>
      %dma_start3A_110 = arith.constant 0 : i32
      %dma_start3A_111 = tpu.memref_slice %arg7[%run_scoped3A_89, %dma_start3A_110] : memref<16x640xf32, #tpu.memory_space<vmem>> -> memref<1x640xf32, #tpu.memory_space<vmem>>
      %dma_start3A_112 = tpu.memref_squeeze %dma_start3A_111 : memref<1x640xf32, #tpu.memory_space<vmem>> -> memref<640xf32, #tpu.memory_space<vmem>>
      %dma_start3A_113 = tpu.memref_slice %arg4[%run_scoped3A_88, %mul3A_87] : memref<16x10240xf32, #tpu.memory_space<vmem_shared>> -> memref<1x640xf32, #tpu.memory_space<vmem_shared>>
      %dma_start3A_114 = tpu.memref_squeeze %dma_start3A_113 : memref<1x640xf32, #tpu.memory_space<vmem_shared>> -> memref<640xf32, #tpu.memory_space<vmem_shared>>
      %dma_start3A_115 = arith.constant 0 : i32
      %dma_start3A_116 = tpu.memref_slice %arg7[%run_scoped3A_89, %dma_start3A_115] : memref<16x640xf32, #tpu.memory_space<vmem>> -> memref<1x640xf32, #tpu.memory_space<vmem>>
      %dma_start3A_117 = tpu.memref_squeeze %dma_start3A_116 : memref<1x640xf32, #tpu.memory_space<vmem>> -> memref<640xf32, #tpu.memory_space<vmem>>
      %dma_start3A_118 = tpu.memref_slice %arg4[%run_scoped3A_88, %mul3A_87] : memref<16x10240xf32, #tpu.memory_space<vmem_shared>> -> memref<1x640xf32, #tpu.memory_space<vmem_shared>>
      %dma_start3A_119 = tpu.memref_squeeze %dma_start3A_118 : memref<1x640xf32, #tpu.memory_space<vmem_shared>> -> memref<640xf32, #tpu.memory_space<vmem_shared>>
      tpu.enqueue_dma source(%dma_start3A_119 : memref<640xf32, #tpu.memory_space<vmem_shared>>) target(%dma_start3A_117 : memref<640xf32, #tpu.memory_space<vmem>>) target_semaphore(%run_scoped3A_109 : memref<!tpu.dma_semaphore, #tpu.memory_space<semaphore_mem>>)
      %dma_wait3A = arith.constant 0 : i32
      %dma_wait3A_120 = tpu.memref_slice %arg7[%run_scoped3A_89, %dma_wait3A] : memref<16x640xf32, #tpu.memory_space<vmem>> -> memref<1x640xf32, #tpu.memory_space<vmem>>
      %dma_wait3A_121 = tpu.memref_squeeze %dma_wait3A_120 : memref<1x640xf32, #tpu.memory_space<vmem>> -> memref<640xf32, #tpu.memory_space<vmem>>
      %dma_wait3A_122 = tpu.memref_slice %arg4[%run_scoped3A_88, %mul3A_87] : memref<16x10240xf32, #tpu.memory_space<vmem_shared>> -> memref<1x640xf32, #tpu.memory_space<vmem_shared>>
      %dma_wait3A_123 = tpu.memref_squeeze %dma_wait3A_122 : memref<1x640xf32, #tpu.memory_space<vmem_shared>> -> memref<640xf32, #tpu.memory_space<vmem_shared>>
      %dma_wait3A_124 = arith.constant 0 : i32
      %dma_wait3A_125 = tpu.memref_slice %arg7[%run_scoped3A_89, %dma_wait3A_124] : memref<16x640xf32, #tpu.memory_space<vmem>> -> memref<1x640xf32, #tpu.memory_space<vmem>>
      %dma_wait3A_126 = tpu.memref_squeeze %dma_wait3A_125 : memref<1x640xf32, #tpu.memory_space<vmem>> -> memref<640xf32, #tpu.memory_space<vmem>>
      %dma_wait3A_127 = tpu.memref_slice %arg4[%run_scoped3A_88, %mul3A_87] : memref<16x10240xf32, #tpu.memory_space<vmem_shared>> -> memref<1x640xf32, #tpu.memory_space<vmem_shared>>
      %dma_wait3A_128 = tpu.memref_squeeze %dma_wait3A_127 : memref<1x640xf32, #tpu.memory_space<vmem_shared>> -> memref<640xf32, #tpu.memory_space<vmem_shared>>
      tpu.wait_dma2 semaphore(%run_scoped3A_109 : memref<!tpu.dma_semaphore, #tpu.memory_space<semaphore_mem>>) src(%dma_wait3A_128 : memref<640xf32, #tpu.memory_space<vmem_shared>>) dst(%dma_wait3A_126 : memref<640xf32, #tpu.memory_space<vmem>>)
      tpu.yield
    }) : () -> ()
    %mul3A_90 = arith.constant 640 : i32
    %mul3A_91 = arith.muli %arg1, %mul3A_90 : i32
    %run_scoped3A_92 = arith.constant 14 : i32
    %run_scoped3A_93 = arith.constant 14 : i32
    "tpu.region"() ({
      %run_scoped3A_109 = tpu.sem_alloc : memref<!tpu.dma_semaphore, #tpu.memory_space<semaphore_mem>>
      %dma_start3A_110 = arith.constant 0 : i32
      %dma_start3A_111 = tpu.memref_slice %arg7[%run_scoped3A_93, %dma_start3A_110] : memref<16x640xf32, #tpu.memory_space<vmem>> -> memref<1x640xf32, #tpu.memory_space<vmem>>
      %dma_start3A_112 = tpu.memref_squeeze %dma_start3A_111 : memref<1x640xf32, #tpu.memory_space<vmem>> -> memref<640xf32, #tpu.memory_space<vmem>>
      %dma_start3A_113 = tpu.memref_slice %arg4[%run_scoped3A_92, %mul3A_91] : memref<16x10240xf32, #tpu.memory_space<vmem_shared>> -> memref<1x640xf32, #tpu.memory_space<vmem_shared>>
      %dma_start3A_114 = tpu.memref_squeeze %dma_start3A_113 : memref<1x640xf32, #tpu.memory_space<vmem_shared>> -> memref<640xf32, #tpu.memory_space<vmem_shared>>
      %dma_start3A_115 = arith.constant 0 : i32
      %dma_start3A_116 = tpu.memref_slice %arg7[%run_scoped3A_93, %dma_start3A_115] : memref<16x640xf32, #tpu.memory_space<vmem>> -> memref<1x640xf32, #tpu.memory_space<vmem>>
      %dma_start3A_117 = tpu.memref_squeeze %dma_start3A_116 : memref<1x640xf32, #tpu.memory_space<vmem>> -> memref<640xf32, #tpu.memory_space<vmem>>
      %dma_start3A_118 = tpu.memref_slice %arg4[%run_scoped3A_92, %mul3A_91] : memref<16x10240xf32, #tpu.memory_space<vmem_shared>> -> memref<1x640xf32, #tpu.memory_space<vmem_shared>>
      %dma_start3A_119 = tpu.memref_squeeze %dma_start3A_118 : memref<1x640xf32, #tpu.memory_space<vmem_shared>> -> memref<640xf32, #tpu.memory_space<vmem_shared>>
      tpu.enqueue_dma source(%dma_start3A_119 : memref<640xf32, #tpu.memory_space<vmem_shared>>) target(%dma_start3A_117 : memref<640xf32, #tpu.memory_space<vmem>>) target_semaphore(%run_scoped3A_109 : memref<!tpu.dma_semaphore, #tpu.memory_space<semaphore_mem>>)
      %dma_wait3A = arith.constant 0 : i32
      %dma_wait3A_120 = tpu.memref_slice %arg7[%run_scoped3A_93, %dma_wait3A] : memref<16x640xf32, #tpu.memory_space<vmem>> -> memref<1x640xf32, #tpu.memory_space<vmem>>
      %dma_wait3A_121 = tpu.memref_squeeze %dma_wait3A_120 : memref<1x640xf32, #tpu.memory_space<vmem>> -> memref<640xf32, #tpu.memory_space<vmem>>
      %dma_wait3A_122 = tpu.memref_slice %arg4[%run_scoped3A_92, %mul3A_91] : memref<16x10240xf32, #tpu.memory_space<vmem_shared>> -> memref<1x640xf32, #tpu.memory_space<vmem_shared>>
      %dma_wait3A_123 = tpu.memref_squeeze %dma_wait3A_122 : memref<1x640xf32, #tpu.memory_space<vmem_shared>> -> memref<640xf32, #tpu.memory_space<vmem_shared>>
      %dma_wait3A_124 = arith.constant 0 : i32
      %dma_wait3A_125 = tpu.memref_slice %arg7[%run_scoped3A_93, %dma_wait3A_124] : memref<16x640xf32, #tpu.memory_space<vmem>> -> memref<1x640xf32, #tpu.memory_space<vmem>>
      %dma_wait3A_126 = tpu.memref_squeeze %dma_wait3A_125 : memref<1x640xf32, #tpu.memory_space<vmem>> -> memref<640xf32, #tpu.memory_space<vmem>>
      %dma_wait3A_127 = tpu.memref_slice %arg4[%run_scoped3A_92, %mul3A_91] : memref<16x10240xf32, #tpu.memory_space<vmem_shared>> -> memref<1x640xf32, #tpu.memory_space<vmem_shared>>
      %dma_wait3A_128 = tpu.memref_squeeze %dma_wait3A_127 : memref<1x640xf32, #tpu.memory_space<vmem_shared>> -> memref<640xf32, #tpu.memory_space<vmem_shared>>
      tpu.wait_dma2 semaphore(%run_scoped3A_109 : memref<!tpu.dma_semaphore, #tpu.memory_space<semaphore_mem>>) src(%dma_wait3A_128 : memref<640xf32, #tpu.memory_space<vmem_shared>>) dst(%dma_wait3A_126 : memref<640xf32, #tpu.memory_space<vmem>>)
      tpu.yield
    }) : () -> ()
    %mul3A_94 = arith.constant 640 : i32
    %mul3A_95 = arith.muli %arg1, %mul3A_94 : i32
    %run_scoped3A_96 = arith.constant 15 : i32
    %run_scoped3A_97 = arith.constant 15 : i32
    "tpu.region"() ({
      %run_scoped3A_109 = tpu.sem_alloc : memref<!tpu.dma_semaphore, #tpu.memory_space<semaphore_mem>>
      %dma_start3A_110 = arith.constant 0 : i32
      %dma_start3A_111 = tpu.memref_slice %arg7[%run_scoped3A_97, %dma_start3A_110] : memref<16x640xf32, #tpu.memory_space<vmem>> -> memref<1x640xf32, #tpu.memory_space<vmem>>
      %dma_start3A_112 = tpu.memref_squeeze %dma_start3A_111 : memref<1x640xf32, #tpu.memory_space<vmem>> -> memref<640xf32, #tpu.memory_space<vmem>>
      %dma_start3A_113 = tpu.memref_slice %arg4[%run_scoped3A_96, %mul3A_95] : memref<16x10240xf32, #tpu.memory_space<vmem_shared>> -> memref<1x640xf32, #tpu.memory_space<vmem_shared>>
      %dma_start3A_114 = tpu.memref_squeeze %dma_start3A_113 : memref<1x640xf32, #tpu.memory_space<vmem_shared>> -> memref<640xf32, #tpu.memory_space<vmem_shared>>
      %dma_start3A_115 = arith.constant 0 : i32
      %dma_start3A_116 = tpu.memref_slice %arg7[%run_scoped3A_97, %dma_start3A_115] : memref<16x640xf32, #tpu.memory_space<vmem>> -> memref<1x640xf32, #tpu.memory_space<vmem>>
      %dma_start3A_117 = tpu.memref_squeeze %dma_start3A_116 : memref<1x640xf32, #tpu.memory_space<vmem>> -> memref<640xf32, #tpu.memory_space<vmem>>
      %dma_start3A_118 = tpu.memref_slice %arg4[%run_scoped3A_96, %mul3A_95] : memref<16x10240xf32, #tpu.memory_space<vmem_shared>> -> memref<1x640xf32, #tpu.memory_space<vmem_shared>>
      %dma_start3A_119 = tpu.memref_squeeze %dma_start3A_118 : memref<1x640xf32, #tpu.memory_space<vmem_shared>> -> memref<640xf32, #tpu.memory_space<vmem_shared>>
      tpu.enqueue_dma source(%dma_start3A_119 : memref<640xf32, #tpu.memory_space<vmem_shared>>) target(%dma_start3A_117 : memref<640xf32, #tpu.memory_space<vmem>>) target_semaphore(%run_scoped3A_109 : memref<!tpu.dma_semaphore, #tpu.memory_space<semaphore_mem>>)
      %dma_wait3A = arith.constant 0 : i32
      %dma_wait3A_120 = tpu.memref_slice %arg7[%run_scoped3A_97, %dma_wait3A] : memref<16x640xf32, #tpu.memory_space<vmem>> -> memref<1x640xf32, #tpu.memory_space<vmem>>
      %dma_wait3A_121 = tpu.memref_squeeze %dma_wait3A_120 : memref<1x640xf32, #tpu.memory_space<vmem>> -> memref<640xf32, #tpu.memory_space<vmem>>
      %dma_wait3A_122 = tpu.memref_slice %arg4[%run_scoped3A_96, %mul3A_95] : memref<16x10240xf32, #tpu.memory_space<vmem_shared>> -> memref<1x640xf32, #tpu.memory_space<vmem_shared>>
      %dma_wait3A_123 = tpu.memref_squeeze %dma_wait3A_122 : memref<1x640xf32, #tpu.memory_space<vmem_shared>> -> memref<640xf32, #tpu.memory_space<vmem_shared>>
      %dma_wait3A_124 = arith.constant 0 : i32
      %dma_wait3A_125 = tpu.memref_slice %arg7[%run_scoped3A_97, %dma_wait3A_124] : memref<16x640xf32, #tpu.memory_space<vmem>> -> memref<1x640xf32, #tpu.memory_space<vmem>>
      %dma_wait3A_126 = tpu.memref_squeeze %dma_wait3A_125 : memref<1x640xf32, #tpu.memory_space<vmem>> -> memref<640xf32, #tpu.memory_space<vmem>>
      %dma_wait3A_127 = tpu.memref_slice %arg4[%run_scoped3A_96, %mul3A_95] : memref<16x10240xf32, #tpu.memory_space<vmem_shared>> -> memref<1x640xf32, #tpu.memory_space<vmem_shared>>
      %dma_wait3A_128 = tpu.memref_squeeze %dma_wait3A_127 : memref<1x640xf32, #tpu.memory_space<vmem_shared>> -> memref<640xf32, #tpu.memory_space<vmem_shared>>
      tpu.wait_dma2 semaphore(%run_scoped3A_109 : memref<!tpu.dma_semaphore, #tpu.memory_space<semaphore_mem>>) src(%dma_wait3A_128 : memref<640xf32, #tpu.memory_space<vmem_shared>>) dst(%dma_wait3A_126 : memref<640xf32, #tpu.memory_space<vmem>>)
      tpu.yield
    }) : () -> ()
    %scan3A_98 = arith.constant 0 : i32
    %scan3A_99 = arith.constant 0 : i32
    %scan3A_100 = arith.constant 40 : i32
    %scan3A_101 = arith.addi %scan3A_99, %scan3A_100 : i32
    %scan3A_102 = arith.constant 1 : i32
    %scan3A_103 = scf.for %scan3A_109 = %scan3A_99 to %scan3A_101 step %scan3A_102 iter_args(%scan3A_110 = %scan3A_98) -> (i32)  : i32 {
      %mul3A_111 = arith.constant 16 : i32
      %mul3A_112 = arith.muli %scan3A_109, %mul3A_111 : i32
      %get3A = arith.constant 0 : i32
      %get3A_113 = arith.index_cast %get3A : i32 to index
      %get3A_114 = arith.index_cast %mul3A_112 : i32 to index
      %get3A_115 = tpu.vector_load %arg7[%get3A_113, %get3A_114] {strides = array<i32>} : memref<16x640xf32, #tpu.memory_space<vmem>>, vector<16xf32>,
      %mul3A_116 = arith.constant 16 : i32
      %mul3A_117 = arith.muli %scan3A_109, %mul3A_116 : i32
      %get3A_118 = arith.constant 1 : i32
      %get3A_119 = arith.index_cast %get3A_118 : i32 to index
      %get3A_120 = arith.index_cast %mul3A_117 : i32 to index
      %get3A_121 = tpu.vector_load %arg7[%get3A_119, %get3A_120] {strides = array<i32>} : memref<16x640xf32, #tpu.memory_space<vmem>>, vector<16xf32>,
      %add3A_122 = arith.addf %get3A_115, %get3A_121 : vector<16xf32>
      %mul3A_123 = arith.constant 16 : i32
      %mul3A_124 = arith.muli %scan3A_109, %mul3A_123 : i32
      %get3A_125 = arith.constant 2 : i32
      %get3A_126 = arith.index_cast %get3A_125 : i32 to index
      %get3A_127 = arith.index_cast %mul3A_124 : i32 to index
      %get3A_128 = tpu.vector_load %arg7[%get3A_126, %get3A_127] {strides = array<i32>} : memref<16x640xf32, #tpu.memory_space<vmem>>, vector<16xf32>,
      %add3A_129 = arith.addf %add3A_122, %get3A_128 : vector<16xf32>
      %mul3A_130 = arith.constant 16 : i32
      %mul3A_131 = arith.muli %scan3A_109, %mul3A_130 : i32
      %get3A_132 = arith.constant 3 : i32
      %get3A_133 = arith.index_cast %get3A_132 : i32 to index
      %get3A_134 = arith.index_cast %mul3A_131 : i32 to index
      %get3A_135 = tpu.vector_load %arg7[%get3A_133, %get3A_134] {strides = array<i32>} : memref<16x640xf32, #tpu.memory_space<vmem>>, vector<16xf32>,
      %add3A_136 = arith.addf %add3A_129, %get3A_135 : vector<16xf32>
      %mul3A_137 = arith.constant 16 : i32
      %mul3A_138 = arith.muli %scan3A_109, %mul3A_137 : i32
      %get3A_139 = arith.constant 4 : i32
      %get3A_140 = arith.index_cast %get3A_139 : i32 to index
      %get3A_141 = arith.index_cast %mul3A_138 : i32 to index
      %get3A_142 = tpu.vector_load %arg7[%get3A_140, %get3A_141] {strides = array<i32>} : memref<16x640xf32, #tpu.memory_space<vmem>>, vector<16xf32>,
      %add3A_143 = arith.addf %add3A_136, %get3A_142 : vector<16xf32>
      %mul3A_144 = arith.constant 16 : i32
      %mul3A_145 = arith.muli %scan3A_109, %mul3A_144 : i32
      %get3A_146 = arith.constant 5 : i32
      %get3A_147 = arith.index_cast %get3A_146 : i32 to index
      %get3A_148 = arith.index_cast %mul3A_145 : i32 to index
      %get3A_149 = tpu.vector_load %arg7[%get3A_147, %get3A_148] {strides = array<i32>} : memref<16x640xf32, #tpu.memory_space<vmem>>, vector<16xf32>,
      %add3A_150 = arith.addf %add3A_143, %get3A_149 : vector<16xf32>
      %mul3A_151 = arith.constant 16 : i32
      %mul3A_152 = arith.muli %scan3A_109, %mul3A_151 : i32
      %get3A_153 = arith.constant 6 : i32
      %get3A_154 = arith.index_cast %get3A_153 : i32 to index
      %get3A_155 = arith.index_cast %mul3A_152 : i32 to index
      %get3A_156 = tpu.vector_load %arg7[%get3A_154, %get3A_155] {strides = array<i32>} : memref<16x640xf32, #tpu.memory_space<vmem>>, vector<16xf32>,
      %add3A_157 = arith.addf %add3A_150, %get3A_156 : vector<16xf32>
      %mul3A_158 = arith.constant 16 : i32
      %mul3A_159 = arith.muli %scan3A_109, %mul3A_158 : i32
      %get3A_160 = arith.constant 7 : i32
      %get3A_161 = arith.index_cast %get3A_160 : i32 to index
      %get3A_162 = arith.index_cast %mul3A_159 : i32 to index
      %get3A_163 = tpu.vector_load %arg7[%get3A_161, %get3A_162] {strides = array<i32>} : memref<16x640xf32, #tpu.memory_space<vmem>>, vector<16xf32>,
      %add3A_164 = arith.addf %add3A_157, %get3A_163 : vector<16xf32>
      %mul3A_165 = arith.constant 16 : i32
      %mul3A_166 = arith.muli %scan3A_109, %mul3A_165 : i32
      %get3A_167 = arith.constant 8 : i32
      %get3A_168 = arith.index_cast %get3A_167 : i32 to index
      %get3A_169 = arith.index_cast %mul3A_166 : i32 to index
      %get3A_170 = tpu.vector_load %arg7[%get3A_168, %get3A_169] {strides = array<i32>} : memref<16x640xf32, #tpu.memory_space<vmem>>, vector<16xf32>,
      %add3A_171 = arith.addf %add3A_164, %get3A_170 : vector<16xf32>
      %mul3A_172 = arith.constant 16 : i32
      %mul3A_173 = arith.muli %scan3A_109, %mul3A_172 : i32
      %get3A_174 = arith.constant 9 : i32
      %get3A_175 = arith.index_cast %get3A_174 : i32 to index
      %get3A_176 = arith.index_cast %mul3A_173 : i32 to index
      %get3A_177 = tpu.vector_load %arg7[%get3A_175, %get3A_176] {strides = array<i32>} : memref<16x640xf32, #tpu.memory_space<vmem>>, vector<16xf32>,
      %add3A_178 = arith.addf %add3A_171, %get3A_177 : vector<16xf32>
      %mul3A_179 = arith.constant 16 : i32
      %mul3A_180 = arith.muli %scan3A_109, %mul3A_179 : i32
      %get3A_181 = arith.constant 10 : i32
      %get3A_182 = arith.index_cast %get3A_181 : i32 to index
      %get3A_183 = arith.index_cast %mul3A_180 : i32 to index
      %get3A_184 = tpu.vector_load %arg7[%get3A_182, %get3A_183] {strides = array<i32>} : memref<16x640xf32, #tpu.memory_space<vmem>>, vector<16xf32>,
      %add3A_185 = arith.addf %add3A_178, %get3A_184 : vector<16xf32>
      %mul3A_186 = arith.constant 16 : i32
      %mul3A_187 = arith.muli %scan3A_109, %mul3A_186 : i32
      %get3A_188 = arith.constant 11 : i32
      %get3A_189 = arith.index_cast %get3A_188 : i32 to index
      %get3A_190 = arith.index_cast %mul3A_187 : i32 to index
      %get3A_191 = tpu.vector_load %arg7[%get3A_189, %get3A_190] {strides = array<i32>} : memref<16x640xf32, #tpu.memory_space<vmem>>, vector<16xf32>,
      %add3A_192 = arith.addf %add3A_185, %get3A_191 : vector<16xf32>
      %mul3A_193 = arith.constant 16 : i32
      %mul3A_194 = arith.muli %scan3A_109, %mul3A_193 : i32
      %get3A_195 = arith.constant 12 : i32
      %get3A_196 = arith.index_cast %get3A_195 : i32 to index
      %get3A_197 = arith.index_cast %mul3A_194 : i32 to index
      %get3A_198 = tpu.vector_load %arg7[%get3A_196, %get3A_197] {strides = array<i32>} : memref<16x640xf32, #tpu.memory_space<vmem>>, vector<16xf32>,
      %add3A_199 = arith.addf %add3A_192, %get3A_198 : vector<16xf32>
      %mul3A_200 = arith.constant 16 : i32
      %mul3A_201 = arith.muli %scan3A_109, %mul3A_200 : i32
      %get3A_202 = arith.constant 13 : i32
      %get3A_203 = arith.index_cast %get3A_202 : i32 to index
      %get3A_204 = arith.index_cast %mul3A_201 : i32 to index
      %get3A_205 = tpu.vector_load %arg7[%get3A_203, %get3A_204] {strides = array<i32>} : memref<16x640xf32, #tpu.memory_space<vmem>>, vector<16xf32>,
      %add3A_206 = arith.addf %add3A_199, %get3A_205 : vector<16xf32>
      %mul3A_207 = arith.constant 16 : i32
      %mul3A_208 = arith.muli %scan3A_109, %mul3A_207 : i32
      %get3A_209 = arith.constant 14 : i32
      %get3A_210 = arith.index_cast %get3A_209 : i32 to index
      %get3A_211 = arith.index_cast %mul3A_208 : i32 to index
      %get3A_212 = tpu.vector_load %arg7[%get3A_210, %get3A_211] {strides = array<i32>} : memref<16x640xf32, #tpu.memory_space<vmem>>, vector<16xf32>,
      %add3A_213 = arith.addf %add3A_206, %get3A_212 : vector<16xf32>
      %mul3A_214 = arith.constant 16 : i32
      %mul3A_215 = arith.muli %scan3A_109, %mul3A_214 : i32
      %get3A_216 = arith.constant 15 : i32
      %get3A_217 = arith.index_cast %get3A_216 : i32 to index
      %get3A_218 = arith.index_cast %mul3A_215 : i32 to index
      %get3A_219 = tpu.vector_load %arg7[%get3A_217, %get3A_218] {strides = array<i32>} : memref<16x640xf32, #tpu.memory_space<vmem>>, vector<16xf32>,
      %add3A_220 = arith.addf %add3A_213, %get3A_219 : vector<16xf32>
      %mul3A_221 = arith.constant 16 : i32
      %mul3A_222 = arith.muli %scan3A_109, %mul3A_221 : i32
      %swap3A = arith.constant 0 : i32
      %swap3A_223 = arith.index_cast %swap3A : i32 to index
      %swap3A_224 = arith.index_cast %mul3A_222 : i32 to index
      %swap3A_225 = tpu.vector_load %arg7[%swap3A_223, %swap3A_224] {strides = array<i32>} : memref<16x640xf32, #tpu.memory_space<vmem>>, vector<16xf32>,
      tpu.vector_store %arg7[%swap3A_223, %swap3A_224], %add3A_220 {strides = array<i32>} : memref<16x640xf32, #tpu.memory_space<vmem>>, vector<16xf32>,
      %scan3A_226 = arith.constant 0 : i32
      scf.yield %scan3A_226 : i32
    }
    %scan3A_104 = arith.constant 40 : i32
    %mul3A_105 = arith.constant 640 : i32
    %mul3A_106 = arith.muli %arg1, %mul3A_105 : i32
    %run_scoped3A_107 = arith.constant 0 : i32
    %run_scoped3A_108 = arith.constant 0 : i32
    "tpu.region"() ({
      %run_scoped3A_109 = tpu.sem_alloc : memref<!tpu.dma_semaphore, #tpu.memory_space<semaphore_mem>>
      %dma_start3A_110 = arith.constant 0 : i32
      %dma_start3A_111 = tpu.memref_slice %arg7[%run_scoped3A_107, %dma_start3A_110] : memref<16x640xf32, #tpu.memory_space<vmem>> -> memref<1x640xf32, #tpu.memory_space<vmem>>
      %dma_start3A_112 = tpu.memref_squeeze %dma_start3A_111 : memref<1x640xf32, #tpu.memory_space<vmem>> -> memref<640xf32, #tpu.memory_space<vmem>>
      %dma_start3A_113 = tpu.memref_slice %arg3[%arg0, %run_scoped3A_108, %mul3A_106] : memref<2x1x10240xf32, #tpu.memory_space<hbm>> -> memref<1x1x640xf32, #tpu.memory_space<hbm>>
      %dma_start3A_114 = tpu.memref_squeeze %dma_start3A_113 : memref<1x1x640xf32, #tpu.memory_space<hbm>> -> memref<640xf32, #tpu.memory_space<hbm>>
      %dma_start3A_115 = tpu.memref_slice %arg3[%arg0, %run_scoped3A_108, %mul3A_106] : memref<2x1x10240xf32, #tpu.memory_space<hbm>> -> memref<1x1x640xf32, #tpu.memory_space<hbm>>
      %dma_start3A_116 = tpu.memref_squeeze %dma_start3A_115 : memref<1x1x640xf32, #tpu.memory_space<hbm>> -> memref<640xf32, #tpu.memory_space<hbm>>
      %dma_start3A_117 = arith.constant 0 : i32
      %dma_start3A_118 = tpu.memref_slice %arg7[%run_scoped3A_107, %dma_start3A_117] : memref<16x640xf32, #tpu.memory_space<vmem>> -> memref<1x640xf32, #tpu.memory_space<vmem>>
      %dma_start3A_119 = tpu.memref_squeeze %dma_start3A_118 : memref<1x640xf32, #tpu.memory_space<vmem>> -> memref<640xf32, #tpu.memory_space<vmem>>
      tpu.enqueue_dma source(%dma_start3A_119 : memref<640xf32, #tpu.memory_space<vmem>>) target(%dma_start3A_116 : memref<640xf32, #tpu.memory_space<hbm>>) target_semaphore(%run_scoped3A_109 : memref<!tpu.dma_semaphore, #tpu.memory_space<semaphore_mem>>)
      %dma_wait3A = arith.constant 0 : i32
      %dma_wait3A_120 = tpu.memref_slice %arg7[%run_scoped3A_107, %dma_wait3A] : memref<16x640xf32, #tpu.memory_space<vmem>> -> memref<1x640xf32, #tpu.memory_space<vmem>>
      %dma_wait3A_121 = tpu.memref_squeeze %dma_wait3A_120 : memref<1x640xf32, #tpu.memory_space<vmem>> -> memref<640xf32, #tpu.memory_space<vmem>>
      %dma_wait3A_122 = tpu.memref_slice %arg3[%arg0, %run_scoped3A_108, %mul3A_106] : memref<2x1x10240xf32, #tpu.memory_space<hbm>> -> memref<1x1x640xf32, #tpu.memory_space<hbm>>
      %dma_wait3A_123 = tpu.memref_squeeze %dma_wait3A_122 : memref<1x1x640xf32, #tpu.memory_space<hbm>> -> memref<640xf32, #tpu.memory_space<hbm>>
      %dma_wait3A_124 = tpu.memref_slice %arg3[%arg0, %run_scoped3A_108, %mul3A_106] : memref<2x1x10240xf32, #tpu.memory_space<hbm>> -> memref<1x1x640xf32, #tpu.memory_space<hbm>>
      %dma_wait3A_125 = tpu.memref_squeeze %dma_wait3A_124 : memref<1x1x640xf32, #tpu.memory_space<hbm>> -> memref<640xf32, #tpu.memory_space<hbm>>
      %dma_wait3A_126 = arith.constant 0 : i32
      %dma_wait3A_127 = tpu.memref_slice %arg7[%run_scoped3A_107, %dma_wait3A_126] : memref<16x640xf32, #tpu.memory_space<vmem>> -> memref<1x640xf32, #tpu.memory_space<vmem>>
      %dma_wait3A_128 = tpu.memref_squeeze %dma_wait3A_127 : memref<1x640xf32, #tpu.memory_space<vmem>> -> memref<640xf32, #tpu.memory_space<vmem>>
      tpu.wait_dma2 semaphore(%run_scoped3A_109 : memref<!tpu.dma_semaphore, #tpu.memory_space<semaphore_mem>>) src(%dma_wait3A_128 : memref<640xf32, #tpu.memory_space<vmem>>) dst(%dma_wait3A_125 : memref<640xf32, #tpu.memory_space<hbm>>)
      tpu.yield
    }) : () -> ()
    return
  }
}

#map = affine_map<(d0, d1) -> (0, 0)>
#map1 = affine_map<(d0, d1) -> (0, 0, 0, 0)>
#map2 = affine_map<(d0, d1) -> (0, 0, 0)>
module attributes {stable_mosaic.version = 14 : i64} {
  func.func @agg_kernel(%arg0: i32, %arg1: i32, %arg2: memref<10000x128xf32, #tpu.memory_space<hbm>>, %arg3: memref<32x160x2x128xi32, #tpu.memory_space<hbm>>, %arg4: memref<2x10000x128xf32, #tpu.memory_space<hbm>>, %arg5: memref<10240x128xf32, #tpu.memory_space<vmem_shared>>, %arg6: memref<4x2x128xi32, #tpu.memory_space<vmem>>, %arg7: memref<128x128xf32, #tpu.memory_space<vmem>>, %arg8: memref<!tpu.dma_semaphore, #tpu.memory_space<semaphore_mem>>) attributes {dimension_semantics = [#tpu.dimension_semantics<core_parallel>, #tpu.dimension_semantics<subcore_parallel>], iteration_bounds = array<i64: 2, 16>, scalar_prefetch = 0 : i64, scratch_operands = 4 : i64, tpu.core_type = #tpu.core_type<sc_vector_subcore>, window_params = [{transform_indices = #map}, {transform_indices = #map1}, {transform_indices = #map2}]} {
    %mul3A = arith.constant 16 : i32
    %mul3A_0 = arith.muli %arg0, %mul3A : i32
    %add3A = arith.addi %mul3A_0, %arg1 : i32
    %scan3A = arith.constant 0 : i32
    %scan3A_1 = arith.constant 0 : i32
    %scan3A_2 = arith.constant 128 : i32
    %scan3A_3 = arith.addi %scan3A_1, %scan3A_2 : i32
    %scan3A_4 = arith.constant 1 : i32
    %scan3A_5 = scf.for %scan3A_41 = %scan3A_1 to %scan3A_3 step %scan3A_4 iter_args(%scan3A_42 = %scan3A) -> (i32)  : i32 {
      %broadcast_in_dim3A = arith.constant 0.000000e+00 : f32
      %broadcast_in_dim3A_43 = vector.broadcast %broadcast_in_dim3A : f32 to vector<16xf32>
      %swap3A = arith.index_cast %scan3A_41 : i32 to index
      %swap3A_44 = arith.constant 0 : index
      %swap3A_45 = tpu.vector_load %arg7[%swap3A, %swap3A_44] {strides = array<i32>} : memref<128x128xf32, #tpu.memory_space<vmem>>, vector<1x16xf32>,
      %swap3A_46 = vector.shape_cast %swap3A_45 : vector<1x16xf32> to vector<16xf32>
      %swap3A_47 = vector.shape_cast %broadcast_in_dim3A_43 : vector<16xf32> to vector<1x16xf32>
      tpu.vector_store %arg7[%swap3A, %swap3A_44], %swap3A_47 {strides = array<i32>} : memref<128x128xf32, #tpu.memory_space<vmem>>, vector<1x16xf32>,
      %broadcast_in_dim3A_48 = arith.constant 0.000000e+00 : f32
      %broadcast_in_dim3A_49 = vector.broadcast %broadcast_in_dim3A_48 : f32 to vector<16xf32>
      %swap3A_50 = arith.index_cast %scan3A_41 : i32 to index
      %swap3A_51 = arith.constant 16 : index
      %swap3A_52 = tpu.vector_load %arg7[%swap3A_50, %swap3A_51] {strides = array<i32>} : memref<128x128xf32, #tpu.memory_space<vmem>>, vector<1x16xf32>,
      %swap3A_53 = vector.shape_cast %swap3A_52 : vector<1x16xf32> to vector<16xf32>
      %swap3A_54 = vector.shape_cast %broadcast_in_dim3A_49 : vector<16xf32> to vector<1x16xf32>
      tpu.vector_store %arg7[%swap3A_50, %swap3A_51], %swap3A_54 {strides = array<i32>} : memref<128x128xf32, #tpu.memory_space<vmem>>, vector<1x16xf32>,
      %broadcast_in_dim3A_55 = arith.constant 0.000000e+00 : f32
      %broadcast_in_dim3A_56 = vector.broadcast %broadcast_in_dim3A_55 : f32 to vector<16xf32>
      %swap3A_57 = arith.index_cast %scan3A_41 : i32 to index
      %swap3A_58 = arith.constant 32 : index
      %swap3A_59 = tpu.vector_load %arg7[%swap3A_57, %swap3A_58] {strides = array<i32>} : memref<128x128xf32, #tpu.memory_space<vmem>>, vector<1x16xf32>,
      %swap3A_60 = vector.shape_cast %swap3A_59 : vector<1x16xf32> to vector<16xf32>
      %swap3A_61 = vector.shape_cast %broadcast_in_dim3A_56 : vector<16xf32> to vector<1x16xf32>
      tpu.vector_store %arg7[%swap3A_57, %swap3A_58], %swap3A_61 {strides = array<i32>} : memref<128x128xf32, #tpu.memory_space<vmem>>, vector<1x16xf32>,
      %broadcast_in_dim3A_62 = arith.constant 0.000000e+00 : f32
      %broadcast_in_dim3A_63 = vector.broadcast %broadcast_in_dim3A_62 : f32 to vector<16xf32>
      %swap3A_64 = arith.index_cast %scan3A_41 : i32 to index
      %swap3A_65 = arith.constant 48 : index
      %swap3A_66 = tpu.vector_load %arg7[%swap3A_64, %swap3A_65] {strides = array<i32>} : memref<128x128xf32, #tpu.memory_space<vmem>>, vector<1x16xf32>,
      %swap3A_67 = vector.shape_cast %swap3A_66 : vector<1x16xf32> to vector<16xf32>
      %swap3A_68 = vector.shape_cast %broadcast_in_dim3A_63 : vector<16xf32> to vector<1x16xf32>
      tpu.vector_store %arg7[%swap3A_64, %swap3A_65], %swap3A_68 {strides = array<i32>} : memref<128x128xf32, #tpu.memory_space<vmem>>, vector<1x16xf32>,
      %broadcast_in_dim3A_69 = arith.constant 0.000000e+00 : f32
      %broadcast_in_dim3A_70 = vector.broadcast %broadcast_in_dim3A_69 : f32 to vector<16xf32>
      %swap3A_71 = arith.index_cast %scan3A_41 : i32 to index
      %swap3A_72 = arith.constant 64 : index
      %swap3A_73 = tpu.vector_load %arg7[%swap3A_71, %swap3A_72] {strides = array<i32>} : memref<128x128xf32, #tpu.memory_space<vmem>>, vector<1x16xf32>,
      %swap3A_74 = vector.shape_cast %swap3A_73 : vector<1x16xf32> to vector<16xf32>
      %swap3A_75 = vector.shape_cast %broadcast_in_dim3A_70 : vector<16xf32> to vector<1x16xf32>
      tpu.vector_store %arg7[%swap3A_71, %swap3A_72], %swap3A_75 {strides = array<i32>} : memref<128x128xf32, #tpu.memory_space<vmem>>, vector<1x16xf32>,
      %broadcast_in_dim3A_76 = arith.constant 0.000000e+00 : f32
      %broadcast_in_dim3A_77 = vector.broadcast %broadcast_in_dim3A_76 : f32 to vector<16xf32>
      %swap3A_78 = arith.index_cast %scan3A_41 : i32 to index
      %swap3A_79 = arith.constant 80 : index
      %swap3A_80 = tpu.vector_load %arg7[%swap3A_78, %swap3A_79] {strides = array<i32>} : memref<128x128xf32, #tpu.memory_space<vmem>>, vector<1x16xf32>,
      %swap3A_81 = vector.shape_cast %swap3A_80 : vector<1x16xf32> to vector<16xf32>
      %swap3A_82 = vector.shape_cast %broadcast_in_dim3A_77 : vector<16xf32> to vector<1x16xf32>
      tpu.vector_store %arg7[%swap3A_78, %swap3A_79], %swap3A_82 {strides = array<i32>} : memref<128x128xf32, #tpu.memory_space<vmem>>, vector<1x16xf32>,
      %broadcast_in_dim3A_83 = arith.constant 0.000000e+00 : f32
      %broadcast_in_dim3A_84 = vector.broadcast %broadcast_in_dim3A_83 : f32 to vector<16xf32>
      %swap3A_85 = arith.index_cast %scan3A_41 : i32 to index
      %swap3A_86 = arith.constant 96 : index
      %swap3A_87 = tpu.vector_load %arg7[%swap3A_85, %swap3A_86] {strides = array<i32>} : memref<128x128xf32, #tpu.memory_space<vmem>>, vector<1x16xf32>,
      %swap3A_88 = vector.shape_cast %swap3A_87 : vector<1x16xf32> to vector<16xf32>
      %swap3A_89 = vector.shape_cast %broadcast_in_dim3A_84 : vector<16xf32> to vector<1x16xf32>
      tpu.vector_store %arg7[%swap3A_85, %swap3A_86], %swap3A_89 {strides = array<i32>} : memref<128x128xf32, #tpu.memory_space<vmem>>, vector<1x16xf32>,
      %broadcast_in_dim3A_90 = arith.constant 0.000000e+00 : f32
      %broadcast_in_dim3A_91 = vector.broadcast %broadcast_in_dim3A_90 : f32 to vector<16xf32>
      %swap3A_92 = arith.index_cast %scan3A_41 : i32 to index
      %swap3A_93 = arith.constant 112 : index
      %swap3A_94 = tpu.vector_load %arg7[%swap3A_92, %swap3A_93] {strides = array<i32>} : memref<128x128xf32, #tpu.memory_space<vmem>>, vector<1x16xf32>,
      %swap3A_95 = vector.shape_cast %swap3A_94 : vector<1x16xf32> to vector<16xf32>
      %swap3A_96 = vector.shape_cast %broadcast_in_dim3A_91 : vector<16xf32> to vector<1x16xf32>
      tpu.vector_store %arg7[%swap3A_92, %swap3A_93], %swap3A_96 {strides = array<i32>} : memref<128x128xf32, #tpu.memory_space<vmem>>, vector<1x16xf32>,
      %scan3A_97 = arith.constant 0 : i32
      scf.yield %scan3A_97 : i32
    }
    %scan3A_6 = arith.constant 128 : i32
    %mul3A_7 = arith.constant 640 : i32
    %mul3A_8 = arith.muli %arg1, %mul3A_7 : i32
    %add3A_9 = arith.constant 0 : i32
    %add3A_10 = arith.addi %mul3A_8, %add3A_9 : i32
    "tpu.region"() ({
      %run_scoped3A = tpu.sem_alloc : memref<!tpu.dma_semaphore, #tpu.memory_space<semaphore_mem>>
      %dma_start3A = arith.constant 0 : i32
      %dma_start3A_41 = tpu.memref_slice %arg5[%add3A_10, %dma_start3A] : memref<10240x128xf32, #tpu.memory_space<vmem_shared>> -> memref<128x128xf32, #tpu.memory_space<vmem_shared>>
      %dma_start3A_42 = arith.constant 0 : i32
      %dma_start3A_43 = tpu.memref_slice %arg5[%add3A_10, %dma_start3A_42] : memref<10240x128xf32, #tpu.memory_space<vmem_shared>> -> memref<128x128xf32, #tpu.memory_space<vmem_shared>>
      tpu.enqueue_dma source(%arg7 : memref<128x128xf32, #tpu.memory_space<vmem>>) target(%dma_start3A_43 : memref<128x128xf32, #tpu.memory_space<vmem_shared>>) target_semaphore(%run_scoped3A : memref<!tpu.dma_semaphore, #tpu.memory_space<semaphore_mem>>)
      %dma_wait3A = arith.constant 0 : i32
      %dma_wait3A_44 = tpu.memref_slice %arg5[%add3A_10, %dma_wait3A] : memref<10240x128xf32, #tpu.memory_space<vmem_shared>> -> memref<128x128xf32, #tpu.memory_space<vmem_shared>>
      %dma_wait3A_45 = arith.constant 0 : i32
      %dma_wait3A_46 = tpu.memref_slice %arg5[%add3A_10, %dma_wait3A_45] : memref<10240x128xf32, #tpu.memory_space<vmem_shared>> -> memref<128x128xf32, #tpu.memory_space<vmem_shared>>
      tpu.wait_dma2 semaphore(%run_scoped3A : memref<!tpu.dma_semaphore, #tpu.memory_space<semaphore_mem>>) src(%arg7 : memref<128x128xf32, #tpu.memory_space<vmem>>) dst(%dma_wait3A_46 : memref<128x128xf32, #tpu.memory_space<vmem_shared>>)
      tpu.yield
    }) : () -> ()
    %mul3A_11 = arith.constant 640 : i32
    %mul3A_12 = arith.muli %arg1, %mul3A_11 : i32
    %add3A_13 = arith.constant 128 : i32
    %add3A_14 = arith.addi %mul3A_12, %add3A_13 : i32
    "tpu.region"() ({
      %run_scoped3A = tpu.sem_alloc : memref<!tpu.dma_semaphore, #tpu.memory_space<semaphore_mem>>
      %dma_start3A = arith.constant 0 : i32
      %dma_start3A_41 = tpu.memref_slice %arg5[%add3A_14, %dma_start3A] : memref<10240x128xf32, #tpu.memory_space<vmem_shared>> -> memref<128x128xf32, #tpu.memory_space<vmem_shared>>
      %dma_start3A_42 = arith.constant 0 : i32
      %dma_start3A_43 = tpu.memref_slice %arg5[%add3A_14, %dma_start3A_42] : memref<10240x128xf32, #tpu.memory_space<vmem_shared>> -> memref<128x128xf32, #tpu.memory_space<vmem_shared>>
      tpu.enqueue_dma source(%arg7 : memref<128x128xf32, #tpu.memory_space<vmem>>) target(%dma_start3A_43 : memref<128x128xf32, #tpu.memory_space<vmem_shared>>) target_semaphore(%run_scoped3A : memref<!tpu.dma_semaphore, #tpu.memory_space<semaphore_mem>>)
      %dma_wait3A = arith.constant 0 : i32
      %dma_wait3A_44 = tpu.memref_slice %arg5[%add3A_14, %dma_wait3A] : memref<10240x128xf32, #tpu.memory_space<vmem_shared>> -> memref<128x128xf32, #tpu.memory_space<vmem_shared>>
      %dma_wait3A_45 = arith.constant 0 : i32
      %dma_wait3A_46 = tpu.memref_slice %arg5[%add3A_14, %dma_wait3A_45] : memref<10240x128xf32, #tpu.memory_space<vmem_shared>> -> memref<128x128xf32, #tpu.memory_space<vmem_shared>>
      tpu.wait_dma2 semaphore(%run_scoped3A : memref<!tpu.dma_semaphore, #tpu.memory_space<semaphore_mem>>) src(%arg7 : memref<128x128xf32, #tpu.memory_space<vmem>>) dst(%dma_wait3A_46 : memref<128x128xf32, #tpu.memory_space<vmem_shared>>)
      tpu.yield
    }) : () -> ()
    %mul3A_15 = arith.constant 640 : i32
    %mul3A_16 = arith.muli %arg1, %mul3A_15 : i32
    %add3A_17 = arith.constant 256 : i32
    %add3A_18 = arith.addi %mul3A_16, %add3A_17 : i32
    "tpu.region"() ({
      %run_scoped3A = tpu.sem_alloc : memref<!tpu.dma_semaphore, #tpu.memory_space<semaphore_mem>>
      %dma_start3A = arith.constant 0 : i32
      %dma_start3A_41 = tpu.memref_slice %arg5[%add3A_18, %dma_start3A] : memref<10240x128xf32, #tpu.memory_space<vmem_shared>> -> memref<128x128xf32, #tpu.memory_space<vmem_shared>>
      %dma_start3A_42 = arith.constant 0 : i32
      %dma_start3A_43 = tpu.memref_slice %arg5[%add3A_18, %dma_start3A_42] : memref<10240x128xf32, #tpu.memory_space<vmem_shared>> -> memref<128x128xf32, #tpu.memory_space<vmem_shared>>
      tpu.enqueue_dma source(%arg7 : memref<128x128xf32, #tpu.memory_space<vmem>>) target(%dma_start3A_43 : memref<128x128xf32, #tpu.memory_space<vmem_shared>>) target_semaphore(%run_scoped3A : memref<!tpu.dma_semaphore, #tpu.memory_space<semaphore_mem>>)
      %dma_wait3A = arith.constant 0 : i32
      %dma_wait3A_44 = tpu.memref_slice %arg5[%add3A_18, %dma_wait3A] : memref<10240x128xf32, #tpu.memory_space<vmem_shared>> -> memref<128x128xf32, #tpu.memory_space<vmem_shared>>
      %dma_wait3A_45 = arith.constant 0 : i32
      %dma_wait3A_46 = tpu.memref_slice %arg5[%add3A_18, %dma_wait3A_45] : memref<10240x128xf32, #tpu.memory_space<vmem_shared>> -> memref<128x128xf32, #tpu.memory_space<vmem_shared>>
      tpu.wait_dma2 semaphore(%run_scoped3A : memref<!tpu.dma_semaphore, #tpu.memory_space<semaphore_mem>>) src(%arg7 : memref<128x128xf32, #tpu.memory_space<vmem>>) dst(%dma_wait3A_46 : memref<128x128xf32, #tpu.memory_space<vmem_shared>>)
      tpu.yield
    }) : () -> ()
    %mul3A_19 = arith.constant 640 : i32
    %mul3A_20 = arith.muli %arg1, %mul3A_19 : i32
    %add3A_21 = arith.constant 384 : i32
    %add3A_22 = arith.addi %mul3A_20, %add3A_21 : i32
    "tpu.region"() ({
      %run_scoped3A = tpu.sem_alloc : memref<!tpu.dma_semaphore, #tpu.memory_space<semaphore_mem>>
      %dma_start3A = arith.constant 0 : i32
      %dma_start3A_41 = tpu.memref_slice %arg5[%add3A_22, %dma_start3A] : memref<10240x128xf32, #tpu.memory_space<vmem_shared>> -> memref<128x128xf32, #tpu.memory_space<vmem_shared>>
      %dma_start3A_42 = arith.constant 0 : i32
      %dma_start3A_43 = tpu.memref_slice %arg5[%add3A_22, %dma_start3A_42] : memref<10240x128xf32, #tpu.memory_space<vmem_shared>> -> memref<128x128xf32, #tpu.memory_space<vmem_shared>>
      tpu.enqueue_dma source(%arg7 : memref<128x128xf32, #tpu.memory_space<vmem>>) target(%dma_start3A_43 : memref<128x128xf32, #tpu.memory_space<vmem_shared>>) target_semaphore(%run_scoped3A : memref<!tpu.dma_semaphore, #tpu.memory_space<semaphore_mem>>)
      %dma_wait3A = arith.constant 0 : i32
      %dma_wait3A_44 = tpu.memref_slice %arg5[%add3A_22, %dma_wait3A] : memref<10240x128xf32, #tpu.memory_space<vmem_shared>> -> memref<128x128xf32, #tpu.memory_space<vmem_shared>>
      %dma_wait3A_45 = arith.constant 0 : i32
      %dma_wait3A_46 = tpu.memref_slice %arg5[%add3A_22, %dma_wait3A_45] : memref<10240x128xf32, #tpu.memory_space<vmem_shared>> -> memref<128x128xf32, #tpu.memory_space<vmem_shared>>
      tpu.wait_dma2 semaphore(%run_scoped3A : memref<!tpu.dma_semaphore, #tpu.memory_space<semaphore_mem>>) src(%arg7 : memref<128x128xf32, #tpu.memory_space<vmem>>) dst(%dma_wait3A_46 : memref<128x128xf32, #tpu.memory_space<vmem_shared>>)
      tpu.yield
    }) : () -> ()
    %mul3A_23 = arith.constant 640 : i32
    %mul3A_24 = arith.muli %arg1, %mul3A_23 : i32
    %add3A_25 = arith.constant 512 : i32
    %add3A_26 = arith.addi %mul3A_24, %add3A_25 : i32
    "tpu.region"() ({
      %run_scoped3A = tpu.sem_alloc : memref<!tpu.dma_semaphore, #tpu.memory_space<semaphore_mem>>
      %dma_start3A = arith.constant 0 : i32
      %dma_start3A_41 = tpu.memref_slice %arg5[%add3A_26, %dma_start3A] : memref<10240x128xf32, #tpu.memory_space<vmem_shared>> -> memref<128x128xf32, #tpu.memory_space<vmem_shared>>
      %dma_start3A_42 = arith.constant 0 : i32
      %dma_start3A_43 = tpu.memref_slice %arg5[%add3A_26, %dma_start3A_42] : memref<10240x128xf32, #tpu.memory_space<vmem_shared>> -> memref<128x128xf32, #tpu.memory_space<vmem_shared>>
      tpu.enqueue_dma source(%arg7 : memref<128x128xf32, #tpu.memory_space<vmem>>) target(%dma_start3A_43 : memref<128x128xf32, #tpu.memory_space<vmem_shared>>) target_semaphore(%run_scoped3A : memref<!tpu.dma_semaphore, #tpu.memory_space<semaphore_mem>>)
      %dma_wait3A = arith.constant 0 : i32
      %dma_wait3A_44 = tpu.memref_slice %arg5[%add3A_26, %dma_wait3A] : memref<10240x128xf32, #tpu.memory_space<vmem_shared>> -> memref<128x128xf32, #tpu.memory_space<vmem_shared>>
      %dma_wait3A_45 = arith.constant 0 : i32
      %dma_wait3A_46 = tpu.memref_slice %arg5[%add3A_26, %dma_wait3A_45] : memref<10240x128xf32, #tpu.memory_space<vmem_shared>> -> memref<128x128xf32, #tpu.memory_space<vmem_shared>>
      tpu.wait_dma2 semaphore(%run_scoped3A : memref<!tpu.dma_semaphore, #tpu.memory_space<semaphore_mem>>) src(%arg7 : memref<128x128xf32, #tpu.memory_space<vmem>>) dst(%dma_wait3A_46 : memref<128x128xf32, #tpu.memory_space<vmem_shared>>)
      tpu.yield
    }) : () -> ()
    %barrier3A = arith.constant 0 : index
    tpu.barrier barrier_id(%barrier3A)
    %scan3A_27 = arith.constant 0 : i32
    %scan3A_28 = arith.constant 0 : i32
    %scan3A_29 = arith.constant 40 : i32
    %scan3A_30 = arith.addi %scan3A_28, %scan3A_29 : i32
    %scan3A_31 = arith.constant 1 : i32
    %scan3A_32 = scf.for %scan3A_41 = %scan3A_28 to %scan3A_30 step %scan3A_31 iter_args(%scan3A_42 = %scan3A_27) -> (i32)  : i32 {
      %mul3A_43 = arith.constant 4 : i32
      %mul3A_44 = arith.muli %scan3A_41, %mul3A_43 : i32
      "tpu.region"() ({
        %run_scoped3A_115 = tpu.sem_alloc : memref<!tpu.dma_semaphore, #tpu.memory_space<semaphore_mem>>
        %dma_start3A_116 = arith.constant 0 : i32
        %dma_start3A_117 = arith.constant 0 : i32
        %dma_start3A_118 = tpu.memref_slice %arg3[%add3A, %mul3A_44, %dma_start3A_116, %dma_start3A_117] : memref<32x160x2x128xi32, #tpu.memory_space<hbm>> -> memref<1x4x2x128xi32, #tpu.memory_space<hbm>>
        %dma_start3A_119 = tpu.memref_squeeze %dma_start3A_118 : memref<1x4x2x128xi32, #tpu.memory_space<hbm>> -> memref<4x2x128xi32, #tpu.memory_space<hbm>>
        %dma_start3A_120 = arith.constant 0 : i32
        %dma_start3A_121 = arith.constant 0 : i32
        %dma_start3A_122 = tpu.memref_slice %arg3[%add3A, %mul3A_44, %dma_start3A_120, %dma_start3A_121] : memref<32x160x2x128xi32, #tpu.memory_space<hbm>> -> memref<1x4x2x128xi32, #tpu.memory_space<hbm>>
        %dma_start3A_123 = tpu.memref_squeeze %dma_start3A_122 : memref<1x4x2x128xi32, #tpu.memory_space<hbm>> -> memref<4x2x128xi32, #tpu.memory_space<hbm>>
        tpu.enqueue_dma source(%dma_start3A_123 : memref<4x2x128xi32, #tpu.memory_space<hbm>>) target(%arg6 : memref<4x2x128xi32, #tpu.memory_space<vmem>>) target_semaphore(%run_scoped3A_115 : memref<!tpu.dma_semaphore, #tpu.memory_space<semaphore_mem>>)
        %dma_wait3A_124 = arith.constant 0 : i32
        %dma_wait3A_125 = arith.constant 0 : i32
        %dma_wait3A_126 = tpu.memref_slice %arg3[%add3A, %mul3A_44, %dma_wait3A_124, %dma_wait3A_125] : memref<32x160x2x128xi32, #tpu.memory_space<hbm>> -> memref<1x4x2x128xi32, #tpu.memory_space<hbm>>
        %dma_wait3A_127 = tpu.memref_squeeze %dma_wait3A_126 : memref<1x4x2x128xi32, #tpu.memory_space<hbm>> -> memref<4x2x128xi32, #tpu.memory_space<hbm>>
        %dma_wait3A_128 = arith.constant 0 : i32
        %dma_wait3A_129 = arith.constant 0 : i32
        %dma_wait3A_130 = tpu.memref_slice %arg3[%add3A, %mul3A_44, %dma_wait3A_128, %dma_wait3A_129] : memref<32x160x2x128xi32, #tpu.memory_space<hbm>> -> memref<1x4x2x128xi32, #tpu.memory_space<hbm>>
        %dma_wait3A_131 = tpu.memref_squeeze %dma_wait3A_130 : memref<1x4x2x128xi32, #tpu.memory_space<hbm>> -> memref<4x2x128xi32, #tpu.memory_space<hbm>>
        tpu.wait_dma2 semaphore(%run_scoped3A_115 : memref<!tpu.dma_semaphore, #tpu.memory_space<semaphore_mem>>) src(%dma_wait3A_131 : memref<4x2x128xi32, #tpu.memory_space<hbm>>) dst(%arg6 : memref<4x2x128xi32, #tpu.memory_space<vmem>>)
        tpu.yield
      }) : () -> ()
      %dma_start3A = arith.constant 0 : i32
      %dma_start3A_45 = arith.constant 0 : i32
      %dma_start3A_46 = arith.constant 0 : i32
      %dma_start3A_47 = tpu.memref_slice %arg6[%dma_start3A, %dma_start3A_45, %dma_start3A_46] : memref<4x2x128xi32, #tpu.memory_space<vmem>> -> memref<1x1x128xi32, #tpu.memory_space<vmem>>
      %dma_start3A_48 = tpu.memref_squeeze %dma_start3A_47 : memref<1x1x128xi32, #tpu.memory_space<vmem>> -> memref<128xi32, #tpu.memory_space<vmem>>
      %dma_start3A_49 = arith.constant 0 : i32
      %dma_start3A_50 = arith.constant 0 : i32
      %dma_start3A_51 = tpu.memref_slice %arg2[%dma_start3A_49, %dma_start3A_50] : memref<10000x128xf32, #tpu.memory_space<hbm>> -> memref<10000x128xf32, #tpu.memory_space<hbm>>
      tpu.enqueue_indirect_dma source(%dma_start3A_51 : memref<10000x128xf32, #tpu.memory_space<hbm>>) target(%arg7 : memref<128x128xf32, #tpu.memory_space<vmem>>) offsets(%dma_start3A_48 : memref<128xi32, #tpu.memory_space<vmem>>) semaphore(%arg8 : memref<!tpu.dma_semaphore, #tpu.memory_space<semaphore_mem>>)
      %dma_wait3A = arith.constant 0 : i32
      %dma_wait3A_52 = arith.constant 0 : i32
      %dma_wait3A_53 = arith.constant 0 : i32
      %dma_wait3A_54 = tpu.memref_slice %arg6[%dma_wait3A, %dma_wait3A_52, %dma_wait3A_53] : memref<4x2x128xi32, #tpu.memory_space<vmem>> -> memref<1x1x128xi32, #tpu.memory_space<vmem>>
      %dma_wait3A_55 = tpu.memref_squeeze %dma_wait3A_54 : memref<1x1x128xi32, #tpu.memory_space<vmem>> -> memref<128xi32, #tpu.memory_space<vmem>>
      %dma_wait3A_56 = arith.constant 0 : i32
      %dma_wait3A_57 = arith.constant 0 : i32
      %dma_wait3A_58 = tpu.memref_slice %arg2[%dma_wait3A_56, %dma_wait3A_57] : memref<10000x128xf32, #tpu.memory_space<hbm>> -> memref<10000x128xf32, #tpu.memory_space<hbm>>
      tpu.wait_indirect_dma semaphore(%arg8 : memref<!tpu.dma_semaphore, #tpu.memory_space<semaphore_mem>>) src(%dma_wait3A_58 : memref<10000x128xf32, #tpu.memory_space<hbm>>) dst(%arg7 : memref<128x128xf32, #tpu.memory_space<vmem>>)
      %run_scoped3A = arith.constant 0 : i32
      %run_scoped3A_59 = arith.constant 1 : i32
      "tpu.region"() ({
        %run_scoped3A_115 = tpu.sem_alloc : memref<!tpu.dma_semaphore, #tpu.memory_space<semaphore_mem>>
        %dma_start3A_116 = arith.constant 0 : i32
        %dma_start3A_117 = tpu.memref_slice %arg6[%run_scoped3A, %run_scoped3A_59, %dma_start3A_116] : memref<4x2x128xi32, #tpu.memory_space<vmem>> -> memref<1x1x128xi32, #tpu.memory_space<vmem>>
        %dma_start3A_118 = tpu.memref_squeeze %dma_start3A_117 : memref<1x1x128xi32, #tpu.memory_space<vmem>> -> memref<128xi32, #tpu.memory_space<vmem>>
        %dma_start3A_119 = arith.constant 0 : i32
        %dma_start3A_120 = arith.constant 0 : i32
        %dma_start3A_121 = tpu.memref_slice %arg5[%dma_start3A_119, %dma_start3A_120] : memref<10240x128xf32, #tpu.memory_space<vmem_shared>> -> memref<10240x128xf32, #tpu.memory_space<vmem_shared>>
        tpu.enqueue_indirect_dma source(%arg7 : memref<128x128xf32, #tpu.memory_space<vmem>>) target(%dma_start3A_121 : memref<10240x128xf32, #tpu.memory_space<vmem_shared>>) offsets(%dma_start3A_118 : memref<128xi32, #tpu.memory_space<vmem>>) semaphore(%run_scoped3A_115 : memref<!tpu.dma_semaphore, #tpu.memory_space<semaphore_mem>>) {add = true}
        %dma_wait3A_122 = arith.constant 0 : i32
        %dma_wait3A_123 = tpu.memref_slice %arg6[%run_scoped3A, %run_scoped3A_59, %dma_wait3A_122] : memref<4x2x128xi32, #tpu.memory_space<vmem>> -> memref<1x1x128xi32, #tpu.memory_space<vmem>>
        %dma_wait3A_124 = tpu.memref_squeeze %dma_wait3A_123 : memref<1x1x128xi32, #tpu.memory_space<vmem>> -> memref<128xi32, #tpu.memory_space<vmem>>
        %dma_wait3A_125 = arith.constant 0 : i32
        %dma_wait3A_126 = arith.constant 0 : i32
        %dma_wait3A_127 = tpu.memref_slice %arg5[%dma_wait3A_125, %dma_wait3A_126] : memref<10240x128xf32, #tpu.memory_space<vmem_shared>> -> memref<10240x128xf32, #tpu.memory_space<vmem_shared>>
        tpu.wait_indirect_dma semaphore(%run_scoped3A_115 : memref<!tpu.dma_semaphore, #tpu.memory_space<semaphore_mem>>) src(%arg7 : memref<128x128xf32, #tpu.memory_space<vmem>>) dst(%dma_wait3A_127 : memref<10240x128xf32, #tpu.memory_space<vmem_shared>>)
        tpu.yield
      }) : () -> ()
      %dma_start3A_60 = arith.constant 1 : i32
      %dma_start3A_61 = arith.constant 0 : i32
      %dma_start3A_62 = arith.constant 0 : i32
      %dma_start3A_63 = tpu.memref_slice %arg6[%dma_start3A_60, %dma_start3A_61, %dma_start3A_62] : memref<4x2x128xi32, #tpu.memory_space<vmem>> -> memref<1x1x128xi32, #tpu.memory_space<vmem>>
      %dma_start3A_64 = tpu.memref_squeeze %dma_start3A_63 : memref<1x1x128xi32, #tpu.memory_space<vmem>> -> memref<128xi32, #tpu.memory_space<vmem>>
      %dma_start3A_65 = arith.constant 0 : i32
      %dma_start3A_66 = arith.constant 0 : i32
      %dma_start3A_67 = tpu.memref_slice %arg2[%dma_start3A_65, %dma_start3A_66] : memref<10000x128xf32, #tpu.memory_space<hbm>> -> memref<10000x128xf32, #tpu.memory_space<hbm>>
      tpu.enqueue_indirect_dma source(%dma_start3A_67 : memref<10000x128xf32, #tpu.memory_space<hbm>>) target(%arg7 : memref<128x128xf32, #tpu.memory_space<vmem>>) offsets(%dma_start3A_64 : memref<128xi32, #tpu.memory_space<vmem>>) semaphore(%arg8 : memref<!tpu.dma_semaphore, #tpu.memory_space<semaphore_mem>>)
      %dma_wait3A_68 = arith.constant 1 : i32
      %dma_wait3A_69 = arith.constant 0 : i32
      %dma_wait3A_70 = arith.constant 0 : i32
      %dma_wait3A_71 = tpu.memref_slice %arg6[%dma_wait3A_68, %dma_wait3A_69, %dma_wait3A_70] : memref<4x2x128xi32, #tpu.memory_space<vmem>> -> memref<1x1x128xi32, #tpu.memory_space<vmem>>
      %dma_wait3A_72 = tpu.memref_squeeze %dma_wait3A_71 : memref<1x1x128xi32, #tpu.memory_space<vmem>> -> memref<128xi32, #tpu.memory_space<vmem>>
      %dma_wait3A_73 = arith.constant 0 : i32
      %dma_wait3A_74 = arith.constant 0 : i32
      %dma_wait3A_75 = tpu.memref_slice %arg2[%dma_wait3A_73, %dma_wait3A_74] : memref<10000x128xf32, #tpu.memory_space<hbm>> -> memref<10000x128xf32, #tpu.memory_space<hbm>>
      tpu.wait_indirect_dma semaphore(%arg8 : memref<!tpu.dma_semaphore, #tpu.memory_space<semaphore_mem>>) src(%dma_wait3A_75 : memref<10000x128xf32, #tpu.memory_space<hbm>>) dst(%arg7 : memref<128x128xf32, #tpu.memory_space<vmem>>)
      %run_scoped3A_76 = arith.constant 1 : i32
      %run_scoped3A_77 = arith.constant 1 : i32
      "tpu.region"() ({
        %run_scoped3A_115 = tpu.sem_alloc : memref<!tpu.dma_semaphore, #tpu.memory_space<semaphore_mem>>
        %dma_start3A_116 = arith.constant 0 : i32
        %dma_start3A_117 = tpu.memref_slice %arg6[%run_scoped3A_76, %run_scoped3A_77, %dma_start3A_116] : memref<4x2x128xi32, #tpu.memory_space<vmem>> -> memref<1x1x128xi32, #tpu.memory_space<vmem>>
        %dma_start3A_118 = tpu.memref_squeeze %dma_start3A_117 : memref<1x1x128xi32, #tpu.memory_space<vmem>> -> memref<128xi32, #tpu.memory_space<vmem>>
        %dma_start3A_119 = arith.constant 0 : i32
        %dma_start3A_120 = arith.constant 0 : i32
        %dma_start3A_121 = tpu.memref_slice %arg5[%dma_start3A_119, %dma_start3A_120] : memref<10240x128xf32, #tpu.memory_space<vmem_shared>> -> memref<10240x128xf32, #tpu.memory_space<vmem_shared>>
        tpu.enqueue_indirect_dma source(%arg7 : memref<128x128xf32, #tpu.memory_space<vmem>>) target(%dma_start3A_121 : memref<10240x128xf32, #tpu.memory_space<vmem_shared>>) offsets(%dma_start3A_118 : memref<128xi32, #tpu.memory_space<vmem>>) semaphore(%run_scoped3A_115 : memref<!tpu.dma_semaphore, #tpu.memory_space<semaphore_mem>>) {add = true}
        %dma_wait3A_122 = arith.constant 0 : i32
        %dma_wait3A_123 = tpu.memref_slice %arg6[%run_scoped3A_76, %run_scoped3A_77, %dma_wait3A_122] : memref<4x2x128xi32, #tpu.memory_space<vmem>> -> memref<1x1x128xi32, #tpu.memory_space<vmem>>
        %dma_wait3A_124 = tpu.memref_squeeze %dma_wait3A_123 : memref<1x1x128xi32, #tpu.memory_space<vmem>> -> memref<128xi32, #tpu.memory_space<vmem>>
        %dma_wait3A_125 = arith.constant 0 : i32
        %dma_wait3A_126 = arith.constant 0 : i32
        %dma_wait3A_127 = tpu.memref_slice %arg5[%dma_wait3A_125, %dma_wait3A_126] : memref<10240x128xf32, #tpu.memory_space<vmem_shared>> -> memref<10240x128xf32, #tpu.memory_space<vmem_shared>>
        tpu.wait_indirect_dma semaphore(%run_scoped3A_115 : memref<!tpu.dma_semaphore, #tpu.memory_space<semaphore_mem>>) src(%arg7 : memref<128x128xf32, #tpu.memory_space<vmem>>) dst(%dma_wait3A_127 : memref<10240x128xf32, #tpu.memory_space<vmem_shared>>)
        tpu.yield
      }) : () -> ()
      %dma_start3A_78 = arith.constant 2 : i32
      %dma_start3A_79 = arith.constant 0 : i32
      %dma_start3A_80 = arith.constant 0 : i32
      %dma_start3A_81 = tpu.memref_slice %arg6[%dma_start3A_78, %dma_start3A_79, %dma_start3A_80] : memref<4x2x128xi32, #tpu.memory_space<vmem>> -> memref<1x1x128xi32, #tpu.memory_space<vmem>>
      %dma_start3A_82 = tpu.memref_squeeze %dma_start3A_81 : memref<1x1x128xi32, #tpu.memory_space<vmem>> -> memref<128xi32, #tpu.memory_space<vmem>>
      %dma_start3A_83 = arith.constant 0 : i32
      %dma_start3A_84 = arith.constant 0 : i32
      %dma_start3A_85 = tpu.memref_slice %arg2[%dma_start3A_83, %dma_start3A_84] : memref<10000x128xf32, #tpu.memory_space<hbm>> -> memref<10000x128xf32, #tpu.memory_space<hbm>>
      tpu.enqueue_indirect_dma source(%dma_start3A_85 : memref<10000x128xf32, #tpu.memory_space<hbm>>) target(%arg7 : memref<128x128xf32, #tpu.memory_space<vmem>>) offsets(%dma_start3A_82 : memref<128xi32, #tpu.memory_space<vmem>>) semaphore(%arg8 : memref<!tpu.dma_semaphore, #tpu.memory_space<semaphore_mem>>)
      %dma_wait3A_86 = arith.constant 2 : i32
      %dma_wait3A_87 = arith.constant 0 : i32
      %dma_wait3A_88 = arith.constant 0 : i32
      %dma_wait3A_89 = tpu.memref_slice %arg6[%dma_wait3A_86, %dma_wait3A_87, %dma_wait3A_88] : memref<4x2x128xi32, #tpu.memory_space<vmem>> -> memref<1x1x128xi32, #tpu.memory_space<vmem>>
      %dma_wait3A_90 = tpu.memref_squeeze %dma_wait3A_89 : memref<1x1x128xi32, #tpu.memory_space<vmem>> -> memref<128xi32, #tpu.memory_space<vmem>>
      %dma_wait3A_91 = arith.constant 0 : i32
      %dma_wait3A_92 = arith.constant 0 : i32
      %dma_wait3A_93 = tpu.memref_slice %arg2[%dma_wait3A_91, %dma_wait3A_92] : memref<10000x128xf32, #tpu.memory_space<hbm>> -> memref<10000x128xf32, #tpu.memory_space<hbm>>
      tpu.wait_indirect_dma semaphore(%arg8 : memref<!tpu.dma_semaphore, #tpu.memory_space<semaphore_mem>>) src(%dma_wait3A_93 : memref<10000x128xf32, #tpu.memory_space<hbm>>) dst(%arg7 : memref<128x128xf32, #tpu.memory_space<vmem>>)
      %run_scoped3A_94 = arith.constant 2 : i32
      %run_scoped3A_95 = arith.constant 1 : i32
      "tpu.region"() ({
        %run_scoped3A_115 = tpu.sem_alloc : memref<!tpu.dma_semaphore, #tpu.memory_space<semaphore_mem>>
        %dma_start3A_116 = arith.constant 0 : i32
        %dma_start3A_117 = tpu.memref_slice %arg6[%run_scoped3A_94, %run_scoped3A_95, %dma_start3A_116] : memref<4x2x128xi32, #tpu.memory_space<vmem>> -> memref<1x1x128xi32, #tpu.memory_space<vmem>>
        %dma_start3A_118 = tpu.memref_squeeze %dma_start3A_117 : memref<1x1x128xi32, #tpu.memory_space<vmem>> -> memref<128xi32, #tpu.memory_space<vmem>>
        %dma_start3A_119 = arith.constant 0 : i32
        %dma_start3A_120 = arith.constant 0 : i32
        %dma_start3A_121 = tpu.memref_slice %arg5[%dma_start3A_119, %dma_start3A_120] : memref<10240x128xf32, #tpu.memory_space<vmem_shared>> -> memref<10240x128xf32, #tpu.memory_space<vmem_shared>>
        tpu.enqueue_indirect_dma source(%arg7 : memref<128x128xf32, #tpu.memory_space<vmem>>) target(%dma_start3A_121 : memref<10240x128xf32, #tpu.memory_space<vmem_shared>>) offsets(%dma_start3A_118 : memref<128xi32, #tpu.memory_space<vmem>>) semaphore(%run_scoped3A_115 : memref<!tpu.dma_semaphore, #tpu.memory_space<semaphore_mem>>) {add = true}
        %dma_wait3A_122 = arith.constant 0 : i32
        %dma_wait3A_123 = tpu.memref_slice %arg6[%run_scoped3A_94, %run_scoped3A_95, %dma_wait3A_122] : memref<4x2x128xi32, #tpu.memory_space<vmem>> -> memref<1x1x128xi32, #tpu.memory_space<vmem>>
        %dma_wait3A_124 = tpu.memref_squeeze %dma_wait3A_123 : memref<1x1x128xi32, #tpu.memory_space<vmem>> -> memref<128xi32, #tpu.memory_space<vmem>>
        %dma_wait3A_125 = arith.constant 0 : i32
        %dma_wait3A_126 = arith.constant 0 : i32
        %dma_wait3A_127 = tpu.memref_slice %arg5[%dma_wait3A_125, %dma_wait3A_126] : memref<10240x128xf32, #tpu.memory_space<vmem_shared>> -> memref<10240x128xf32, #tpu.memory_space<vmem_shared>>
        tpu.wait_indirect_dma semaphore(%run_scoped3A_115 : memref<!tpu.dma_semaphore, #tpu.memory_space<semaphore_mem>>) src(%arg7 : memref<128x128xf32, #tpu.memory_space<vmem>>) dst(%dma_wait3A_127 : memref<10240x128xf32, #tpu.memory_space<vmem_shared>>)
        tpu.yield
      }) : () -> ()
      %dma_start3A_96 = arith.constant 3 : i32
      %dma_start3A_97 = arith.constant 0 : i32
      %dma_start3A_98 = arith.constant 0 : i32
      %dma_start3A_99 = tpu.memref_slice %arg6[%dma_start3A_96, %dma_start3A_97, %dma_start3A_98] : memref<4x2x128xi32, #tpu.memory_space<vmem>> -> memref<1x1x128xi32, #tpu.memory_space<vmem>>
      %dma_start3A_100 = tpu.memref_squeeze %dma_start3A_99 : memref<1x1x128xi32, #tpu.memory_space<vmem>> -> memref<128xi32, #tpu.memory_space<vmem>>
      %dma_start3A_101 = arith.constant 0 : i32
      %dma_start3A_102 = arith.constant 0 : i32
      %dma_start3A_103 = tpu.memref_slice %arg2[%dma_start3A_101, %dma_start3A_102] : memref<10000x128xf32, #tpu.memory_space<hbm>> -> memref<10000x128xf32, #tpu.memory_space<hbm>>
      tpu.enqueue_indirect_dma source(%dma_start3A_103 : memref<10000x128xf32, #tpu.memory_space<hbm>>) target(%arg7 : memref<128x128xf32, #tpu.memory_space<vmem>>) offsets(%dma_start3A_100 : memref<128xi32, #tpu.memory_space<vmem>>) semaphore(%arg8 : memref<!tpu.dma_semaphore, #tpu.memory_space<semaphore_mem>>)
      %dma_wait3A_104 = arith.constant 3 : i32
      %dma_wait3A_105 = arith.constant 0 : i32
      %dma_wait3A_106 = arith.constant 0 : i32
      %dma_wait3A_107 = tpu.memref_slice %arg6[%dma_wait3A_104, %dma_wait3A_105, %dma_wait3A_106] : memref<4x2x128xi32, #tpu.memory_space<vmem>> -> memref<1x1x128xi32, #tpu.memory_space<vmem>>
      %dma_wait3A_108 = tpu.memref_squeeze %dma_wait3A_107 : memref<1x1x128xi32, #tpu.memory_space<vmem>> -> memref<128xi32, #tpu.memory_space<vmem>>
      %dma_wait3A_109 = arith.constant 0 : i32
      %dma_wait3A_110 = arith.constant 0 : i32
      %dma_wait3A_111 = tpu.memref_slice %arg2[%dma_wait3A_109, %dma_wait3A_110] : memref<10000x128xf32, #tpu.memory_space<hbm>> -> memref<10000x128xf32, #tpu.memory_space<hbm>>
      tpu.wait_indirect_dma semaphore(%arg8 : memref<!tpu.dma_semaphore, #tpu.memory_space<semaphore_mem>>) src(%dma_wait3A_111 : memref<10000x128xf32, #tpu.memory_space<hbm>>) dst(%arg7 : memref<128x128xf32, #tpu.memory_space<vmem>>)
      %run_scoped3A_112 = arith.constant 3 : i32
      %run_scoped3A_113 = arith.constant 1 : i32
      "tpu.region"() ({
        %run_scoped3A_115 = tpu.sem_alloc : memref<!tpu.dma_semaphore, #tpu.memory_space<semaphore_mem>>
        %dma_start3A_116 = arith.constant 0 : i32
        %dma_start3A_117 = tpu.memref_slice %arg6[%run_scoped3A_112, %run_scoped3A_113, %dma_start3A_116] : memref<4x2x128xi32, #tpu.memory_space<vmem>> -> memref<1x1x128xi32, #tpu.memory_space<vmem>>
        %dma_start3A_118 = tpu.memref_squeeze %dma_start3A_117 : memref<1x1x128xi32, #tpu.memory_space<vmem>> -> memref<128xi32, #tpu.memory_space<vmem>>
        %dma_start3A_119 = arith.constant 0 : i32
        %dma_start3A_120 = arith.constant 0 : i32
        %dma_start3A_121 = tpu.memref_slice %arg5[%dma_start3A_119, %dma_start3A_120] : memref<10240x128xf32, #tpu.memory_space<vmem_shared>> -> memref<10240x128xf32, #tpu.memory_space<vmem_shared>>
        tpu.enqueue_indirect_dma source(%arg7 : memref<128x128xf32, #tpu.memory_space<vmem>>) target(%dma_start3A_121 : memref<10240x128xf32, #tpu.memory_space<vmem_shared>>) offsets(%dma_start3A_118 : memref<128xi32, #tpu.memory_space<vmem>>) semaphore(%run_scoped3A_115 : memref<!tpu.dma_semaphore, #tpu.memory_space<semaphore_mem>>) {add = true}
        %dma_wait3A_122 = arith.constant 0 : i32
        %dma_wait3A_123 = tpu.memref_slice %arg6[%run_scoped3A_112, %run_scoped3A_113, %dma_wait3A_122] : memref<4x2x128xi32, #tpu.memory_space<vmem>> -> memref<1x1x128xi32, #tpu.memory_space<vmem>>
        %dma_wait3A_124 = tpu.memref_squeeze %dma_wait3A_123 : memref<1x1x128xi32, #tpu.memory_space<vmem>> -> memref<128xi32, #tpu.memory_space<vmem>>
        %dma_wait3A_125 = arith.constant 0 : i32
        %dma_wait3A_126 = arith.constant 0 : i32
        %dma_wait3A_127 = tpu.memref_slice %arg5[%dma_wait3A_125, %dma_wait3A_126] : memref<10240x128xf32, #tpu.memory_space<vmem_shared>> -> memref<10240x128xf32, #tpu.memory_space<vmem_shared>>
        tpu.wait_indirect_dma semaphore(%run_scoped3A_115 : memref<!tpu.dma_semaphore, #tpu.memory_space<semaphore_mem>>) src(%arg7 : memref<128x128xf32, #tpu.memory_space<vmem>>) dst(%dma_wait3A_127 : memref<10240x128xf32, #tpu.memory_space<vmem_shared>>)
        tpu.yield
      }) : () -> ()
      %scan3A_114 = arith.constant 0 : i32
      scf.yield %scan3A_114 : i32
    }
    %scan3A_33 = arith.constant 40 : i32
    %barrier3A_34 = arith.constant 0 : index
    tpu.barrier barrier_id(%barrier3A_34)
    %mul3A_35 = arith.constant 624 : i32
    %mul3A_36 = arith.muli %arg1, %mul3A_35 : i32
    %mul3A_37 = arith.constant 624 : i32
    %mul3A_38 = arith.muli %arg1, %mul3A_37 : i32
    "tpu.region"() ({
      %run_scoped3A = tpu.sem_alloc : memref<!tpu.dma_semaphore, #tpu.memory_space<semaphore_mem>>
      %dma_start3A = arith.constant 0 : i32
      %dma_start3A_41 = tpu.memref_slice %arg4[%arg0, %mul3A_38, %dma_start3A] : memref<2x10000x128xf32, #tpu.memory_space<hbm>> -> memref<1x624x128xf32, #tpu.memory_space<hbm>>
      %dma_start3A_42 = tpu.memref_squeeze %dma_start3A_41 : memref<1x624x128xf32, #tpu.memory_space<hbm>> -> memref<624x128xf32, #tpu.memory_space<hbm>>
      %dma_start3A_43 = arith.constant 0 : i32
      %dma_start3A_44 = tpu.memref_slice %arg5[%mul3A_36, %dma_start3A_43] : memref<10240x128xf32, #tpu.memory_space<vmem_shared>> -> memref<624x128xf32, #tpu.memory_space<vmem_shared>>
      tpu.enqueue_dma source(%dma_start3A_44 : memref<624x128xf32, #tpu.memory_space<vmem_shared>>) target(%dma_start3A_42 : memref<624x128xf32, #tpu.memory_space<hbm>>) target_semaphore(%run_scoped3A : memref<!tpu.dma_semaphore, #tpu.memory_space<semaphore_mem>>)
      %dma_wait3A = arith.constant 0 : i32
      %dma_wait3A_45 = tpu.memref_slice %arg4[%arg0, %mul3A_38, %dma_wait3A] : memref<2x10000x128xf32, #tpu.memory_space<hbm>> -> memref<1x624x128xf32, #tpu.memory_space<hbm>>
      %dma_wait3A_46 = tpu.memref_squeeze %dma_wait3A_45 : memref<1x624x128xf32, #tpu.memory_space<hbm>> -> memref<624x128xf32, #tpu.memory_space<hbm>>
      %dma_wait3A_47 = arith.constant 0 : i32
      %dma_wait3A_48 = tpu.memref_slice %arg5[%mul3A_36, %dma_wait3A_47] : memref<10240x128xf32, #tpu.memory_space<vmem_shared>> -> memref<624x128xf32, #tpu.memory_space<vmem_shared>>
      tpu.wait_dma2 semaphore(%run_scoped3A : memref<!tpu.dma_semaphore, #tpu.memory_space<semaphore_mem>>) src(%dma_wait3A_48 : memref<624x128xf32, #tpu.memory_space<vmem_shared>>) dst(%dma_wait3A_46 : memref<624x128xf32, #tpu.memory_space<hbm>>)
      tpu.yield
    }) : () -> ()
    %eq3A = arith.constant 15 : i32
    %eq3A_39 = arith.cmpi eq, %arg1, %eq3A : i32
    %convert_element_type3A = arith.extui %eq3A_39 : i1 to i32
    %cond3A = arith.constant 0 : i32
    %cond3A_40 = arith.cmpi ne, %convert_element_type3A, %cond3A : i32
    scf.if %cond3A_40 {
      "tpu.region"() ({
        %run_scoped3A = tpu.sem_alloc : memref<!tpu.dma_semaphore, #tpu.memory_space<semaphore_mem>>
        %dma_start3A = arith.constant 9984 : i32
        %dma_start3A_41 = arith.constant 0 : i32
        %dma_start3A_42 = tpu.memref_slice %arg4[%arg0, %dma_start3A, %dma_start3A_41] : memref<2x10000x128xf32, #tpu.memory_space<hbm>> -> memref<1x16x128xf32, #tpu.memory_space<hbm>>
        %dma_start3A_43 = tpu.memref_squeeze %dma_start3A_42 : memref<1x16x128xf32, #tpu.memory_space<hbm>> -> memref<16x128xf32, #tpu.memory_space<hbm>>
        %dma_start3A_44 = arith.constant 9984 : i32
        %dma_start3A_45 = arith.constant 0 : i32
        %dma_start3A_46 = tpu.memref_slice %arg5[%dma_start3A_44, %dma_start3A_45] : memref<10240x128xf32, #tpu.memory_space<vmem_shared>> -> memref<16x128xf32, #tpu.memory_space<vmem_shared>>
        tpu.enqueue_dma source(%dma_start3A_46 : memref<16x128xf32, #tpu.memory_space<vmem_shared>>) target(%dma_start3A_43 : memref<16x128xf32, #tpu.memory_space<hbm>>) target_semaphore(%run_scoped3A : memref<!tpu.dma_semaphore, #tpu.memory_space<semaphore_mem>>)
        %dma_wait3A = arith.constant 9984 : i32
        %dma_wait3A_47 = arith.constant 0 : i32
        %dma_wait3A_48 = tpu.memref_slice %arg4[%arg0, %dma_wait3A, %dma_wait3A_47] : memref<2x10000x128xf32, #tpu.memory_space<hbm>> -> memref<1x16x128xf32, #tpu.memory_space<hbm>>
        %dma_wait3A_49 = tpu.memref_squeeze %dma_wait3A_48 : memref<1x16x128xf32, #tpu.memory_space<hbm>> -> memref<16x128xf32, #tpu.memory_space<hbm>>
        %dma_wait3A_50 = arith.constant 9984 : i32
        %dma_wait3A_51 = arith.constant 0 : i32
        %dma_wait3A_52 = tpu.memref_slice %arg5[%dma_wait3A_50, %dma_wait3A_51] : memref<10240x128xf32, #tpu.memory_space<vmem_shared>> -> memref<16x128xf32, #tpu.memory_space<vmem_shared>>
        tpu.wait_dma2 semaphore(%run_scoped3A : memref<!tpu.dma_semaphore, #tpu.memory_space<semaphore_mem>>) src(%dma_wait3A_52 : memref<16x128xf32, #tpu.memory_space<vmem_shared>>) dst(%dma_wait3A_49 : memref<16x128xf32, #tpu.memory_space<hbm>>)
        tpu.yield
      }) : () -> ()
    } else {
    }
    return
  }
}

#map = affine_map<(d0, d1) -> (0, 0)>
#map1 = affine_map<(d0, d1) -> (0, 0, 0, 0)>
#map2 = affine_map<(d0, d1) -> (0, 0, 0)>
module attributes {stable_mosaic.version = 14 : i64} {
  func.func @agg_kernel(%arg0: i32, %arg1: i32, %arg2: memref<10000x128xf32, #tpu.memory_space<hbm>>, %arg3: memref<32x160x2x128xi32, #tpu.memory_space<hbm>>, %arg4: memref<2x10000x128xf32, #tpu.memory_space<hbm>>, %arg5: memref<10240x128xf32, #tpu.memory_space<vmem_shared>>, %arg6: memref<4x2x128xi32, #tpu.memory_space<vmem>>, %arg7: memref<128x128xf32, #tpu.memory_space<vmem>>, %arg8: memref<!tpu.dma_semaphore, #tpu.memory_space<semaphore_mem>>) attributes {dimension_semantics = [#tpu.dimension_semantics<core_parallel>, #tpu.dimension_semantics<subcore_parallel>], iteration_bounds = array<i64: 2, 16>, scalar_prefetch = 0 : i64, scratch_operands = 4 : i64, tpu.core_type = #tpu.core_type<sc_vector_subcore>, window_params = [{transform_indices = #map}, {transform_indices = #map1}, {transform_indices = #map2}]} {
    %mul3A = arith.constant 16 : i32
    %mul3A_0 = arith.muli %arg0, %mul3A : i32
    %add3A = arith.addi %mul3A_0, %arg1 : i32
    %scan3A = arith.constant 0 : i32
    %scan3A_1 = arith.constant 0 : i32
    %scan3A_2 = arith.constant 128 : i32
    %scan3A_3 = arith.addi %scan3A_1, %scan3A_2 : i32
    %scan3A_4 = arith.constant 1 : i32
    %scan3A_5 = scf.for %scan3A_41 = %scan3A_1 to %scan3A_3 step %scan3A_4 iter_args(%scan3A_42 = %scan3A) -> (i32)  : i32 {
      %broadcast_in_dim3A = arith.constant 0.000000e+00 : f32
      %broadcast_in_dim3A_43 = vector.broadcast %broadcast_in_dim3A : f32 to vector<16xf32>
      %swap3A = arith.index_cast %scan3A_41 : i32 to index
      %swap3A_44 = arith.constant 0 : index
      %swap3A_45 = tpu.vector_load %arg7[%swap3A, %swap3A_44] {strides = array<i32>} : memref<128x128xf32, #tpu.memory_space<vmem>>, vector<1x16xf32>,
      %swap3A_46 = vector.shape_cast %swap3A_45 : vector<1x16xf32> to vector<16xf32>
      %swap3A_47 = vector.shape_cast %broadcast_in_dim3A_43 : vector<16xf32> to vector<1x16xf32>
      tpu.vector_store %arg7[%swap3A, %swap3A_44], %swap3A_47 {strides = array<i32>} : memref<128x128xf32, #tpu.memory_space<vmem>>, vector<1x16xf32>,
      %broadcast_in_dim3A_48 = arith.constant 0.000000e+00 : f32
      %broadcast_in_dim3A_49 = vector.broadcast %broadcast_in_dim3A_48 : f32 to vector<16xf32>
      %swap3A_50 = arith.index_cast %scan3A_41 : i32 to index
      %swap3A_51 = arith.constant 16 : index
      %swap3A_52 = tpu.vector_load %arg7[%swap3A_50, %swap3A_51] {strides = array<i32>} : memref<128x128xf32, #tpu.memory_space<vmem>>, vector<1x16xf32>,
      %swap3A_53 = vector.shape_cast %swap3A_52 : vector<1x16xf32> to vector<16xf32>
      %swap3A_54 = vector.shape_cast %broadcast_in_dim3A_49 : vector<16xf32> to vector<1x16xf32>
      tpu.vector_store %arg7[%swap3A_50, %swap3A_51], %swap3A_54 {strides = array<i32>} : memref<128x128xf32, #tpu.memory_space<vmem>>, vector<1x16xf32>,
      %broadcast_in_dim3A_55 = arith.constant 0.000000e+00 : f32
      %broadcast_in_dim3A_56 = vector.broadcast %broadcast_in_dim3A_55 : f32 to vector<16xf32>
      %swap3A_57 = arith.index_cast %scan3A_41 : i32 to index
      %swap3A_58 = arith.constant 32 : index
      %swap3A_59 = tpu.vector_load %arg7[%swap3A_57, %swap3A_58] {strides = array<i32>} : memref<128x128xf32, #tpu.memory_space<vmem>>, vector<1x16xf32>,
      %swap3A_60 = vector.shape_cast %swap3A_59 : vector<1x16xf32> to vector<16xf32>
      %swap3A_61 = vector.shape_cast %broadcast_in_dim3A_56 : vector<16xf32> to vector<1x16xf32>
      tpu.vector_store %arg7[%swap3A_57, %swap3A_58], %swap3A_61 {strides = array<i32>} : memref<128x128xf32, #tpu.memory_space<vmem>>, vector<1x16xf32>,
      %broadcast_in_dim3A_62 = arith.constant 0.000000e+00 : f32
      %broadcast_in_dim3A_63 = vector.broadcast %broadcast_in_dim3A_62 : f32 to vector<16xf32>
      %swap3A_64 = arith.index_cast %scan3A_41 : i32 to index
      %swap3A_65 = arith.constant 48 : index
      %swap3A_66 = tpu.vector_load %arg7[%swap3A_64, %swap3A_65] {strides = array<i32>} : memref<128x128xf32, #tpu.memory_space<vmem>>, vector<1x16xf32>,
      %swap3A_67 = vector.shape_cast %swap3A_66 : vector<1x16xf32> to vector<16xf32>
      %swap3A_68 = vector.shape_cast %broadcast_in_dim3A_63 : vector<16xf32> to vector<1x16xf32>
      tpu.vector_store %arg7[%swap3A_64, %swap3A_65], %swap3A_68 {strides = array<i32>} : memref<128x128xf32, #tpu.memory_space<vmem>>, vector<1x16xf32>,
      %broadcast_in_dim3A_69 = arith.constant 0.000000e+00 : f32
      %broadcast_in_dim3A_70 = vector.broadcast %broadcast_in_dim3A_69 : f32 to vector<16xf32>
      %swap3A_71 = arith.index_cast %scan3A_41 : i32 to index
      %swap3A_72 = arith.constant 64 : index
      %swap3A_73 = tpu.vector_load %arg7[%swap3A_71, %swap3A_72] {strides = array<i32>} : memref<128x128xf32, #tpu.memory_space<vmem>>, vector<1x16xf32>,
      %swap3A_74 = vector.shape_cast %swap3A_73 : vector<1x16xf32> to vector<16xf32>
      %swap3A_75 = vector.shape_cast %broadcast_in_dim3A_70 : vector<16xf32> to vector<1x16xf32>
      tpu.vector_store %arg7[%swap3A_71, %swap3A_72], %swap3A_75 {strides = array<i32>} : memref<128x128xf32, #tpu.memory_space<vmem>>, vector<1x16xf32>,
      %broadcast_in_dim3A_76 = arith.constant 0.000000e+00 : f32
      %broadcast_in_dim3A_77 = vector.broadcast %broadcast_in_dim3A_76 : f32 to vector<16xf32>
      %swap3A_78 = arith.index_cast %scan3A_41 : i32 to index
      %swap3A_79 = arith.constant 80 : index
      %swap3A_80 = tpu.vector_load %arg7[%swap3A_78, %swap3A_79] {strides = array<i32>} : memref<128x128xf32, #tpu.memory_space<vmem>>, vector<1x16xf32>,
      %swap3A_81 = vector.shape_cast %swap3A_80 : vector<1x16xf32> to vector<16xf32>
      %swap3A_82 = vector.shape_cast %broadcast_in_dim3A_77 : vector<16xf32> to vector<1x16xf32>
      tpu.vector_store %arg7[%swap3A_78, %swap3A_79], %swap3A_82 {strides = array<i32>} : memref<128x128xf32, #tpu.memory_space<vmem>>, vector<1x16xf32>,
      %broadcast_in_dim3A_83 = arith.constant 0.000000e+00 : f32
      %broadcast_in_dim3A_84 = vector.broadcast %broadcast_in_dim3A_83 : f32 to vector<16xf32>
      %swap3A_85 = arith.index_cast %scan3A_41 : i32 to index
      %swap3A_86 = arith.constant 96 : index
      %swap3A_87 = tpu.vector_load %arg7[%swap3A_85, %swap3A_86] {strides = array<i32>} : memref<128x128xf32, #tpu.memory_space<vmem>>, vector<1x16xf32>,
      %swap3A_88 = vector.shape_cast %swap3A_87 : vector<1x16xf32> to vector<16xf32>
      %swap3A_89 = vector.shape_cast %broadcast_in_dim3A_84 : vector<16xf32> to vector<1x16xf32>
      tpu.vector_store %arg7[%swap3A_85, %swap3A_86], %swap3A_89 {strides = array<i32>} : memref<128x128xf32, #tpu.memory_space<vmem>>, vector<1x16xf32>,
      %broadcast_in_dim3A_90 = arith.constant 0.000000e+00 : f32
      %broadcast_in_dim3A_91 = vector.broadcast %broadcast_in_dim3A_90 : f32 to vector<16xf32>
      %swap3A_92 = arith.index_cast %scan3A_41 : i32 to index
      %swap3A_93 = arith.constant 112 : index
      %swap3A_94 = tpu.vector_load %arg7[%swap3A_92, %swap3A_93] {strides = array<i32>} : memref<128x128xf32, #tpu.memory_space<vmem>>, vector<1x16xf32>,
      %swap3A_95 = vector.shape_cast %swap3A_94 : vector<1x16xf32> to vector<16xf32>
      %swap3A_96 = vector.shape_cast %broadcast_in_dim3A_91 : vector<16xf32> to vector<1x16xf32>
      tpu.vector_store %arg7[%swap3A_92, %swap3A_93], %swap3A_96 {strides = array<i32>} : memref<128x128xf32, #tpu.memory_space<vmem>>, vector<1x16xf32>,
      %scan3A_97 = arith.constant 0 : i32
      scf.yield %scan3A_97 : i32
    }
    %scan3A_6 = arith.constant 128 : i32
    %mul3A_7 = arith.constant 640 : i32
    %mul3A_8 = arith.muli %arg1, %mul3A_7 : i32
    %add3A_9 = arith.constant 0 : i32
    %add3A_10 = arith.addi %mul3A_8, %add3A_9 : i32
    "tpu.region"() ({
      %run_scoped3A = tpu.sem_alloc : memref<!tpu.dma_semaphore, #tpu.memory_space<semaphore_mem>>
      %dma_start3A = arith.constant 0 : i32
      %dma_start3A_41 = tpu.memref_slice %arg5[%add3A_10, %dma_start3A] : memref<10240x128xf32, #tpu.memory_space<vmem_shared>> -> memref<128x128xf32, #tpu.memory_space<vmem_shared>>
      %dma_start3A_42 = arith.constant 0 : i32
      %dma_start3A_43 = tpu.memref_slice %arg5[%add3A_10, %dma_start3A_42] : memref<10240x128xf32, #tpu.memory_space<vmem_shared>> -> memref<128x128xf32, #tpu.memory_space<vmem_shared>>
      tpu.enqueue_dma source(%arg7 : memref<128x128xf32, #tpu.memory_space<vmem>>) target(%dma_start3A_43 : memref<128x128xf32, #tpu.memory_space<vmem_shared>>) target_semaphore(%run_scoped3A : memref<!tpu.dma_semaphore, #tpu.memory_space<semaphore_mem>>)
      %dma_wait3A = arith.constant 0 : i32
      %dma_wait3A_44 = tpu.memref_slice %arg5[%add3A_10, %dma_wait3A] : memref<10240x128xf32, #tpu.memory_space<vmem_shared>> -> memref<128x128xf32, #tpu.memory_space<vmem_shared>>
      %dma_wait3A_45 = arith.constant 0 : i32
      %dma_wait3A_46 = tpu.memref_slice %arg5[%add3A_10, %dma_wait3A_45] : memref<10240x128xf32, #tpu.memory_space<vmem_shared>> -> memref<128x128xf32, #tpu.memory_space<vmem_shared>>
      tpu.wait_dma2 semaphore(%run_scoped3A : memref<!tpu.dma_semaphore, #tpu.memory_space<semaphore_mem>>) src(%arg7 : memref<128x128xf32, #tpu.memory_space<vmem>>) dst(%dma_wait3A_46 : memref<128x128xf32, #tpu.memory_space<vmem_shared>>)
      tpu.yield
    }) : () -> ()
    %mul3A_11 = arith.constant 640 : i32
    %mul3A_12 = arith.muli %arg1, %mul3A_11 : i32
    %add3A_13 = arith.constant 128 : i32
    %add3A_14 = arith.addi %mul3A_12, %add3A_13 : i32
    "tpu.region"() ({
      %run_scoped3A = tpu.sem_alloc : memref<!tpu.dma_semaphore, #tpu.memory_space<semaphore_mem>>
      %dma_start3A = arith.constant 0 : i32
      %dma_start3A_41 = tpu.memref_slice %arg5[%add3A_14, %dma_start3A] : memref<10240x128xf32, #tpu.memory_space<vmem_shared>> -> memref<128x128xf32, #tpu.memory_space<vmem_shared>>
      %dma_start3A_42 = arith.constant 0 : i32
      %dma_start3A_43 = tpu.memref_slice %arg5[%add3A_14, %dma_start3A_42] : memref<10240x128xf32, #tpu.memory_space<vmem_shared>> -> memref<128x128xf32, #tpu.memory_space<vmem_shared>>
      tpu.enqueue_dma source(%arg7 : memref<128x128xf32, #tpu.memory_space<vmem>>) target(%dma_start3A_43 : memref<128x128xf32, #tpu.memory_space<vmem_shared>>) target_semaphore(%run_scoped3A : memref<!tpu.dma_semaphore, #tpu.memory_space<semaphore_mem>>)
      %dma_wait3A = arith.constant 0 : i32
      %dma_wait3A_44 = tpu.memref_slice %arg5[%add3A_14, %dma_wait3A] : memref<10240x128xf32, #tpu.memory_space<vmem_shared>> -> memref<128x128xf32, #tpu.memory_space<vmem_shared>>
      %dma_wait3A_45 = arith.constant 0 : i32
      %dma_wait3A_46 = tpu.memref_slice %arg5[%add3A_14, %dma_wait3A_45] : memref<10240x128xf32, #tpu.memory_space<vmem_shared>> -> memref<128x128xf32, #tpu.memory_space<vmem_shared>>
      tpu.wait_dma2 semaphore(%run_scoped3A : memref<!tpu.dma_semaphore, #tpu.memory_space<semaphore_mem>>) src(%arg7 : memref<128x128xf32, #tpu.memory_space<vmem>>) dst(%dma_wait3A_46 : memref<128x128xf32, #tpu.memory_space<vmem_shared>>)
      tpu.yield
    }) : () -> ()
    %mul3A_15 = arith.constant 640 : i32
    %mul3A_16 = arith.muli %arg1, %mul3A_15 : i32
    %add3A_17 = arith.constant 256 : i32
    %add3A_18 = arith.addi %mul3A_16, %add3A_17 : i32
    "tpu.region"() ({
      %run_scoped3A = tpu.sem_alloc : memref<!tpu.dma_semaphore, #tpu.memory_space<semaphore_mem>>
      %dma_start3A = arith.constant 0 : i32
      %dma_start3A_41 = tpu.memref_slice %arg5[%add3A_18, %dma_start3A] : memref<10240x128xf32, #tpu.memory_space<vmem_shared>> -> memref<128x128xf32, #tpu.memory_space<vmem_shared>>
      %dma_start3A_42 = arith.constant 0 : i32
      %dma_start3A_43 = tpu.memref_slice %arg5[%add3A_18, %dma_start3A_42] : memref<10240x128xf32, #tpu.memory_space<vmem_shared>> -> memref<128x128xf32, #tpu.memory_space<vmem_shared>>
      tpu.enqueue_dma source(%arg7 : memref<128x128xf32, #tpu.memory_space<vmem>>) target(%dma_start3A_43 : memref<128x128xf32, #tpu.memory_space<vmem_shared>>) target_semaphore(%run_scoped3A : memref<!tpu.dma_semaphore, #tpu.memory_space<semaphore_mem>>)
      %dma_wait3A = arith.constant 0 : i32
      %dma_wait3A_44 = tpu.memref_slice %arg5[%add3A_18, %dma_wait3A] : memref<10240x128xf32, #tpu.memory_space<vmem_shared>> -> memref<128x128xf32, #tpu.memory_space<vmem_shared>>
      %dma_wait3A_45 = arith.constant 0 : i32
      %dma_wait3A_46 = tpu.memref_slice %arg5[%add3A_18, %dma_wait3A_45] : memref<10240x128xf32, #tpu.memory_space<vmem_shared>> -> memref<128x128xf32, #tpu.memory_space<vmem_shared>>
      tpu.wait_dma2 semaphore(%run_scoped3A : memref<!tpu.dma_semaphore, #tpu.memory_space<semaphore_mem>>) src(%arg7 : memref<128x128xf32, #tpu.memory_space<vmem>>) dst(%dma_wait3A_46 : memref<128x128xf32, #tpu.memory_space<vmem_shared>>)
      tpu.yield
    }) : () -> ()
    %mul3A_19 = arith.constant 640 : i32
    %mul3A_20 = arith.muli %arg1, %mul3A_19 : i32
    %add3A_21 = arith.constant 384 : i32
    %add3A_22 = arith.addi %mul3A_20, %add3A_21 : i32
    "tpu.region"() ({
      %run_scoped3A = tpu.sem_alloc : memref<!tpu.dma_semaphore, #tpu.memory_space<semaphore_mem>>
      %dma_start3A = arith.constant 0 : i32
      %dma_start3A_41 = tpu.memref_slice %arg5[%add3A_22, %dma_start3A] : memref<10240x128xf32, #tpu.memory_space<vmem_shared>> -> memref<128x128xf32, #tpu.memory_space<vmem_shared>>
      %dma_start3A_42 = arith.constant 0 : i32
      %dma_start3A_43 = tpu.memref_slice %arg5[%add3A_22, %dma_start3A_42] : memref<10240x128xf32, #tpu.memory_space<vmem_shared>> -> memref<128x128xf32, #tpu.memory_space<vmem_shared>>
      tpu.enqueue_dma source(%arg7 : memref<128x128xf32, #tpu.memory_space<vmem>>) target(%dma_start3A_43 : memref<128x128xf32, #tpu.memory_space<vmem_shared>>) target_semaphore(%run_scoped3A : memref<!tpu.dma_semaphore, #tpu.memory_space<semaphore_mem>>)
      %dma_wait3A = arith.constant 0 : i32
      %dma_wait3A_44 = tpu.memref_slice %arg5[%add3A_22, %dma_wait3A] : memref<10240x128xf32, #tpu.memory_space<vmem_shared>> -> memref<128x128xf32, #tpu.memory_space<vmem_shared>>
      %dma_wait3A_45 = arith.constant 0 : i32
      %dma_wait3A_46 = tpu.memref_slice %arg5[%add3A_22, %dma_wait3A_45] : memref<10240x128xf32, #tpu.memory_space<vmem_shared>> -> memref<128x128xf32, #tpu.memory_space<vmem_shared>>
      tpu.wait_dma2 semaphore(%run_scoped3A : memref<!tpu.dma_semaphore, #tpu.memory_space<semaphore_mem>>) src(%arg7 : memref<128x128xf32, #tpu.memory_space<vmem>>) dst(%dma_wait3A_46 : memref<128x128xf32, #tpu.memory_space<vmem_shared>>)
      tpu.yield
    }) : () -> ()
    %mul3A_23 = arith.constant 640 : i32
    %mul3A_24 = arith.muli %arg1, %mul3A_23 : i32
    %add3A_25 = arith.constant 512 : i32
    %add3A_26 = arith.addi %mul3A_24, %add3A_25 : i32
    "tpu.region"() ({
      %run_scoped3A = tpu.sem_alloc : memref<!tpu.dma_semaphore, #tpu.memory_space<semaphore_mem>>
      %dma_start3A = arith.constant 0 : i32
      %dma_start3A_41 = tpu.memref_slice %arg5[%add3A_26, %dma_start3A] : memref<10240x128xf32, #tpu.memory_space<vmem_shared>> -> memref<128x128xf32, #tpu.memory_space<vmem_shared>>
      %dma_start3A_42 = arith.constant 0 : i32
      %dma_start3A_43 = tpu.memref_slice %arg5[%add3A_26, %dma_start3A_42] : memref<10240x128xf32, #tpu.memory_space<vmem_shared>> -> memref<128x128xf32, #tpu.memory_space<vmem_shared>>
      tpu.enqueue_dma source(%arg7 : memref<128x128xf32, #tpu.memory_space<vmem>>) target(%dma_start3A_43 : memref<128x128xf32, #tpu.memory_space<vmem_shared>>) target_semaphore(%run_scoped3A : memref<!tpu.dma_semaphore, #tpu.memory_space<semaphore_mem>>)
      %dma_wait3A = arith.constant 0 : i32
      %dma_wait3A_44 = tpu.memref_slice %arg5[%add3A_26, %dma_wait3A] : memref<10240x128xf32, #tpu.memory_space<vmem_shared>> -> memref<128x128xf32, #tpu.memory_space<vmem_shared>>
      %dma_wait3A_45 = arith.constant 0 : i32
      %dma_wait3A_46 = tpu.memref_slice %arg5[%add3A_26, %dma_wait3A_45] : memref<10240x128xf32, #tpu.memory_space<vmem_shared>> -> memref<128x128xf32, #tpu.memory_space<vmem_shared>>
      tpu.wait_dma2 semaphore(%run_scoped3A : memref<!tpu.dma_semaphore, #tpu.memory_space<semaphore_mem>>) src(%arg7 : memref<128x128xf32, #tpu.memory_space<vmem>>) dst(%dma_wait3A_46 : memref<128x128xf32, #tpu.memory_space<vmem_shared>>)
      tpu.yield
    }) : () -> ()
    %barrier3A = arith.constant 0 : index
    tpu.barrier barrier_id(%barrier3A)
    %scan3A_27 = arith.constant 0 : i32
    %scan3A_28 = arith.constant 0 : i32
    %scan3A_29 = arith.constant 40 : i32
    %scan3A_30 = arith.addi %scan3A_28, %scan3A_29 : i32
    %scan3A_31 = arith.constant 1 : i32
    %scan3A_32 = scf.for %scan3A_41 = %scan3A_28 to %scan3A_30 step %scan3A_31 iter_args(%scan3A_42 = %scan3A_27) -> (i32)  : i32 {
      %mul3A_43 = arith.constant 4 : i32
      %mul3A_44 = arith.muli %scan3A_41, %mul3A_43 : i32
      "tpu.region"() ({
        %run_scoped3A_115 = tpu.sem_alloc : memref<!tpu.dma_semaphore, #tpu.memory_space<semaphore_mem>>
        %dma_start3A_116 = arith.constant 0 : i32
        %dma_start3A_117 = arith.constant 0 : i32
        %dma_start3A_118 = tpu.memref_slice %arg3[%add3A, %mul3A_44, %dma_start3A_116, %dma_start3A_117] : memref<32x160x2x128xi32, #tpu.memory_space<hbm>> -> memref<1x4x2x128xi32, #tpu.memory_space<hbm>>
        %dma_start3A_119 = tpu.memref_squeeze %dma_start3A_118 : memref<1x4x2x128xi32, #tpu.memory_space<hbm>> -> memref<4x2x128xi32, #tpu.memory_space<hbm>>
        %dma_start3A_120 = arith.constant 0 : i32
        %dma_start3A_121 = arith.constant 0 : i32
        %dma_start3A_122 = tpu.memref_slice %arg3[%add3A, %mul3A_44, %dma_start3A_120, %dma_start3A_121] : memref<32x160x2x128xi32, #tpu.memory_space<hbm>> -> memref<1x4x2x128xi32, #tpu.memory_space<hbm>>
        %dma_start3A_123 = tpu.memref_squeeze %dma_start3A_122 : memref<1x4x2x128xi32, #tpu.memory_space<hbm>> -> memref<4x2x128xi32, #tpu.memory_space<hbm>>
        tpu.enqueue_dma source(%dma_start3A_123 : memref<4x2x128xi32, #tpu.memory_space<hbm>>) target(%arg6 : memref<4x2x128xi32, #tpu.memory_space<vmem>>) target_semaphore(%run_scoped3A_115 : memref<!tpu.dma_semaphore, #tpu.memory_space<semaphore_mem>>)
        %dma_wait3A_124 = arith.constant 0 : i32
        %dma_wait3A_125 = arith.constant 0 : i32
        %dma_wait3A_126 = tpu.memref_slice %arg3[%add3A, %mul3A_44, %dma_wait3A_124, %dma_wait3A_125] : memref<32x160x2x128xi32, #tpu.memory_space<hbm>> -> memref<1x4x2x128xi32, #tpu.memory_space<hbm>>
        %dma_wait3A_127 = tpu.memref_squeeze %dma_wait3A_126 : memref<1x4x2x128xi32, #tpu.memory_space<hbm>> -> memref<4x2x128xi32, #tpu.memory_space<hbm>>
        %dma_wait3A_128 = arith.constant 0 : i32
        %dma_wait3A_129 = arith.constant 0 : i32
        %dma_wait3A_130 = tpu.memref_slice %arg3[%add3A, %mul3A_44, %dma_wait3A_128, %dma_wait3A_129] : memref<32x160x2x128xi32, #tpu.memory_space<hbm>> -> memref<1x4x2x128xi32, #tpu.memory_space<hbm>>
        %dma_wait3A_131 = tpu.memref_squeeze %dma_wait3A_130 : memref<1x4x2x128xi32, #tpu.memory_space<hbm>> -> memref<4x2x128xi32, #tpu.memory_space<hbm>>
        tpu.wait_dma2 semaphore(%run_scoped3A_115 : memref<!tpu.dma_semaphore, #tpu.memory_space<semaphore_mem>>) src(%dma_wait3A_131 : memref<4x2x128xi32, #tpu.memory_space<hbm>>) dst(%arg6 : memref<4x2x128xi32, #tpu.memory_space<vmem>>)
        tpu.yield
      }) : () -> ()
      %dma_start3A = arith.constant 0 : i32
      %dma_start3A_45 = arith.constant 0 : i32
      %dma_start3A_46 = arith.constant 0 : i32
      %dma_start3A_47 = tpu.memref_slice %arg6[%dma_start3A, %dma_start3A_45, %dma_start3A_46] : memref<4x2x128xi32, #tpu.memory_space<vmem>> -> memref<1x1x128xi32, #tpu.memory_space<vmem>>
      %dma_start3A_48 = tpu.memref_squeeze %dma_start3A_47 : memref<1x1x128xi32, #tpu.memory_space<vmem>> -> memref<128xi32, #tpu.memory_space<vmem>>
      %dma_start3A_49 = arith.constant 0 : i32
      %dma_start3A_50 = arith.constant 0 : i32
      %dma_start3A_51 = tpu.memref_slice %arg2[%dma_start3A_49, %dma_start3A_50] : memref<10000x128xf32, #tpu.memory_space<hbm>> -> memref<10000x128xf32, #tpu.memory_space<hbm>>
      tpu.enqueue_indirect_dma source(%dma_start3A_51 : memref<10000x128xf32, #tpu.memory_space<hbm>>) target(%arg7 : memref<128x128xf32, #tpu.memory_space<vmem>>) offsets(%dma_start3A_48 : memref<128xi32, #tpu.memory_space<vmem>>) semaphore(%arg8 : memref<!tpu.dma_semaphore, #tpu.memory_space<semaphore_mem>>)
      %dma_wait3A = arith.constant 0 : i32
      %dma_wait3A_52 = arith.constant 0 : i32
      %dma_wait3A_53 = arith.constant 0 : i32
      %dma_wait3A_54 = tpu.memref_slice %arg6[%dma_wait3A, %dma_wait3A_52, %dma_wait3A_53] : memref<4x2x128xi32, #tpu.memory_space<vmem>> -> memref<1x1x128xi32, #tpu.memory_space<vmem>>
      %dma_wait3A_55 = tpu.memref_squeeze %dma_wait3A_54 : memref<1x1x128xi32, #tpu.memory_space<vmem>> -> memref<128xi32, #tpu.memory_space<vmem>>
      %dma_wait3A_56 = arith.constant 0 : i32
      %dma_wait3A_57 = arith.constant 0 : i32
      %dma_wait3A_58 = tpu.memref_slice %arg2[%dma_wait3A_56, %dma_wait3A_57] : memref<10000x128xf32, #tpu.memory_space<hbm>> -> memref<10000x128xf32, #tpu.memory_space<hbm>>
      tpu.wait_indirect_dma semaphore(%arg8 : memref<!tpu.dma_semaphore, #tpu.memory_space<semaphore_mem>>) src(%dma_wait3A_58 : memref<10000x128xf32, #tpu.memory_space<hbm>>) dst(%arg7 : memref<128x128xf32, #tpu.memory_space<vmem>>)
      %run_scoped3A = arith.constant 0 : i32
      %run_scoped3A_59 = arith.constant 1 : i32
      "tpu.region"() ({
        %run_scoped3A_115 = tpu.sem_alloc : memref<!tpu.dma_semaphore, #tpu.memory_space<semaphore_mem>>
        %dma_start3A_116 = arith.constant 0 : i32
        %dma_start3A_117 = tpu.memref_slice %arg6[%run_scoped3A, %run_scoped3A_59, %dma_start3A_116] : memref<4x2x128xi32, #tpu.memory_space<vmem>> -> memref<1x1x128xi32, #tpu.memory_space<vmem>>
        %dma_start3A_118 = tpu.memref_squeeze %dma_start3A_117 : memref<1x1x128xi32, #tpu.memory_space<vmem>> -> memref<128xi32, #tpu.memory_space<vmem>>
        %dma_start3A_119 = arith.constant 0 : i32
        %dma_start3A_120 = arith.constant 0 : i32
        %dma_start3A_121 = tpu.memref_slice %arg5[%dma_start3A_119, %dma_start3A_120] : memref<10240x128xf32, #tpu.memory_space<vmem_shared>> -> memref<10240x128xf32, #tpu.memory_space<vmem_shared>>
        tpu.enqueue_indirect_dma source(%arg7 : memref<128x128xf32, #tpu.memory_space<vmem>>) target(%dma_start3A_121 : memref<10240x128xf32, #tpu.memory_space<vmem_shared>>) offsets(%dma_start3A_118 : memref<128xi32, #tpu.memory_space<vmem>>) semaphore(%run_scoped3A_115 : memref<!tpu.dma_semaphore, #tpu.memory_space<semaphore_mem>>) {add = true}
        %dma_wait3A_122 = arith.constant 0 : i32
        %dma_wait3A_123 = tpu.memref_slice %arg6[%run_scoped3A, %run_scoped3A_59, %dma_wait3A_122] : memref<4x2x128xi32, #tpu.memory_space<vmem>> -> memref<1x1x128xi32, #tpu.memory_space<vmem>>
        %dma_wait3A_124 = tpu.memref_squeeze %dma_wait3A_123 : memref<1x1x128xi32, #tpu.memory_space<vmem>> -> memref<128xi32, #tpu.memory_space<vmem>>
        %dma_wait3A_125 = arith.constant 0 : i32
        %dma_wait3A_126 = arith.constant 0 : i32
        %dma_wait3A_127 = tpu.memref_slice %arg5[%dma_wait3A_125, %dma_wait3A_126] : memref<10240x128xf32, #tpu.memory_space<vmem_shared>> -> memref<10240x128xf32, #tpu.memory_space<vmem_shared>>
        tpu.wait_indirect_dma semaphore(%run_scoped3A_115 : memref<!tpu.dma_semaphore, #tpu.memory_space<semaphore_mem>>) src(%arg7 : memref<128x128xf32, #tpu.memory_space<vmem>>) dst(%dma_wait3A_127 : memref<10240x128xf32, #tpu.memory_space<vmem_shared>>)
        tpu.yield
      }) : () -> ()
      %dma_start3A_60 = arith.constant 1 : i32
      %dma_start3A_61 = arith.constant 0 : i32
      %dma_start3A_62 = arith.constant 0 : i32
      %dma_start3A_63 = tpu.memref_slice %arg6[%dma_start3A_60, %dma_start3A_61, %dma_start3A_62] : memref<4x2x128xi32, #tpu.memory_space<vmem>> -> memref<1x1x128xi32, #tpu.memory_space<vmem>>
      %dma_start3A_64 = tpu.memref_squeeze %dma_start3A_63 : memref<1x1x128xi32, #tpu.memory_space<vmem>> -> memref<128xi32, #tpu.memory_space<vmem>>
      %dma_start3A_65 = arith.constant 0 : i32
      %dma_start3A_66 = arith.constant 0 : i32
      %dma_start3A_67 = tpu.memref_slice %arg2[%dma_start3A_65, %dma_start3A_66] : memref<10000x128xf32, #tpu.memory_space<hbm>> -> memref<10000x128xf32, #tpu.memory_space<hbm>>
      tpu.enqueue_indirect_dma source(%dma_start3A_67 : memref<10000x128xf32, #tpu.memory_space<hbm>>) target(%arg7 : memref<128x128xf32, #tpu.memory_space<vmem>>) offsets(%dma_start3A_64 : memref<128xi32, #tpu.memory_space<vmem>>) semaphore(%arg8 : memref<!tpu.dma_semaphore, #tpu.memory_space<semaphore_mem>>)
      %dma_wait3A_68 = arith.constant 1 : i32
      %dma_wait3A_69 = arith.constant 0 : i32
      %dma_wait3A_70 = arith.constant 0 : i32
      %dma_wait3A_71 = tpu.memref_slice %arg6[%dma_wait3A_68, %dma_wait3A_69, %dma_wait3A_70] : memref<4x2x128xi32, #tpu.memory_space<vmem>> -> memref<1x1x128xi32, #tpu.memory_space<vmem>>
      %dma_wait3A_72 = tpu.memref_squeeze %dma_wait3A_71 : memref<1x1x128xi32, #tpu.memory_space<vmem>> -> memref<128xi32, #tpu.memory_space<vmem>>
      %dma_wait3A_73 = arith.constant 0 : i32
      %dma_wait3A_74 = arith.constant 0 : i32
      %dma_wait3A_75 = tpu.memref_slice %arg2[%dma_wait3A_73, %dma_wait3A_74] : memref<10000x128xf32, #tpu.memory_space<hbm>> -> memref<10000x128xf32, #tpu.memory_space<hbm>>
      tpu.wait_indirect_dma semaphore(%arg8 : memref<!tpu.dma_semaphore, #tpu.memory_space<semaphore_mem>>) src(%dma_wait3A_75 : memref<10000x128xf32, #tpu.memory_space<hbm>>) dst(%arg7 : memref<128x128xf32, #tpu.memory_space<vmem>>)
      %run_scoped3A_76 = arith.constant 1 : i32
      %run_scoped3A_77 = arith.constant 1 : i32
      "tpu.region"() ({
        %run_scoped3A_115 = tpu.sem_alloc : memref<!tpu.dma_semaphore, #tpu.memory_space<semaphore_mem>>
        %dma_start3A_116 = arith.constant 0 : i32
        %dma_start3A_117 = tpu.memref_slice %arg6[%run_scoped3A_76, %run_scoped3A_77, %dma_start3A_116] : memref<4x2x128xi32, #tpu.memory_space<vmem>> -> memref<1x1x128xi32, #tpu.memory_space<vmem>>
        %dma_start3A_118 = tpu.memref_squeeze %dma_start3A_117 : memref<1x1x128xi32, #tpu.memory_space<vmem>> -> memref<128xi32, #tpu.memory_space<vmem>>
        %dma_start3A_119 = arith.constant 0 : i32
        %dma_start3A_120 = arith.constant 0 : i32
        %dma_start3A_121 = tpu.memref_slice %arg5[%dma_start3A_119, %dma_start3A_120] : memref<10240x128xf32, #tpu.memory_space<vmem_shared>> -> memref<10240x128xf32, #tpu.memory_space<vmem_shared>>
        tpu.enqueue_indirect_dma source(%arg7 : memref<128x128xf32, #tpu.memory_space<vmem>>) target(%dma_start3A_121 : memref<10240x128xf32, #tpu.memory_space<vmem_shared>>) offsets(%dma_start3A_118 : memref<128xi32, #tpu.memory_space<vmem>>) semaphore(%run_scoped3A_115 : memref<!tpu.dma_semaphore, #tpu.memory_space<semaphore_mem>>) {add = true}
        %dma_wait3A_122 = arith.constant 0 : i32
        %dma_wait3A_123 = tpu.memref_slice %arg6[%run_scoped3A_76, %run_scoped3A_77, %dma_wait3A_122] : memref<4x2x128xi32, #tpu.memory_space<vmem>> -> memref<1x1x128xi32, #tpu.memory_space<vmem>>
        %dma_wait3A_124 = tpu.memref_squeeze %dma_wait3A_123 : memref<1x1x128xi32, #tpu.memory_space<vmem>> -> memref<128xi32, #tpu.memory_space<vmem>>
        %dma_wait3A_125 = arith.constant 0 : i32
        %dma_wait3A_126 = arith.constant 0 : i32
        %dma_wait3A_127 = tpu.memref_slice %arg5[%dma_wait3A_125, %dma_wait3A_126] : memref<10240x128xf32, #tpu.memory_space<vmem_shared>> -> memref<10240x128xf32, #tpu.memory_space<vmem_shared>>
        tpu.wait_indirect_dma semaphore(%run_scoped3A_115 : memref<!tpu.dma_semaphore, #tpu.memory_space<semaphore_mem>>) src(%arg7 : memref<128x128xf32, #tpu.memory_space<vmem>>) dst(%dma_wait3A_127 : memref<10240x128xf32, #tpu.memory_space<vmem_shared>>)
        tpu.yield
      }) : () -> ()
      %dma_start3A_78 = arith.constant 2 : i32
      %dma_start3A_79 = arith.constant 0 : i32
      %dma_start3A_80 = arith.constant 0 : i32
      %dma_start3A_81 = tpu.memref_slice %arg6[%dma_start3A_78, %dma_start3A_79, %dma_start3A_80] : memref<4x2x128xi32, #tpu.memory_space<vmem>> -> memref<1x1x128xi32, #tpu.memory_space<vmem>>
      %dma_start3A_82 = tpu.memref_squeeze %dma_start3A_81 : memref<1x1x128xi32, #tpu.memory_space<vmem>> -> memref<128xi32, #tpu.memory_space<vmem>>
      %dma_start3A_83 = arith.constant 0 : i32
      %dma_start3A_84 = arith.constant 0 : i32
      %dma_start3A_85 = tpu.memref_slice %arg2[%dma_start3A_83, %dma_start3A_84] : memref<10000x128xf32, #tpu.memory_space<hbm>> -> memref<10000x128xf32, #tpu.memory_space<hbm>>
      tpu.enqueue_indirect_dma source(%dma_start3A_85 : memref<10000x128xf32, #tpu.memory_space<hbm>>) target(%arg7 : memref<128x128xf32, #tpu.memory_space<vmem>>) offsets(%dma_start3A_82 : memref<128xi32, #tpu.memory_space<vmem>>) semaphore(%arg8 : memref<!tpu.dma_semaphore, #tpu.memory_space<semaphore_mem>>)
      %dma_wait3A_86 = arith.constant 2 : i32
      %dma_wait3A_87 = arith.constant 0 : i32
      %dma_wait3A_88 = arith.constant 0 : i32
      %dma_wait3A_89 = tpu.memref_slice %arg6[%dma_wait3A_86, %dma_wait3A_87, %dma_wait3A_88] : memref<4x2x128xi32, #tpu.memory_space<vmem>> -> memref<1x1x128xi32, #tpu.memory_space<vmem>>
      %dma_wait3A_90 = tpu.memref_squeeze %dma_wait3A_89 : memref<1x1x128xi32, #tpu.memory_space<vmem>> -> memref<128xi32, #tpu.memory_space<vmem>>
      %dma_wait3A_91 = arith.constant 0 : i32
      %dma_wait3A_92 = arith.constant 0 : i32
      %dma_wait3A_93 = tpu.memref_slice %arg2[%dma_wait3A_91, %dma_wait3A_92] : memref<10000x128xf32, #tpu.memory_space<hbm>> -> memref<10000x128xf32, #tpu.memory_space<hbm>>
      tpu.wait_indirect_dma semaphore(%arg8 : memref<!tpu.dma_semaphore, #tpu.memory_space<semaphore_mem>>) src(%dma_wait3A_93 : memref<10000x128xf32, #tpu.memory_space<hbm>>) dst(%arg7 : memref<128x128xf32, #tpu.memory_space<vmem>>)
      %run_scoped3A_94 = arith.constant 2 : i32
      %run_scoped3A_95 = arith.constant 1 : i32
      "tpu.region"() ({
        %run_scoped3A_115 = tpu.sem_alloc : memref<!tpu.dma_semaphore, #tpu.memory_space<semaphore_mem>>
        %dma_start3A_116 = arith.constant 0 : i32
        %dma_start3A_117 = tpu.memref_slice %arg6[%run_scoped3A_94, %run_scoped3A_95, %dma_start3A_116] : memref<4x2x128xi32, #tpu.memory_space<vmem>> -> memref<1x1x128xi32, #tpu.memory_space<vmem>>
        %dma_start3A_118 = tpu.memref_squeeze %dma_start3A_117 : memref<1x1x128xi32, #tpu.memory_space<vmem>> -> memref<128xi32, #tpu.memory_space<vmem>>
        %dma_start3A_119 = arith.constant 0 : i32
        %dma_start3A_120 = arith.constant 0 : i32
        %dma_start3A_121 = tpu.memref_slice %arg5[%dma_start3A_119, %dma_start3A_120] : memref<10240x128xf32, #tpu.memory_space<vmem_shared>> -> memref<10240x128xf32, #tpu.memory_space<vmem_shared>>
        tpu.enqueue_indirect_dma source(%arg7 : memref<128x128xf32, #tpu.memory_space<vmem>>) target(%dma_start3A_121 : memref<10240x128xf32, #tpu.memory_space<vmem_shared>>) offsets(%dma_start3A_118 : memref<128xi32, #tpu.memory_space<vmem>>) semaphore(%run_scoped3A_115 : memref<!tpu.dma_semaphore, #tpu.memory_space<semaphore_mem>>) {add = true}
        %dma_wait3A_122 = arith.constant 0 : i32
        %dma_wait3A_123 = tpu.memref_slice %arg6[%run_scoped3A_94, %run_scoped3A_95, %dma_wait3A_122] : memref<4x2x128xi32, #tpu.memory_space<vmem>> -> memref<1x1x128xi32, #tpu.memory_space<vmem>>
        %dma_wait3A_124 = tpu.memref_squeeze %dma_wait3A_123 : memref<1x1x128xi32, #tpu.memory_space<vmem>> -> memref<128xi32, #tpu.memory_space<vmem>>
        %dma_wait3A_125 = arith.constant 0 : i32
        %dma_wait3A_126 = arith.constant 0 : i32
        %dma_wait3A_127 = tpu.memref_slice %arg5[%dma_wait3A_125, %dma_wait3A_126] : memref<10240x128xf32, #tpu.memory_space<vmem_shared>> -> memref<10240x128xf32, #tpu.memory_space<vmem_shared>>
        tpu.wait_indirect_dma semaphore(%run_scoped3A_115 : memref<!tpu.dma_semaphore, #tpu.memory_space<semaphore_mem>>) src(%arg7 : memref<128x128xf32, #tpu.memory_space<vmem>>) dst(%dma_wait3A_127 : memref<10240x128xf32, #tpu.memory_space<vmem_shared>>)
        tpu.yield
      }) : () -> ()
      %dma_start3A_96 = arith.constant 3 : i32
      %dma_start3A_97 = arith.constant 0 : i32
      %dma_start3A_98 = arith.constant 0 : i32
      %dma_start3A_99 = tpu.memref_slice %arg6[%dma_start3A_96, %dma_start3A_97, %dma_start3A_98] : memref<4x2x128xi32, #tpu.memory_space<vmem>> -> memref<1x1x128xi32, #tpu.memory_space<vmem>>
      %dma_start3A_100 = tpu.memref_squeeze %dma_start3A_99 : memref<1x1x128xi32, #tpu.memory_space<vmem>> -> memref<128xi32, #tpu.memory_space<vmem>>
      %dma_start3A_101 = arith.constant 0 : i32
      %dma_start3A_102 = arith.constant 0 : i32
      %dma_start3A_103 = tpu.memref_slice %arg2[%dma_start3A_101, %dma_start3A_102] : memref<10000x128xf32, #tpu.memory_space<hbm>> -> memref<10000x128xf32, #tpu.memory_space<hbm>>
      tpu.enqueue_indirect_dma source(%dma_start3A_103 : memref<10000x128xf32, #tpu.memory_space<hbm>>) target(%arg7 : memref<128x128xf32, #tpu.memory_space<vmem>>) offsets(%dma_start3A_100 : memref<128xi32, #tpu.memory_space<vmem>>) semaphore(%arg8 : memref<!tpu.dma_semaphore, #tpu.memory_space<semaphore_mem>>)
      %dma_wait3A_104 = arith.constant 3 : i32
      %dma_wait3A_105 = arith.constant 0 : i32
      %dma_wait3A_106 = arith.constant 0 : i32
      %dma_wait3A_107 = tpu.memref_slice %arg6[%dma_wait3A_104, %dma_wait3A_105, %dma_wait3A_106] : memref<4x2x128xi32, #tpu.memory_space<vmem>> -> memref<1x1x128xi32, #tpu.memory_space<vmem>>
      %dma_wait3A_108 = tpu.memref_squeeze %dma_wait3A_107 : memref<1x1x128xi32, #tpu.memory_space<vmem>> -> memref<128xi32, #tpu.memory_space<vmem>>
      %dma_wait3A_109 = arith.constant 0 : i32
      %dma_wait3A_110 = arith.constant 0 : i32
      %dma_wait3A_111 = tpu.memref_slice %arg2[%dma_wait3A_109, %dma_wait3A_110] : memref<10000x128xf32, #tpu.memory_space<hbm>> -> memref<10000x128xf32, #tpu.memory_space<hbm>>
      tpu.wait_indirect_dma semaphore(%arg8 : memref<!tpu.dma_semaphore, #tpu.memory_space<semaphore_mem>>) src(%dma_wait3A_111 : memref<10000x128xf32, #tpu.memory_space<hbm>>) dst(%arg7 : memref<128x128xf32, #tpu.memory_space<vmem>>)
      %run_scoped3A_112 = arith.constant 3 : i32
      %run_scoped3A_113 = arith.constant 1 : i32
      "tpu.region"() ({
        %run_scoped3A_115 = tpu.sem_alloc : memref<!tpu.dma_semaphore, #tpu.memory_space<semaphore_mem>>
        %dma_start3A_116 = arith.constant 0 : i32
        %dma_start3A_117 = tpu.memref_slice %arg6[%run_scoped3A_112, %run_scoped3A_113, %dma_start3A_116] : memref<4x2x128xi32, #tpu.memory_space<vmem>> -> memref<1x1x128xi32, #tpu.memory_space<vmem>>
        %dma_start3A_118 = tpu.memref_squeeze %dma_start3A_117 : memref<1x1x128xi32, #tpu.memory_space<vmem>> -> memref<128xi32, #tpu.memory_space<vmem>>
        %dma_start3A_119 = arith.constant 0 : i32
        %dma_start3A_120 = arith.constant 0 : i32
        %dma_start3A_121 = tpu.memref_slice %arg5[%dma_start3A_119, %dma_start3A_120] : memref<10240x128xf32, #tpu.memory_space<vmem_shared>> -> memref<10240x128xf32, #tpu.memory_space<vmem_shared>>
        tpu.enqueue_indirect_dma source(%arg7 : memref<128x128xf32, #tpu.memory_space<vmem>>) target(%dma_start3A_121 : memref<10240x128xf32, #tpu.memory_space<vmem_shared>>) offsets(%dma_start3A_118 : memref<128xi32, #tpu.memory_space<vmem>>) semaphore(%run_scoped3A_115 : memref<!tpu.dma_semaphore, #tpu.memory_space<semaphore_mem>>) {add = true}
        %dma_wait3A_122 = arith.constant 0 : i32
        %dma_wait3A_123 = tpu.memref_slice %arg6[%run_scoped3A_112, %run_scoped3A_113, %dma_wait3A_122] : memref<4x2x128xi32, #tpu.memory_space<vmem>> -> memref<1x1x128xi32, #tpu.memory_space<vmem>>
        %dma_wait3A_124 = tpu.memref_squeeze %dma_wait3A_123 : memref<1x1x128xi32, #tpu.memory_space<vmem>> -> memref<128xi32, #tpu.memory_space<vmem>>
        %dma_wait3A_125 = arith.constant 0 : i32
        %dma_wait3A_126 = arith.constant 0 : i32
        %dma_wait3A_127 = tpu.memref_slice %arg5[%dma_wait3A_125, %dma_wait3A_126] : memref<10240x128xf32, #tpu.memory_space<vmem_shared>> -> memref<10240x128xf32, #tpu.memory_space<vmem_shared>>
        tpu.wait_indirect_dma semaphore(%run_scoped3A_115 : memref<!tpu.dma_semaphore, #tpu.memory_space<semaphore_mem>>) src(%arg7 : memref<128x128xf32, #tpu.memory_space<vmem>>) dst(%dma_wait3A_127 : memref<10240x128xf32, #tpu.memory_space<vmem_shared>>)
        tpu.yield
      }) : () -> ()
      %scan3A_114 = arith.constant 0 : i32
      scf.yield %scan3A_114 : i32
    }
    %scan3A_33 = arith.constant 40 : i32
    %barrier3A_34 = arith.constant 0 : index
    tpu.barrier barrier_id(%barrier3A_34)
    %mul3A_35 = arith.constant 624 : i32
    %mul3A_36 = arith.muli %arg1, %mul3A_35 : i32
    %mul3A_37 = arith.constant 624 : i32
    %mul3A_38 = arith.muli %arg1, %mul3A_37 : i32
    "tpu.region"() ({
      %run_scoped3A = tpu.sem_alloc : memref<!tpu.dma_semaphore, #tpu.memory_space<semaphore_mem>>
      %dma_start3A = arith.constant 0 : i32
      %dma_start3A_41 = tpu.memref_slice %arg4[%arg0, %mul3A_38, %dma_start3A] : memref<2x10000x128xf32, #tpu.memory_space<hbm>> -> memref<1x624x128xf32, #tpu.memory_space<hbm>>
      %dma_start3A_42 = tpu.memref_squeeze %dma_start3A_41 : memref<1x624x128xf32, #tpu.memory_space<hbm>> -> memref<624x128xf32, #tpu.memory_space<hbm>>
      %dma_start3A_43 = arith.constant 0 : i32
      %dma_start3A_44 = tpu.memref_slice %arg5[%mul3A_36, %dma_start3A_43] : memref<10240x128xf32, #tpu.memory_space<vmem_shared>> -> memref<624x128xf32, #tpu.memory_space<vmem_shared>>
      tpu.enqueue_dma source(%dma_start3A_44 : memref<624x128xf32, #tpu.memory_space<vmem_shared>>) target(%dma_start3A_42 : memref<624x128xf32, #tpu.memory_space<hbm>>) target_semaphore(%run_scoped3A : memref<!tpu.dma_semaphore, #tpu.memory_space<semaphore_mem>>)
      %dma_wait3A = arith.constant 0 : i32
      %dma_wait3A_45 = tpu.memref_slice %arg4[%arg0, %mul3A_38, %dma_wait3A] : memref<2x10000x128xf32, #tpu.memory_space<hbm>> -> memref<1x624x128xf32, #tpu.memory_space<hbm>>
      %dma_wait3A_46 = tpu.memref_squeeze %dma_wait3A_45 : memref<1x624x128xf32, #tpu.memory_space<hbm>> -> memref<624x128xf32, #tpu.memory_space<hbm>>
      %dma_wait3A_47 = arith.constant 0 : i32
      %dma_wait3A_48 = tpu.memref_slice %arg5[%mul3A_36, %dma_wait3A_47] : memref<10240x128xf32, #tpu.memory_space<vmem_shared>> -> memref<624x128xf32, #tpu.memory_space<vmem_shared>>
      tpu.wait_dma2 semaphore(%run_scoped3A : memref<!tpu.dma_semaphore, #tpu.memory_space<semaphore_mem>>) src(%dma_wait3A_48 : memref<624x128xf32, #tpu.memory_space<vmem_shared>>) dst(%dma_wait3A_46 : memref<624x128xf32, #tpu.memory_space<hbm>>)
      tpu.yield
    }) : () -> ()
    %eq3A = arith.constant 15 : i32
    %eq3A_39 = arith.cmpi eq, %arg1, %eq3A : i32
    %convert_element_type3A = arith.extui %eq3A_39 : i1 to i32
    %cond3A = arith.constant 0 : i32
    %cond3A_40 = arith.cmpi ne, %convert_element_type3A, %cond3A : i32
    scf.if %cond3A_40 {
      "tpu.region"() ({
        %run_scoped3A = tpu.sem_alloc : memref<!tpu.dma_semaphore, #tpu.memory_space<semaphore_mem>>
        %dma_start3A = arith.constant 9984 : i32
        %dma_start3A_41 = arith.constant 0 : i32
        %dma_start3A_42 = tpu.memref_slice %arg4[%arg0, %dma_start3A, %dma_start3A_41] : memref<2x10000x128xf32, #tpu.memory_space<hbm>> -> memref<1x16x128xf32, #tpu.memory_space<hbm>>
        %dma_start3A_43 = tpu.memref_squeeze %dma_start3A_42 : memref<1x16x128xf32, #tpu.memory_space<hbm>> -> memref<16x128xf32, #tpu.memory_space<hbm>>
        %dma_start3A_44 = arith.constant 9984 : i32
        %dma_start3A_45 = arith.constant 0 : i32
        %dma_start3A_46 = tpu.memref_slice %arg5[%dma_start3A_44, %dma_start3A_45] : memref<10240x128xf32, #tpu.memory_space<vmem_shared>> -> memref<16x128xf32, #tpu.memory_space<vmem_shared>>
        tpu.enqueue_dma source(%dma_start3A_46 : memref<16x128xf32, #tpu.memory_space<vmem_shared>>) target(%dma_start3A_43 : memref<16x128xf32, #tpu.memory_space<hbm>>) target_semaphore(%run_scoped3A : memref<!tpu.dma_semaphore, #tpu.memory_space<semaphore_mem>>)
        %dma_wait3A = arith.constant 9984 : i32
        %dma_wait3A_47 = arith.constant 0 : i32
        %dma_wait3A_48 = tpu.memref_slice %arg4[%arg0, %dma_wait3A, %dma_wait3A_47] : memref<2x10000x128xf32, #tpu.memory_space<hbm>> -> memref<1x16x128xf32, #tpu.memory_space<hbm>>
        %dma_wait3A_49 = tpu.memref_squeeze %dma_wait3A_48 : memref<1x16x128xf32, #tpu.memory_space<hbm>> -> memref<16x128xf32, #tpu.memory_space<hbm>>
        %dma_wait3A_50 = arith.constant 9984 : i32
        %dma_wait3A_51 = arith.constant 0 : i32
        %dma_wait3A_52 = tpu.memref_slice %arg5[%dma_wait3A_50, %dma_wait3A_51] : memref<10240x128xf32, #tpu.memory_space<vmem_shared>> -> memref<16x128xf32, #tpu.memory_space<vmem_shared>>
        tpu.wait_dma2 semaphore(%run_scoped3A : memref<!tpu.dma_semaphore, #tpu.memory_space<semaphore_mem>>) src(%dma_wait3A_52 : memref<16x128xf32, #tpu.memory_space<vmem_shared>>) dst(%dma_wait3A_49 : memref<16x128xf32, #tpu.memory_space<hbm>>)
        tpu.yield
      }) : () -> ()
    } else {
    }
    return
  }
}

module attributes {stable_mosaic.version = 14 : i64} {
  func.func @_dense_body(%arg0: i32, %arg1: memref<2x1000x128xf32, #tpu.memory_space<vmem>>, %arg2: memref<2x1000x1xf32, #tpu.memory_space<vmem>>, %arg3: memref<1000x128xf32, #tpu.memory_space<vmem>>, %arg4: memref<128x128xf32, #tpu.memory_space<vmem>>, %arg5: memref<128x128xf32, #tpu.memory_space<vmem>>, %arg6: memref<1x128xf32, #tpu.memory_space<vmem>>, %arg7: memref<1000x128xf32, #tpu.memory_space<vmem>>) attributes {dimension_semantics = [#tpu.dimension_semantics<arbitrary>], iteration_bounds = array<i64: 10>, scalar_prefetch = 0 : i64, scratch_operands = 0 : i64, tpu.core_type = #tpu.core_type<tc>, window_params = [{transform_indices = @transform_0, window_bounds = array<i64: 2, 1000, 128>}, {transform_indices = @transform_1, window_bounds = array<i64: 2, 1000, 1>}, {transform_indices = @transform_2, window_bounds = array<i64: 1000, 128>}, {pipeline_mode = #tpu.pipeline_mode<synchronous>, transform_indices = @transform_3, window_bounds = array<i64: 128, 128>}, {pipeline_mode = #tpu.pipeline_mode<synchronous>, transform_indices = @transform_4, window_bounds = array<i64: 128, 128>}, {pipeline_mode = #tpu.pipeline_mode<synchronous>, transform_indices = @transform_5, window_bounds = array<i64: 1, 128>}, {transform_indices = @transform_6, window_bounds = array<i64: 1000, 128>}]} {
    %get3A = arith.constant 0 : index
    %get3A_0 = arith.constant 0 : index
    %get3A_1 = arith.constant 0 : index
    %get3A_2 = vector.load %arg2[%get3A, %get3A_0, %get3A_1] : memref<2x1000x1xf32, #tpu.memory_space<vmem>>, vector<1x1000x1xf32>
    %get3A_3 = vector.shape_cast %get3A_2 : vector<1x1000x1xf32> to vector<1000x1xf32>
    %get3A_4 = arith.constant 1 : index
    %get3A_5 = arith.constant 0 : index
    %get3A_6 = arith.constant 0 : index
    %get3A_7 = vector.load %arg2[%get3A_4, %get3A_5, %get3A_6] : memref<2x1000x1xf32, #tpu.memory_space<vmem>>, vector<1x1000x1xf32>
    %get3A_8 = vector.shape_cast %get3A_7 : vector<1x1000x1xf32> to vector<1000x1xf32>
    %add3A = arith.addf %get3A_3, %get3A_8 : vector<1000x1xf32>
    %max3A = arith.constant 1.000000e+00 : f32
    %max3A_9 = vector.broadcast %max3A : f32 to vector<1000x1xf32>
    %max3A_10 = arith.maximumf %add3A, %max3A_9 : vector<1000x1xf32>
    %get3A_11 = arith.constant 0 : index
    %get3A_12 = arith.constant 0 : index
    %get3A_13 = arith.constant 0 : index
    %get3A_14 = vector.load %arg1[%get3A_11, %get3A_12, %get3A_13] : memref<2x1000x128xf32, #tpu.memory_space<vmem>>, vector<1x1000x128xf32>
    %get3A_15 = vector.shape_cast %get3A_14 : vector<1x1000x128xf32> to vector<1000x128xf32>
    %get3A_16 = arith.constant 1 : index
    %get3A_17 = arith.constant 0 : index
    %get3A_18 = arith.constant 0 : index
    %get3A_19 = vector.load %arg1[%get3A_16, %get3A_17, %get3A_18] : memref<2x1000x128xf32, #tpu.memory_space<vmem>>, vector<1x1000x128xf32>
    %get3A_20 = vector.shape_cast %get3A_19 : vector<1x1000x128xf32> to vector<1000x128xf32>
    %add3A_21 = arith.addf %get3A_15, %get3A_20 : vector<1000x128xf32>
    %div3A = vector.broadcast %max3A_10 : vector<1000x1xf32> to vector<1000x128xf32>
    %div3A_22 = arith.divf %add3A_21, %div3A : vector<1000x128xf32>
    %get3A_23 = arith.constant 0 : index
    %get3A_24 = arith.constant 0 : index
    %get3A_25 = vector.load %arg4[%get3A_23, %get3A_24] : memref<128x128xf32, #tpu.memory_space<vmem>>, vector<128x128xf32>
    %dot_general3A = arith.constant dense<0.000000e+00> : vector<1000x128xf32>
    %dot_general3A_26 = tpu.matmul %div3A_22, %get3A_25, %dot_general3A {dimension_numbers = #tpu.dot_dimension_numbers<[1], [0], [0], [1], [0, 0, 1, 1], [], []>, transpose_lhs_hint = false} : vector<1000x128xf32>, vector<128x128xf32>, vector<1000x128xf32> -> vector<1000x128xf32>
    %get3A_27 = arith.constant 0 : index
    %get3A_28 = arith.constant 0 : index
    %get3A_29 = vector.load %arg3[%get3A_27, %get3A_28] : memref<1000x128xf32, #tpu.memory_space<vmem>>, vector<1000x128xf32>
    %get3A_30 = arith.constant 0 : index
    %get3A_31 = arith.constant 0 : index
    %get3A_32 = vector.load %arg5[%get3A_30, %get3A_31] : memref<128x128xf32, #tpu.memory_space<vmem>>, vector<128x128xf32>
    %dot_general3A_33 = arith.constant dense<0.000000e+00> : vector<1000x128xf32>
    %dot_general3A_34 = tpu.matmul %get3A_29, %get3A_32, %dot_general3A_33 {dimension_numbers = #tpu.dot_dimension_numbers<[1], [0], [0], [1], [0, 0, 1, 1], [], []>, transpose_lhs_hint = false} : vector<1000x128xf32>, vector<128x128xf32>, vector<1000x128xf32> -> vector<1000x128xf32>
    %add3A_35 = arith.addf %dot_general3A_26, %dot_general3A_34 : vector<1000x128xf32>
    %get3A_36 = arith.constant 0 : index
    %get3A_37 = arith.constant 0 : index
    %get3A_38 = vector.load %arg6[%get3A_36, %get3A_37] : memref<1x128xf32, #tpu.memory_space<vmem>>, vector<1x128xf32>
    %add3A_39 = vector.broadcast %get3A_38 : vector<1x128xf32> to vector<1000x128xf32>
    %add3A_40 = arith.addf %add3A_35, %add3A_39 : vector<1000x128xf32>
    %gt3A = arith.constant 0.000000e+00 : f32
    %gt3A_41 = vector.broadcast %gt3A : f32 to vector<1000x128xf32>
    %gt3A_42 = arith.cmpf ogt, %add3A_40, %gt3A_41 : vector<1000x128xf32>
    %min3A = arith.constant 0.000000e+00 : f32
    %min3A_43 = vector.broadcast %min3A : f32 to vector<1000x128xf32>
    %min3A_44 = arith.minimumf %add3A_40, %min3A_43 : vector<1000x128xf32>
    %exp3A = math.exp %min3A_44 : vector<1000x128xf32>
    %sub3A = arith.constant 1.000000e+00 : f32
    %sub3A_45 = vector.broadcast %sub3A : f32 to vector<1000x128xf32>
    %sub3A_46 = arith.subf %exp3A, %sub3A_45 : vector<1000x128xf32>
    %select_n3A = arith.select %gt3A_42, %add3A_40, %sub3A_46 : vector<1000x128xi1>, vector<1000x128xf32>
    %swap3A = arith.constant 0 : index
    %swap3A_47 = arith.constant 0 : index
    %swap3A_48 = vector.load %arg7[%swap3A, %swap3A_47] : memref<1000x128xf32, #tpu.memory_space<vmem>>, vector<1000x128xf32>
    tpu.vector_store %arg7[%swap3A, %swap3A_47], %select_n3A {strides = array<i32>} : memref<1000x128xf32, #tpu.memory_space<vmem>>, vector<1000x128xf32>,
    return
  }
  func.func @transform_0(%arg0: i32) -> (i32, i32, i32) {
    %c0_i32 = arith.constant 0 : i32
    %c0_i32_0 = arith.constant 0 : i32
    %c0_i32_1 = arith.constant 0 : i32
    return %c0_i32, %arg0, %c0_i32_0 : i32, i32, i32
  }
  func.func @transform_1(%arg0: i32) -> (i32, i32, i32) {
    %c0_i32 = arith.constant 0 : i32
    %c0_i32_0 = arith.constant 0 : i32
    %c0_i32_1 = arith.constant 0 : i32
    return %c0_i32, %arg0, %c0_i32_0 : i32, i32, i32
  }
  func.func @transform_2(%arg0: i32) -> (i32, i32) {
    %c0_i32 = arith.constant 0 : i32
    %c0_i32_0 = arith.constant 0 : i32
    return %arg0, %c0_i32 : i32, i32
  }
  func.func @transform_3(%arg0: i32) -> (i32, i32) {
    %c0_i32 = arith.constant 0 : i32
    %c0_i32_0 = arith.constant 0 : i32
    %c0_i32_1 = arith.constant 0 : i32
    return %c0_i32, %c0_i32_0 : i32, i32
  }
  func.func @transform_4(%arg0: i32) -> (i32, i32) {
    %c0_i32 = arith.constant 0 : i32
    %c0_i32_0 = arith.constant 0 : i32
    %c0_i32_1 = arith.constant 0 : i32
    return %c0_i32, %c0_i32_0 : i32, i32
  }
  func.func @transform_5(%arg0: i32) -> (i32, i32) {
    %c0_i32 = arith.constant 0 : i32
    %c0_i32_0 = arith.constant 0 : i32
    %c0_i32_1 = arith.constant 0 : i32
    return %c0_i32, %c0_i32_0 : i32, i32
  }
  func.func @transform_6(%arg0: i32) -> (i32, i32) {
    %c0_i32 = arith.constant 0 : i32
    %c0_i32_0 = arith.constant 0 : i32
    return %arg0, %c0_i32 : i32, i32
  }
}

module attributes {stable_mosaic.version = 14 : i64} {
  func.func @_dense_body(%arg0: i32, %arg1: memref<2x1000x128xf32, #tpu.memory_space<vmem>>, %arg2: memref<2x1000x1xf32, #tpu.memory_space<vmem>>, %arg3: memref<1000x128xf32, #tpu.memory_space<vmem>>, %arg4: memref<128x128xf32, #tpu.memory_space<vmem>>, %arg5: memref<128x128xf32, #tpu.memory_space<vmem>>, %arg6: memref<1x128xf32, #tpu.memory_space<vmem>>, %arg7: memref<1000x128xf32, #tpu.memory_space<vmem>>) attributes {dimension_semantics = [#tpu.dimension_semantics<arbitrary>], iteration_bounds = array<i64: 10>, scalar_prefetch = 0 : i64, scratch_operands = 0 : i64, tpu.core_type = #tpu.core_type<tc>, window_params = [{transform_indices = @transform_0, window_bounds = array<i64: 2, 1000, 128>}, {transform_indices = @transform_1, window_bounds = array<i64: 2, 1000, 1>}, {transform_indices = @transform_2, window_bounds = array<i64: 1000, 128>}, {pipeline_mode = #tpu.pipeline_mode<synchronous>, transform_indices = @transform_3, window_bounds = array<i64: 128, 128>}, {pipeline_mode = #tpu.pipeline_mode<synchronous>, transform_indices = @transform_4, window_bounds = array<i64: 128, 128>}, {pipeline_mode = #tpu.pipeline_mode<synchronous>, transform_indices = @transform_5, window_bounds = array<i64: 1, 128>}, {transform_indices = @transform_6, window_bounds = array<i64: 1000, 128>}]} {
    %get3A = arith.constant 0 : index
    %get3A_0 = arith.constant 0 : index
    %get3A_1 = arith.constant 0 : index
    %get3A_2 = vector.load %arg2[%get3A, %get3A_0, %get3A_1] : memref<2x1000x1xf32, #tpu.memory_space<vmem>>, vector<1x1000x1xf32>
    %get3A_3 = vector.shape_cast %get3A_2 : vector<1x1000x1xf32> to vector<1000x1xf32>
    %get3A_4 = arith.constant 1 : index
    %get3A_5 = arith.constant 0 : index
    %get3A_6 = arith.constant 0 : index
    %get3A_7 = vector.load %arg2[%get3A_4, %get3A_5, %get3A_6] : memref<2x1000x1xf32, #tpu.memory_space<vmem>>, vector<1x1000x1xf32>
    %get3A_8 = vector.shape_cast %get3A_7 : vector<1x1000x1xf32> to vector<1000x1xf32>
    %add3A = arith.addf %get3A_3, %get3A_8 : vector<1000x1xf32>
    %max3A = arith.constant 1.000000e+00 : f32
    %max3A_9 = vector.broadcast %max3A : f32 to vector<1000x1xf32>
    %max3A_10 = arith.maximumf %add3A, %max3A_9 : vector<1000x1xf32>
    %get3A_11 = arith.constant 0 : index
    %get3A_12 = arith.constant 0 : index
    %get3A_13 = arith.constant 0 : index
    %get3A_14 = vector.load %arg1[%get3A_11, %get3A_12, %get3A_13] : memref<2x1000x128xf32, #tpu.memory_space<vmem>>, vector<1x1000x128xf32>
    %get3A_15 = vector.shape_cast %get3A_14 : vector<1x1000x128xf32> to vector<1000x128xf32>
    %get3A_16 = arith.constant 1 : index
    %get3A_17 = arith.constant 0 : index
    %get3A_18 = arith.constant 0 : index
    %get3A_19 = vector.load %arg1[%get3A_16, %get3A_17, %get3A_18] : memref<2x1000x128xf32, #tpu.memory_space<vmem>>, vector<1x1000x128xf32>
    %get3A_20 = vector.shape_cast %get3A_19 : vector<1x1000x128xf32> to vector<1000x128xf32>
    %add3A_21 = arith.addf %get3A_15, %get3A_20 : vector<1000x128xf32>
    %div3A = vector.broadcast %max3A_10 : vector<1000x1xf32> to vector<1000x128xf32>
    %div3A_22 = arith.divf %add3A_21, %div3A : vector<1000x128xf32>
    %get3A_23 = arith.constant 0 : index
    %get3A_24 = arith.constant 0 : index
    %get3A_25 = vector.load %arg4[%get3A_23, %get3A_24] : memref<128x128xf32, #tpu.memory_space<vmem>>, vector<128x128xf32>
    %dot_general3A = arith.constant dense<0.000000e+00> : vector<1000x128xf32>
    %dot_general3A_26 = tpu.matmul %div3A_22, %get3A_25, %dot_general3A {dimension_numbers = #tpu.dot_dimension_numbers<[1], [0], [0], [1], [0, 0, 1, 1], [], []>, transpose_lhs_hint = false} : vector<1000x128xf32>, vector<128x128xf32>, vector<1000x128xf32> -> vector<1000x128xf32>
    %get3A_27 = arith.constant 0 : index
    %get3A_28 = arith.constant 0 : index
    %get3A_29 = vector.load %arg3[%get3A_27, %get3A_28] : memref<1000x128xf32, #tpu.memory_space<vmem>>, vector<1000x128xf32>
    %get3A_30 = arith.constant 0 : index
    %get3A_31 = arith.constant 0 : index
    %get3A_32 = vector.load %arg5[%get3A_30, %get3A_31] : memref<128x128xf32, #tpu.memory_space<vmem>>, vector<128x128xf32>
    %dot_general3A_33 = arith.constant dense<0.000000e+00> : vector<1000x128xf32>
    %dot_general3A_34 = tpu.matmul %get3A_29, %get3A_32, %dot_general3A_33 {dimension_numbers = #tpu.dot_dimension_numbers<[1], [0], [0], [1], [0, 0, 1, 1], [], []>, transpose_lhs_hint = false} : vector<1000x128xf32>, vector<128x128xf32>, vector<1000x128xf32> -> vector<1000x128xf32>
    %add3A_35 = arith.addf %dot_general3A_26, %dot_general3A_34 : vector<1000x128xf32>
    %get3A_36 = arith.constant 0 : index
    %get3A_37 = arith.constant 0 : index
    %get3A_38 = vector.load %arg6[%get3A_36, %get3A_37] : memref<1x128xf32, #tpu.memory_space<vmem>>, vector<1x128xf32>
    %add3A_39 = vector.broadcast %get3A_38 : vector<1x128xf32> to vector<1000x128xf32>
    %add3A_40 = arith.addf %add3A_35, %add3A_39 : vector<1000x128xf32>
    %gt3A = arith.constant 0.000000e+00 : f32
    %gt3A_41 = vector.broadcast %gt3A : f32 to vector<1000x128xf32>
    %gt3A_42 = arith.cmpf ogt, %add3A_40, %gt3A_41 : vector<1000x128xf32>
    %min3A = arith.constant 0.000000e+00 : f32
    %min3A_43 = vector.broadcast %min3A : f32 to vector<1000x128xf32>
    %min3A_44 = arith.minimumf %add3A_40, %min3A_43 : vector<1000x128xf32>
    %exp3A = math.exp %min3A_44 : vector<1000x128xf32>
    %sub3A = arith.constant 1.000000e+00 : f32
    %sub3A_45 = vector.broadcast %sub3A : f32 to vector<1000x128xf32>
    %sub3A_46 = arith.subf %exp3A, %sub3A_45 : vector<1000x128xf32>
    %select_n3A = arith.select %gt3A_42, %add3A_40, %sub3A_46 : vector<1000x128xi1>, vector<1000x128xf32>
    %swap3A = arith.constant 0 : index
    %swap3A_47 = arith.constant 0 : index
    %swap3A_48 = vector.load %arg7[%swap3A, %swap3A_47] : memref<1000x128xf32, #tpu.memory_space<vmem>>, vector<1000x128xf32>
    tpu.vector_store %arg7[%swap3A, %swap3A_47], %select_n3A {strides = array<i32>} : memref<1000x128xf32, #tpu.memory_space<vmem>>, vector<1000x128xf32>,
    return
  }
  func.func @transform_0(%arg0: i32) -> (i32, i32, i32) {
    %c0_i32 = arith.constant 0 : i32
    %c0_i32_0 = arith.constant 0 : i32
    %c0_i32_1 = arith.constant 0 : i32
    return %c0_i32, %arg0, %c0_i32_0 : i32, i32, i32
  }
  func.func @transform_1(%arg0: i32) -> (i32, i32, i32) {
    %c0_i32 = arith.constant 0 : i32
    %c0_i32_0 = arith.constant 0 : i32
    %c0_i32_1 = arith.constant 0 : i32
    return %c0_i32, %arg0, %c0_i32_0 : i32, i32, i32
  }
  func.func @transform_2(%arg0: i32) -> (i32, i32) {
    %c0_i32 = arith.constant 0 : i32
    %c0_i32_0 = arith.constant 0 : i32
    return %arg0, %c0_i32 : i32, i32
  }
  func.func @transform_3(%arg0: i32) -> (i32, i32) {
    %c0_i32 = arith.constant 0 : i32
    %c0_i32_0 = arith.constant 0 : i32
    %c0_i32_1 = arith.constant 0 : i32
    return %c0_i32, %c0_i32_0 : i32, i32
  }
  func.func @transform_4(%arg0: i32) -> (i32, i32) {
    %c0_i32 = arith.constant 0 : i32
    %c0_i32_0 = arith.constant 0 : i32
    %c0_i32_1 = arith.constant 0 : i32
    return %c0_i32, %c0_i32_0 : i32, i32
  }
  func.func @transform_5(%arg0: i32) -> (i32, i32) {
    %c0_i32 = arith.constant 0 : i32
    %c0_i32_0 = arith.constant 0 : i32
    %c0_i32_1 = arith.constant 0 : i32
    return %c0_i32, %c0_i32_0 : i32, i32
  }
  func.func @transform_6(%arg0: i32) -> (i32, i32) {
    %c0_i32 = arith.constant 0 : i32
    %c0_i32_0 = arith.constant 0 : i32
    return %arg0, %c0_i32 : i32, i32
  }
}

</mosaic_0001>

<sc_bundles>
// kernel: kernel.12.cloned.1.call-start
scs
__scs_entry_jumppad:
0x0: {  	(pc) =	sbr.rel $0x88, $3  }
0x1: {  	(tag) =	ssettag $0x0;
	lr =	simm.s32 $0x1  }
0x2: {  	[smem:$0x3F96] =	sst lr;
	_ =	strace $0xD0000000  }
0x3: {  	_ = 	snop  }
0x4: {  	_ = 	snop  }
0x5: {  	_ = 	snop  }
0x6: {  	_ = 	snop  }
0x7: {  	_ = 	snop  }
__scs_overlays_trampoline_lowered:
0x8: {  	[smem:$0x3FA5] =	sst s0  }
0x9: {  	[smem:$0x3FA6] =	sst s1  }
0xa: {  	[smem:$0x3FA7] =	sst s2  }
0xb: {  	[smem:$0x3FA8] =	sst s3  }
0xc: {  	[smem:$0x3FA9] =	sst s4  }
0xd: {  	[smem:$0x3FAA] =	sst s5  }
0xe: {  	[smem:$0x3FAB] =	sst s6  }
0xf: {  	[smem:$0x3FAC] =	sst s7  }
0x10: {  	[smem:$0x3FAD] =	sst s8  }
0x11: {  	[smem:$0x3FAE] =	sst s9;
	s0 =	simm.s32 @!p0 $0x0  }
0x12: {  	s1 =	sld [smem:$0x3F94];
	s0 =	simm.s32 @p0 $0x1  }
0x13: {  	[smem:$0x3FAF] =	sst s0;
	s0 =	simm.s32 @!p1 $0x0  }
0x14: {  	s2 =	sld [smem:$0x3F93];
	s0 =	simm.s32 @p1 $0x1  }
0x15: {  	[smem:$0x3FB0] =	sst s0;
	s0 =	simm.s32 @!p2 $0x0  }
0x16: {  	s3 =	sld [smem:$0x3FDB];
	s0 =	simm.s32 @p2 $0x1  }
0x17: {  	s4 =	simm.s32 $0x1BF5;
	[smem:$0x3FB2] =	sst s0  }
0x18: {  	s0 =	sld [smem:$0x3F95];
	_ =	swait.ge [sflag:s4], $0x0  }
0x19: {  	s7 =	sld [smem:$0x3F96]  }
0x1a: {  	s8 =	sadd.s32 $0xFFFFE003, lr  }
0x1b: {  	s9 =	sadd.s32 $0xFFFFFEF7, lr;
	s5 =	simm.s32 $0xFFFFFFFF;
	p2 =	slt.u32 s8, $0xFFFFF086  }
0x1c: {  	p1 =	slt.u32 s9, $0xF7A;
	s5 =	simm.s32 @!p2 $0x0  }
0x1d: {  	s5 =	simm.s32 @p1 $0x1;
	p0 =	seq.s32 s7, s2  }
0x1e: {  	s7 =	smul.u32 @!p0 $0xF7A, s2;
	p2 =	seq.s32 @!p0 s5, $0x0  }
0x1f: {  	s9 =	smul.u32 $0xF7A, s1;
	s8 =	simm.s32 @!p0 $0x1BF5;
	p2 =	por !p2, p0  }
0x20: {  	[sflag:s8] =	ssyncset.s32 @!p0 $0xFFFFF086;
	s6 =	sadd.s32 @!p0 s3, s7;
	s7 =	simm.s32 @!p0 $0x108  }
0x21: {  	s3 =	sadd.s32 s3, s9;
	s6 =	sadd.s32 @!p0 $0x88, s6;
	s7 =	simm.s32 @p2 $0x1082  }
0x22: {  	[simem:s7], [sflag:s8] =	dma.local @!p0 [hbm:s6], $0xF7A  }
0x23: {  	s9 =	sor.u32 $0xD0000000, s2;
	s6 =	simm.s32 $0x108;
	_ =	swait.ge @!p0 [sflag:s8], $0x0  }
0x24: {  	s3 =	sadd.s32 $0x88, s3;
	s6 =	simm.s32 @!p1 $0x1082;
	[sflag:s4] =	ssyncset.s32 $0xFFFFF086  }
0x25: {  	[simem:s6], [sflag:s4] =	dma.local [hbm:s3], $0xF7A  }
0x26: {  	[smem:$0x3F96] =	sst s1;
	(tag) =	ssettag s2;
	_ =	strace s9  }
0x27: {  	s1 =	sld [smem:$0x3FA6]  }
0x28: {  	s2 =	sld [smem:$0x3FA7]  }
0x29: {  	s4 =	sld [smem:$0x3FA9]  }
0x2a: {  	p0 =	seq.s32 s5, $0x0;
	s5 =	sld [smem:$0x3FAA]  }
0x2b: {  	s6 =	sld [smem:$0x3FAB]  }
0x2c: {  	s7 =	sld [smem:$0x3FAC]  }
0x2d: {  	s3 =	simm.s32 $0x108;
	s8 =	sld [smem:$0x3FAD]  }
0x2e: {  	s3 =	simm.s32 @!p0 $0x1082;
	s9 =	sld [smem:$0x3FAE]  }
0x2f: {  	lr =	sadd.s32 s0, s3;
	s0 =	sld [smem:$0x3FA5]  }
0x30: {  	s3 =	sld [smem:$0x3FA8]  }
0x31: {  	[smem:$0x3FB1] =	sst s10  }
0x32: {  	s10 =	sld [smem:$0x3FAF];
	_ =	sdelay $0x3  }
0x33: {  	p0 =	seq.s32 s10, $0x1;
	s10 =	sld [smem:$0x3FB1];
	_ =	sdelay $0x3  }
0x34: {  	[smem:$0x3FB1] =	sst s10  }
0x35: {  	s10 =	sld [smem:$0x3FB0];
	_ =	sdelay $0x3  }
0x36: {  	p1 =	seq.s32 s10, $0x1;
	s10 =	sld [smem:$0x3FB1];
	_ =	sdelay $0x3  }
0x37: {  	[smem:$0x3FB1] =	sst s10  }
0x38: {  	s10 =	sld [smem:$0x3FB2]  }
0x39: {  	_ = 	snop;
	(pc) =	sbr.ind lr, $3  }
0x3a: {  	_ = 	snop  }
0x3b: {  	_ = 	snop  }
0x3c: {  	p2 =	seq.s32 s10, $0x1;
	s10 =	sld [smem:$0x3FB1]  }
0x3d: {  	_ =	shalt  }
0x3e: {  	_ =	shalt  }
0x3f: {  	_ =	shalt  }
0x40: {  	_ =	shalt  }
0x41: {  	_ =	shalt  }
0x42: {  	_ =	shalt  }
0x43: {  	_ =	shalt  }
0x44: {  	_ =	shalt  }
0x45: {  	_ =	shalt  }
0x46: {  	_ =	shalt  }
0x47: {  	_ =	shalt  }
0x48: {  	_ =	shalt  }
0x49: {  	_ =	shalt  }
0x4a: {  	_ =	shalt  }
0x4b: {  	_ =	shalt  }
0x4c: {  	_ =	shalt  }
0x4d: {  	_ =	shalt  }
0x4e: {  	_ =	shalt  }
0x4f: {  	_ =	shalt  }
0x50: {  	_ =	shalt  }
0x51: {  	_ =	shalt  }
0x52: {  	_ =	shalt  }
0x53: {  	_ =	shalt  }
0x54: {  	_ =	shalt  }
0x55: {  	_ =	shalt  }
0x56: {  	_ =	shalt  }
0x57: {  	_ =	shalt  }
0x58: {  	_ =	shalt  }
0x59: {  	_ =	shalt  }
0x5a: {  	_ =	shalt  }
0x5b: {  	_ =	shalt  }
0x5c: {  	_ =	shalt  }
0x5d: {  	_ =	shalt  }
0x5e: {  	_ =	shalt  }
0x5f: {  	_ =	shalt  }
0x60: {  	_ =	shalt  }
0x61: {  	_ =	shalt  }
0x62: {  	_ =	shalt  }
0x63: {  	_ =	shalt  }
0x64: {  	_ =	shalt  }
0x65: {  	_ =	shalt  }
0x66: {  	_ =	shalt  }
0x67: {  	_ =	shalt  }
0x68: {  	_ =	shalt  }
0x69: {  	_ =	shalt  }
0x6a: {  	_ =	shalt  }
0x6b: {  	_ =	shalt  }
0x6c: {  	_ =	shalt  }
0x6d: {  	_ =	shalt  }
0x6e: {  	_ =	shalt  }
0x6f: {  	_ =	shalt  }
0x70: {  	_ =	shalt  }
0x71: {  	_ =	shalt  }
0x72: {  	_ =	shalt  }
0x73: {  	_ =	shalt  }
0x74: {  	_ =	shalt  }
0x75: {  	_ =	shalt  }
0x76: {  	_ =	shalt  }
0x77: {  	_ =	shalt  }
0x78: {  	_ =	shalt  }
0x79: {  	_ =	shalt  }
0x7a: {  	_ =	shalt  }
0x7b: {  	_ =	shalt  }
0x7c: {  	_ =	shalt  }
0x7d: {  	_ =	shalt  }
0x7e: {  	_ =	shalt  }
0x7f: {  	_ =	shalt  }
0x80: {  	_ =	shalt  }
0x81: {  	_ =	shalt  }
0x82: {  	_ =	shalt  }
0x83: {  	_ =	shalt  }
0x84: {  	_ =	shalt  }
0x85: {  	_ =	shalt  }
0x86: {  	_ =	shalt  }
0x87: {  	_ =	shalt  }
.Lfunc_end0:
.L_simem_size_0:
called_computation.1_lowered:
.L_overlay_start_0:
0x88: {  	s2 =	sld [smem:$0x3FD9]  }
0x89: {  	s3 =	sld [smem:$0x3FFE];
	_ =	sdelay $0x1  }
0x8a: {  	s1 =	srdreg.scid  }
0x8b: {  	s0 =	sand.u32 $0x1, s1  }
0x8c: {  	s17 =	sshll.u32 s0, $0xA;
	s2 =	sadd.s32 s3, s2  }
0x8d: {  	s2 =	sadd.s32 s2, s17  }
0x8e: {  	[smem:$0x3FBD] =	sst s2  }
0x8f: {  	_ = 	snop  }
0x90: {  	s18 =	sld [smem:$0x3FC9];
	(tm) =	ssettm $0x1  }
0x91: {  	s19 =	sld [smem:$0x3FFB];
	_ =	sdelay $0x3  }
0x92: {  	_ =	strace s19  }
0x93: {  	s2 =	sld [smem:$0x3FFC];
	_ =	sdelay $0x3  }
0x94: {  	_ =	strace s2  }
0x95: {  	s2 =	sld [smem:$0x3FFD];
	_ =	sdelay $0x3  }
0x96: {  	_ =	strace s2  }
0x97: {  	_ =	strace $0x8FFFFFFF  }
0x98: {  	s20 =	sld [smem:$0x3FDB];
	_ =	sdelay $0x1  }
0x99: {  	s4 =	simm.s32 $_scs_section_size  }
0x9a: {  	s5 =	simm.s32 $_size__tile_overlayer_lowered;
	s6 =	simm.s32 $_tile_overlayer_lowered  }
0x9b: {  	s7 =	simm.s32 $0x1BFF;
	s21 =	sshll.u32 s6, $0x1;
	s4 =	sadd.s32 s4, s20  }
0x9c: {  	s22 =	simm.s32 $0x0;
	s5 =	sshll.u32 s5, $0x1;
	s6 =	sadd.s32 s21, s4  }
0x9d: {  	[timem:s22], [sflag:s7] =	dma.local [hbm:s6], s5  }
0x9e: {  	_ =	swait.ge [sflag:s7], s5  }
0x9f: {  	s5 =	ssub.s32 $0x0, s5;
	[sflag:s7] =	ssyncset.done $0x0  }
0xa0: {  	[sflag:s7] =	ssyncadd.s32 s5;
	_ =	sdelay $0x1  }
0xa1: {  	s23 =	simm.s32 $0x1B8B  }
0xa2: {  	_ =	swait.ge [sflag:s23], $0x1  }
0xa3: {  	[sflag:s23] =	ssyncset.done $0x0  }
0xa4: {  	[sflag:s23] =	ssyncadd.s32 $0xFFFFFFFF  }
0xa5: {  	s5 =	sld [smem:$0x0]  }
0xa6: {  	s6 =	sand.u32 $0xFFFFFFFE, s1  }
0xa7: {  	p0 =	sne.s32 s1, s6  }
0xa8: {  	s6 =	sshll.u32 @p0 s6, $0xE  }
0xa9: {  	s6 =	sadd.s32 @p0 $0x11B8D, s6;
	s7 =	sshll.u32 @p0 s5, $0x11  }
0xaa: {  	s6 =	sor.u32 @p0 s7, s6  }
0xab: {  	[sflag:s6] =	ssyncadd.remote.s32 @p0 $0x1;
	_ =	sdelay $0x1  }
0xac: {  	s6 =	simm.s32 @p0 $0x1B8D  }
0xad: {  	_ =	swait.eq @p0 [sflag:s6], $0x1  }
0xae: {  	[sflag:s6] =	ssyncadd.s32 @p0 $0xFFFFFFFF  }
0xaf: {  	s7 =	sshll.u32 @!p0 s1, $0xE  }
0xb0: {  	s7 =	sor.u32 @!p0 $0x4000, s7;
	s6 =	simm.s32 @!p0 $0x1B8D  }
0xb1: {  	s5 =	sshll.u32 @!p0 s5, $0x11;
	s7 =	sadd.s32 @!p0 $0x11B8D, s7;
	_ =	swait.eq @!p0 [sflag:s6], $0x1  }
0xb2: {  	s5 =	sor.u32 @!p0 s5, s7;
	[sflag:s6] =	ssyncadd.s32 @!p0 $0xFFFFFFFF  }
0xb3: {  	s25 =	simm.s32 $0x1B8E;
	s24 =	sld [smem:$0x3FFE];
	[sflag:s5] =	ssyncadd.remote.s32 @!p0 $0x1  }
0xb4: {  	s26 =	simm.s32 $execute0_lowered;
	[smem:$0x3FD2] =	sst s25  }
0xb5: {  	s6 =	sshll.u32 s26, $0x1;
	_ =	strace $0x80000049;
	[dreg:$0x1] =	wrdreg $0xFFFFFFFF  }
0xb6: {  	s28 =	simm.s32 $_size_execute0_lowered;
	s4 =	sadd.s32 s4, s6;
	[dreg:$0x0] =	wrdreg $0x0  }
0xb7: {  	s6 =	sshll.u32 s28, $0x1;
	[dreg:$0x2] =	wrdreg s4  }
0xb8: {  	[dreg:$0x3] =	wrdreg s6  }
0xb9: {  	[dreg:$0x4] =	wrdreg $0xC0  }
0xba: {  	_ =	task [dreg:s22], $0x5FFFF  }
0xbb: {  	[dreg:$0x1] =	wrdreg $0xFFFFFFFF  }
0xbc: {  	[dreg:$0x0] =	wrdreg $0x60  }
0xbd: {  	[dreg:$0x2] =	wrdreg s18  }
0xbe: {  	[dreg:$0x3] =	wrdreg s24  }
0xbf: {  	[dreg:$0x4] =	wrdreg $0x0  }
0xc0: {  	[dreg:$0x5] =	wrdreg $0xA  }
0xc1: {  	_ =	task.clear_ibuf [dreg:s22], $0x6FFFF;
	_ =	strace $0x90000049  }
0xc2: {  	s29 =	simm.s32 $0xA;
	_ =	strace $0x8000004B  }
0xc3: {  	_ =	swait.ge [sflag:s29], $0x1  }
0xc4: {  	[sflag:s29] =	ssyncadd.s32 $0xFFFFFFFF  }
0xc5: {  	_ =	strace $0x9000004B  }
0xc6: {  	_ =	sfence  }
0xc7: {  	s30 =	sld [smem:$0x0];
	_ =	sdelay $0x2  }
0xc8: {  	s31 =	sshll.u32 s1, $0xD;
	s1 =	sshrl.u32 s1, $0x2  }
0xc9: {  	s4 =	sand.u32 $0x4000, s31;
	s1 =	sadd.s32 s1, s30  }
0xca: {  	s0 =	sor.u32 s4, s0;
	s1 =	sshll.u32 s1, $0x11  }
0xcb: {  	s0 =	sor.u32 s1, s0  }
0xcc: {  	s0 =	sadd.s32 $0x8F2B, s0  }
0xcd: {  	[sflag:s0] =	ssyncadd.remote.s32 $0x1  }
0xce: {  	_ =	sfence.sel $0xFFFF  }
0xcf: {  	[dreg:$0x0] =	wrdreg $0xFFFFFFFF;
	(pc) =	sbr.abs _section_cstart, $3  }
0xd0: {  	[dreg:$0x1] =	wrdreg $0xFFFFFFFF  }
0xd1: {  	_ =	task.clear_ibuf [dreg:s22], $0x2FFFF;
	_ =	strace $0x9FFFFFFF  }
0xd2: {  	(tm) =	ssettm $0x7FFFFFFF  }
0xd3: {  	_ =	shalt  }
tec
execute0_lowered:
.L_overlay_start_1:
0x0: {  	(tag) =	ssettag $0x1  }
0x1: {  	s0 =	srdreg.scid;
	s1 =	rddreg [dreg:$0x0]  }
0x2: {  	s23 =	stileid.u32;
	s6 =	rddreg [dreg:$0x1]  }
0x3: {  	s3 =	rddreg [dreg:$0x2];
	s4 =	simm.s32 $0x0;
	s15 =	simm.s32 $0x2  }
0x4: {  	s16 =	simm.s32 $0x14000;
	s17 =	simm.s32 $0x80;
	s18 =	simm.s32 $0x1  }
0x5: {  	s19 =	simm.s32 $0x14080;
	s20 =	simm.s32 $0x14100;
	s21 =	simm.s32 $0x14180  }
0x6: {  	s22 =	simm.s32 $0x14200;
	s28 =	simm.s32 $0x14380;
	s7 =	smul.u32 $0xA000, s23  }
0x7: {  	s29 =	simm.s32 $0x0;
	s2 =	sand.u32 $0x1, s0;
	s25 =	smul.u32 $0x50000, s23  }
0x8: {  	[smem:$0x7FF] =	sst s4;
	s11 =	sadd.s32 $0x2B600, s6;
	s9 =	smul.u32 $0x13800, s23  }
0x9: {  	s14 =	smul.u32 $0x4E000, s23;
	p0 =	sne.s32 s23, $0xF;
	s23 =	simm.s32 $0x14280  }
0xa: {  	s5 =	smul.u32 $0xA0000, s2;
	_ =	strace $0x8000004A;
	s26 =	ssub.s32 $0x2, s2  }
0xb: {  	s2 =	smul.u32 $0x138800, s2;
	s30 =	sshrl.u32 s25, $0x2;
	s31 =	sshrl.u32 s26, $0x1  }
0xc: {  	s14 =	sshrl.u32 s14, $0x2;
	s5 =	sadd.s32 s7, s5;
	s12 =	ssub.s32 s26, s31  }
0xd: {  	s10 =	sadd.s32 s9, s2;
	s2 =	sshrl.u32 s2, $0x3;
	s24 =	sadd.s32 s14, s3  }
0xe: {  	s14 =	simm.s32 $0x14400;
	s26 =	simm.s32 $0x14300;
	s5 =	sshrl.u32 s5, $0x3  }
0xf: {  	s10 =	sshrl.u32 s10, $0x3;
	s2 =	sadd.s32 s11, s2;
	s12 =	smax.u32 s12, $0x1  }
0x10: {  	s24 =	sshrl.u32 s24, $0x3;
	s13 =	sadd.s32 s5, s6;
	s5 =	sadd.s32 s30, s3  }
0x11: {  	s10 =	sadd.s32 s11, s10;
	s11 =	sadd.s32 $0x27000, s2;
	s2 =	sadd.s32 $0x138000, s3  }
0x12: {  	s6 =	sadd.s32 $0x4000, s5;
	s7 =	sadd.s32 $0x8000, s5;
	s8 =	sadd.s32 $0xC000, s5  }
0x13: {  	v0 =	vimm.f32 $0.0e+00;
	s9 =	sadd.s32 $0x10000, s5;
	s13 =	sadd.s32 $0x3600, s13;
	s25 =	sshrl.u32 @!p0 s2, $0x3  }
.LBB2_1:
0x14: {  	s30 =	simm.s32 $0x0;
	s31 =	simm.s32 $0x200  }
.LBB2_2:
0x15: {  	p1 =	sne.s32 s31, $0xFE00;
	[tilespmem:s30+$0x14470] =	vst v0  }
0x16: {  	[tilespmem:s30+$0x14400] =	vst v0  }
0x17: {  	[tilespmem:s30+$0x14410] =	vst v0  }
.Ltmp0:
0x18: {  	[tilespmem:s30+$0x14420] =	vst v0;
	(pc) =	sbr.rel @p1 .LBB2_2-.Ltmp0, $4  }
0x19: {  	[tilespmem:s30+$0x14430] =	vst v0  }
0x1a: {  	[tilespmem:s30+$0x14440] =	vst v0  }
0x1b: {  	[tilespmem:s30+$0x14450] =	vst v0  }
0x1c: {  	[tilespmem:s30+$0x14460] =	vst v0;
	s30 =	sshra.s32 s31, $0x2;
	s31 =	sadd.s32 $0x200, s31  }
0x1d: {  	[tilespmem:s30+$0x14470] =	vst v0  }
0x1e: {  	[tilespmem:s30+$0x14400] =	vst v0  }
0x1f: {  	[tilespmem:s30+$0x14410] =	vst v0  }
0x20: {  	[tilespmem:s30+$0x14420] =	vst v0  }
0x21: {  	[tilespmem:s30+$0x14430] =	vst v0  }
0x22: {  	[tilespmem:s30+$0x14440] =	vst v0  }
0x23: {  	[tilespmem:s30+$0x14450] =	vst v0  }
0x24: {  	[tilespmem:s30+$0x14460] =	vst v0  }
0x25: {  	[spmem:s5] =	stream.linear.scatter [tilespmem:s14], [sflag:$0x2], $0x4000, $0x38;
	[tilespmem:$0x18400] =	vst v63  }
0x26: {  	_ =	swait.ge [sflag:s15], $0x4000  }
0x27: {  	[sflag:s15] =	ssyncset.done $0x0  }
0x28: {  	[sflag:s15] =	ssyncadd.s32 $0xFFFFC000  }
0x29: {  	[spmem:s6] =	stream.linear.scatter [tilespmem:s14], [sflag:$0x2], $0x4000, $0x38;
	[tilespmem:$0x18400] =	vst v63  }
0x2a: {  	_ =	swait.ge [sflag:s15], $0x4000  }
0x2b: {  	[sflag:s15] =	ssyncset.done $0x0  }
0x2c: {  	[sflag:s15] =	ssyncadd.s32 $0xFFFFC000  }
0x2d: {  	[spmem:s7] =	stream.linear.scatter [tilespmem:s14], [sflag:$0x2], $0x4000, $0x38;
	[tilespmem:$0x18400] =	vst v63  }
0x2e: {  	_ =	swait.ge [sflag:s15], $0x4000  }
0x2f: {  	[sflag:s15] =	ssyncset.done $0x0  }
0x30: {  	[sflag:s15] =	ssyncadd.s32 $0xFFFFC000  }
0x31: {  	[spmem:s8] =	stream.linear.scatter [tilespmem:s14], [sflag:$0x2], $0x4000, $0x38;
	[tilespmem:$0x18400] =	vst v63  }
0x32: {  	_ =	swait.ge [sflag:s15], $0x4000  }
0x33: {  	[sflag:s15] =	ssyncset.done $0x0  }
0x34: {  	[sflag:s15] =	ssyncadd.s32 $0xFFFFC000  }
0x35: {  	[spmem:s9] =	stream.linear.scatter [tilespmem:s14], [sflag:$0x2], $0x4000, $0x38;
	[tilespmem:$0x18400] =	vst v63  }
0x36: {  	_ =	swait.ge [sflag:s15], $0x4000  }
0x37: {  	[sflag:s15] =	ssyncset.done $0x0  }
0x38: {  	[sflag:s15] =	ssyncadd.s32 $0xFFFFC000  }
0x39: {  	s2 =	sadd.s32 $0x0, s13;
	[bflag:$0x0] =	sbarrier.arrive $0xFFFF  }
0x3a: {  	[tilespmem:s16], [sflag:$0x2] =	stream.linear.gather [hbm4b:s2+s4], $0x400, $0x38;
	[tilespmem:$0x18400] =	vst v63  }
0x3b: {  	_ =	swait.ge [sflag:s15], $0x400  }
0x3c: {  	[sflag:s15] =	ssyncset.done $0x0  }
0x3d: {  	[sflag:s15] =	ssyncadd.s32 $0xFFFFFC00  }
0x3e: {  	[tilespmem:s14], [sflag:$0x1] =	stream.indirect.gather [hbm4b:s1+s17], $0x80, s16, s17, $0xb8;
	[tilespmem:$0x18400] =	vst v63  }
0x3f: {  	_ =	swait.ge [sflag:s18], $0x4000  }
0x40: {  	[sflag:s18] =	ssyncset.done $0x0  }
0x41: {  	[sflag:s18] =	ssyncadd.s32 $0xFFFFC000  }
0x42: {  	[spmem:s3] =	stream.indirect.scatter.add.f32 [tilespmem:s14], [sflag:$0x2], $0x80, s19, s17, $0xb8;
	[tilespmem:$0x18400] =	vst v63  }
0x43: {  	_ =	swait.ge [sflag:s15], $0x4000  }
0x44: {  	[sflag:s15] =	ssyncset.done $0x0  }
0x45: {  	[sflag:s15] =	ssyncadd.s32 $0xFFFFC000  }
0x46: {  	[tilespmem:s14], [sflag:$0x1] =	stream.indirect.gather [hbm4b:s1+s17], $0x80, s20, s17, $0xb8;
	[tilespmem:$0x18400] =	vst v63  }
0x47: {  	_ =	swait.ge [sflag:s18], $0x4000  }
0x48: {  	[sflag:s18] =	ssyncset.done $0x0  }
0x49: {  	[sflag:s18] =	ssyncadd.s32 $0xFFFFC000  }
0x4a: {  	[spmem:s3] =	stream.indirect.scatter.add.f32 [tilespmem:s14], [sflag:$0x2], $0x80, s21, s17, $0xb8;
	[tilespmem:$0x18400] =	vst v63  }
0x4b: {  	_ =	swait.ge [sflag:s15], $0x4000  }
0x4c: {  	[sflag:s15] =	ssyncset.done $0x0  }
0x4d: {  	[sflag:s15] =	ssyncadd.s32 $0xFFFFC000  }
0x4e: {  	[tilespmem:s14], [sflag:$0x1] =	stream.indirect.gather [hbm4b:s1+s17], $0x80, s22, s17, $0xb8;
	[tilespmem:$0x18400] =	vst v63  }
0x4f: {  	_ =	swait.ge [sflag:s18], $0x4000  }
0x50: {  	[sflag:s18] =	ssyncset.done $0x0  }
0x51: {  	[sflag:s18] =	ssyncadd.s32 $0xFFFFC000  }
0x52: {  	[spmem:s3] =	stream.indirect.scatter.add.f32 [tilespmem:s14], [sflag:$0x2], $0x80, s23, s17, $0xb8;
	[tilespmem:$0x18400] =	vst v63  }
0x53: {  	_ =	swait.ge [sflag:s15], $0x4000  }
0x54: {  	[sflag:s15] =	ssyncset.done $0x0  }
0x55: {  	[sflag:s15] =	ssyncadd.s32 $0xFFFFC000  }
0x56: {  	[tilespmem:s14], [sflag:$0x1] =	stream.indirect.gather [hbm4b:s1+s17], $0x80, s26, s17, $0xb8;
	[tilespmem:$0x18400] =	vst v63  }
0x57: {  	_ =	swait.ge [sflag:s18], $0x4000  }
0x58: {  	[sflag:s18] =	ssyncset.done $0x0  }
0x59: {  	[sflag:s18] =	ssyncadd.s32 $0xFFFFC000  }
0x5a: {  	[spmem:s3] =	stream.indirect.scatter.add.f32 [tilespmem:s14], [sflag:$0x2], $0x80, s28, s17, $0xb8;
	[tilespmem:$0x18400] =	vst v63  }
0x5b: {  	_ =	swait.ge [sflag:s15], $0x4000  }
0x5c: {  	s30 =	simm.s32 $0x80;
	s31 =	simm.s32 $0x100;
	[sflag:s15] =	ssyncset.done $0x0  }
.LBB2_4:
0x5d: {  	s0 =	sadd.s32 s30, s13  }
0x5e: {  	[sflag:s15] =	ssyncadd.s32 $0xFFFFC000;
	s30 =	smov.u32 s31;
	s2 =	sadd.s32 $0x80, s31  }
0x5f: {  	[tilespmem:s16], [sflag:$0x2] =	stream.linear.gather [hbm4b:s0+s4], $0x400, $0x38;
	[tilespmem:$0x18400] =	vst v63  }
0x60: {  	p1 =	sne.s32 s31, $0x1380;
	_ =	swait.ge [sflag:s15], $0x400  }
0x61: {  	[sflag:s15] =	ssyncset.done $0x0  }
0x62: {  	[sflag:s15] =	ssyncadd.s32 $0xFFFFFC00  }
0x63: {  	[tilespmem:s14], [sflag:$0x1] =	stream.indirect.gather [hbm4b:s1+s17], $0x80, s16, s17, $0xb8;
	[tilespmem:$0x18400] =	vst v63  }
0x64: {  	_ =	swait.ge [sflag:s18], $0x4000  }
0x65: {  	[sflag:s18] =	ssyncset.done $0x0  }
0x66: {  	[sflag:s18] =	ssyncadd.s32 $0xFFFFC000  }
0x67: {  	[spmem:s3] =	stream.indirect.scatter.add.f32 [tilespmem:s14], [sflag:$0x2], $0x80, s19, s17, $0xb8;
	[tilespmem:$0x18400] =	vst v63  }
0x68: {  	_ =	swait.ge [sflag:s15], $0x4000  }
0x69: {  	[sflag:s15] =	ssyncset.done $0x0  }
0x6a: {  	[sflag:s15] =	ssyncadd.s32 $0xFFFFC000  }
0x6b: {  	[tilespmem:s14], [sflag:$0x1] =	stream.indirect.gather [hbm4b:s1+s17], $0x80, s20, s17, $0xb8;
	[tilespmem:$0x18400] =	vst v63  }
0x6c: {  	_ =	swait.ge [sflag:s18], $0x4000  }
0x6d: {  	[sflag:s18] =	ssyncset.done $0x0  }
0x6e: {  	[sflag:s18] =	ssyncadd.s32 $0xFFFFC000  }
0x6f: {  	[spmem:s3] =	stream.indirect.scatter.add.f32 [tilespmem:s14], [sflag:$0x2], $0x80, s21, s17, $0xb8;
	[tilespmem:$0x18400] =	vst v63  }
0x70: {  	_ =	swait.ge [sflag:s15], $0x4000  }
0x71: {  	[sflag:s15] =	ssyncset.done $0x0  }
0x72: {  	[sflag:s15] =	ssyncadd.s32 $0xFFFFC000  }
0x73: {  	[tilespmem:s14], [sflag:$0x1] =	stream.indirect.gather [hbm4b:s1+s17], $0x80, s22, s17, $0xb8;
	[tilespmem:$0x18400] =	vst v63  }
0x74: {  	_ =	swait.ge [sflag:s18], $0x4000  }
0x75: {  	[sflag:s18] =	ssyncset.done $0x0  }
0x76: {  	[sflag:s18] =	ssyncadd.s32 $0xFFFFC000  }
0x77: {  	[spmem:s3] =	stream.indirect.scatter.add.f32 [tilespmem:s14], [sflag:$0x2], $0x80, s23, s17, $0xb8;
	[tilespmem:$0x18400] =	vst v63  }
0x78: {  	_ =	swait.ge [sflag:s15], $0x4000  }
0x79: {  	[sflag:s15] =	ssyncset.done $0x0  }
0x7a: {  	[sflag:s15] =	ssyncadd.s32 $0xFFFFC000  }
0x7b: {  	[tilespmem:s14], [sflag:$0x1] =	stream.indirect.gather [hbm4b:s1+s17], $0x80, s26, s17, $0xb8;
	[tilespmem:$0x18400] =	vst v63  }
0x7c: {  	_ =	swait.ge [sflag:s18], $0x4000  }
.Ltmp1:
0x7d: {  	[sflag:s18] =	ssyncset.done $0x0;
	(pc) =	sbr.rel @p1 .LBB2_4-.Ltmp1, $4  }
0x7e: {  	[sflag:s18] =	ssyncadd.s32 $0xFFFFC000  }
0x7f: {  	[spmem:s3] =	stream.indirect.scatter.add.f32 [tilespmem:s14], [sflag:$0x2], $0x80, s28, s17, $0xb8;
	[tilespmem:$0x18400] =	vst v63  }
0x80: {  	_ =	swait.ge [sflag:s15], $0x4000  }
0x81: {  	s31 =	smov.u32 s2;
	[sflag:s15] =	ssyncset.done $0x0  }
0x82: {  	s0 =	sadd.s32 s30, s13;
	[sflag:s15] =	ssyncadd.s32 $0xFFFFC000  }
0x83: {  	[tilespmem:s16], [sflag:$0x2] =	stream.linear.gather [hbm4b:s0+s4], $0x400, $0x38;
	[tilespmem:$0x18400] =	vst v63  }
0x84: {  	_ =	swait.ge [sflag:s15], $0x400  }
0x85: {  	[sflag:s15] =	ssyncset.done $0x0  }
0x86: {  	[sflag:s15] =	ssyncadd.s32 $0xFFFFFC00  }
0x87: {  	[tilespmem:s14], [sflag:$0x1] =	stream.indirect.gather [hbm4b:s1+s17], $0x80, s16, s17, $0xb8;
	[tilespmem:$0x18400] =	vst v63  }
0x88: {  	_ =	swait.ge [sflag:s18], $0x4000  }
0x89: {  	[sflag:s18] =	ssyncset.done $0x0  }
0x8a: {  	[sflag:s18] =	ssyncadd.s32 $0xFFFFC000  }
0x8b: {  	[spmem:s3] =	stream.indirect.scatter.add.f32 [tilespmem:s14], [sflag:$0x2], $0x80, s19, s17, $0xb8;
	[tilespmem:$0x18400] =	vst v63  }
0x8c: {  	_ =	swait.ge [sflag:s15], $0x4000  }
0x8d: {  	[sflag:s15] =	ssyncset.done $0x0  }
0x8e: {  	[sflag:s15] =	ssyncadd.s32 $0xFFFFC000  }
0x8f: {  	[tilespmem:s14], [sflag:$0x1] =	stream.indirect.gather [hbm4b:s1+s17], $0x80, s20, s17, $0xb8;
	[tilespmem:$0x18400] =	vst v63  }
0x90: {  	_ =	swait.ge [sflag:s18], $0x4000  }
0x91: {  	[sflag:s18] =	ssyncset.done $0x0  }
0x92: {  	[sflag:s18] =	ssyncadd.s32 $0xFFFFC000  }
0x93: {  	[spmem:s3] =	stream.indirect.scatter.add.f32 [tilespmem:s14], [sflag:$0x2], $0x80, s21, s17, $0xb8;
	[tilespmem:$0x18400] =	vst v63  }
0x94: {  	_ =	swait.ge [sflag:s15], $0x4000  }
0x95: {  	[sflag:s15] =	ssyncset.done $0x0  }
0x96: {  	[sflag:s15] =	ssyncadd.s32 $0xFFFFC000  }
0x97: {  	[tilespmem:s14], [sflag:$0x1] =	stream.indirect.gather [hbm4b:s1+s17], $0x80, s22, s17, $0xb8;
	[tilespmem:$0x18400] =	vst v63  }
0x98: {  	_ =	swait.ge [sflag:s18], $0x4000  }
0x99: {  	[sflag:s18] =	ssyncset.done $0x0  }
0x9a: {  	[sflag:s18] =	ssyncadd.s32 $0xFFFFC000  }
0x9b: {  	[spmem:s3] =	stream.indirect.scatter.add.f32 [tilespmem:s14], [sflag:$0x2], $0x80, s23, s17, $0xb8;
	[tilespmem:$0x18400] =	vst v63  }
0x9c: {  	_ =	swait.ge [sflag:s15], $0x4000  }
0x9d: {  	[sflag:s15] =	ssyncset.done $0x0  }
0x9e: {  	[sflag:s15] =	ssyncadd.s32 $0xFFFFC000  }
0x9f: {  	[tilespmem:s14], [sflag:$0x1] =	stream.indirect.gather [hbm4b:s1+s17], $0x80, s26, s17, $0xb8;
	[tilespmem:$0x18400] =	vst v63  }
0xa0: {  	_ =	swait.ge [sflag:s18], $0x4000  }
0xa1: {  	[sflag:s18] =	ssyncset.done $0x0  }
0xa2: {  	[sflag:s18] =	ssyncadd.s32 $0xFFFFC000  }
0xa3: {  	[spmem:s3] =	stream.indirect.scatter.add.f32 [tilespmem:s14], [sflag:$0x2], $0x80, s28, s17, $0xb8;
	[tilespmem:$0x18400] =	vst v63  }
0xa4: {  	_ =	swait.ge [sflag:s15], $0x4000  }
0xa5: {  	s31 =	stileid.u32;
	[sflag:s15] =	ssyncset.done $0x0  }
0xa6: {  	s0 =	sshll.u32 s31, $0x6;
	[sflag:s15] =	ssyncadd.s32 $0xFFFFC000  }
0xa7: {  	s0 =	sor.u32 $0x1C02, s0;
	[bflag:$0x0] =	sbarrier.arrive $0xFFFF  }
0xa8: {  	[hbm:s10], [sflag:s0] =	dma.local [spmem:s24], $0x2700  }
0xa9: {  	_ =	swait.ge [sflag:s15], $0x2700  }
0xaa: {  	s29 =	sadd.s32 $0x1, s29;
	[sflag:s15] =	ssyncset.done $0x0  }
0xab: {  	p1 =	sne.s32 s29, s12;
	[sflag:s15] =	ssyncadd.s32 $0xFFFFD900  }
0xac: {  	[hbm:s11], [sflag:s0] =	dma.local @!p0 [spmem:s25], $0x100  }
.Ltmp2:
0xad: {  	_ = 	snop;
	(pc) =	sbr.rel @p1 .LBB2_1-.Ltmp2, $4  }
0xae: {  	s0 =	simm.s32 @!p0 $0x2  }
0xaf: {  	_ =	swait.ge @!p0 [sflag:s0], $0x100  }
0xb0: {  	[sflag:s0] =	ssyncset.done @!p0 $0x0  }
0xb1: {  	[sflag:s0] =	ssyncadd.s32 @!p0 $0xFFFFFF00  }
0xb2: {  	_ =	sfence.sel $0x180000  }
0xb3: {  	[bflag:$0x0] =	sbarrier.arrive $0xFFFF  }
0xb4: {  	_ =	strace $0x9000004A  }
0xb5: {  	s0 =	stileid.u32;
	[bflag:$0x2] =	sbarrier.arrive $0xFFFF  }
0xb6: {  	p0 =	sne.s32 s0, $0x0;
	s0 =	rddreg [dreg:$0x3]  }
0xb7: {  	s0 =	sadd.s32 @!p0 $0x100000, s0  }
0xb8: {  	[sflag:s0] =	ssyncadd.tile.s32 @!p0 $0x1;
	_ =	shalt  }
.Lfunc_end2:
_tile_overlayer_lowered:
.L_overlay_start_2:
0xb9: {  	(tag) =	ssettag $0x2  }
0xba: {  	s0 =	rddreg [dreg:$0x0];
	s2 =	stileid.u32  }
0xbb: {  	s1 =	rddreg [dreg:$0x1];
	p0 =	sne.s32 s2, $0x0  }
0xbc: {  	s3 =	rddreg [dreg:$0x2];
	[bflag:$0x3] =	sbarrier.arrive $0xFFFF;
	s2 =	simm.s32 @!p0 $0x1C02  }
0xbd: {  	[timem:s3], [sflag:s2] =	dma.local @!p0 [hbm:s0], s1  }
0xbe: {  	s0 =	simm.s32 @!p0 $0x2  }
0xbf: {  	_ =	swait.ge @!p0 [sflag:s0], s1  }
0xc0: {  	s1 =	ssub.s32 @!p0 $0x0, s1;
	[sflag:s0] =	ssyncset.done @!p0 $0x0  }
0xc1: {  	[sflag:s0] =	ssyncadd.s32 @!p0 s1  }
0xc2: {  	[bflag:$0x3] =	sbarrier.arrive $0xFFFF  }
0xc3: {  	_ =	shalt  }

// kernel: kernel.15.cloned.1.call-start
scs
__scs_entry_jumppad:
0x0: {  	(pc) =	sbr.rel $0x88, $3  }
0x1: {  	(tag) =	ssettag $0x0;
	lr =	simm.s32 $0x1  }
0x2: {  	[smem:$0x3F96] =	sst lr;
	_ =	strace $0xD0000000  }
0x3: {  	_ = 	snop  }
0x4: {  	_ = 	snop  }
0x5: {  	_ = 	snop  }
0x6: {  	_ = 	snop  }
0x7: {  	_ = 	snop  }
__scs_overlays_trampoline_lowered:
0x8: {  	[smem:$0x3FA5] =	sst s0  }
0x9: {  	[smem:$0x3FA6] =	sst s1  }
0xa: {  	[smem:$0x3FA7] =	sst s2  }
0xb: {  	[smem:$0x3FA8] =	sst s3  }
0xc: {  	[smem:$0x3FA9] =	sst s4  }
0xd: {  	[smem:$0x3FAA] =	sst s5  }
0xe: {  	[smem:$0x3FAB] =	sst s6  }
0xf: {  	[smem:$0x3FAC] =	sst s7  }
0x10: {  	[smem:$0x3FAD] =	sst s8  }
0x11: {  	[smem:$0x3FAE] =	sst s9;
	s0 =	simm.s32 @!p0 $0x0  }
0x12: {  	s1 =	sld [smem:$0x3F94];
	s0 =	simm.s32 @p0 $0x1  }
0x13: {  	[smem:$0x3FAF] =	sst s0;
	s0 =	simm.s32 @!p1 $0x0  }
0x14: {  	s2 =	sld [smem:$0x3F93];
	s0 =	simm.s32 @p1 $0x1  }
0x15: {  	[smem:$0x3FB0] =	sst s0;
	s0 =	simm.s32 @!p2 $0x0  }
0x16: {  	s3 =	sld [smem:$0x3FDB];
	s0 =	simm.s32 @p2 $0x1  }
0x17: {  	s4 =	simm.s32 $0x1BF5;
	[smem:$0x3FB2] =	sst s0  }
0x18: {  	s0 =	sld [smem:$0x3F95];
	_ =	swait.ge [sflag:s4], $0x0  }
0x19: {  	s7 =	sld [smem:$0x3F96]  }
0x1a: {  	s8 =	sadd.s32 $0xFFFFE003, lr  }
0x1b: {  	s9 =	sadd.s32 $0xFFFFFEF7, lr;
	s5 =	simm.s32 $0xFFFFFFFF;
	p2 =	slt.u32 s8, $0xFFFFF086  }
0x1c: {  	p1 =	slt.u32 s9, $0xF7A;
	s5 =	simm.s32 @!p2 $0x0  }
0x1d: {  	s5 =	simm.s32 @p1 $0x1;
	p0 =	seq.s32 s7, s2  }
0x1e: {  	s7 =	smul.u32 @!p0 $0xF7A, s2;
	p2 =	seq.s32 @!p0 s5, $0x0  }
0x1f: {  	s9 =	smul.u32 $0xF7A, s1;
	s8 =	simm.s32 @!p0 $0x1BF5;
	p2 =	por !p2, p0  }
0x20: {  	[sflag:s8] =	ssyncset.s32 @!p0 $0xFFFFF086;
	s6 =	sadd.s32 @!p0 s3, s7;
	s7 =	simm.s32 @!p0 $0x108  }
0x21: {  	s3 =	sadd.s32 s3, s9;
	s6 =	sadd.s32 @!p0 $0x88, s6;
	s7 =	simm.s32 @p2 $0x1082  }
0x22: {  	[simem:s7], [sflag:s8] =	dma.local @!p0 [hbm:s6], $0xF7A  }
0x23: {  	s9 =	sor.u32 $0xD0000000, s2;
	s6 =	simm.s32 $0x108;
	_ =	swait.ge @!p0 [sflag:s8], $0x0  }
0x24: {  	s3 =	sadd.s32 $0x88, s3;
	s6 =	simm.s32 @!p1 $0x1082;
	[sflag:s4] =	ssyncset.s32 $0xFFFFF086  }
0x25: {  	[simem:s6], [sflag:s4] =	dma.local [hbm:s3], $0xF7A  }
0x26: {  	[smem:$0x3F96] =	sst s1;
	(tag) =	ssettag s2;
	_ =	strace s9  }
0x27: {  	s1 =	sld [smem:$0x3FA6]  }
0x28: {  	s2 =	sld [smem:$0x3FA7]  }
0x29: {  	s4 =	sld [smem:$0x3FA9]  }
0x2a: {  	p0 =	seq.s32 s5, $0x0;
	s5 =	sld [smem:$0x3FAA]  }
0x2b: {  	s6 =	sld [smem:$0x3FAB]  }
0x2c: {  	s7 =	sld [smem:$0x3FAC]  }
0x2d: {  	s3 =	simm.s32 $0x108;
	s8 =	sld [smem:$0x3FAD]  }
0x2e: {  	s3 =	simm.s32 @!p0 $0x1082;
	s9 =	sld [smem:$0x3FAE]  }
0x2f: {  	lr =	sadd.s32 s0, s3;
	s0 =	sld [smem:$0x3FA5]  }
0x30: {  	s3 =	sld [smem:$0x3FA8]  }
0x31: {  	[smem:$0x3FB1] =	sst s10  }
0x32: {  	s10 =	sld [smem:$0x3FAF];
	_ =	sdelay $0x3  }
0x33: {  	p0 =	seq.s32 s10, $0x1;
	s10 =	sld [smem:$0x3FB1];
	_ =	sdelay $0x3  }
0x34: {  	[smem:$0x3FB1] =	sst s10  }
0x35: {  	s10 =	sld [smem:$0x3FB0];
	_ =	sdelay $0x3  }
0x36: {  	p1 =	seq.s32 s10, $0x1;
	s10 =	sld [smem:$0x3FB1];
	_ =	sdelay $0x3  }
0x37: {  	[smem:$0x3FB1] =	sst s10  }
0x38: {  	s10 =	sld [smem:$0x3FB2]  }
0x39: {  	_ = 	snop;
	(pc) =	sbr.ind lr, $3  }
0x3a: {  	_ = 	snop  }
0x3b: {  	_ = 	snop  }
0x3c: {  	p2 =	seq.s32 s10, $0x1;
	s10 =	sld [smem:$0x3FB1]  }
0x3d: {  	_ =	shalt  }
0x3e: {  	_ =	shalt  }
0x3f: {  	_ =	shalt  }
0x40: {  	_ =	shalt  }
0x41: {  	_ =	shalt  }
0x42: {  	_ =	shalt  }
0x43: {  	_ =	shalt  }
0x44: {  	_ =	shalt  }
0x45: {  	_ =	shalt  }
0x46: {  	_ =	shalt  }
0x47: {  	_ =	shalt  }
0x48: {  	_ =	shalt  }
0x49: {  	_ =	shalt  }
0x4a: {  	_ =	shalt  }
0x4b: {  	_ =	shalt  }
0x4c: {  	_ =	shalt  }
0x4d: {  	_ =	shalt  }
0x4e: {  	_ =	shalt  }
0x4f: {  	_ =	shalt  }
0x50: {  	_ =	shalt  }
0x51: {  	_ =	shalt  }
0x52: {  	_ =	shalt  }
0x53: {  	_ =	shalt  }
0x54: {  	_ =	shalt  }
0x55: {  	_ =	shalt  }
0x56: {  	_ =	shalt  }
0x57: {  	_ =	shalt  }
0x58: {  	_ =	shalt  }
0x59: {  	_ =	shalt  }
0x5a: {  	_ =	shalt  }
0x5b: {  	_ =	shalt  }
0x5c: {  	_ =	shalt  }
0x5d: {  	_ =	shalt  }
0x5e: {  	_ =	shalt  }
0x5f: {  	_ =	shalt  }
0x60: {  	_ =	shalt  }
0x61: {  	_ =	shalt  }
0x62: {  	_ =	shalt  }
0x63: {  	_ =	shalt  }
0x64: {  	_ =	shalt  }
0x65: {  	_ =	shalt  }
0x66: {  	_ =	shalt  }
0x67: {  	_ =	shalt  }
0x68: {  	_ =	shalt  }
0x69: {  	_ =	shalt  }
0x6a: {  	_ =	shalt  }
0x6b: {  	_ =	shalt  }
0x6c: {  	_ =	shalt  }
0x6d: {  	_ =	shalt  }
0x6e: {  	_ =	shalt  }
0x6f: {  	_ =	shalt  }
0x70: {  	_ =	shalt  }
0x71: {  	_ =	shalt  }
0x72: {  	_ =	shalt  }
0x73: {  	_ =	shalt  }
0x74: {  	_ =	shalt  }
0x75: {  	_ =	shalt  }
0x76: {  	_ =	shalt  }
0x77: {  	_ =	shalt  }
0x78: {  	_ =	shalt  }
0x79: {  	_ =	shalt  }
0x7a: {  	_ =	shalt  }
0x7b: {  	_ =	shalt  }
0x7c: {  	_ =	shalt  }
0x7d: {  	_ =	shalt  }
0x7e: {  	_ =	shalt  }
0x7f: {  	_ =	shalt  }
0x80: {  	_ =	shalt  }
0x81: {  	_ =	shalt  }
0x82: {  	_ =	shalt  }
0x83: {  	_ =	shalt  }
0x84: {  	_ =	shalt  }
0x85: {  	_ =	shalt  }
0x86: {  	_ =	shalt  }
0x87: {  	_ =	shalt  }
.Lfunc_end0:
.L_simem_size_0:
called_computation.2_lowered:
.L_overlay_start_0:
0x88: {  	s2 =	sld [smem:$0x3FD9]  }
0x89: {  	s3 =	sld [smem:$0x3FFE];
	_ =	sdelay $0x1  }
0x8a: {  	s1 =	srdreg.scid  }
0x8b: {  	s0 =	sand.u32 $0x1, s1  }
0x8c: {  	s17 =	sshll.u32 s0, $0xA;
	s2 =	sadd.s32 s3, s2  }
0x8d: {  	s2 =	sadd.s32 s2, s17  }
0x8e: {  	[smem:$0x3FBD] =	sst s2  }
0x8f: {  	_ = 	snop  }
0x90: {  	s2 =	sld [smem:$0x3FD0];
	(tm) =	ssettm $0x1  }
0x91: {  	s18 =	sld [smem:$0x3FFB];
	_ =	sdelay $0x3  }
0x92: {  	_ =	strace s18  }
0x93: {  	s3 =	sld [smem:$0x3FFC];
	_ =	sdelay $0x3  }
0x94: {  	_ =	strace s3  }
0x95: {  	s3 =	sld [smem:$0x3FFD];
	_ =	sdelay $0x3  }
0x96: {  	_ =	strace s3  }
0x97: {  	_ =	strace $0x8FFFFFFF  }
0x98: {  	s19 =	sld [smem:$0x3FDB];
	_ =	sdelay $0x1  }
0x99: {  	s4 =	simm.s32 $_scs_section_size  }
0x9a: {  	s5 =	simm.s32 $_size__tile_overlayer_lowered;
	s6 =	simm.s32 $_tile_overlayer_lowered  }
0x9b: {  	s22 =	simm.s32 $0x1BFF;
	s21 =	sshll.u32 s6, $0x1;
	s3 =	sadd.s32 s4, s19  }
0x9c: {  	s7 =	simm.s32 $0x0;
	s20 =	sshll.u32 s5, $0x1;
	s5 =	sadd.s32 s21, s3  }
0x9d: {  	[timem:s7], [sflag:s22] =	dma.local [hbm:s5], s20  }
0x9e: {  	_ =	swait.ge [sflag:s22], s20  }
0x9f: {  	s4 =	ssub.s32 $0x0, s20;
	[sflag:s22] =	ssyncset.done $0x0  }
0xa0: {  	[sflag:s22] =	ssyncadd.s32 s4;
	_ =	sdelay $0x1  }
0xa1: {  	s23 =	simm.s32 $0x1B8B  }
0xa2: {  	_ =	swait.ge [sflag:s23], $0x1  }
0xa3: {  	[sflag:s23] =	ssyncset.done $0x0  }
0xa4: {  	s25 =	simm.s32 $0x1B8E;
	s24 =	sld [smem:$0x3FFE];
	[sflag:s23] =	ssyncadd.s32 $0xFFFFFFFF  }
0xa5: {  	s26 =	simm.s32 $execute0_lowered;
	[smem:$0x3FD2] =	sst s25  }
0xa6: {  	s5 =	sshll.u32 s26, $0x1;
	_ =	strace $0x8000004C;
	[dreg:$0x1] =	wrdreg $0xFFFFFFFF  }
0xa7: {  	s28 =	simm.s32 $_size_execute0_lowered;
	s3 =	sadd.s32 s3, s5;
	[dreg:$0x0] =	wrdreg $0x0  }
0xa8: {  	s5 =	sshll.u32 s28, $0x1;
	[dreg:$0x2] =	wrdreg s3  }
0xa9: {  	[dreg:$0x3] =	wrdreg s5  }
0xaa: {  	[dreg:$0x4] =	wrdreg $0xC0  }
0xab: {  	_ =	task [dreg:s7], $0x5FFFF  }
0xac: {  	[dreg:$0x1] =	wrdreg $0xFFFFFFFF  }
0xad: {  	[dreg:$0x0] =	wrdreg $0x60  }
0xae: {  	[dreg:$0x2] =	wrdreg s2  }
0xaf: {  	[dreg:$0x3] =	wrdreg s24  }
0xb0: {  	[dreg:$0x4] =	wrdreg $0x0  }
0xb1: {  	[dreg:$0x5] =	wrdreg $0x9  }
0xb2: {  	_ =	task.clear_ibuf [dreg:s7], $0x6FFFF;
	_ =	strace $0x9000004C  }
0xb3: {  	s29 =	simm.s32 $0x9;
	_ =	strace $0x8000004E  }
0xb4: {  	_ =	swait.ge [sflag:s29], $0x1  }
0xb5: {  	[sflag:s29] =	ssyncadd.s32 $0xFFFFFFFF  }
0xb6: {  	_ =	strace $0x9000004E  }
0xb7: {  	_ =	sfence  }
0xb8: {  	s30 =	sld [smem:$0x0];
	_ =	sdelay $0x2  }
0xb9: {  	s31 =	sshll.u32 s1, $0xD;
	s1 =	sshrl.u32 s1, $0x2  }
0xba: {  	s3 =	sand.u32 $0x4000, s31;
	s1 =	sadd.s32 s1, s30  }
0xbb: {  	s0 =	sor.u32 s3, s0;
	s1 =	sshll.u32 s1, $0x11  }
0xbc: {  	s0 =	sor.u32 s1, s0  }
0xbd: {  	s0 =	sadd.s32 $0x8F2B, s0  }
0xbe: {  	[sflag:s0] =	ssyncadd.remote.s32 $0x1  }
0xbf: {  	_ =	sfence.sel $0xFFFF  }
0xc0: {  	[dreg:$0x0] =	wrdreg $0xFFFFFFFF;
	(pc) =	sbr.abs _section_cstart, $3  }
0xc1: {  	[dreg:$0x1] =	wrdreg $0xFFFFFFFF  }
0xc2: {  	_ =	task.clear_ibuf [dreg:s7], $0x2FFFF;
	_ =	strace $0x9FFFFFFF  }
0xc3: {  	(tm) =	ssettm $0x7FFFFFFF  }
tec
execute0_lowered:
.L_overlay_start_1:
0x0: {  	(tag) =	ssettag $0x1  }
0x1: {  	s0 =	srdreg.scid;
	s1 =	rddreg [dreg:$0x0]  }
0x2: {  	s23 =	stileid.u32;
	s6 =	rddreg [dreg:$0x1]  }
0x3: {  	s3 =	rddreg [dreg:$0x2];
	s4 =	simm.s32 $0x0;
	s15 =	simm.s32 $0x2  }
0x4: {  	s16 =	simm.s32 $0x14000;
	s17 =	simm.s32 $0x80;
	s18 =	simm.s32 $0x1  }
0x5: {  	s19 =	simm.s32 $0x14080;
	s20 =	simm.s32 $0x14100;
	s21 =	simm.s32 $0x14180  }
0x6: {  	s22 =	simm.s32 $0x14200;
	s28 =	simm.s32 $0x14380;
	s7 =	smul.u32 $0xA000, s23  }
0x7: {  	s29 =	simm.s32 $0x0;
	s2 =	sand.u32 $0x1, s0;
	s25 =	smul.u32 $0x50000, s23  }
0x8: {  	[smem:$0x7FF] =	sst s4;
	s11 =	sadd.s32 $0x2B600, s6;
	s9 =	smul.u32 $0x13800, s23  }
0x9: {  	s14 =	smul.u32 $0x4E000, s23;
	p0 =	sne.s32 s23, $0xF;
	s23 =	simm.s32 $0x14280  }
0xa: {  	s5 =	smul.u32 $0xA0000, s2;
	_ =	strace $0x8000004D;
	s26 =	ssub.s32 $0x2, s2  }
0xb: {  	s2 =	smul.u32 $0x138800, s2;
	s30 =	sshrl.u32 s25, $0x2;
	s31 =	sshrl.u32 s26, $0x1  }
0xc: {  	s14 =	sshrl.u32 s14, $0x2;
	s5 =	sadd.s32 s7, s5;
	s12 =	ssub.s32 s26, s31  }
0xd: {  	s10 =	sadd.s32 s9, s2;
	s2 =	sshrl.u32 s2, $0x3;
	s24 =	sadd.s32 s14, s3  }
0xe: {  	s14 =	simm.s32 $0x14400;
	s26 =	simm.s32 $0x14300;
	s5 =	sshrl.u32 s5, $0x3  }
0xf: {  	s10 =	sshrl.u32 s10, $0x3;
	s2 =	sadd.s32 s11, s2;
	s12 =	smax.u32 s12, $0x1  }
0x10: {  	s24 =	sshrl.u32 s24, $0x3;
	s13 =	sadd.s32 s5, s6;
	s5 =	sadd.s32 s30, s3  }
0x11: {  	s10 =	sadd.s32 s11, s10;
	s11 =	sadd.s32 $0x27000, s2;
	s2 =	sadd.s32 $0x138000, s3  }
0x12: {  	s6 =	sadd.s32 $0x4000, s5;
	s7 =	sadd.s32 $0x8000, s5;
	s8 =	sadd.s32 $0xC000, s5  }
0x13: {  	v0 =	vimm.f32 $0.0e+00;
	s9 =	sadd.s32 $0x10000, s5;
	s13 =	sadd.s32 $0x3600, s13;
	s25 =	sshrl.u32 @!p0 s2, $0x3  }
.LBB2_1:
0x14: {  	s30 =	simm.s32 $0x0;
	s31 =	simm.s32 $0x200  }
.LBB2_2:
0x15: {  	p1 =	sne.s32 s31, $0xFE00;
	[tilespmem:s30+$0x14470] =	vst v0  }
0x16: {  	[tilespmem:s30+$0x14400] =	vst v0  }
0x17: {  	[tilespmem:s30+$0x14410] =	vst v0  }
.Ltmp0:
0x18: {  	[tilespmem:s30+$0x14420] =	vst v0;
	(pc) =	sbr.rel @p1 .LBB2_2-.Ltmp0, $4  }
0x19: {  	[tilespmem:s30+$0x14430] =	vst v0  }
0x1a: {  	[tilespmem:s30+$0x14440] =	vst v0  }
0x1b: {  	[tilespmem:s30+$0x14450] =	vst v0  }
0x1c: {  	[tilespmem:s30+$0x14460] =	vst v0;
	s30 =	sshra.s32 s31, $0x2;
	s31 =	sadd.s32 $0x200, s31  }
0x1d: {  	[tilespmem:s30+$0x14470] =	vst v0  }
0x1e: {  	[tilespmem:s30+$0x14400] =	vst v0  }
0x1f: {  	[tilespmem:s30+$0x14410] =	vst v0  }
0x20: {  	[tilespmem:s30+$0x14420] =	vst v0  }
0x21: {  	[tilespmem:s30+$0x14430] =	vst v0  }
0x22: {  	[tilespmem:s30+$0x14440] =	vst v0  }
0x23: {  	[tilespmem:s30+$0x14450] =	vst v0  }
0x24: {  	[tilespmem:s30+$0x14460] =	vst v0  }
0x25: {  	[spmem:s5] =	stream.linear.scatter [tilespmem:s14], [sflag:$0x2], $0x4000, $0x38;
	[tilespmem:$0x18400] =	vst v63  }
0x26: {  	_ =	swait.ge [sflag:s15], $0x4000  }
0x27: {  	[sflag:s15] =	ssyncset.done $0x0  }
0x28: {  	[sflag:s15] =	ssyncadd.s32 $0xFFFFC000  }
0x29: {  	[spmem:s6] =	stream.linear.scatter [tilespmem:s14], [sflag:$0x2], $0x4000, $0x38;
	[tilespmem:$0x18400] =	vst v63  }
0x2a: {  	_ =	swait.ge [sflag:s15], $0x4000  }
0x2b: {  	[sflag:s15] =	ssyncset.done $0x0  }
0x2c: {  	[sflag:s15] =	ssyncadd.s32 $0xFFFFC000  }
0x2d: {  	[spmem:s7] =	stream.linear.scatter [tilespmem:s14], [sflag:$0x2], $0x4000, $0x38;
	[tilespmem:$0x18400] =	vst v63  }
0x2e: {  	_ =	swait.ge [sflag:s15], $0x4000  }
0x2f: {  	[sflag:s15] =	ssyncset.done $0x0  }
0x30: {  	[sflag:s15] =	ssyncadd.s32 $0xFFFFC000  }
0x31: {  	[spmem:s8] =	stream.linear.scatter [tilespmem:s14], [sflag:$0x2], $0x4000, $0x38;
	[tilespmem:$0x18400] =	vst v63  }
0x32: {  	_ =	swait.ge [sflag:s15], $0x4000  }
0x33: {  	[sflag:s15] =	ssyncset.done $0x0  }
0x34: {  	[sflag:s15] =	ssyncadd.s32 $0xFFFFC000  }
0x35: {  	[spmem:s9] =	stream.linear.scatter [tilespmem:s14], [sflag:$0x2], $0x4000, $0x38;
	[tilespmem:$0x18400] =	vst v63  }
0x36: {  	_ =	swait.ge [sflag:s15], $0x4000  }
0x37: {  	[sflag:s15] =	ssyncset.done $0x0  }
0x38: {  	[sflag:s15] =	ssyncadd.s32 $0xFFFFC000  }
0x39: {  	s2 =	sadd.s32 $0x0, s13;
	[bflag:$0x0] =	sbarrier.arrive $0xFFFF  }
0x3a: {  	[tilespmem:s16], [sflag:$0x2] =	stream.linear.gather [hbm4b:s2+s4], $0x400, $0x38;
	[tilespmem:$0x18400] =	vst v63  }
0x3b: {  	_ =	swait.ge [sflag:s15], $0x400  }
0x3c: {  	[sflag:s15] =	ssyncset.done $0x0  }
0x3d: {  	[sflag:s15] =	ssyncadd.s32 $0xFFFFFC00  }
0x3e: {  	[tilespmem:s14], [sflag:$0x1] =	stream.indirect.gather [hbm4b:s1+s17], $0x80, s16, s17, $0xb8;
	[tilespmem:$0x18400] =	vst v63  }
0x3f: {  	_ =	swait.ge [sflag:s18], $0x4000  }
0x40: {  	[sflag:s18] =	ssyncset.done $0x0  }
0x41: {  	[sflag:s18] =	ssyncadd.s32 $0xFFFFC000  }
0x42: {  	[spmem:s3] =	stream.indirect.scatter.add.f32 [tilespmem:s14], [sflag:$0x2], $0x80, s19, s17, $0xb8;
	[tilespmem:$0x18400] =	vst v63  }
0x43: {  	_ =	swait.ge [sflag:s15], $0x4000  }
0x44: {  	[sflag:s15] =	ssyncset.done $0x0  }
0x45: {  	[sflag:s15] =	ssyncadd.s32 $0xFFFFC000  }
0x46: {  	[tilespmem:s14], [sflag:$0x1] =	stream.indirect.gather [hbm4b:s1+s17], $0x80, s20, s17, $0xb8;
	[tilespmem:$0x18400] =	vst v63  }
0x47: {  	_ =	swait.ge [sflag:s18], $0x4000  }
0x48: {  	[sflag:s18] =	ssyncset.done $0x0  }
0x49: {  	[sflag:s18] =	ssyncadd.s32 $0xFFFFC000  }
0x4a: {  	[spmem:s3] =	stream.indirect.scatter.add.f32 [tilespmem:s14], [sflag:$0x2], $0x80, s21, s17, $0xb8;
	[tilespmem:$0x18400] =	vst v63  }
0x4b: {  	_ =	swait.ge [sflag:s15], $0x4000  }
0x4c: {  	[sflag:s15] =	ssyncset.done $0x0  }
0x4d: {  	[sflag:s15] =	ssyncadd.s32 $0xFFFFC000  }
0x4e: {  	[tilespmem:s14], [sflag:$0x1] =	stream.indirect.gather [hbm4b:s1+s17], $0x80, s22, s17, $0xb8;
	[tilespmem:$0x18400] =	vst v63  }
0x4f: {  	_ =	swait.ge [sflag:s18], $0x4000  }
0x50: {  	[sflag:s18] =	ssyncset.done $0x0  }
0x51: {  	[sflag:s18] =	ssyncadd.s32 $0xFFFFC000  }
0x52: {  	[spmem:s3] =	stream.indirect.scatter.add.f32 [tilespmem:s14], [sflag:$0x2], $0x80, s23, s17, $0xb8;
	[tilespmem:$0x18400] =	vst v63  }
0x53: {  	_ =	swait.ge [sflag:s15], $0x4000  }
0x54: {  	[sflag:s15] =	ssyncset.done $0x0  }
0x55: {  	[sflag:s15] =	ssyncadd.s32 $0xFFFFC000  }
0x56: {  	[tilespmem:s14], [sflag:$0x1] =	stream.indirect.gather [hbm4b:s1+s17], $0x80, s26, s17, $0xb8;
	[tilespmem:$0x18400] =	vst v63  }
0x57: {  	_ =	swait.ge [sflag:s18], $0x4000  }
0x58: {  	[sflag:s18] =	ssyncset.done $0x0  }
0x59: {  	[sflag:s18] =	ssyncadd.s32 $0xFFFFC000  }
0x5a: {  	[spmem:s3] =	stream.indirect.scatter.add.f32 [tilespmem:s14], [sflag:$0x2], $0x80, s28, s17, $0xb8;
	[tilespmem:$0x18400] =	vst v63  }
0x5b: {  	_ =	swait.ge [sflag:s15], $0x4000  }
0x5c: {  	s30 =	simm.s32 $0x80;
	s31 =	simm.s32 $0x100;
	[sflag:s15] =	ssyncset.done $0x0  }
.LBB2_4:
0x5d: {  	s0 =	sadd.s32 s30, s13  }
0x5e: {  	[sflag:s15] =	ssyncadd.s32 $0xFFFFC000;
	s30 =	smov.u32 s31;
	s2 =	sadd.s32 $0x80, s31  }
0x5f: {  	[tilespmem:s16], [sflag:$0x2] =	stream.linear.gather [hbm4b:s0+s4], $0x400, $0x38;
	[tilespmem:$0x18400] =	vst v63  }
0x60: {  	p1 =	sne.s32 s31, $0x1380;
	_ =	swait.ge [sflag:s15], $0x400  }
0x61: {  	[sflag:s15] =	ssyncset.done $0x0  }
0x62: {  	[sflag:s15] =	ssyncadd.s32 $0xFFFFFC00  }
0x63: {  	[tilespmem:s14], [sflag:$0x1] =	stream.indirect.gather [hbm4b:s1+s17], $0x80, s16, s17, $0xb8;
	[tilespmem:$0x18400] =	vst v63  }
0x64: {  	_ =	swait.ge [sflag:s18], $0x4000  }
0x65: {  	[sflag:s18] =	ssyncset.done $0x0  }
0x66: {  	[sflag:s18] =	ssyncadd.s32 $0xFFFFC000  }
0x67: {  	[spmem:s3] =	stream.indirect.scatter.add.f32 [tilespmem:s14], [sflag:$0x2], $0x80, s19, s17, $0xb8;
	[tilespmem:$0x18400] =	vst v63  }
0x68: {  	_ =	swait.ge [sflag:s15], $0x4000  }
0x69: {  	[sflag:s15] =	ssyncset.done $0x0  }
0x6a: {  	[sflag:s15] =	ssyncadd.s32 $0xFFFFC000  }
0x6b: {  	[tilespmem:s14], [sflag:$0x1] =	stream.indirect.gather [hbm4b:s1+s17], $0x80, s20, s17, $0xb8;
	[tilespmem:$0x18400] =	vst v63  }
0x6c: {  	_ =	swait.ge [sflag:s18], $0x4000  }
0x6d: {  	[sflag:s18] =	ssyncset.done $0x0  }
0x6e: {  	[sflag:s18] =	ssyncadd.s32 $0xFFFFC000  }
0x6f: {  	[spmem:s3] =	stream.indirect.scatter.add.f32 [tilespmem:s14], [sflag:$0x2], $0x80, s21, s17, $0xb8;
	[tilespmem:$0x18400] =	vst v63  }
0x70: {  	_ =	swait.ge [sflag:s15], $0x4000  }
0x71: {  	[sflag:s15] =	ssyncset.done $0x0  }
0x72: {  	[sflag:s15] =	ssyncadd.s32 $0xFFFFC000  }
0x73: {  	[tilespmem:s14], [sflag:$0x1] =	stream.indirect.gather [hbm4b:s1+s17], $0x80, s22, s17, $0xb8;
	[tilespmem:$0x18400] =	vst v63  }
0x74: {  	_ =	swait.ge [sflag:s18], $0x4000  }
0x75: {  	[sflag:s18] =	ssyncset.done $0x0  }
0x76: {  	[sflag:s18] =	ssyncadd.s32 $0xFFFFC000  }
0x77: {  	[spmem:s3] =	stream.indirect.scatter.add.f32 [tilespmem:s14], [sflag:$0x2], $0x80, s23, s17, $0xb8;
	[tilespmem:$0x18400] =	vst v63  }
0x78: {  	_ =	swait.ge [sflag:s15], $0x4000  }
0x79: {  	[sflag:s15] =	ssyncset.done $0x0  }
0x7a: {  	[sflag:s15] =	ssyncadd.s32 $0xFFFFC000  }
0x7b: {  	[tilespmem:s14], [sflag:$0x1] =	stream.indirect.gather [hbm4b:s1+s17], $0x80, s26, s17, $0xb8;
	[tilespmem:$0x18400] =	vst v63  }
0x7c: {  	_ =	swait.ge [sflag:s18], $0x4000  }
.Ltmp1:
0x7d: {  	[sflag:s18] =	ssyncset.done $0x0;
	(pc) =	sbr.rel @p1 .LBB2_4-.Ltmp1, $4  }
0x7e: {  	[sflag:s18] =	ssyncadd.s32 $0xFFFFC000  }
0x7f: {  	[spmem:s3] =	stream.indirect.scatter.add.f32 [tilespmem:s14], [sflag:$0x2], $0x80, s28, s17, $0xb8;
	[tilespmem:$0x18400] =	vst v63  }
0x80: {  	_ =	swait.ge [sflag:s15], $0x4000  }
0x81: {  	s31 =	smov.u32 s2;
	[sflag:s15] =	ssyncset.done $0x0  }
0x82: {  	s0 =	sadd.s32 s30, s13;
	[sflag:s15] =	ssyncadd.s32 $0xFFFFC000  }
0x83: {  	[tilespmem:s16], [sflag:$0x2] =	stream.linear.gather [hbm4b:s0+s4], $0x400, $0x38;
	[tilespmem:$0x18400] =	vst v63  }
0x84: {  	_ =	swait.ge [sflag:s15], $0x400  }
0x85: {  	[sflag:s15] =	ssyncset.done $0x0  }
0x86: {  	[sflag:s15] =	ssyncadd.s32 $0xFFFFFC00  }
0x87: {  	[tilespmem:s14], [sflag:$0x1] =	stream.indirect.gather [hbm4b:s1+s17], $0x80, s16, s17, $0xb8;
	[tilespmem:$0x18400] =	vst v63  }
0x88: {  	_ =	swait.ge [sflag:s18], $0x4000  }
0x89: {  	[sflag:s18] =	ssyncset.done $0x0  }
0x8a: {  	[sflag:s18] =	ssyncadd.s32 $0xFFFFC000  }
0x8b: {  	[spmem:s3] =	stream.indirect.scatter.add.f32 [tilespmem:s14], [sflag:$0x2], $0x80, s19, s17, $0xb8;
	[tilespmem:$0x18400] =	vst v63  }
0x8c: {  	_ =	swait.ge [sflag:s15], $0x4000  }
0x8d: {  	[sflag:s15] =	ssyncset.done $0x0  }
0x8e: {  	[sflag:s15] =	ssyncadd.s32 $0xFFFFC000  }
0x8f: {  	[tilespmem:s14], [sflag:$0x1] =	stream.indirect.gather [hbm4b:s1+s17], $0x80, s20, s17, $0xb8;
	[tilespmem:$0x18400] =	vst v63  }
0x90: {  	_ =	swait.ge [sflag:s18], $0x4000  }
0x91: {  	[sflag:s18] =	ssyncset.done $0x0  }
0x92: {  	[sflag:s18] =	ssyncadd.s32 $0xFFFFC000  }
0x93: {  	[spmem:s3] =	stream.indirect.scatter.add.f32 [tilespmem:s14], [sflag:$0x2], $0x80, s21, s17, $0xb8;
	[tilespmem:$0x18400] =	vst v63  }
0x94: {  	_ =	swait.ge [sflag:s15], $0x4000  }
0x95: {  	[sflag:s15] =	ssyncset.done $0x0  }
0x96: {  	[sflag:s15] =	ssyncadd.s32 $0xFFFFC000  }
0x97: {  	[tilespmem:s14], [sflag:$0x1] =	stream.indirect.gather [hbm4b:s1+s17], $0x80, s22, s17, $0xb8;
	[tilespmem:$0x18400] =	vst v63  }
0x98: {  	_ =	swait.ge [sflag:s18], $0x4000  }
0x99: {  	[sflag:s18] =	ssyncset.done $0x0  }
0x9a: {  	[sflag:s18] =	ssyncadd.s32 $0xFFFFC000  }
0x9b: {  	[spmem:s3] =	stream.indirect.scatter.add.f32 [tilespmem:s14], [sflag:$0x2], $0x80, s23, s17, $0xb8;
	[tilespmem:$0x18400] =	vst v63  }
0x9c: {  	_ =	swait.ge [sflag:s15], $0x4000  }
0x9d: {  	[sflag:s15] =	ssyncset.done $0x0  }
0x9e: {  	[sflag:s15] =	ssyncadd.s32 $0xFFFFC000  }
0x9f: {  	[tilespmem:s14], [sflag:$0x1] =	stream.indirect.gather [hbm4b:s1+s17], $0x80, s26, s17, $0xb8;
	[tilespmem:$0x18400] =	vst v63  }
0xa0: {  	_ =	swait.ge [sflag:s18], $0x4000  }
0xa1: {  	[sflag:s18] =	ssyncset.done $0x0  }
0xa2: {  	[sflag:s18] =	ssyncadd.s32 $0xFFFFC000  }
0xa3: {  	[spmem:s3] =	stream.indirect.scatter.add.f32 [tilespmem:s14], [sflag:$0x2], $0x80, s28, s17, $0xb8;
	[tilespmem:$0x18400] =	vst v63  }
0xa4: {  	_ =	swait.ge [sflag:s15], $0x4000  }
0xa5: {  	s31 =	stileid.u32;
	[sflag:s15] =	ssyncset.done $0x0  }
0xa6: {  	s0 =	sshll.u32 s31, $0x6;
	[sflag:s15] =	ssyncadd.s32 $0xFFFFC000  }
0xa7: {  	s0 =	sor.u32 $0x1C02, s0;
	[bflag:$0x0] =	sbarrier.arrive $0xFFFF  }
0xa8: {  	[hbm:s10], [sflag:s0] =	dma.local [spmem:s24], $0x2700  }
0xa9: {  	_ =	swait.ge [sflag:s15], $0x2700  }
0xaa: {  	s29 =	sadd.s32 $0x1, s29;
	[sflag:s15] =	ssyncset.done $0x0  }
0xab: {  	p1 =	sne.s32 s29, s12;
	[sflag:s15] =	ssyncadd.s32 $0xFFFFD900  }
0xac: {  	[hbm:s11], [sflag:s0] =	dma.local @!p0 [spmem:s25], $0x100  }
.Ltmp2:
0xad: {  	_ = 	snop;
	(pc) =	sbr.rel @p1 .LBB2_1-.Ltmp2, $4  }
0xae: {  	s0 =	simm.s32 @!p0 $0x2  }
0xaf: {  	_ =	swait.ge @!p0 [sflag:s0], $0x100  }
0xb0: {  	[sflag:s0] =	ssyncset.done @!p0 $0x0  }
0xb1: {  	[sflag:s0] =	ssyncadd.s32 @!p0 $0xFFFFFF00  }
0xb2: {  	_ =	sfence.sel $0x180000  }
0xb3: {  	[bflag:$0x0] =	sbarrier.arrive $0xFFFF  }
0xb4: {  	_ =	strace $0x9000004D  }
0xb5: {  	s0 =	stileid.u32;
	[bflag:$0x2] =	sbarrier.arrive $0xFFFF  }
0xb6: {  	p0 =	sne.s32 s0, $0x0;
	s0 =	rddreg [dreg:$0x3]  }
0xb7: {  	s0 =	sadd.s32 @!p0 $0x100000, s0  }
0xb8: {  	[sflag:s0] =	ssyncadd.tile.s32 @!p0 $0x1;
	_ =	shalt  }
.Lfunc_end2:
_tile_overlayer_lowered:
.L_overlay_start_2:
0xb9: {  	(tag) =	ssettag $0x2  }
0xba: {  	s0 =	rddreg [dreg:$0x0];
	s2 =	stileid.u32  }
0xbb: {  	s1 =	rddreg [dreg:$0x1];
	p0 =	sne.s32 s2, $0x0  }
0xbc: {  	s3 =	rddreg [dreg:$0x2];
	[bflag:$0x3] =	sbarrier.arrive $0xFFFF;
	s2 =	simm.s32 @!p0 $0x1C02  }
0xbd: {  	[timem:s3], [sflag:s2] =	dma.local @!p0 [hbm:s0], s1  }
0xbe: {  	s0 =	simm.s32 @!p0 $0x2  }
0xbf: {  	_ =	swait.ge @!p0 [sflag:s0], s1  }
0xc0: {  	s1 =	ssub.s32 @!p0 $0x0, s1;
	[sflag:s0] =	ssyncset.done @!p0 $0x0  }
0xc1: {  	[sflag:s0] =	ssyncadd.s32 @!p0 s1  }
0xc2: {  	[bflag:$0x3] =	sbarrier.arrive $0xFFFF  }
0xc3: {  	_ =	shalt  }

// kernel: kernel.18.cloned.1.call-start
scs
__scs_entry_jumppad:
0x0: {  	(pc) =	sbr.rel $0x88, $3  }
0x1: {  	(tag) =	ssettag $0x0;
	lr =	simm.s32 $0x1  }
0x2: {  	[smem:$0x3F96] =	sst lr;
	_ =	strace $0xD0000000  }
0x3: {  	_ = 	snop  }
0x4: {  	_ = 	snop  }
0x5: {  	_ = 	snop  }
0x6: {  	_ = 	snop  }
0x7: {  	_ = 	snop  }
__scs_overlays_trampoline_lowered:
0x8: {  	[smem:$0x3FA5] =	sst s0  }
0x9: {  	[smem:$0x3FA6] =	sst s1  }
0xa: {  	[smem:$0x3FA7] =	sst s2  }
0xb: {  	[smem:$0x3FA8] =	sst s3  }
0xc: {  	[smem:$0x3FA9] =	sst s4  }
0xd: {  	[smem:$0x3FAA] =	sst s5  }
0xe: {  	[smem:$0x3FAB] =	sst s6  }
0xf: {  	[smem:$0x3FAC] =	sst s7  }
0x10: {  	[smem:$0x3FAD] =	sst s8  }
0x11: {  	[smem:$0x3FAE] =	sst s9;
	s0 =	simm.s32 @!p0 $0x0  }
0x12: {  	s1 =	sld [smem:$0x3F94];
	s0 =	simm.s32 @p0 $0x1  }
0x13: {  	[smem:$0x3FAF] =	sst s0;
	s0 =	simm.s32 @!p1 $0x0  }
0x14: {  	s2 =	sld [smem:$0x3F93];
	s0 =	simm.s32 @p1 $0x1  }
0x15: {  	[smem:$0x3FB0] =	sst s0;
	s0 =	simm.s32 @!p2 $0x0  }
0x16: {  	s3 =	sld [smem:$0x3FDB];
	s0 =	simm.s32 @p2 $0x1  }
0x17: {  	s4 =	simm.s32 $0x1BF5;
	[smem:$0x3FB2] =	sst s0  }
0x18: {  	s0 =	sld [smem:$0x3F95];
	_ =	swait.ge [sflag:s4], $0x0  }
0x19: {  	s7 =	sld [smem:$0x3F96]  }
0x1a: {  	s8 =	sadd.s32 $0xFFFFE003, lr  }
0x1b: {  	s9 =	sadd.s32 $0xFFFFFEF7, lr;
	s5 =	simm.s32 $0xFFFFFFFF;
	p2 =	slt.u32 s8, $0xFFFFF086  }
0x1c: {  	p1 =	slt.u32 s9, $0xF7A;
	s5 =	simm.s32 @!p2 $0x0  }
0x1d: {  	s5 =	simm.s32 @p1 $0x1;
	p0 =	seq.s32 s7, s2  }
0x1e: {  	s7 =	smul.u32 @!p0 $0xF7A, s2;
	p2 =	seq.s32 @!p0 s5, $0x0  }
0x1f: {  	s9 =	smul.u32 $0xF7A, s1;
	s8 =	simm.s32 @!p0 $0x1BF5;
	p2 =	por !p2, p0  }
0x20: {  	[sflag:s8] =	ssyncset.s32 @!p0 $0xFFFFF086;
	s6 =	sadd.s32 @!p0 s3, s7;
	s7 =	simm.s32 @!p0 $0x108  }
0x21: {  	s3 =	sadd.s32 s3, s9;
	s6 =	sadd.s32 @!p0 $0x88, s6;
	s7 =	simm.s32 @p2 $0x1082  }
0x22: {  	[simem:s7], [sflag:s8] =	dma.local @!p0 [hbm:s6], $0xF7A  }
0x23: {  	s9 =	sor.u32 $0xD0000000, s2;
	s6 =	simm.s32 $0x108;
	_ =	swait.ge @!p0 [sflag:s8], $0x0  }
0x24: {  	s3 =	sadd.s32 $0x88, s3;
	s6 =	simm.s32 @!p1 $0x1082;
	[sflag:s4] =	ssyncset.s32 $0xFFFFF086  }
0x25: {  	[simem:s6], [sflag:s4] =	dma.local [hbm:s3], $0xF7A  }
0x26: {  	[smem:$0x3F96] =	sst s1;
	(tag) =	ssettag s2;
	_ =	strace s9  }
0x27: {  	s1 =	sld [smem:$0x3FA6]  }
0x28: {  	s2 =	sld [smem:$0x3FA7]  }
0x29: {  	s4 =	sld [smem:$0x3FA9]  }
0x2a: {  	p0 =	seq.s32 s5, $0x0;
	s5 =	sld [smem:$0x3FAA]  }
0x2b: {  	s6 =	sld [smem:$0x3FAB]  }
0x2c: {  	s7 =	sld [smem:$0x3FAC]  }
0x2d: {  	s3 =	simm.s32 $0x108;
	s8 =	sld [smem:$0x3FAD]  }
0x2e: {  	s3 =	simm.s32 @!p0 $0x1082;
	s9 =	sld [smem:$0x3FAE]  }
0x2f: {  	lr =	sadd.s32 s0, s3;
	s0 =	sld [smem:$0x3FA5]  }
0x30: {  	s3 =	sld [smem:$0x3FA8]  }
0x31: {  	[smem:$0x3FB1] =	sst s10  }
0x32: {  	s10 =	sld [smem:$0x3FAF];
	_ =	sdelay $0x3  }
0x33: {  	p0 =	seq.s32 s10, $0x1;
	s10 =	sld [smem:$0x3FB1];
	_ =	sdelay $0x3  }
0x34: {  	[smem:$0x3FB1] =	sst s10  }
0x35: {  	s10 =	sld [smem:$0x3FB0];
	_ =	sdelay $0x3  }
0x36: {  	p1 =	seq.s32 s10, $0x1;
	s10 =	sld [smem:$0x3FB1];
	_ =	sdelay $0x3  }
0x37: {  	[smem:$0x3FB1] =	sst s10  }
0x38: {  	s10 =	sld [smem:$0x3FB2]  }
0x39: {  	_ = 	snop;
	(pc) =	sbr.ind lr, $3  }
0x3a: {  	_ = 	snop  }
0x3b: {  	_ = 	snop  }
0x3c: {  	p2 =	seq.s32 s10, $0x1;
	s10 =	sld [smem:$0x3FB1]  }
0x3d: {  	_ =	shalt  }
0x3e: {  	_ =	shalt  }
0x3f: {  	_ =	shalt  }
0x40: {  	_ =	shalt  }
0x41: {  	_ =	shalt  }
0x42: {  	_ =	shalt  }
0x43: {  	_ =	shalt  }
0x44: {  	_ =	shalt  }
0x45: {  	_ =	shalt  }
0x46: {  	_ =	shalt  }
0x47: {  	_ =	shalt  }
0x48: {  	_ =	shalt  }
0x49: {  	_ =	shalt  }
0x4a: {  	_ =	shalt  }
0x4b: {  	_ =	shalt  }
0x4c: {  	_ =	shalt  }
0x4d: {  	_ =	shalt  }
0x4e: {  	_ =	shalt  }
0x4f: {  	_ =	shalt  }
0x50: {  	_ =	shalt  }
0x51: {  	_ =	shalt  }
0x52: {  	_ =	shalt  }
0x53: {  	_ =	shalt  }
0x54: {  	_ =	shalt  }
0x55: {  	_ =	shalt  }
0x56: {  	_ =	shalt  }
0x57: {  	_ =	shalt  }
0x58: {  	_ =	shalt  }
0x59: {  	_ =	shalt  }
0x5a: {  	_ =	shalt  }
0x5b: {  	_ =	shalt  }
0x5c: {  	_ =	shalt  }
0x5d: {  	_ =	shalt  }
0x5e: {  	_ =	shalt  }
0x5f: {  	_ =	shalt  }
0x60: {  	_ =	shalt  }
0x61: {  	_ =	shalt  }
0x62: {  	_ =	shalt  }
0x63: {  	_ =	shalt  }
0x64: {  	_ =	shalt  }
0x65: {  	_ =	shalt  }
0x66: {  	_ =	shalt  }
0x67: {  	_ =	shalt  }
0x68: {  	_ =	shalt  }
0x69: {  	_ =	shalt  }
0x6a: {  	_ =	shalt  }
0x6b: {  	_ =	shalt  }
0x6c: {  	_ =	shalt  }
0x6d: {  	_ =	shalt  }
0x6e: {  	_ =	shalt  }
0x6f: {  	_ =	shalt  }
0x70: {  	_ =	shalt  }
0x71: {  	_ =	shalt  }
0x72: {  	_ =	shalt  }
0x73: {  	_ =	shalt  }
0x74: {  	_ =	shalt  }
0x75: {  	_ =	shalt  }
0x76: {  	_ =	shalt  }
0x77: {  	_ =	shalt  }
0x78: {  	_ =	shalt  }
0x79: {  	_ =	shalt  }
0x7a: {  	_ =	shalt  }
0x7b: {  	_ =	shalt  }
0x7c: {  	_ =	shalt  }
0x7d: {  	_ =	shalt  }
0x7e: {  	_ =	shalt  }
0x7f: {  	_ =	shalt  }
0x80: {  	_ =	shalt  }
0x81: {  	_ =	shalt  }
0x82: {  	_ =	shalt  }
0x83: {  	_ =	shalt  }
0x84: {  	_ =	shalt  }
0x85: {  	_ =	shalt  }
0x86: {  	_ =	shalt  }
0x87: {  	_ =	shalt  }
.Lfunc_end0:
.L_simem_size_0:
called_computation.3_lowered:
.L_overlay_start_0:
0x88: {  	s2 =	sld [smem:$0x3FD9]  }
0x89: {  	s3 =	sld [smem:$0x3FFE];
	_ =	sdelay $0x1  }
0x8a: {  	s1 =	srdreg.scid  }
0x8b: {  	s0 =	sand.u32 $0x1, s1  }
0x8c: {  	s17 =	sshll.u32 s0, $0xA;
	s2 =	sadd.s32 s3, s2  }
0x8d: {  	s2 =	sadd.s32 s2, s17  }
0x8e: {  	[smem:$0x3FBD] =	sst s2  }
0x8f: {  	_ = 	snop  }
0x90: {  	s2 =	sld [smem:$0x3FD0];
	(tm) =	ssettm $0x1  }
0x91: {  	s18 =	sld [smem:$0x3FFB];
	_ =	sdelay $0x3  }
0x92: {  	_ =	strace s18  }
0x93: {  	s3 =	sld [smem:$0x3FFC];
	_ =	sdelay $0x3  }
0x94: {  	_ =	strace s3  }
0x95: {  	s3 =	sld [smem:$0x3FFD];
	_ =	sdelay $0x3  }
0x96: {  	_ =	strace s3  }
0x97: {  	_ =	strace $0x8FFFFFFF  }
0x98: {  	s19 =	sld [smem:$0x3FDB];
	_ =	sdelay $0x1  }
0x99: {  	s4 =	simm.s32 $_scs_section_size  }
0x9a: {  	s5 =	simm.s32 $_size__tile_overlayer_lowered;
	s6 =	simm.s32 $_tile_overlayer_lowered  }
0x9b: {  	s22 =	simm.s32 $0x1BFF;
	s21 =	sshll.u32 s6, $0x1;
	s3 =	sadd.s32 s4, s19  }
0x9c: {  	s7 =	simm.s32 $0x0;
	s20 =	sshll.u32 s5, $0x1;
	s5 =	sadd.s32 s21, s3  }
0x9d: {  	[timem:s7], [sflag:s22] =	dma.local [hbm:s5], s20  }
0x9e: {  	_ =	swait.ge [sflag:s22], s20  }
0x9f: {  	s4 =	ssub.s32 $0x0, s20;
	[sflag:s22] =	ssyncset.done $0x0  }
0xa0: {  	[sflag:s22] =	ssyncadd.s32 s4;
	_ =	sdelay $0x1  }
0xa1: {  	s23 =	simm.s32 $0x1B8B  }
0xa2: {  	_ =	swait.ge [sflag:s23], $0x1  }
0xa3: {  	[sflag:s23] =	ssyncset.done $0x0  }
0xa4: {  	s25 =	simm.s32 $0x1B8E;
	s24 =	sld [smem:$0x3FFE];
	[sflag:s23] =	ssyncadd.s32 $0xFFFFFFFF  }
0xa5: {  	s26 =	simm.s32 $execute0_lowered;
	[smem:$0x3FD2] =	sst s25  }
0xa6: {  	s5 =	sshll.u32 s26, $0x1;
	_ =	strace $0x8000004F;
	[dreg:$0x1] =	wrdreg $0xFFFFFFFF  }
0xa7: {  	s28 =	simm.s32 $_size_execute0_lowered;
	s3 =	sadd.s32 s3, s5;
	[dreg:$0x0] =	wrdreg $0x0  }
0xa8: {  	s5 =	sshll.u32 s28, $0x1;
	[dreg:$0x2] =	wrdreg s3  }
0xa9: {  	[dreg:$0x3] =	wrdreg s5  }
0xaa: {  	[dreg:$0x4] =	wrdreg $0xC0  }
0xab: {  	_ =	task [dreg:s7], $0x5FFFF  }
0xac: {  	[dreg:$0x1] =	wrdreg $0xFFFFFFFF  }
0xad: {  	[dreg:$0x0] =	wrdreg $0x60  }
0xae: {  	[dreg:$0x2] =	wrdreg s2  }
0xaf: {  	[dreg:$0x3] =	wrdreg s24  }
0xb0: {  	[dreg:$0x4] =	wrdreg $0x0  }
0xb1: {  	[dreg:$0x5] =	wrdreg $0x9  }
0xb2: {  	_ =	task.clear_ibuf [dreg:s7], $0x6FFFF;
	_ =	strace $0x9000004F  }
0xb3: {  	s29 =	simm.s32 $0x9;
	_ =	strace $0x80000051  }
0xb4: {  	_ =	swait.ge [sflag:s29], $0x1  }
0xb5: {  	[sflag:s29] =	ssyncadd.s32 $0xFFFFFFFF  }
0xb6: {  	_ =	strace $0x90000051  }
0xb7: {  	_ =	sfence  }
0xb8: {  	s30 =	sld [smem:$0x0];
	_ =	sdelay $0x2  }
0xb9: {  	s31 =	sshll.u32 s1, $0xD;
	s1 =	sshrl.u32 s1, $0x2  }
0xba: {  	s3 =	sand.u32 $0x4000, s31;
	s1 =	sadd.s32 s1, s30  }
0xbb: {  	s0 =	sor.u32 s3, s0;
	s1 =	sshll.u32 s1, $0x11  }
0xbc: {  	s0 =	sor.u32 s1, s0  }
0xbd: {  	s0 =	sadd.s32 $0x8F2B, s0  }
0xbe: {  	[sflag:s0] =	ssyncadd.remote.s32 $0x1  }
0xbf: {  	_ =	sfence.sel $0xFFFF  }
0xc0: {  	[dreg:$0x0] =	wrdreg $0xFFFFFFFF;
	(pc) =	sbr.abs _section_cstart, $3  }
0xc1: {  	[dreg:$0x1] =	wrdreg $0xFFFFFFFF  }
0xc2: {  	_ =	task.clear_ibuf [dreg:s7], $0x2FFFF;
	_ =	strace $0x9FFFFFFF  }
0xc3: {  	(tm) =	ssettm $0x7FFFFFFF  }
tec
execute0_lowered:
.L_overlay_start_1:
0x0: {  	(tag) =	ssettag $0x1  }
0x1: {  	s0 =	srdreg.scid;
	s1 =	rddreg [dreg:$0x0]  }
0x2: {  	s23 =	stileid.u32;
	s6 =	rddreg [dreg:$0x1]  }
0x3: {  	s3 =	rddreg [dreg:$0x2];
	s4 =	simm.s32 $0x0;
	s15 =	simm.s32 $0x2  }
0x4: {  	s16 =	simm.s32 $0x14000;
	s17 =	simm.s32 $0x80;
	s18 =	simm.s32 $0x1  }
0x5: {  	s19 =	simm.s32 $0x14080;
	s20 =	simm.s32 $0x14100;
	s21 =	simm.s32 $0x14180  }
0x6: {  	s22 =	simm.s32 $0x14200;
	s28 =	simm.s32 $0x14380;
	s7 =	smul.u32 $0xA000, s23  }
0x7: {  	s29 =	simm.s32 $0x0;
	s2 =	sand.u32 $0x1, s0;
	s25 =	smul.u32 $0x50000, s23  }
0x8: {  	[smem:$0x7FF] =	sst s4;
	s11 =	sadd.s32 $0x2B600, s6;
	s9 =	smul.u32 $0x13800, s23  }
0x9: {  	s14 =	smul.u32 $0x4E000, s23;
	p0 =	sne.s32 s23, $0xF;
	s23 =	simm.s32 $0x14280  }
0xa: {  	s5 =	smul.u32 $0xA0000, s2;
	_ =	strace $0x80000050;
	s26 =	ssub.s32 $0x2, s2  }
0xb: {  	s2 =	smul.u32 $0x138800, s2;
	s30 =	sshrl.u32 s25, $0x2;
	s31 =	sshrl.u32 s26, $0x1  }
0xc: {  	s14 =	sshrl.u32 s14, $0x2;
	s5 =	sadd.s32 s7, s5;
	s12 =	ssub.s32 s26, s31  }
0xd: {  	s10 =	sadd.s32 s9, s2;
	s2 =	sshrl.u32 s2, $0x3;
	s24 =	sadd.s32 s14, s3  }
0xe: {  	s14 =	simm.s32 $0x14400;
	s26 =	simm.s32 $0x14300;
	s5 =	sshrl.u32 s5, $0x3  }
0xf: {  	s10 =	sshrl.u32 s10, $0x3;
	s2 =	sadd.s32 s11, s2;
	s12 =	smax.u32 s12, $0x1  }
0x10: {  	s24 =	sshrl.u32 s24, $0x3;
	s13 =	sadd.s32 s5, s6;
	s5 =	sadd.s32 s30, s3  }
0x11: {  	s10 =	sadd.s32 s11, s10;
	s11 =	sadd.s32 $0x27000, s2;
	s2 =	sadd.s32 $0x138000, s3  }
0x12: {  	s6 =	sadd.s32 $0x4000, s5;
	s7 =	sadd.s32 $0x8000, s5;
	s8 =	sadd.s32 $0xC000, s5  }
0x13: {  	v0 =	vimm.f32 $0.0e+00;
	s9 =	sadd.s32 $0x10000, s5;
	s13 =	sadd.s32 $0x3600, s13;
	s25 =	sshrl.u32 @!p0 s2, $0x3  }
.LBB2_1:
0x14: {  	s30 =	simm.s32 $0x0;
	s31 =	simm.s32 $0x200  }
.LBB2_2:
0x15: {  	p1 =	sne.s32 s31, $0xFE00;
	[tilespmem:s30+$0x14470] =	vst v0  }
0x16: {  	[tilespmem:s30+$0x14400] =	vst v0  }
0x17: {  	[tilespmem:s30+$0x14410] =	vst v0  }
.Ltmp0:
0x18: {  	[tilespmem:s30+$0x14420] =	vst v0;
	(pc) =	sbr.rel @p1 .LBB2_2-.Ltmp0, $4  }
0x19: {  	[tilespmem:s30+$0x14430] =	vst v0  }
0x1a: {  	[tilespmem:s30+$0x14440] =	vst v0  }
0x1b: {  	[tilespmem:s30+$0x14450] =	vst v0  }
0x1c: {  	[tilespmem:s30+$0x14460] =	vst v0;
	s30 =	sshra.s32 s31, $0x2;
	s31 =	sadd.s32 $0x200, s31  }
0x1d: {  	[tilespmem:s30+$0x14470] =	vst v0  }
0x1e: {  	[tilespmem:s30+$0x14400] =	vst v0  }
0x1f: {  	[tilespmem:s30+$0x14410] =	vst v0  }
0x20: {  	[tilespmem:s30+$0x14420] =	vst v0  }
0x21: {  	[tilespmem:s30+$0x14430] =	vst v0  }
0x22: {  	[tilespmem:s30+$0x14440] =	vst v0  }
0x23: {  	[tilespmem:s30+$0x14450] =	vst v0  }
0x24: {  	[tilespmem:s30+$0x14460] =	vst v0  }
0x25: {  	[spmem:s5] =	stream.linear.scatter [tilespmem:s14], [sflag:$0x2], $0x4000, $0x38;
	[tilespmem:$0x18400] =	vst v63  }
0x26: {  	_ =	swait.ge [sflag:s15], $0x4000  }
0x27: {  	[sflag:s15] =	ssyncset.done $0x0  }
0x28: {  	[sflag:s15] =	ssyncadd.s32 $0xFFFFC000  }
0x29: {  	[spmem:s6] =	stream.linear.scatter [tilespmem:s14], [sflag:$0x2], $0x4000, $0x38;
	[tilespmem:$0x18400] =	vst v63  }
0x2a: {  	_ =	swait.ge [sflag:s15], $0x4000  }
0x2b: {  	[sflag:s15] =	ssyncset.done $0x0  }
0x2c: {  	[sflag:s15] =	ssyncadd.s32 $0xFFFFC000  }
0x2d: {  	[spmem:s7] =	stream.linear.scatter [tilespmem:s14], [sflag:$0x2], $0x4000, $0x38;
	[tilespmem:$0x18400] =	vst v63  }
0x2e: {  	_ =	swait.ge [sflag:s15], $0x4000  }
0x2f: {  	[sflag:s15] =	ssyncset.done $0x0  }
0x30: {  	[sflag:s15] =	ssyncadd.s32 $0xFFFFC000  }
0x31: {  	[spmem:s8] =	stream.linear.scatter [tilespmem:s14], [sflag:$0x2], $0x4000, $0x38;
	[tilespmem:$0x18400] =	vst v63  }
0x32: {  	_ =	swait.ge [sflag:s15], $0x4000  }
0x33: {  	[sflag:s15] =	ssyncset.done $0x0  }
0x34: {  	[sflag:s15] =	ssyncadd.s32 $0xFFFFC000  }
0x35: {  	[spmem:s9] =	stream.linear.scatter [tilespmem:s14], [sflag:$0x2], $0x4000, $0x38;
	[tilespmem:$0x18400] =	vst v63  }
0x36: {  	_ =	swait.ge [sflag:s15], $0x4000  }
0x37: {  	[sflag:s15] =	ssyncset.done $0x0  }
0x38: {  	[sflag:s15] =	ssyncadd.s32 $0xFFFFC000  }
0x39: {  	s2 =	sadd.s32 $0x0, s13;
	[bflag:$0x0] =	sbarrier.arrive $0xFFFF  }
0x3a: {  	[tilespmem:s16], [sflag:$0x2] =	stream.linear.gather [hbm4b:s2+s4], $0x400, $0x38;
	[tilespmem:$0x18400] =	vst v63  }
0x3b: {  	_ =	swait.ge [sflag:s15], $0x400  }
0x3c: {  	[sflag:s15] =	ssyncset.done $0x0  }
0x3d: {  	[sflag:s15] =	ssyncadd.s32 $0xFFFFFC00  }
0x3e: {  	[tilespmem:s14], [sflag:$0x1] =	stream.indirect.gather [hbm4b:s1+s17], $0x80, s16, s17, $0xb8;
	[tilespmem:$0x18400] =	vst v63  }
0x3f: {  	_ =	swait.ge [sflag:s18], $0x4000  }
0x40: {  	[sflag:s18] =	ssyncset.done $0x0  }
0x41: {  	[sflag:s18] =	ssyncadd.s32 $0xFFFFC000  }
0x42: {  	[spmem:s3] =	stream.indirect.scatter.add.f32 [tilespmem:s14], [sflag:$0x2], $0x80, s19, s17, $0xb8;
	[tilespmem:$0x18400] =	vst v63  }
0x43: {  	_ =	swait.ge [sflag:s15], $0x4000  }
0x44: {  	[sflag:s15] =	ssyncset.done $0x0  }
0x45: {  	[sflag:s15] =	ssyncadd.s32 $0xFFFFC000  }
0x46: {  	[tilespmem:s14], [sflag:$0x1] =	stream.indirect.gather [hbm4b:s1+s17], $0x80, s20, s17, $0xb8;
	[tilespmem:$0x18400] =	vst v63  }
0x47: {  	_ =	swait.ge [sflag:s18], $0x4000  }
0x48: {  	[sflag:s18] =	ssyncset.done $0x0  }
0x49: {  	[sflag:s18] =	ssyncadd.s32 $0xFFFFC000  }
0x4a: {  	[spmem:s3] =	stream.indirect.scatter.add.f32 [tilespmem:s14], [sflag:$0x2], $0x80, s21, s17, $0xb8;
	[tilespmem:$0x18400] =	vst v63  }
0x4b: {  	_ =	swait.ge [sflag:s15], $0x4000  }
0x4c: {  	[sflag:s15] =	ssyncset.done $0x0  }
0x4d: {  	[sflag:s15] =	ssyncadd.s32 $0xFFFFC000  }
0x4e: {  	[tilespmem:s14], [sflag:$0x1] =	stream.indirect.gather [hbm4b:s1+s17], $0x80, s22, s17, $0xb8;
	[tilespmem:$0x18400] =	vst v63  }
0x4f: {  	_ =	swait.ge [sflag:s18], $0x4000  }
0x50: {  	[sflag:s18] =	ssyncset.done $0x0  }
0x51: {  	[sflag:s18] =	ssyncadd.s32 $0xFFFFC000  }
0x52: {  	[spmem:s3] =	stream.indirect.scatter.add.f32 [tilespmem:s14], [sflag:$0x2], $0x80, s23, s17, $0xb8;
	[tilespmem:$0x18400] =	vst v63  }
0x53: {  	_ =	swait.ge [sflag:s15], $0x4000  }
0x54: {  	[sflag:s15] =	ssyncset.done $0x0  }
0x55: {  	[sflag:s15] =	ssyncadd.s32 $0xFFFFC000  }
0x56: {  	[tilespmem:s14], [sflag:$0x1] =	stream.indirect.gather [hbm4b:s1+s17], $0x80, s26, s17, $0xb8;
	[tilespmem:$0x18400] =	vst v63  }
0x57: {  	_ =	swait.ge [sflag:s18], $0x4000  }
0x58: {  	[sflag:s18] =	ssyncset.done $0x0  }
0x59: {  	[sflag:s18] =	ssyncadd.s32 $0xFFFFC000  }
0x5a: {  	[spmem:s3] =	stream.indirect.scatter.add.f32 [tilespmem:s14], [sflag:$0x2], $0x80, s28, s17, $0xb8;
	[tilespmem:$0x18400] =	vst v63  }
0x5b: {  	_ =	swait.ge [sflag:s15], $0x4000  }
0x5c: {  	s30 =	simm.s32 $0x80;
	s31 =	simm.s32 $0x100;
	[sflag:s15] =	ssyncset.done $0x0  }
.LBB2_4:
0x5d: {  	s0 =	sadd.s32 s30, s13  }
0x5e: {  	[sflag:s15] =	ssyncadd.s32 $0xFFFFC000;
	s30 =	smov.u32 s31;
	s2 =	sadd.s32 $0x80, s31  }
0x5f: {  	[tilespmem:s16], [sflag:$0x2] =	stream.linear.gather [hbm4b:s0+s4], $0x400, $0x38;
	[tilespmem:$0x18400] =	vst v63  }
0x60: {  	p1 =	sne.s32 s31, $0x1380;
	_ =	swait.ge [sflag:s15], $0x400  }
0x61: {  	[sflag:s15] =	ssyncset.done $0x0  }
0x62: {  	[sflag:s15] =	ssyncadd.s32 $0xFFFFFC00  }
0x63: {  	[tilespmem:s14], [sflag:$0x1] =	stream.indirect.gather [hbm4b:s1+s17], $0x80, s16, s17, $0xb8;
	[tilespmem:$0x18400] =	vst v63  }
0x64: {  	_ =	swait.ge [sflag:s18], $0x4000  }
0x65: {  	[sflag:s18] =	ssyncset.done $0x0  }
0x66: {  	[sflag:s18] =	ssyncadd.s32 $0xFFFFC000  }
0x67: {  	[spmem:s3] =	stream.indirect.scatter.add.f32 [tilespmem:s14], [sflag:$0x2], $0x80, s19, s17, $0xb8;
	[tilespmem:$0x18400] =	vst v63  }
0x68: {  	_ =	swait.ge [sflag:s15], $0x4000  }
0x69: {  	[sflag:s15] =	ssyncset.done $0x0  }
0x6a: {  	[sflag:s15] =	ssyncadd.s32 $0xFFFFC000  }
0x6b: {  	[tilespmem:s14], [sflag:$0x1] =	stream.indirect.gather [hbm4b:s1+s17], $0x80, s20, s17, $0xb8;
	[tilespmem:$0x18400] =	vst v63  }
0x6c: {  	_ =	swait.ge [sflag:s18], $0x4000  }
0x6d: {  	[sflag:s18] =	ssyncset.done $0x0  }
0x6e: {  	[sflag:s18] =	ssyncadd.s32 $0xFFFFC000  }
0x6f: {  	[spmem:s3] =	stream.indirect.scatter.add.f32 [tilespmem:s14], [sflag:$0x2], $0x80, s21, s17, $0xb8;
	[tilespmem:$0x18400] =	vst v63  }
0x70: {  	_ =	swait.ge [sflag:s15], $0x4000  }
0x71: {  	[sflag:s15] =	ssyncset.done $0x0  }
0x72: {  	[sflag:s15] =	ssyncadd.s32 $0xFFFFC000  }
0x73: {  	[tilespmem:s14], [sflag:$0x1] =	stream.indirect.gather [hbm4b:s1+s17], $0x80, s22, s17, $0xb8;
	[tilespmem:$0x18400] =	vst v63  }
0x74: {  	_ =	swait.ge [sflag:s18], $0x4000  }
0x75: {  	[sflag:s18] =	ssyncset.done $0x0  }
0x76: {  	[sflag:s18] =	ssyncadd.s32 $0xFFFFC000  }
0x77: {  	[spmem:s3] =	stream.indirect.scatter.add.f32 [tilespmem:s14], [sflag:$0x2], $0x80, s23, s17, $0xb8;
	[tilespmem:$0x18400] =	vst v63  }
0x78: {  	_ =	swait.ge [sflag:s15], $0x4000  }
0x79: {  	[sflag:s15] =	ssyncset.done $0x0  }
0x7a: {  	[sflag:s15] =	ssyncadd.s32 $0xFFFFC000  }
0x7b: {  	[tilespmem:s14], [sflag:$0x1] =	stream.indirect.gather [hbm4b:s1+s17], $0x80, s26, s17, $0xb8;
	[tilespmem:$0x18400] =	vst v63  }
0x7c: {  	_ =	swait.ge [sflag:s18], $0x4000  }
.Ltmp1:
0x7d: {  	[sflag:s18] =	ssyncset.done $0x0;
	(pc) =	sbr.rel @p1 .LBB2_4-.Ltmp1, $4  }
0x7e: {  	[sflag:s18] =	ssyncadd.s32 $0xFFFFC000  }
0x7f: {  	[spmem:s3] =	stream.indirect.scatter.add.f32 [tilespmem:s14], [sflag:$0x2], $0x80, s28, s17, $0xb8;
	[tilespmem:$0x18400] =	vst v63  }
0x80: {  	_ =	swait.ge [sflag:s15], $0x4000  }
0x81: {  	s31 =	smov.u32 s2;
	[sflag:s15] =	ssyncset.done $0x0  }
0x82: {  	s0 =	sadd.s32 s30, s13;
	[sflag:s15] =	ssyncadd.s32 $0xFFFFC000  }
0x83: {  	[tilespmem:s16], [sflag:$0x2] =	stream.linear.gather [hbm4b:s0+s4], $0x400, $0x38;
	[tilespmem:$0x18400] =	vst v63  }
0x84: {  	_ =	swait.ge [sflag:s15], $0x400  }
0x85: {  	[sflag:s15] =	ssyncset.done $0x0  }
0x86: {  	[sflag:s15] =	ssyncadd.s32 $0xFFFFFC00  }
0x87: {  	[tilespmem:s14], [sflag:$0x1] =	stream.indirect.gather [hbm4b:s1+s17], $0x80, s16, s17, $0xb8;
	[tilespmem:$0x18400] =	vst v63  }
0x88: {  	_ =	swait.ge [sflag:s18], $0x4000  }
0x89: {  	[sflag:s18] =	ssyncset.done $0x0  }
0x8a: {  	[sflag:s18] =	ssyncadd.s32 $0xFFFFC000  }
0x8b: {  	[spmem:s3] =	stream.indirect.scatter.add.f32 [tilespmem:s14], [sflag:$0x2], $0x80, s19, s17, $0xb8;
	[tilespmem:$0x18400] =	vst v63  }
0x8c: {  	_ =	swait.ge [sflag:s15], $0x4000  }
0x8d: {  	[sflag:s15] =	ssyncset.done $0x0  }
0x8e: {  	[sflag:s15] =	ssyncadd.s32 $0xFFFFC000  }
0x8f: {  	[tilespmem:s14], [sflag:$0x1] =	stream.indirect.gather [hbm4b:s1+s17], $0x80, s20, s17, $0xb8;
	[tilespmem:$0x18400] =	vst v63  }
0x90: {  	_ =	swait.ge [sflag:s18], $0x4000  }
0x91: {  	[sflag:s18] =	ssyncset.done $0x0  }
0x92: {  	[sflag:s18] =	ssyncadd.s32 $0xFFFFC000  }
0x93: {  	[spmem:s3] =	stream.indirect.scatter.add.f32 [tilespmem:s14], [sflag:$0x2], $0x80, s21, s17, $0xb8;
	[tilespmem:$0x18400] =	vst v63  }
0x94: {  	_ =	swait.ge [sflag:s15], $0x4000  }
0x95: {  	[sflag:s15] =	ssyncset.done $0x0  }
0x96: {  	[sflag:s15] =	ssyncadd.s32 $0xFFFFC000  }
0x97: {  	[tilespmem:s14], [sflag:$0x1] =	stream.indirect.gather [hbm4b:s1+s17], $0x80, s22, s17, $0xb8;
	[tilespmem:$0x18400] =	vst v63  }
0x98: {  	_ =	swait.ge [sflag:s18], $0x4000  }
0x99: {  	[sflag:s18] =	ssyncset.done $0x0  }
0x9a: {  	[sflag:s18] =	ssyncadd.s32 $0xFFFFC000  }
0x9b: {  	[spmem:s3] =	stream.indirect.scatter.add.f32 [tilespmem:s14], [sflag:$0x2], $0x80, s23, s17, $0xb8;
	[tilespmem:$0x18400] =	vst v63  }
0x9c: {  	_ =	swait.ge [sflag:s15], $0x4000  }
0x9d: {  	[sflag:s15] =	ssyncset.done $0x0  }
0x9e: {  	[sflag:s15] =	ssyncadd.s32 $0xFFFFC000  }
0x9f: {  	[tilespmem:s14], [sflag:$0x1] =	stream.indirect.gather [hbm4b:s1+s17], $0x80, s26, s17, $0xb8;
	[tilespmem:$0x18400] =	vst v63  }
0xa0: {  	_ =	swait.ge [sflag:s18], $0x4000  }
0xa1: {  	[sflag:s18] =	ssyncset.done $0x0  }
0xa2: {  	[sflag:s18] =	ssyncadd.s32 $0xFFFFC000  }
0xa3: {  	[spmem:s3] =	stream.indirect.scatter.add.f32 [tilespmem:s14], [sflag:$0x2], $0x80, s28, s17, $0xb8;
	[tilespmem:$0x18400] =	vst v63  }
0xa4: {  	_ =	swait.ge [sflag:s15], $0x4000  }
0xa5: {  	s31 =	stileid.u32;
	[sflag:s15] =	ssyncset.done $0x0  }
0xa6: {  	s0 =	sshll.u32 s31, $0x6;
	[sflag:s15] =	ssyncadd.s32 $0xFFFFC000  }
0xa7: {  	s0 =	sor.u32 $0x1C02, s0;
	[bflag:$0x0] =	sbarrier.arrive $0xFFFF  }
0xa8: {  	[hbm:s10], [sflag:s0] =	dma.local [spmem:s24], $0x2700  }
0xa9: {  	_ =	swait.ge [sflag:s15], $0x2700  }
0xaa: {  	s29 =	sadd.s32 $0x1, s29;
	[sflag:s15] =	ssyncset.done $0x0  }
0xab: {  	p1 =	sne.s32 s29, s12;
	[sflag:s15] =	ssyncadd.s32 $0xFFFFD900  }
0xac: {  	[hbm:s11], [sflag:s0] =	dma.local @!p0 [spmem:s25], $0x100  }
.Ltmp2:
0xad: {  	_ = 	snop;
	(pc) =	sbr.rel @p1 .LBB2_1-.Ltmp2, $4  }
0xae: {  	s0 =	simm.s32 @!p0 $0x2  }
0xaf: {  	_ =	swait.ge @!p0 [sflag:s0], $0x100  }
0xb0: {  	[sflag:s0] =	ssyncset.done @!p0 $0x0  }
0xb1: {  	[sflag:s0] =	ssyncadd.s32 @!p0 $0xFFFFFF00  }
0xb2: {  	_ =	sfence.sel $0x180000  }
0xb3: {  	[bflag:$0x0] =	sbarrier.arrive $0xFFFF  }
0xb4: {  	_ =	strace $0x90000050  }
0xb5: {  	s0 =	stileid.u32;
	[bflag:$0x2] =	sbarrier.arrive $0xFFFF  }
0xb6: {  	p0 =	sne.s32 s0, $0x0;
	s0 =	rddreg [dreg:$0x3]  }
0xb7: {  	s0 =	sadd.s32 @!p0 $0x100000, s0  }
0xb8: {  	[sflag:s0] =	ssyncadd.tile.s32 @!p0 $0x1;
	_ =	shalt  }
.Lfunc_end2:
_tile_overlayer_lowered:
.L_overlay_start_2:
0xb9: {  	(tag) =	ssettag $0x2  }
0xba: {  	s0 =	rddreg [dreg:$0x0];
	s2 =	stileid.u32  }
0xbb: {  	s1 =	rddreg [dreg:$0x1];
	p0 =	sne.s32 s2, $0x0  }
0xbc: {  	s3 =	rddreg [dreg:$0x2];
	[bflag:$0x3] =	sbarrier.arrive $0xFFFF;
	s2 =	simm.s32 @!p0 $0x1C02  }
0xbd: {  	[timem:s3], [sflag:s2] =	dma.local @!p0 [hbm:s0], s1  }
0xbe: {  	s0 =	simm.s32 @!p0 $0x2  }
0xbf: {  	_ =	swait.ge @!p0 [sflag:s0], s1  }
0xc0: {  	s1 =	ssub.s32 @!p0 $0x0, s1;
	[sflag:s0] =	ssyncset.done @!p0 $0x0  }
0xc1: {  	[sflag:s0] =	ssyncadd.s32 @!p0 s1  }
0xc2: {  	[bflag:$0x3] =	sbarrier.arrive $0xFFFF  }
0xc3: {  	_ =	shalt  }

// kernel: kernel.9.cloned.1.call-start
scs
__scs_entry_jumppad:
0x0: {  	(pc) =	sbr.rel $0x88, $3  }
0x1: {  	(tag) =	ssettag $0x0;
	lr =	simm.s32 $0x1  }
0x2: {  	[smem:$0x3F96] =	sst lr;
	_ =	strace $0xD0000000  }
0x3: {  	_ = 	snop  }
0x4: {  	_ = 	snop  }
0x5: {  	_ = 	snop  }
0x6: {  	_ = 	snop  }
0x7: {  	_ = 	snop  }
__scs_overlays_trampoline_lowered:
0x8: {  	[smem:$0x3FA5] =	sst s0  }
0x9: {  	[smem:$0x3FA6] =	sst s1  }
0xa: {  	[smem:$0x3FA7] =	sst s2  }
0xb: {  	[smem:$0x3FA8] =	sst s3  }
0xc: {  	[smem:$0x3FA9] =	sst s4  }
0xd: {  	[smem:$0x3FAA] =	sst s5  }
0xe: {  	[smem:$0x3FAB] =	sst s6  }
0xf: {  	[smem:$0x3FAC] =	sst s7  }
0x10: {  	[smem:$0x3FAD] =	sst s8  }
0x11: {  	[smem:$0x3FAE] =	sst s9;
	s0 =	simm.s32 @!p0 $0x0  }
0x12: {  	s1 =	sld [smem:$0x3F94];
	s0 =	simm.s32 @p0 $0x1  }
0x13: {  	[smem:$0x3FAF] =	sst s0;
	s0 =	simm.s32 @!p1 $0x0  }
0x14: {  	s2 =	sld [smem:$0x3F93];
	s0 =	simm.s32 @p1 $0x1  }
0x15: {  	[smem:$0x3FB0] =	sst s0;
	s0 =	simm.s32 @!p2 $0x0  }
0x16: {  	s3 =	sld [smem:$0x3FDB];
	s0 =	simm.s32 @p2 $0x1  }
0x17: {  	s4 =	simm.s32 $0x1BF5;
	[smem:$0x3FB2] =	sst s0  }
0x18: {  	s0 =	sld [smem:$0x3F95];
	_ =	swait.ge [sflag:s4], $0x0  }
0x19: {  	s7 =	sld [smem:$0x3F96]  }
0x1a: {  	s8 =	sadd.s32 $0xFFFFE003, lr  }
0x1b: {  	s9 =	sadd.s32 $0xFFFFFEF7, lr;
	s5 =	simm.s32 $0xFFFFFFFF;
	p2 =	slt.u32 s8, $0xFFFFF086  }
0x1c: {  	p1 =	slt.u32 s9, $0xF7A;
	s5 =	simm.s32 @!p2 $0x0  }
0x1d: {  	s5 =	simm.s32 @p1 $0x1;
	p0 =	seq.s32 s7, s2  }
0x1e: {  	s7 =	smul.u32 @!p0 $0xF7A, s2;
	p2 =	seq.s32 @!p0 s5, $0x0  }
0x1f: {  	s9 =	smul.u32 $0xF7A, s1;
	s8 =	simm.s32 @!p0 $0x1BF5;
	p2 =	por !p2, p0  }
0x20: {  	[sflag:s8] =	ssyncset.s32 @!p0 $0xFFFFF086;
	s6 =	sadd.s32 @!p0 s3, s7;
	s7 =	simm.s32 @!p0 $0x108  }
0x21: {  	s3 =	sadd.s32 s3, s9;
	s6 =	sadd.s32 @!p0 $0x88, s6;
	s7 =	simm.s32 @p2 $0x1082  }
0x22: {  	[simem:s7], [sflag:s8] =	dma.local @!p0 [hbm:s6], $0xF7A  }
0x23: {  	s9 =	sor.u32 $0xD0000000, s2;
	s6 =	simm.s32 $0x108;
	_ =	swait.ge @!p0 [sflag:s8], $0x0  }
0x24: {  	s3 =	sadd.s32 $0x88, s3;
	s6 =	simm.s32 @!p1 $0x1082;
	[sflag:s4] =	ssyncset.s32 $0xFFFFF086  }
0x25: {  	[simem:s6], [sflag:s4] =	dma.local [hbm:s3], $0xF7A  }
0x26: {  	[smem:$0x3F96] =	sst s1;
	(tag) =	ssettag s2;
	_ =	strace s9  }
0x27: {  	s1 =	sld [smem:$0x3FA6]  }
0x28: {  	s2 =	sld [smem:$0x3FA7]  }
0x29: {  	s4 =	sld [smem:$0x3FA9]  }
0x2a: {  	p0 =	seq.s32 s5, $0x0;
	s5 =	sld [smem:$0x3FAA]  }
0x2b: {  	s6 =	sld [smem:$0x3FAB]  }
0x2c: {  	s7 =	sld [smem:$0x3FAC]  }
0x2d: {  	s3 =	simm.s32 $0x108;
	s8 =	sld [smem:$0x3FAD]  }
0x2e: {  	s3 =	simm.s32 @!p0 $0x1082;
	s9 =	sld [smem:$0x3FAE]  }
0x2f: {  	lr =	sadd.s32 s0, s3;
	s0 =	sld [smem:$0x3FA5]  }
0x30: {  	s3 =	sld [smem:$0x3FA8]  }
0x31: {  	[smem:$0x3FB1] =	sst s10  }
0x32: {  	s10 =	sld [smem:$0x3FAF];
	_ =	sdelay $0x3  }
0x33: {  	p0 =	seq.s32 s10, $0x1;
	s10 =	sld [smem:$0x3FB1];
	_ =	sdelay $0x3  }
0x34: {  	[smem:$0x3FB1] =	sst s10  }
0x35: {  	s10 =	sld [smem:$0x3FB0];
	_ =	sdelay $0x3  }
0x36: {  	p1 =	seq.s32 s10, $0x1;
	s10 =	sld [smem:$0x3FB1];
	_ =	sdelay $0x3  }
0x37: {  	[smem:$0x3FB1] =	sst s10  }
0x38: {  	s10 =	sld [smem:$0x3FB2]  }
0x39: {  	_ = 	snop;
	(pc) =	sbr.ind lr, $3  }
0x3a: {  	_ = 	snop  }
0x3b: {  	_ = 	snop  }
0x3c: {  	p2 =	seq.s32 s10, $0x1;
	s10 =	sld [smem:$0x3FB1]  }
0x3d: {  	_ =	shalt  }
0x3e: {  	_ =	shalt  }
0x3f: {  	_ =	shalt  }
0x40: {  	_ =	shalt  }
0x41: {  	_ =	shalt  }
0x42: {  	_ =	shalt  }
0x43: {  	_ =	shalt  }
0x44: {  	_ =	shalt  }
0x45: {  	_ =	shalt  }
0x46: {  	_ =	shalt  }
0x47: {  	_ =	shalt  }
0x48: {  	_ =	shalt  }
0x49: {  	_ =	shalt  }
0x4a: {  	_ =	shalt  }
0x4b: {  	_ =	shalt  }
0x4c: {  	_ =	shalt  }
0x4d: {  	_ =	shalt  }
0x4e: {  	_ =	shalt  }
0x4f: {  	_ =	shalt  }
0x50: {  	_ =	shalt  }
0x51: {  	_ =	shalt  }
0x52: {  	_ =	shalt  }
0x53: {  	_ =	shalt  }
0x54: {  	_ =	shalt  }
0x55: {  	_ =	shalt  }
0x56: {  	_ =	shalt  }
0x57: {  	_ =	shalt  }
0x58: {  	_ =	shalt  }
0x59: {  	_ =	shalt  }
0x5a: {  	_ =	shalt  }
0x5b: {  	_ =	shalt  }
0x5c: {  	_ =	shalt  }
0x5d: {  	_ =	shalt  }
0x5e: {  	_ =	shalt  }
0x5f: {  	_ =	shalt  }
0x60: {  	_ =	shalt  }
0x61: {  	_ =	shalt  }
0x62: {  	_ =	shalt  }
0x63: {  	_ =	shalt  }
0x64: {  	_ =	shalt  }
0x65: {  	_ =	shalt  }
0x66: {  	_ =	shalt  }
0x67: {  	_ =	shalt  }
0x68: {  	_ =	shalt  }
0x69: {  	_ =	shalt  }
0x6a: {  	_ =	shalt  }
0x6b: {  	_ =	shalt  }
0x6c: {  	_ =	shalt  }
0x6d: {  	_ =	shalt  }
0x6e: {  	_ =	shalt  }
0x6f: {  	_ =	shalt  }
0x70: {  	_ =	shalt  }
0x71: {  	_ =	shalt  }
0x72: {  	_ =	shalt  }
0x73: {  	_ =	shalt  }
0x74: {  	_ =	shalt  }
0x75: {  	_ =	shalt  }
0x76: {  	_ =	shalt  }
0x77: {  	_ =	shalt  }
0x78: {  	_ =	shalt  }
0x79: {  	_ =	shalt  }
0x7a: {  	_ =	shalt  }
0x7b: {  	_ =	shalt  }
0x7c: {  	_ =	shalt  }
0x7d: {  	_ =	shalt  }
0x7e: {  	_ =	shalt  }
0x7f: {  	_ =	shalt  }
0x80: {  	_ =	shalt  }
0x81: {  	_ =	shalt  }
0x82: {  	_ =	shalt  }
0x83: {  	_ =	shalt  }
0x84: {  	_ =	shalt  }
0x85: {  	_ =	shalt  }
0x86: {  	_ =	shalt  }
0x87: {  	_ =	shalt  }
.Lfunc_end0:
.L_simem_size_0:
called_computation_lowered:
.L_overlay_start_0:
0x88: {  	s2 =	sld [smem:$0x3FD9]  }
0x89: {  	s3 =	sld [smem:$0x3FFE];
	_ =	sdelay $0x1  }
0x8a: {  	s1 =	srdreg.scid  }
0x8b: {  	s0 =	sand.u32 $0x1, s1  }
0x8c: {  	s17 =	sshll.u32 s0, $0xA;
	s2 =	sadd.s32 s3, s2  }
0x8d: {  	s2 =	sadd.s32 s2, s17  }
0x8e: {  	[smem:$0x3FBD] =	sst s2  }
0x8f: {  	_ = 	snop  }
0x90: {  	s2 =	sld [smem:$0x3FD0];
	(tm) =	ssettm $0x1  }
0x91: {  	s18 =	sld [smem:$0x3FFB];
	_ =	sdelay $0x3  }
0x92: {  	_ =	strace s18  }
0x93: {  	s3 =	sld [smem:$0x3FFC];
	_ =	sdelay $0x3  }
0x94: {  	_ =	strace s3  }
0x95: {  	s3 =	sld [smem:$0x3FFD];
	_ =	sdelay $0x3  }
0x96: {  	_ =	strace s3  }
0x97: {  	_ =	strace $0x8FFFFFFF  }
0x98: {  	s19 =	sld [smem:$0x3FDB];
	_ =	sdelay $0x1  }
0x99: {  	s4 =	simm.s32 $_scs_section_size  }
0x9a: {  	s5 =	simm.s32 $_size__tile_overlayer_lowered;
	s6 =	simm.s32 $_tile_overlayer_lowered  }
0x9b: {  	s22 =	simm.s32 $0x1BFF;
	s21 =	sshll.u32 s6, $0x1;
	s3 =	sadd.s32 s4, s19  }
0x9c: {  	s7 =	simm.s32 $0x0;
	s20 =	sshll.u32 s5, $0x1;
	s5 =	sadd.s32 s21, s3  }
0x9d: {  	[timem:s7], [sflag:s22] =	dma.local [hbm:s5], s20  }
0x9e: {  	_ =	swait.ge [sflag:s22], s20  }
0x9f: {  	s4 =	ssub.s32 $0x0, s20;
	[sflag:s22] =	ssyncset.done $0x0  }
0xa0: {  	[sflag:s22] =	ssyncadd.s32 s4;
	_ =	sdelay $0x1  }
0xa1: {  	s23 =	simm.s32 $0x1B8B  }
0xa2: {  	_ =	swait.ge [sflag:s23], $0x1  }
0xa3: {  	[sflag:s23] =	ssyncset.done $0x0  }
0xa4: {  	s25 =	simm.s32 $0x1B8E;
	s24 =	sld [smem:$0x3FFE];
	[sflag:s23] =	ssyncadd.s32 $0xFFFFFFFF  }
0xa5: {  	s26 =	simm.s32 $execute0_lowered;
	[smem:$0x3FD2] =	sst s25  }
0xa6: {  	s5 =	sshll.u32 s26, $0x1;
	_ =	strace $0x80000046;
	[dreg:$0x1] =	wrdreg $0xFFFFFFFF  }
0xa7: {  	s28 =	simm.s32 $_size_execute0_lowered;
	s3 =	sadd.s32 s3, s5;
	[dreg:$0x0] =	wrdreg $0x0  }
0xa8: {  	s5 =	sshll.u32 s28, $0x1;
	[dreg:$0x2] =	wrdreg s3  }
0xa9: {  	[dreg:$0x3] =	wrdreg s5  }
0xaa: {  	[dreg:$0x4] =	wrdreg $0xC0  }
0xab: {  	_ =	task [dreg:s7], $0x5FFFF  }
0xac: {  	[dreg:$0x1] =	wrdreg $0xFFFFFFFF  }
0xad: {  	[dreg:$0x0] =	wrdreg $0x60  }
0xae: {  	[dreg:$0x2] =	wrdreg s24  }
0xaf: {  	[dreg:$0x3] =	wrdreg s2  }
0xb0: {  	[dreg:$0x4] =	wrdreg $0x0  }
0xb1: {  	[dreg:$0x5] =	wrdreg $0x9  }
0xb2: {  	_ =	task.clear_ibuf [dreg:s7], $0x6FFFF;
	_ =	strace $0x90000046  }
0xb3: {  	s29 =	simm.s32 $0x9;
	_ =	strace $0x80000048  }
0xb4: {  	_ =	swait.ge [sflag:s29], $0x1  }
0xb5: {  	[sflag:s29] =	ssyncadd.s32 $0xFFFFFFFF  }
0xb6: {  	_ =	strace $0x90000048  }
0xb7: {  	_ =	sfence  }
0xb8: {  	s30 =	sld [smem:$0x0];
	_ =	sdelay $0x2  }
0xb9: {  	s31 =	sshll.u32 s1, $0xD;
	s1 =	sshrl.u32 s1, $0x2  }
0xba: {  	s3 =	sand.u32 $0x4000, s31;
	s1 =	sadd.s32 s1, s30  }
0xbb: {  	s0 =	sor.u32 s3, s0;
	s1 =	sshll.u32 s1, $0x11  }
0xbc: {  	s0 =	sor.u32 s1, s0  }
0xbd: {  	s0 =	sadd.s32 $0x8F2B, s0  }
0xbe: {  	[sflag:s0] =	ssyncadd.remote.s32 $0x1  }
0xbf: {  	_ =	sfence.sel $0xFFFF  }
0xc0: {  	[dreg:$0x0] =	wrdreg $0xFFFFFFFF;
	(pc) =	sbr.abs _section_cstart, $3  }
0xc1: {  	[dreg:$0x1] =	wrdreg $0xFFFFFFFF  }
0xc2: {  	_ =	task.clear_ibuf [dreg:s7], $0x2FFFF;
	_ =	strace $0x9FFFFFFF  }
0xc3: {  	(tm) =	ssettm $0x7FFFFFFF  }
tec
execute0_lowered:
.L_overlay_start_1:
0x0: {  	(tag) =	ssettag $0x1  }
0x1: {  	s0 =	rddreg [dreg:$0x0]  }
0x2: {  	s1 =	rddreg [dreg:$0x1]  }
0x3: {  	s3 =	rddreg [dreg:$0x2];
	s9 =	stileid.u32  }
0x4: {  	s4 =	srdreg.scid;
	s2 =	simm.s32 $0x0;
	s18 =	smul.u32 $0x5000, s9  }
0x5: {  	s4 =	sand.u32 $0x1, s4;
	s7 =	sshrl.u32 s9, $0x3;
	s12 =	smul.u32 $0xA000, s9  }
0x6: {  	[smem:$0x7FF] =	sst s2;
	s5 =	sshll.u32 s4, $0x4;
	s7 =	smul.u32 $0x50000, s7  }
0x7: {  	s0 =	sadd.s32 $0x3600, s0;
	s25 =	smul.u32 $0x2800, s4;
	s5 =	sor.u32 s9, s5  }
0x8: {  	s19 =	sshll.u32 s9, $0x7;
	s6 =	ssub.s32 $0x2, s4;
	s5 =	smul.u32 $0xA000, s5  }
0x9: {  	_ =	strace $0x80000047;
	s4 =	smul.u32 $0xA0000, s4;
	s8 =	sshrl.u32 s6, $0x1  }
0xa: {  	s6 =	ssub.s32 s6, s8;
	s7 =	sshrl.u32 s7, $0x2;
	s5 =	sshrl.u32 s5, $0x3  }
0xb: {  	s4 =	sadd.s32 s12, s4;
	s7 =	sadd.s32 s7, s3;
	s5 =	sadd.s32 s0, s5  }
0xc: {  	s4 =	sor.u32 $0x1000, s4;
	[dreg:$0x4] =	wrdreg s5;
	s5 =	sand.u32 $0x380, s19  }
0xd: {  	s8 =	sshrl.u32 s18, $0x2;
	s19 =	sshrl.u32 s4, $0x3;
	s5 =	sadd.s32 s5, s7  }
0xe: {  	s0 =	sadd.s32 s19, s0;
	[dreg:$0x5] =	wrdreg s5;
	s5 =	sadd.s32 s8, s3  }
0xf: {  	[dreg:$0x17] =	wrdreg s0;
	s3 =	sadd.s32 $0x80, s5  }
0x10: {  	s21 =	sadd.s32 $0x100, s5;
	[dreg:$0x6] =	wrdreg s3  }
0x11: {  	s22 =	sadd.s32 $0x180, s5;
	[dreg:$0x7] =	wrdreg s21  }
0x12: {  	s23 =	sadd.s32 $0x200, s5;
	[dreg:$0x8] =	wrdreg s22  }
0x13: {  	s24 =	sadd.s32 $0x280, s5;
	[dreg:$0x9] =	wrdreg s23  }
0x14: {  	s8 =	sadd.s32 $0x300, s5;
	[dreg:$0xa] =	wrdreg s24  }
0x15: {  	s26 =	sadd.s32 $0x380, s5;
	[dreg:$0xb] =	wrdreg s8  }
0x16: {  	s10 =	sadd.s32 $0x14000, s5;
	[dreg:$0xc] =	wrdreg s26  }
0x17: {  	s11 =	sadd.s32 $0x14080, s5;
	[dreg:$0xd] =	wrdreg s10  }
0x18: {  	s13 =	sadd.s32 $0x14100, s5;
	[dreg:$0xe] =	wrdreg s11  }
0x19: {  	s14 =	sadd.s32 $0x14180, s5;
	[dreg:$0xf] =	wrdreg s13  }
0x1a: {  	s15 =	sadd.s32 $0x14200, s5;
	[dreg:$0x10] =	wrdreg s14  }
0x1b: {  	s16 =	sadd.s32 $0x14280, s5;
	[dreg:$0x11] =	wrdreg s15  }
0x1c: {  	s17 =	sadd.s32 $0x14300, s5;
	[dreg:$0x12] =	wrdreg s16  }
0x1d: {  	s18 =	sadd.s32 $0x14380, s5;
	[dreg:$0x13] =	wrdreg s17  }
0x1e: {  	s4 =	sadd.s32 $0x1080, s5;
	[dreg:$0x14] =	wrdreg s18  }
0x1f: {  	s7 =	sadd.s32 $0x900, s5;
	[dreg:$0x1e] =	wrdreg s4  }
0x20: {  	s20 =	smul.u32 $0x280, s9;
	s9 =	sadd.s32 $0x1100, s5;
	[smem:$0x7D4] =	sst s7  }
0x21: {  	s12 =	sadd.s32 $0xD80, s5;
	[smem:$0x7D6] =	sst s9  }
0x22: {  	s19 =	sadd.s32 $0xA80, s5;
	[smem:$0x7D9] =	sst s12  }
0x23: {  	s3 =	sadd.s32 s20, s25;
	s20 =	smax.u32 s6, $0x1;
	[smem:$0x7E0] =	sst s19  }
0x24: {  	s22 =	sadd.s32 $0x400, s5;
	[dreg:$0x15] =	wrdreg s20  }
0x25: {  	s23 =	sadd.s32 $0x800, s5;
	[dreg:$0x16] =	wrdreg s22  }
0x26: {  	s24 =	sadd.s32 $0xC00, s5;
	[dreg:$0x18] =	wrdreg s23  }
0x27: {  	s25 =	sadd.s32 $0x1000, s5;
	[dreg:$0x19] =	wrdreg s24  }
0x28: {  	s26 =	sadd.s32 $0x480, s5;
	[dreg:$0x1a] =	wrdreg s25  }
0x29: {  	s6 =	sadd.s32 $0x500, s5;
	[dreg:$0x1b] =	wrdreg s26  }
0x2a: {  	s8 =	sadd.s32 $0xD00, s5;
	[dreg:$0x1f] =	wrdreg s6  }
0x2b: {  	s10 =	sadd.s32 $0x580, s5;
	[smem:$0x7D5] =	sst s8  }
0x2c: {  	s11 =	sadd.s32 $0x980, s5;
	[smem:$0x7D7] =	sst s10  }
0x2d: {  	s13 =	sadd.s32 $0x1180, s5;
	[smem:$0x7D8] =	sst s11  }
0x2e: {  	s14 =	sadd.s32 $0x600, s5;
	[smem:$0x7DA] =	sst s13  }
0x2f: {  	s15 =	sadd.s32 $0xA00, s5;
	[smem:$0x7DB] =	sst s14  }
0x30: {  	s16 =	sadd.s32 $0xE00, s5;
	[smem:$0x7DC] =	sst s15  }
0x31: {  	s17 =	sadd.s32 $0x1200, s5;
	[smem:$0x7DD] =	sst s16  }
0x32: {  	s18 =	sadd.s32 $0x680, s5;
	[smem:$0x7DE] =	sst s17  }
0x33: {  	s4 =	sadd.s32 $0xF80, s5;
	[smem:$0x7DF] =	sst s18  }
0x34: {  	s7 =	sadd.s32 $0x14400, s5;
	[smem:$0x7E9] =	sst s4  }
0x35: {  	s9 =	sadd.s32 $0x14C00, s5;
	[smem:$0x7EB] =	sst s7  }
0x36: {  	s12 =	sadd.s32 $0x14880, s5;
	[smem:$0x7ED] =	sst s9  }
0x37: {  	s19 =	sadd.s32 $0x14580, s5;
	[smem:$0x7F0] =	sst s12  }
0x38: {  	s20 =	sadd.s32 $0xE80, s5;
	[smem:$0x7F7] =	sst s19  }
0x39: {  	s22 =	sadd.s32 $0x1280, s5;
	[smem:$0x7E1] =	sst s20  }
0x3a: {  	s23 =	sadd.s32 $0x700, s5;
	[smem:$0x7E2] =	sst s22  }
0x3b: {  	s24 =	sadd.s32 $0xB00, s5;
	[smem:$0x7E3] =	sst s23  }
0x3c: {  	s25 =	sadd.s32 $0xF00, s5;
	[smem:$0x7E4] =	sst s24  }
0x3d: {  	s26 =	sadd.s32 $0x1300, s5;
	[smem:$0x7E5] =	sst s25  }
0x3e: {  	s6 =	sadd.s32 $0x1380, s5;
	[smem:$0x7E6] =	sst s26  }
0x3f: {  	s28 =	sadd.s32 $0x14F00, s5;
	s8 =	sadd.s32 $0x14800, s5;
	[smem:$0x7EA] =	sst s6  }
0x40: {  	s29 =	sadd.s32 $0x15300, s5;
	s10 =	sadd.s32 $0x15000, s5;
	[smem:$0x7EC] =	sst s8  }
0x41: {  	s30 =	sadd.s32 $0x14780, s5;
	s11 =	sadd.s32 $0x14480, s5;
	[smem:$0x7EE] =	sst s10  }
0x42: {  	s31 =	sadd.s32 $0x14B80, s5;
	s13 =	sadd.s32 $0x14C80, s5;
	[smem:$0x7EF] =	sst s11  }
0x43: {  	s0 =	sadd.s32 $0x14F80, s5;
	s14 =	sadd.s32 $0x15080, s5;
	[smem:$0x7F1] =	sst s13  }
0x44: {  	s3 =	sshrl.u32 s3, $0x3;
	s15 =	sadd.s32 $0x14500, s5;
	[smem:$0x7F2] =	sst s14  }
0x45: {  	s16 =	sadd.s32 $0x14900, s5;
	s17 =	sadd.s32 $0x14D00, s5;
	[smem:$0x7F3] =	sst s15  }
0x46: {  	s18 =	sadd.s32 $0x15100, s5;
	s19 =	sadd.s32 $0x14680, s5;
	[smem:$0x7F4] =	sst s16  }
0x47: {  	s4 =	simm.s32 $0x2;
	s7 =	simm.s32 $0x7400;
	[smem:$0x7F5] =	sst s17  }
0x48: {  	s21 =	sadd.s32 s1, s3;
	s1 =	sadd.s32 $0x880, s5;
	[smem:$0x7F6] =	sst s18  }
0x49: {  	s9 =	simm.s32 $0x7C00;
	s3 =	sadd.s32 $0xC80, s5;
	[dreg:$0x1c] =	wrdreg s1  }
0x4a: {  	s20 =	sadd.s32 $0x14980, s5;
	s22 =	sadd.s32 $0x14D80, s5;
	[dreg:$0x1d] =	wrdreg s3  }
0x4b: {  	s23 =	sadd.s32 $0x15180, s5;
	s24 =	sadd.s32 $0x14600, s5;
	[smem:$0x7F8] =	sst s20  }
0x4c: {  	s25 =	sadd.s32 $0x14A00, s5;
	s26 =	sadd.s32 $0x14E00, s5;
	[smem:$0x7F9] =	sst s22  }
0x4d: {  	s18 =	sadd.s32 $0x15200, s5;
	s6 =	simm.s32 $0x7000;
	[smem:$0x7FA] =	sst s23  }
0x4e: {  	s8 =	simm.s32 $0x7800;
	s10 =	simm.s32 $0x8000;
	[smem:$0x7FB] =	sst s24  }
0x4f: {  	s11 =	simm.s32 $0x0;
	s1 =	sadd.s32 $0x780, s5;
	[smem:$0x7FC] =	sst s25  }
0x50: {  	s3 =	sadd.s32 $0xB80, s5;
	[smem:$0x7FD] =	sst s26;
	s20 =	sadd.s32 $0x14A80, s5  }
0x51: {  	s22 =	sadd.s32 $0x14E80, s5;
	s23 =	sadd.s32 $0x15280, s5;
	s25 =	sadd.s32 $0x14700, s5  }
0x52: {  	s26 =	sadd.s32 $0x14B00, s5;
	s24 =	sadd.s32 $0x15380, s5;
	[smem:$0x7E7] =	sst s1  }
0x53: {  	v0 =	vimm.f32 $0.0e+00;
	v1 =	vimm.f32 $1.000000000e+00;
	[smem:$0x7E8] =	sst s3;
	s1 =	simm.s32 $0x1;
	s3 =	simm.s32 $0x4800  }
.LBB2_1:
0x54: {  	s12 =	simm.s32 $0x40;
	s13 =	simm.s32 $0x0  }
.LBB2_2:
0x55: {  	p0 =	sne.s32 s12, $0x9FC0;
	[tilespmem:s13+$0x4800] =	vst v0;
	s13 =	smov.u32 s12;
	s12 =	sadd.s32 $0x40, s12  }
.Ltmp0:
0x56: {  	(pc) =	sbr.rel @p0 .LBB2_2-.Ltmp0, $2  }
0x57: {  	_ =	sdelay $0x2  }
0x58: {  	s13 =	sshra.s32 s13, $0x2  }
0x59: {  	[tilespmem:s13+$0x4800] =	vst v0;
	s13 =	simm.s32 $0x0;
	s12 =	rddreg [dreg:$0x4];
	s14 =	simm.s32 $0x2800  }
0x5a: {  	[tilespmem:s14], [sflag:$0x1] =	stream.linear.gather [hbm4b:s12+s13], $0x1000, $0x38;
	[tilespmem:$0x9800] =	vst v63  }
0x5b: {  	s12 =	rddreg [dreg:$0x17]  }
.LBB2_4:
0x5c: {  	s14 =	sand.u32 $0x1, s13;
	_ =	swait.ge [sflag:s1], $0x1000;
	p0 =	seq.s32 s13, $0x9  }
0x5d: {  	[sflag:s1] =	ssyncset.done $0x0;
	s15 =	sshll.u32 @!p0 s14, $0xC;
	s16 =	simm.s32 @!p0 $0x0  }
0x5e: {  	s14 =	sshll.u32 s14, $0xC;
	[sflag:s1] =	ssyncadd.s32 $0xFFFFF000;
	s15 =	sxor.u32 @!p0 $0x3800, s15  }
0x5f: {  	[tilespmem:s15], [sflag:$0x1] =	stream.linear.gather @!p0 [hbm4b:s12+s16], $0x1000, $0x38;
	[tilespmem:$0x9800] =	vst v63  }
0x60: {  	v2 =	vld [tilespmem:s14+$0x2880];
	_ =	sdelay $0x7  }
0x61: {  	[tilespmem:v2+s3+$0x0] =	vst.idx.add.f32.msk $0xffff, v1  }
0x62: {  	v2 =	vld [tilespmem:s14+$0x2890];
	_ =	sdelay $0x7  }
0x63: {  	[tilespmem:v2+s3+$0x0] =	vst.idx.add.f32.msk $0xffff, v1  }
0x64: {  	v2 =	vld [tilespmem:s14+$0x28A0];
	_ =	sdelay $0x7  }
0x65: {  	[tilespmem:v2+s3+$0x0] =	vst.idx.add.f32.msk $0xffff, v1  }
0x66: {  	v2 =	vld [tilespmem:s14+$0x28B0];
	_ =	sdelay $0x7  }
0x67: {  	[tilespmem:v2+s3+$0x0] =	vst.idx.add.f32.msk $0xffff, v1  }
0x68: {  	v2 =	vld [tilespmem:s14+$0x28C0];
	_ =	sdelay $0x7  }
0x69: {  	[tilespmem:v2+s3+$0x0] =	vst.idx.add.f32.msk $0xffff, v1  }
0x6a: {  	v2 =	vld [tilespmem:s14+$0x28D0];
	_ =	sdelay $0x7  }
0x6b: {  	[tilespmem:v2+s3+$0x0] =	vst.idx.add.f32.msk $0xffff, v1  }
0x6c: {  	v2 =	vld [tilespmem:s14+$0x28E0];
	_ =	sdelay $0x7  }
0x6d: {  	[tilespmem:v2+s3+$0x0] =	vst.idx.add.f32.msk $0xffff, v1  }
0x6e: {  	v2 =	vld [tilespmem:s14+$0x28F0];
	_ =	sdelay $0x7  }
0x6f: {  	[tilespmem:v2+s3+$0x0] =	vst.idx.add.f32.msk $0xffff, v1  }
0x70: {  	v2 =	vld [tilespmem:s14+$0x2980];
	_ =	sdelay $0x7  }
0x71: {  	[tilespmem:v2+s3+$0x0] =	vst.idx.add.f32.msk $0xffff, v1  }
0x72: {  	v2 =	vld [tilespmem:s14+$0x2990];
	_ =	sdelay $0x7  }
0x73: {  	[tilespmem:v2+s3+$0x0] =	vst.idx.add.f32.msk $0xffff, v1  }
0x74: {  	v2 =	vld [tilespmem:s14+$0x29A0];
	_ =	sdelay $0x7  }
0x75: {  	[tilespmem:v2+s3+$0x0] =	vst.idx.add.f32.msk $0xffff, v1  }
0x76: {  	v2 =	vld [tilespmem:s14+$0x29B0];
	_ =	sdelay $0x7  }
0x77: {  	[tilespmem:v2+s3+$0x0] =	vst.idx.add.f32.msk $0xffff, v1  }
0x78: {  	v2 =	vld [tilespmem:s14+$0x29C0];
	_ =	sdelay $0x7  }
0x79: {  	[tilespmem:v2+s3+$0x0] =	vst.idx.add.f32.msk $0xffff, v1  }
0x7a: {  	v2 =	vld [tilespmem:s14+$0x29D0];
	_ =	sdelay $0x7  }
0x7b: {  	[tilespmem:v2+s3+$0x0] =	vst.idx.add.f32.msk $0xffff, v1  }
0x7c: {  	v2 =	vld [tilespmem:s14+$0x29E0];
	_ =	sdelay $0x7  }
0x7d: {  	[tilespmem:v2+s3+$0x0] =	vst.idx.add.f32.msk $0xffff, v1  }
0x7e: {  	v2 =	vld [tilespmem:s14+$0x29F0];
	_ =	sdelay $0x7  }
0x7f: {  	[tilespmem:v2+s3+$0x0] =	vst.idx.add.f32.msk $0xffff, v1  }
0x80: {  	v2 =	vld [tilespmem:s14+$0x2A80];
	_ =	sdelay $0x7  }
0x81: {  	[tilespmem:v2+s3+$0x0] =	vst.idx.add.f32.msk $0xffff, v1  }
0x82: {  	v2 =	vld [tilespmem:s14+$0x2A90];
	_ =	sdelay $0x7  }
0x83: {  	[tilespmem:v2+s3+$0x0] =	vst.idx.add.f32.msk $0xffff, v1  }
0x84: {  	v2 =	vld [tilespmem:s14+$0x2AA0];
	_ =	sdelay $0x7  }
0x85: {  	[tilespmem:v2+s3+$0x0] =	vst.idx.add.f32.msk $0xffff, v1  }
0x86: {  	v2 =	vld [tilespmem:s14+$0x2AB0];
	_ =	sdelay $0x7  }
0x87: {  	[tilespmem:v2+s3+$0x0] =	vst.idx.add.f32.msk $0xffff, v1  }
0x88: {  	v2 =	vld [tilespmem:s14+$0x2AC0];
	_ =	sdelay $0x7  }
0x89: {  	[tilespmem:v2+s3+$0x0] =	vst.idx.add.f32.msk $0xffff, v1  }
0x8a: {  	v2 =	vld [tilespmem:s14+$0x2AD0];
	_ =	sdelay $0x7  }
0x8b: {  	[tilespmem:v2+s3+$0x0] =	vst.idx.add.f32.msk $0xffff, v1  }
0x8c: {  	v2 =	vld [tilespmem:s14+$0x2AE0];
	_ =	sdelay $0x7  }
0x8d: {  	[tilespmem:v2+s3+$0x0] =	vst.idx.add.f32.msk $0xffff, v1  }
0x8e: {  	v2 =	vld [tilespmem:s14+$0x2AF0];
	_ =	sdelay $0x7  }
0x8f: {  	[tilespmem:v2+s3+$0x0] =	vst.idx.add.f32.msk $0xffff, v1  }
0x90: {  	v2 =	vld [tilespmem:s14+$0x2B80];
	_ =	sdelay $0x7  }
0x91: {  	[tilespmem:v2+s3+$0x0] =	vst.idx.add.f32.msk $0xffff, v1  }
0x92: {  	v2 =	vld [tilespmem:s14+$0x2B90];
	_ =	sdelay $0x7  }
0x93: {  	[tilespmem:v2+s3+$0x0] =	vst.idx.add.f32.msk $0xffff, v1  }
0x94: {  	v2 =	vld [tilespmem:s14+$0x2BA0];
	_ =	sdelay $0x7  }
0x95: {  	[tilespmem:v2+s3+$0x0] =	vst.idx.add.f32.msk $0xffff, v1  }
0x96: {  	v2 =	vld [tilespmem:s14+$0x2BB0];
	_ =	sdelay $0x7  }
0x97: {  	[tilespmem:v2+s3+$0x0] =	vst.idx.add.f32.msk $0xffff, v1  }
0x98: {  	v2 =	vld [tilespmem:s14+$0x2BC0];
	_ =	sdelay $0x7  }
0x99: {  	[tilespmem:v2+s3+$0x0] =	vst.idx.add.f32.msk $0xffff, v1  }
0x9a: {  	v2 =	vld [tilespmem:s14+$0x2BD0];
	_ =	sdelay $0x7  }
0x9b: {  	[tilespmem:v2+s3+$0x0] =	vst.idx.add.f32.msk $0xffff, v1  }
0x9c: {  	v2 =	vld [tilespmem:s14+$0x2BE0];
	_ =	sdelay $0x7  }
0x9d: {  	[tilespmem:v2+s3+$0x0] =	vst.idx.add.f32.msk $0xffff, v1  }
0x9e: {  	v2 =	vld [tilespmem:s14+$0x2BF0];
	_ =	sdelay $0x7  }
0x9f: {  	[tilespmem:v2+s3+$0x0] =	vst.idx.add.f32.msk $0xffff, v1  }
0xa0: {  	v2 =	vld [tilespmem:s14+$0x2C80];
	_ =	sdelay $0x7  }
0xa1: {  	[tilespmem:v2+s3+$0x0] =	vst.idx.add.f32.msk $0xffff, v1  }
0xa2: {  	v2 =	vld [tilespmem:s14+$0x2C90];
	_ =	sdelay $0x7  }
0xa3: {  	[tilespmem:v2+s3+$0x0] =	vst.idx.add.f32.msk $0xffff, v1  }
0xa4: {  	v2 =	vld [tilespmem:s14+$0x2CA0];
	_ =	sdelay $0x7  }
0xa5: {  	[tilespmem:v2+s3+$0x0] =	vst.idx.add.f32.msk $0xffff, v1  }
0xa6: {  	v2 =	vld [tilespmem:s14+$0x2CB0];
	_ =	sdelay $0x7  }
0xa7: {  	[tilespmem:v2+s3+$0x0] =	vst.idx.add.f32.msk $0xffff, v1  }
0xa8: {  	v2 =	vld [tilespmem:s14+$0x2CC0];
	_ =	sdelay $0x7  }
0xa9: {  	[tilespmem:v2+s3+$0x0] =	vst.idx.add.f32.msk $0xffff, v1  }
0xaa: {  	v2 =	vld [tilespmem:s14+$0x2CD0];
	_ =	sdelay $0x7  }
0xab: {  	[tilespmem:v2+s3+$0x0] =	vst.idx.add.f32.msk $0xffff, v1  }
0xac: {  	v2 =	vld [tilespmem:s14+$0x2CE0];
	_ =	sdelay $0x7  }
0xad: {  	[tilespmem:v2+s3+$0x0] =	vst.idx.add.f32.msk $0xffff, v1  }
0xae: {  	v2 =	vld [tilespmem:s14+$0x2CF0];
	_ =	sdelay $0x7  }
0xaf: {  	[tilespmem:v2+s3+$0x0] =	vst.idx.add.f32.msk $0xffff, v1  }
0xb0: {  	v2 =	vld [tilespmem:s14+$0x2D80];
	_ =	sdelay $0x7  }
0xb1: {  	[tilespmem:v2+s3+$0x0] =	vst.idx.add.f32.msk $0xffff, v1  }
0xb2: {  	v2 =	vld [tilespmem:s14+$0x2D90];
	_ =	sdelay $0x7  }
0xb3: {  	[tilespmem:v2+s3+$0x0] =	vst.idx.add.f32.msk $0xffff, v1  }
0xb4: {  	v2 =	vld [tilespmem:s14+$0x2DA0];
	_ =	sdelay $0x7  }
0xb5: {  	[tilespmem:v2+s3+$0x0] =	vst.idx.add.f32.msk $0xffff, v1  }
0xb6: {  	v2 =	vld [tilespmem:s14+$0x2DB0];
	_ =	sdelay $0x7  }
0xb7: {  	[tilespmem:v2+s3+$0x0] =	vst.idx.add.f32.msk $0xffff, v1  }
0xb8: {  	v2 =	vld [tilespmem:s14+$0x2DC0];
	_ =	sdelay $0x7  }
0xb9: {  	[tilespmem:v2+s3+$0x0] =	vst.idx.add.f32.msk $0xffff, v1  }
0xba: {  	v2 =	vld [tilespmem:s14+$0x2DD0];
	_ =	sdelay $0x7  }
0xbb: {  	[tilespmem:v2+s3+$0x0] =	vst.idx.add.f32.msk $0xffff, v1  }
0xbc: {  	v2 =	vld [tilespmem:s14+$0x2DE0];
	_ =	sdelay $0x7  }
0xbd: {  	[tilespmem:v2+s3+$0x0] =	vst.idx.add.f32.msk $0xffff, v1  }
0xbe: {  	v2 =	vld [tilespmem:s14+$0x2DF0];
	_ =	sdelay $0x7  }
0xbf: {  	[tilespmem:v2+s3+$0x0] =	vst.idx.add.f32.msk $0xffff, v1  }
0xc0: {  	v2 =	vld [tilespmem:s14+$0x2E80];
	_ =	sdelay $0x7  }
0xc1: {  	[tilespmem:v2+s3+$0x0] =	vst.idx.add.f32.msk $0xffff, v1  }
0xc2: {  	v2 =	vld [tilespmem:s14+$0x2E90];
	_ =	sdelay $0x7  }
0xc3: {  	[tilespmem:v2+s3+$0x0] =	vst.idx.add.f32.msk $0xffff, v1  }
0xc4: {  	v2 =	vld [tilespmem:s14+$0x2EA0];
	_ =	sdelay $0x7  }
0xc5: {  	[tilespmem:v2+s3+$0x0] =	vst.idx.add.f32.msk $0xffff, v1  }
0xc6: {  	v2 =	vld [tilespmem:s14+$0x2EB0];
	_ =	sdelay $0x7  }
0xc7: {  	[tilespmem:v2+s3+$0x0] =	vst.idx.add.f32.msk $0xffff, v1  }
0xc8: {  	v2 =	vld [tilespmem:s14+$0x2EC0];
	_ =	sdelay $0x7  }
0xc9: {  	[tilespmem:v2+s3+$0x0] =	vst.idx.add.f32.msk $0xffff, v1  }
0xca: {  	v2 =	vld [tilespmem:s14+$0x2ED0];
	_ =	sdelay $0x7  }
0xcb: {  	[tilespmem:v2+s3+$0x0] =	vst.idx.add.f32.msk $0xffff, v1  }
0xcc: {  	v2 =	vld [tilespmem:s14+$0x2EE0];
	_ =	sdelay $0x7  }
0xcd: {  	[tilespmem:v2+s3+$0x0] =	vst.idx.add.f32.msk $0xffff, v1  }
0xce: {  	v2 =	vld [tilespmem:s14+$0x2EF0];
	_ =	sdelay $0x7  }
0xcf: {  	[tilespmem:v2+s3+$0x0] =	vst.idx.add.f32.msk $0xffff, v1  }
0xd0: {  	v2 =	vld [tilespmem:s14+$0x2F80];
	_ =	sdelay $0x7  }
0xd1: {  	[tilespmem:v2+s3+$0x0] =	vst.idx.add.f32.msk $0xffff, v1  }
0xd2: {  	v2 =	vld [tilespmem:s14+$0x2F90];
	_ =	sdelay $0x7  }
0xd3: {  	[tilespmem:v2+s3+$0x0] =	vst.idx.add.f32.msk $0xffff, v1  }
0xd4: {  	v2 =	vld [tilespmem:s14+$0x2FA0];
	_ =	sdelay $0x7  }
0xd5: {  	[tilespmem:v2+s3+$0x0] =	vst.idx.add.f32.msk $0xffff, v1  }
0xd6: {  	v2 =	vld [tilespmem:s14+$0x2FB0];
	_ =	sdelay $0x7  }
0xd7: {  	[tilespmem:v2+s3+$0x0] =	vst.idx.add.f32.msk $0xffff, v1  }
0xd8: {  	v2 =	vld [tilespmem:s14+$0x2FC0];
	_ =	sdelay $0x7  }
0xd9: {  	[tilespmem:v2+s3+$0x0] =	vst.idx.add.f32.msk $0xffff, v1  }
0xda: {  	v2 =	vld [tilespmem:s14+$0x2FD0];
	_ =	sdelay $0x7  }
0xdb: {  	[tilespmem:v2+s3+$0x0] =	vst.idx.add.f32.msk $0xffff, v1  }
0xdc: {  	v2 =	vld [tilespmem:s14+$0x2FE0];
	_ =	sdelay $0x7  }
0xdd: {  	[tilespmem:v2+s3+$0x0] =	vst.idx.add.f32.msk $0xffff, v1  }
0xde: {  	v2 =	vld [tilespmem:s14+$0x2FF0];
	_ =	sdelay $0x7  }
0xdf: {  	[tilespmem:v2+s3+$0x0] =	vst.idx.add.f32.msk $0xffff, v1  }
0xe0: {  	v2 =	vld [tilespmem:s14+$0x3080];
	_ =	sdelay $0x7  }
0xe1: {  	[tilespmem:v2+s3+$0x0] =	vst.idx.add.f32.msk $0xffff, v1  }
0xe2: {  	v2 =	vld [tilespmem:s14+$0x3090];
	_ =	sdelay $0x7  }
0xe3: {  	[tilespmem:v2+s3+$0x0] =	vst.idx.add.f32.msk $0xffff, v1  }
0xe4: {  	v2 =	vld [tilespmem:s14+$0x30A0];
	_ =	sdelay $0x7  }
0xe5: {  	[tilespmem:v2+s3+$0x0] =	vst.idx.add.f32.msk $0xffff, v1  }
0xe6: {  	v2 =	vld [tilespmem:s14+$0x30B0];
	_ =	sdelay $0x7  }
0xe7: {  	[tilespmem:v2+s3+$0x0] =	vst.idx.add.f32.msk $0xffff, v1  }
0xe8: {  	v2 =	vld [tilespmem:s14+$0x30C0];
	_ =	sdelay $0x7  }
0xe9: {  	[tilespmem:v2+s3+$0x0] =	vst.idx.add.f32.msk $0xffff, v1  }
0xea: {  	v2 =	vld [tilespmem:s14+$0x30D0];
	_ =	sdelay $0x7  }
0xeb: {  	[tilespmem:v2+s3+$0x0] =	vst.idx.add.f32.msk $0xffff, v1  }
0xec: {  	v2 =	vld [tilespmem:s14+$0x30E0];
	_ =	sdelay $0x7  }
0xed: {  	[tilespmem:v2+s3+$0x0] =	vst.idx.add.f32.msk $0xffff, v1  }
0xee: {  	v2 =	vld [tilespmem:s14+$0x30F0];
	_ =	sdelay $0x7  }
0xef: {  	[tilespmem:v2+s3+$0x0] =	vst.idx.add.f32.msk $0xffff, v1  }
0xf0: {  	v2 =	vld [tilespmem:s14+$0x3180];
	_ =	sdelay $0x7  }
0xf1: {  	[tilespmem:v2+s3+$0x0] =	vst.idx.add.f32.msk $0xffff, v1  }
0xf2: {  	v2 =	vld [tilespmem:s14+$0x3190];
	_ =	sdelay $0x7  }
0xf3: {  	[tilespmem:v2+s3+$0x0] =	vst.idx.add.f32.msk $0xffff, v1  }
0xf4: {  	v2 =	vld [tilespmem:s14+$0x31A0];
	_ =	sdelay $0x7  }
0xf5: {  	[tilespmem:v2+s3+$0x0] =	vst.idx.add.f32.msk $0xffff, v1  }
0xf6: {  	v2 =	vld [tilespmem:s14+$0x31B0];
	_ =	sdelay $0x7  }
0xf7: {  	[tilespmem:v2+s3+$0x0] =	vst.idx.add.f32.msk $0xffff, v1  }
0xf8: {  	v2 =	vld [tilespmem:s14+$0x31C0];
	_ =	sdelay $0x7  }
0xf9: {  	[tilespmem:v2+s3+$0x0] =	vst.idx.add.f32.msk $0xffff, v1  }
0xfa: {  	v2 =	vld [tilespmem:s14+$0x31D0];
	_ =	sdelay $0x7  }
0xfb: {  	[tilespmem:v2+s3+$0x0] =	vst.idx.add.f32.msk $0xffff, v1  }
0xfc: {  	v2 =	vld [tilespmem:s14+$0x31E0];
	_ =	sdelay $0x7  }
0xfd: {  	[tilespmem:v2+s3+$0x0] =	vst.idx.add.f32.msk $0xffff, v1  }
0xfe: {  	v2 =	vld [tilespmem:s14+$0x31F0];
	_ =	sdelay $0x7  }
0xff: {  	[tilespmem:v2+s3+$0x0] =	vst.idx.add.f32.msk $0xffff, v1  }
0x100: {  	v2 =	vld [tilespmem:s14+$0x3280];
	_ =	sdelay $0x7  }
0x101: {  	[tilespmem:v2+s3+$0x0] =	vst.idx.add.f32.msk $0xffff, v1  }
0x102: {  	v2 =	vld [tilespmem:s14+$0x3290];
	_ =	sdelay $0x7  }
0x103: {  	[tilespmem:v2+s3+$0x0] =	vst.idx.add.f32.msk $0xffff, v1  }
0x104: {  	v2 =	vld [tilespmem:s14+$0x32A0];
	_ =	sdelay $0x7  }
0x105: {  	[tilespmem:v2+s3+$0x0] =	vst.idx.add.f32.msk $0xffff, v1  }
0x106: {  	v2 =	vld [tilespmem:s14+$0x32B0];
	_ =	sdelay $0x7  }
0x107: {  	[tilespmem:v2+s3+$0x0] =	vst.idx.add.f32.msk $0xffff, v1  }
0x108: {  	v2 =	vld [tilespmem:s14+$0x32C0];
	_ =	sdelay $0x7  }
0x109: {  	[tilespmem:v2+s3+$0x0] =	vst.idx.add.f32.msk $0xffff, v1  }
0x10a: {  	v2 =	vld [tilespmem:s14+$0x32D0];
	_ =	sdelay $0x7  }
0x10b: {  	[tilespmem:v2+s3+$0x0] =	vst.idx.add.f32.msk $0xffff, v1  }
0x10c: {  	v2 =	vld [tilespmem:s14+$0x32E0];
	_ =	sdelay $0x7  }
0x10d: {  	[tilespmem:v2+s3+$0x0] =	vst.idx.add.f32.msk $0xffff, v1  }
0x10e: {  	v2 =	vld [tilespmem:s14+$0x32F0];
	_ =	sdelay $0x7  }
0x10f: {  	[tilespmem:v2+s3+$0x0] =	vst.idx.add.f32.msk $0xffff, v1  }
0x110: {  	v2 =	vld [tilespmem:s14+$0x3380];
	_ =	sdelay $0x7  }
0x111: {  	[tilespmem:v2+s3+$0x0] =	vst.idx.add.f32.msk $0xffff, v1  }
0x112: {  	v2 =	vld [tilespmem:s14+$0x3390];
	_ =	sdelay $0x7  }
0x113: {  	[tilespmem:v2+s3+$0x0] =	vst.idx.add.f32.msk $0xffff, v1  }
0x114: {  	v2 =	vld [tilespmem:s14+$0x33A0];
	_ =	sdelay $0x7  }
0x115: {  	[tilespmem:v2+s3+$0x0] =	vst.idx.add.f32.msk $0xffff, v1  }
0x116: {  	v2 =	vld [tilespmem:s14+$0x33B0];
	_ =	sdelay $0x7  }
0x117: {  	[tilespmem:v2+s3+$0x0] =	vst.idx.add.f32.msk $0xffff, v1  }
0x118: {  	v2 =	vld [tilespmem:s14+$0x33C0];
	_ =	sdelay $0x7  }
0x119: {  	[tilespmem:v2+s3+$0x0] =	vst.idx.add.f32.msk $0xffff, v1  }
0x11a: {  	v2 =	vld [tilespmem:s14+$0x33D0];
	_ =	sdelay $0x7  }
0x11b: {  	[tilespmem:v2+s3+$0x0] =	vst.idx.add.f32.msk $0xffff, v1  }
0x11c: {  	v2 =	vld [tilespmem:s14+$0x33E0];
	_ =	sdelay $0x7  }
0x11d: {  	[tilespmem:v2+s3+$0x0] =	vst.idx.add.f32.msk $0xffff, v1  }
0x11e: {  	v2 =	vld [tilespmem:s14+$0x33F0];
	_ =	sdelay $0x7  }
0x11f: {  	[tilespmem:v2+s3+$0x0] =	vst.idx.add.f32.msk $0xffff, v1  }
0x120: {  	v2 =	vld [tilespmem:s14+$0x3480];
	_ =	sdelay $0x7  }
0x121: {  	[tilespmem:v2+s3+$0x0] =	vst.idx.add.f32.msk $0xffff, v1  }
0x122: {  	v2 =	vld [tilespmem:s14+$0x3490];
	_ =	sdelay $0x7  }
0x123: {  	[tilespmem:v2+s3+$0x0] =	vst.idx.add.f32.msk $0xffff, v1  }
0x124: {  	v2 =	vld [tilespmem:s14+$0x34A0];
	_ =	sdelay $0x7  }
0x125: {  	[tilespmem:v2+s3+$0x0] =	vst.idx.add.f32.msk $0xffff, v1  }
0x126: {  	v2 =	vld [tilespmem:s14+$0x34B0];
	_ =	sdelay $0x7  }
0x127: {  	[tilespmem:v2+s3+$0x0] =	vst.idx.add.f32.msk $0xffff, v1  }
0x128: {  	v2 =	vld [tilespmem:s14+$0x34C0];
	_ =	sdelay $0x7  }
0x129: {  	[tilespmem:v2+s3+$0x0] =	vst.idx.add.f32.msk $0xffff, v1  }
0x12a: {  	v2 =	vld [tilespmem:s14+$0x34D0];
	_ =	sdelay $0x7  }
0x12b: {  	[tilespmem:v2+s3+$0x0] =	vst.idx.add.f32.msk $0xffff, v1  }
0x12c: {  	v2 =	vld [tilespmem:s14+$0x34E0];
	_ =	sdelay $0x7  }
0x12d: {  	[tilespmem:v2+s3+$0x0] =	vst.idx.add.f32.msk $0xffff, v1  }
0x12e: {  	v2 =	vld [tilespmem:s14+$0x34F0];
	_ =	sdelay $0x7  }
0x12f: {  	[tilespmem:v2+s3+$0x0] =	vst.idx.add.f32.msk $0xffff, v1  }
0x130: {  	v2 =	vld [tilespmem:s14+$0x3580];
	_ =	sdelay $0x7  }
0x131: {  	[tilespmem:v2+s3+$0x0] =	vst.idx.add.f32.msk $0xffff, v1  }
0x132: {  	v2 =	vld [tilespmem:s14+$0x3590];
	_ =	sdelay $0x7  }
0x133: {  	[tilespmem:v2+s3+$0x0] =	vst.idx.add.f32.msk $0xffff, v1  }
0x134: {  	v2 =	vld [tilespmem:s14+$0x35A0];
	_ =	sdelay $0x7  }
0x135: {  	[tilespmem:v2+s3+$0x0] =	vst.idx.add.f32.msk $0xffff, v1  }
0x136: {  	v2 =	vld [tilespmem:s14+$0x35B0];
	_ =	sdelay $0x7  }
0x137: {  	[tilespmem:v2+s3+$0x0] =	vst.idx.add.f32.msk $0xffff, v1  }
0x138: {  	v2 =	vld [tilespmem:s14+$0x35C0];
	_ =	sdelay $0x7  }
0x139: {  	[tilespmem:v2+s3+$0x0] =	vst.idx.add.f32.msk $0xffff, v1  }
0x13a: {  	v2 =	vld [tilespmem:s14+$0x35D0];
	_ =	sdelay $0x7  }
0x13b: {  	[tilespmem:v2+s3+$0x0] =	vst.idx.add.f32.msk $0xffff, v1  }
0x13c: {  	v2 =	vld [tilespmem:s14+$0x35E0];
	_ =	sdelay $0x7  }
0x13d: {  	[tilespmem:v2+s3+$0x0] =	vst.idx.add.f32.msk $0xffff, v1  }
0x13e: {  	v2 =	vld [tilespmem:s14+$0x35F0];
	_ =	sdelay $0x7  }
0x13f: {  	[tilespmem:v2+s3+$0x0] =	vst.idx.add.f32.msk $0xffff, v1  }
0x140: {  	v2 =	vld [tilespmem:s14+$0x3680];
	_ =	sdelay $0x7  }
0x141: {  	[tilespmem:v2+s3+$0x0] =	vst.idx.add.f32.msk $0xffff, v1  }
0x142: {  	v2 =	vld [tilespmem:s14+$0x3690];
	_ =	sdelay $0x7  }
0x143: {  	[tilespmem:v2+s3+$0x0] =	vst.idx.add.f32.msk $0xffff, v1  }
0x144: {  	v2 =	vld [tilespmem:s14+$0x36A0];
	_ =	sdelay $0x7  }
0x145: {  	[tilespmem:v2+s3+$0x0] =	vst.idx.add.f32.msk $0xffff, v1  }
0x146: {  	v2 =	vld [tilespmem:s14+$0x36B0];
	_ =	sdelay $0x7  }
0x147: {  	[tilespmem:v2+s3+$0x0] =	vst.idx.add.f32.msk $0xffff, v1  }
0x148: {  	v2 =	vld [tilespmem:s14+$0x36C0];
	_ =	sdelay $0x7  }
0x149: {  	[tilespmem:v2+s3+$0x0] =	vst.idx.add.f32.msk $0xffff, v1  }
0x14a: {  	v2 =	vld [tilespmem:s14+$0x36D0];
	_ =	sdelay $0x7  }
0x14b: {  	[tilespmem:v2+s3+$0x0] =	vst.idx.add.f32.msk $0xffff, v1  }
0x14c: {  	v2 =	vld [tilespmem:s14+$0x36E0];
	_ =	sdelay $0x7  }
0x14d: {  	[tilespmem:v2+s3+$0x0] =	vst.idx.add.f32.msk $0xffff, v1  }
0x14e: {  	v2 =	vld [tilespmem:s14+$0x36F0];
	_ =	sdelay $0x7  }
0x14f: {  	[tilespmem:v2+s3+$0x0] =	vst.idx.add.f32.msk $0xffff, v1  }
0x150: {  	v2 =	vld [tilespmem:s14+$0x3780];
	_ =	sdelay $0x7  }
0x151: {  	[tilespmem:v2+s3+$0x0] =	vst.idx.add.f32.msk $0xffff, v1  }
0x152: {  	v2 =	vld [tilespmem:s14+$0x3790];
	_ =	sdelay $0x7  }
0x153: {  	[tilespmem:v2+s3+$0x0] =	vst.idx.add.f32.msk $0xffff, v1  }
0x154: {  	v2 =	vld [tilespmem:s14+$0x37A0];
	_ =	sdelay $0x7  }
0x155: {  	[tilespmem:v2+s3+$0x0] =	vst.idx.add.f32.msk $0xffff, v1  }
0x156: {  	v2 =	vld [tilespmem:s14+$0x37B0];
	_ =	sdelay $0x7  }
0x157: {  	[tilespmem:v2+s3+$0x0] =	vst.idx.add.f32.msk $0xffff, v1  }
0x158: {  	v2 =	vld [tilespmem:s14+$0x37C0];
	_ =	sdelay $0x7  }
0x159: {  	[tilespmem:v2+s3+$0x0] =	vst.idx.add.f32.msk $0xffff, v1  }
0x15a: {  	v2 =	vld [tilespmem:s14+$0x37D0];
	_ =	sdelay $0x7  }
0x15b: {  	[tilespmem:v2+s3+$0x0] =	vst.idx.add.f32.msk $0xffff, v1  }
0x15c: {  	v2 =	vld [tilespmem:s14+$0x37E0];
	_ =	sdelay $0x7  }
0x15d: {  	[tilespmem:v2+s3+$0x0] =	vst.idx.add.f32.msk $0xffff, v1  }
0x15e: {  	v2 =	vld [tilespmem:s14+$0x37F0];
	_ =	sdelay $0x1  }
0x15f: {  	s13 =	sadd.s32 $0x1, s13  }
0x160: {  	p0 =	sne.s32 s13, $0xA  }
.Ltmp1:
0x161: {  	_ = 	snop;
	(pc) =	sbr.rel @p0 .LBB2_4-.Ltmp1, $2  }
0x162: {  	_ =	sdelay $0x2  }
0x163: {  	s12 =	sadd.s32 $0x200, s12;
	[tilespmem:v2+s3+$0x0] =	vst.idx.add.f32.msk $0xffff, v1  }
0x164: {  	s12 =	rddreg [dreg:$0x5];
	s13 =	simm.s32 $0x80;
	s14 =	simm.s32 $0x400  }
0x165: {  	[spmem:s12] =	stream.strided.scatter [tilespmem:s3], [sflag:$0x2], $0x2800, s14, s13, $0x38;
	[tilespmem:$0x9800] =	vst v63  }
0x166: {  	_ =	swait.ge [sflag:s4], $0x2800  }
0x167: {  	[sflag:s4] =	ssyncset.done $0x0  }
0x168: {  	[sflag:s4] =	ssyncadd.s32 $0xFFFFD800  }
0x169: {  	[bflag:$0x0] =	sbarrier.arrive $0xFFFF  }
0x16a: {  	[tilespmem:s6], [sflag:$0x2] =	stream.linear.gather [spmem:s5], $0x80, $0x38;
	[tilespmem:$0x9800] =	vst v63  }
0x16b: {  	s15 =	rddreg [dreg:$0x16]  }
0x16c: {  	[tilespmem:s7], [sflag:$0x2] =	stream.linear.gather [spmem:s15], $0x80, $0x38;
	[tilespmem:$0x9800] =	vst v63  }
0x16d: {  	s16 =	rddreg [dreg:$0x18]  }
0x16e: {  	[tilespmem:s8], [sflag:$0x2] =	stream.linear.gather [spmem:s16], $0x80, $0x38;
	[tilespmem:$0x9800] =	vst v63  }
0x16f: {  	s17 =	rddreg [dreg:$0x19]  }
0x170: {  	[tilespmem:s9], [sflag:$0x2] =	stream.linear.gather [spmem:s17], $0x80, $0x38;
	[tilespmem:$0x9800] =	vst v63  }
0x171: {  	s13 =	rddreg [dreg:$0x1a]  }
0x172: {  	[tilespmem:s10], [sflag:$0x2] =	stream.linear.gather [spmem:s13], $0x80, $0x38;
	[tilespmem:$0x9800] =	vst v63  }
0x173: {  	_ =	swait.ge [sflag:s4], $0x280  }
0x174: {  	[sflag:s4] =	ssyncset.done $0x0  }
0x175: {  	s15 =	simm.s32 $0x7080;
	s14 =	rddreg [dreg:$0x6];
	[sflag:s4] =	ssyncadd.s32 $0xFFFFFD80  }
0x176: {  	[tilespmem:s15], [sflag:$0x2] =	stream.linear.gather [spmem:s14], $0x80, $0x38;
	[tilespmem:$0x9800] =	vst v63  }
0x177: {  	s17 =	simm.s32 $0x7480;
	s16 =	rddreg [dreg:$0x1b]  }
0x178: {  	[tilespmem:s17], [sflag:$0x2] =	stream.linear.gather [spmem:s16], $0x80, $0x38;
	[tilespmem:$0x9800] =	vst v63  }
0x179: {  	s14 =	rddreg [dreg:$0x1c];
	s15 =	simm.s32 $0x7880  }
0x17a: {  	[tilespmem:s15], [sflag:$0x2] =	stream.linear.gather [spmem:s14], $0x80, $0x38;
	[tilespmem:$0x9800] =	vst v63  }
0x17b: {  	s16 =	rddreg [dreg:$0x1d];
	s17 =	simm.s32 $0x7C80  }
0x17c: {  	[tilespmem:s17], [sflag:$0x2] =	stream.linear.gather [spmem:s16], $0x80, $0x38;
	[tilespmem:$0x9800] =	vst v63  }
0x17d: {  	s14 =	rddreg [dreg:$0x1e];
	s15 =	simm.s32 $0x8080  }
0x17e: {  	[tilespmem:s15], [sflag:$0x2] =	stream.linear.gather [spmem:s14], $0x80, $0x38;
	[tilespmem:$0x9800] =	vst v63  }
0x17f: {  	_ =	swait.ge [sflag:s4], $0x280  }
0x180: {  	[sflag:s4] =	ssyncset.done $0x0;
	s16 =	rddreg [dreg:$0x7]  }
0x181: {  	s17 =	simm.s32 $0x7100;
	s14 =	rddreg [dreg:$0x1f];
	[sflag:s4] =	ssyncadd.s32 $0xFFFFFD80  }
0x182: {  	[tilespmem:s17], [sflag:$0x2] =	stream.linear.gather [spmem:s16], $0x80, $0x38;
	[tilespmem:$0x9800] =	vst v63  }
0x183: {  	s15 =	simm.s32 $0x7500;
	s16 =	sld [smem:$0x7D4]  }
0x184: {  	[tilespmem:s15], [sflag:$0x2] =	stream.linear.gather [spmem:s14], $0x80, $0x38;
	[tilespmem:$0x9800] =	vst v63  }
0x185: {  	s17 =	simm.s32 $0x7900;
	s14 =	sld [smem:$0x7D5]  }
0x186: {  	[tilespmem:s17], [sflag:$0x2] =	stream.linear.gather [spmem:s16], $0x80, $0x38;
	[tilespmem:$0x9800] =	vst v63  }
0x187: {  	s15 =	simm.s32 $0x7D00;
	s16 =	sld [smem:$0x7D6]  }
0x188: {  	[tilespmem:s15], [sflag:$0x2] =	stream.linear.gather [spmem:s14], $0x80, $0x38;
	[tilespmem:$0x9800] =	vst v63  }
0x189: {  	s17 =	simm.s32 $0x8100  }
0x18a: {  	[tilespmem:s17], [sflag:$0x2] =	stream.linear.gather [spmem:s16], $0x80, $0x38;
	[tilespmem:$0x9800] =	vst v63  }
0x18b: {  	_ =	swait.ge [sflag:s4], $0x280  }
0x18c: {  	[sflag:s4] =	ssyncset.done $0x0;
	s14 =	rddreg [dreg:$0x8]  }
0x18d: {  	s15 =	simm.s32 $0x7180;
	s16 =	sld [smem:$0x7D7];
	[sflag:s4] =	ssyncadd.s32 $0xFFFFFD80  }
0x18e: {  	[tilespmem:s15], [sflag:$0x2] =	stream.linear.gather [spmem:s14], $0x80, $0x38;
	[tilespmem:$0x9800] =	vst v63  }
0x18f: {  	s17 =	simm.s32 $0x7580;
	s14 =	sld [smem:$0x7D8]  }
0x190: {  	[tilespmem:s17], [sflag:$0x2] =	stream.linear.gather [spmem:s16], $0x80, $0x38;
	[tilespmem:$0x9800] =	vst v63  }
0x191: {  	s15 =	simm.s32 $0x7980;
	s16 =	sld [smem:$0x7D9]  }
0x192: {  	[tilespmem:s15], [sflag:$0x2] =	stream.linear.gather [spmem:s14], $0x80, $0x38;
	[tilespmem:$0x9800] =	vst v63  }
0x193: {  	s17 =	simm.s32 $0x7D80;
	s14 =	sld [smem:$0x7DA]  }
0x194: {  	[tilespmem:s17], [sflag:$0x2] =	stream.linear.gather [spmem:s16], $0x80, $0x38;
	[tilespmem:$0x9800] =	vst v63  }
0x195: {  	s15 =	simm.s32 $0x8180  }
0x196: {  	[tilespmem:s15], [sflag:$0x2] =	stream.linear.gather [spmem:s14], $0x80, $0x38;
	[tilespmem:$0x9800] =	vst v63  }
0x197: {  	_ =	swait.ge [sflag:s4], $0x280  }
0x198: {  	[sflag:s4] =	ssyncset.done $0x0;
	s16 =	rddreg [dreg:$0x9]  }
0x199: {  	s17 =	simm.s32 $0x7200;
	s14 =	sld [smem:$0x7DB];
	[sflag:s4] =	ssyncadd.s32 $0xFFFFFD80  }
0x19a: {  	[tilespmem:s17], [sflag:$0x2] =	stream.linear.gather [spmem:s16], $0x80, $0x38;
	[tilespmem:$0x9800] =	vst v63  }
0x19b: {  	s15 =	simm.s32 $0x7600;
	s16 =	sld [smem:$0x7DC]  }
0x19c: {  	[tilespmem:s15], [sflag:$0x2] =	stream.linear.gather [spmem:s14], $0x80, $0x38;
	[tilespmem:$0x9800] =	vst v63  }
0x19d: {  	s17 =	simm.s32 $0x7A00;
	s14 =	sld [smem:$0x7DD]  }
0x19e: {  	[tilespmem:s17], [sflag:$0x2] =	stream.linear.gather [spmem:s16], $0x80, $0x38;
	[tilespmem:$0x9800] =	vst v63  }
0x19f: {  	s15 =	simm.s32 $0x7E00;
	s16 =	sld [smem:$0x7DE]  }
0x1a0: {  	[tilespmem:s15], [sflag:$0x2] =	stream.linear.gather [spmem:s14], $0x80, $0x38;
	[tilespmem:$0x9800] =	vst v63  }
0x1a1: {  	s17 =	simm.s32 $0x8200  }
0x1a2: {  	[tilespmem:s17], [sflag:$0x2] =	stream.linear.gather [spmem:s16], $0x80, $0x38;
	[tilespmem:$0x9800] =	vst v63  }
0x1a3: {  	_ =	swait.ge [sflag:s4], $0x280  }
0x1a4: {  	[sflag:s4] =	ssyncset.done $0x0;
	s14 =	rddreg [dreg:$0xa]  }
0x1a5: {  	s15 =	simm.s32 $0x7280;
	s16 =	sld [smem:$0x7DF];
	[sflag:s4] =	ssyncadd.s32 $0xFFFFFD80  }
0x1a6: {  	[tilespmem:s15], [sflag:$0x2] =	stream.linear.gather [spmem:s14], $0x80, $0x38;
	[tilespmem:$0x9800] =	vst v63  }
0x1a7: {  	s17 =	simm.s32 $0x7680;
	s14 =	sld [smem:$0x7E0]  }
0x1a8: {  	[tilespmem:s17], [sflag:$0x2] =	stream.linear.gather [spmem:s16], $0x80, $0x38;
	[tilespmem:$0x9800] =	vst v63  }
0x1a9: {  	s15 =	simm.s32 $0x7A80;
	s16 =	sld [smem:$0x7E1]  }
0x1aa: {  	[tilespmem:s15], [sflag:$0x2] =	stream.linear.gather [spmem:s14], $0x80, $0x38;
	[tilespmem:$0x9800] =	vst v63  }
0x1ab: {  	s17 =	simm.s32 $0x7E80;
	s14 =	sld [smem:$0x7E2]  }
0x1ac: {  	[tilespmem:s17], [sflag:$0x2] =	stream.linear.gather [spmem:s16], $0x80, $0x38;
	[tilespmem:$0x9800] =	vst v63  }
0x1ad: {  	s15 =	simm.s32 $0x8280  }
0x1ae: {  	[tilespmem:s15], [sflag:$0x2] =	stream.linear.gather [spmem:s14], $0x80, $0x38;
	[tilespmem:$0x9800] =	vst v63  }
0x1af: {  	_ =	swait.ge [sflag:s4], $0x280  }
0x1b0: {  	[sflag:s4] =	ssyncset.done $0x0;
	s16 =	rddreg [dreg:$0xb]  }
0x1b1: {  	s17 =	simm.s32 $0x7300;
	s14 =	sld [smem:$0x7E3];
	[sflag:s4] =	ssyncadd.s32 $0xFFFFFD80  }
0x1b2: {  	[tilespmem:s17], [sflag:$0x2] =	stream.linear.gather [spmem:s16], $0x80, $0x38;
	[tilespmem:$0x9800] =	vst v63  }
0x1b3: {  	s15 =	simm.s32 $0x7700;
	s16 =	sld [smem:$0x7E4]  }
0x1b4: {  	[tilespmem:s15], [sflag:$0x2] =	stream.linear.gather [spmem:s14], $0x80, $0x38;
	[tilespmem:$0x9800] =	vst v63  }
0x1b5: {  	s17 =	simm.s32 $0x7B00;
	s14 =	sld [smem:$0x7E5]  }
0x1b6: {  	[tilespmem:s17], [sflag:$0x2] =	stream.linear.gather [spmem:s16], $0x80, $0x38;
	[tilespmem:$0x9800] =	vst v63  }
0x1b7: {  	s15 =	simm.s32 $0x7F00;
	s16 =	sld [smem:$0x7E6]  }
0x1b8: {  	[tilespmem:s15], [sflag:$0x2] =	stream.linear.gather [spmem:s14], $0x80, $0x38;
	[tilespmem:$0x9800] =	vst v63  }
0x1b9: {  	s17 =	simm.s32 $0x8300  }
0x1ba: {  	[tilespmem:s17], [sflag:$0x2] =	stream.linear.gather [spmem:s16], $0x80, $0x38;
	[tilespmem:$0x9800] =	vst v63  }
0x1bb: {  	_ =	swait.ge [sflag:s4], $0x280  }
0x1bc: {  	[sflag:s4] =	ssyncset.done $0x0;
	s14 =	rddreg [dreg:$0xc]  }
0x1bd: {  	s15 =	simm.s32 $0x7380;
	s16 =	sld [smem:$0x7E7];
	[sflag:s4] =	ssyncadd.s32 $0xFFFFFD80  }
0x1be: {  	[tilespmem:s15], [sflag:$0x2] =	stream.linear.gather [spmem:s14], $0x80, $0x38;
	[tilespmem:$0x9800] =	vst v63  }
0x1bf: {  	s17 =	simm.s32 $0x7780;
	s14 =	sld [smem:$0x7E8]  }
0x1c0: {  	[tilespmem:s17], [sflag:$0x2] =	stream.linear.gather [spmem:s16], $0x80, $0x38;
	[tilespmem:$0x9800] =	vst v63  }
0x1c1: {  	s15 =	simm.s32 $0x7B80;
	s16 =	sld [smem:$0x7E9]  }
0x1c2: {  	[tilespmem:s15], [sflag:$0x2] =	stream.linear.gather [spmem:s14], $0x80, $0x38;
	[tilespmem:$0x9800] =	vst v63  }
0x1c3: {  	s17 =	simm.s32 $0x7F80;
	s14 =	sld [smem:$0x7EA]  }
0x1c4: {  	[tilespmem:s17], [sflag:$0x2] =	stream.linear.gather [spmem:s16], $0x80, $0x38;
	[tilespmem:$0x9800] =	vst v63  }
0x1c5: {  	s15 =	simm.s32 $0x8380  }
0x1c6: {  	[tilespmem:s15], [sflag:$0x2] =	stream.linear.gather [spmem:s14], $0x80, $0x38;
	[tilespmem:$0x9800] =	vst v63  }
0x1c7: {  	_ =	swait.ge [sflag:s4], $0x280  }
0x1c8: {  	[sflag:s4] =	ssyncset.done $0x0;
	s16 =	rddreg [dreg:$0xd]  }
0x1c9: {  	s17 =	simm.s32 $0x8400;
	s14 =	sld [smem:$0x7EB];
	[sflag:s4] =	ssyncadd.s32 $0xFFFFFD80  }
0x1ca: {  	[tilespmem:s17], [sflag:$0x2] =	stream.linear.gather [spmem:s16], $0x80, $0x38;
	[tilespmem:$0x9800] =	vst v63  }
0x1cb: {  	s15 =	simm.s32 $0x8800;
	s16 =	sld [smem:$0x7EC]  }
0x1cc: {  	[tilespmem:s15], [sflag:$0x2] =	stream.linear.gather [spmem:s14], $0x80, $0x38;
	[tilespmem:$0x9800] =	vst v63  }
0x1cd: {  	s17 =	simm.s32 $0x8C00;
	s14 =	sld [smem:$0x7ED]  }
0x1ce: {  	[tilespmem:s17], [sflag:$0x2] =	stream.linear.gather [spmem:s16], $0x80, $0x38;
	[tilespmem:$0x9800] =	vst v63  }
0x1cf: {  	s15 =	simm.s32 $0x9000;
	s16 =	sld [smem:$0x7EE]  }
0x1d0: {  	[tilespmem:s15], [sflag:$0x2] =	stream.linear.gather [spmem:s14], $0x80, $0x38;
	[tilespmem:$0x9800] =	vst v63  }
0x1d1: {  	s17 =	simm.s32 $0x9400  }
0x1d2: {  	[tilespmem:s17], [sflag:$0x2] =	stream.linear.gather [spmem:s16], $0x80, $0x38;
	[tilespmem:$0x9800] =	vst v63  }
0x1d3: {  	_ =	swait.ge [sflag:s4], $0x280  }
0x1d4: {  	[sflag:s4] =	ssyncset.done $0x0;
	s14 =	rddreg [dreg:$0xe]  }
0x1d5: {  	s15 =	simm.s32 $0x8480;
	s16 =	sld [smem:$0x7EF];
	[sflag:s4] =	ssyncadd.s32 $0xFFFFFD80  }
0x1d6: {  	[tilespmem:s15], [sflag:$0x2] =	stream.linear.gather [spmem:s14], $0x80, $0x38;
	[tilespmem:$0x9800] =	vst v63  }
0x1d7: {  	s17 =	simm.s32 $0x8880;
	s14 =	sld [smem:$0x7F0]  }
0x1d8: {  	[tilespmem:s17], [sflag:$0x2] =	stream.linear.gather [spmem:s16], $0x80, $0x38;
	[tilespmem:$0x9800] =	vst v63  }
0x1d9: {  	s15 =	simm.s32 $0x8C80;
	s16 =	sld [smem:$0x7F1]  }
0x1da: {  	[tilespmem:s15], [sflag:$0x2] =	stream.linear.gather [spmem:s14], $0x80, $0x38;
	[tilespmem:$0x9800] =	vst v63  }
0x1db: {  	s17 =	simm.s32 $0x9080;
	s14 =	sld [smem:$0x7F2]  }
0x1dc: {  	[tilespmem:s17], [sflag:$0x2] =	stream.linear.gather [spmem:s16], $0x80, $0x38;
	[tilespmem:$0x9800] =	vst v63  }
0x1dd: {  	s15 =	simm.s32 $0x9480  }
0x1de: {  	[tilespmem:s15], [sflag:$0x2] =	stream.linear.gather [spmem:s14], $0x80, $0x38;
	[tilespmem:$0x9800] =	vst v63  }
0x1df: {  	_ =	swait.ge [sflag:s4], $0x280  }
0x1e0: {  	[sflag:s4] =	ssyncset.done $0x0;
	s16 =	rddreg [dreg:$0xf]  }
0x1e1: {  	s17 =	simm.s32 $0x8500;
	s14 =	sld [smem:$0x7F3];
	[sflag:s4] =	ssyncadd.s32 $0xFFFFFD80  }
0x1e2: {  	[tilespmem:s17], [sflag:$0x2] =	stream.linear.gather [spmem:s16], $0x80, $0x38;
	[tilespmem:$0x9800] =	vst v63  }
0x1e3: {  	s15 =	simm.s32 $0x8900;
	s16 =	sld [smem:$0x7F4]  }
0x1e4: {  	[tilespmem:s15], [sflag:$0x2] =	stream.linear.gather [spmem:s14], $0x80, $0x38;
	[tilespmem:$0x9800] =	vst v63  }
0x1e5: {  	s17 =	simm.s32 $0x8D00;
	s14 =	sld [smem:$0x7F5]  }
0x1e6: {  	[tilespmem:s17], [sflag:$0x2] =	stream.linear.gather [spmem:s16], $0x80, $0x38;
	[tilespmem:$0x9800] =	vst v63  }
0x1e7: {  	s15 =	simm.s32 $0x9100;
	s16 =	sld [smem:$0x7F6]  }
0x1e8: {  	[tilespmem:s15], [sflag:$0x2] =	stream.linear.gather [spmem:s14], $0x80, $0x38;
	[tilespmem:$0x9800] =	vst v63  }
0x1e9: {  	s17 =	simm.s32 $0x9500  }
0x1ea: {  	[tilespmem:s17], [sflag:$0x2] =	stream.linear.gather [spmem:s16], $0x80, $0x38;
	[tilespmem:$0x9800] =	vst v63  }
0x1eb: {  	_ =	swait.ge [sflag:s4], $0x280  }
0x1ec: {  	[sflag:s4] =	ssyncset.done $0x0;
	s14 =	rddreg [dreg:$0x10]  }
0x1ed: {  	s15 =	simm.s32 $0x8580;
	s16 =	sld [smem:$0x7F7];
	[sflag:s4] =	ssyncadd.s32 $0xFFFFFD80  }
0x1ee: {  	[tilespmem:s15], [sflag:$0x2] =	stream.linear.gather [spmem:s14], $0x80, $0x38;
	[tilespmem:$0x9800] =	vst v63  }
0x1ef: {  	s17 =	simm.s32 $0x8980;
	s14 =	sld [smem:$0x7F8]  }
0x1f0: {  	[tilespmem:s17], [sflag:$0x2] =	stream.linear.gather [spmem:s16], $0x80, $0x38;
	[tilespmem:$0x9800] =	vst v63  }
0x1f1: {  	s15 =	simm.s32 $0x8D80;
	s16 =	sld [smem:$0x7F9]  }
0x1f2: {  	[tilespmem:s15], [sflag:$0x2] =	stream.linear.gather [spmem:s14], $0x80, $0x38;
	[tilespmem:$0x9800] =	vst v63  }
0x1f3: {  	s17 =	simm.s32 $0x9180;
	s14 =	sld [smem:$0x7FA]  }
0x1f4: {  	[tilespmem:s17], [sflag:$0x2] =	stream.linear.gather [spmem:s16], $0x80, $0x38;
	[tilespmem:$0x9800] =	vst v63  }
0x1f5: {  	s15 =	simm.s32 $0x9580  }
0x1f6: {  	[tilespmem:s15], [sflag:$0x2] =	stream.linear.gather [spmem:s14], $0x80, $0x38;
	[tilespmem:$0x9800] =	vst v63  }
0x1f7: {  	_ =	swait.ge [sflag:s4], $0x280  }
0x1f8: {  	[sflag:s4] =	ssyncset.done $0x0;
	s16 =	rddreg [dreg:$0x11]  }
0x1f9: {  	s17 =	simm.s32 $0x8600;
	s14 =	sld [smem:$0x7FB];
	[sflag:s4] =	ssyncadd.s32 $0xFFFFFD80  }
0x1fa: {  	[tilespmem:s17], [sflag:$0x2] =	stream.linear.gather [spmem:s16], $0x80, $0x38;
	[tilespmem:$0x9800] =	vst v63  }
0x1fb: {  	s15 =	simm.s32 $0x8A00;
	s16 =	sld [smem:$0x7FC]  }
0x1fc: {  	[tilespmem:s15], [sflag:$0x2] =	stream.linear.gather [spmem:s14], $0x80, $0x38;
	[tilespmem:$0x9800] =	vst v63  }
0x1fd: {  	s13 =	sld [smem:$0x7FD];
	s17 =	simm.s32 $0x8E00  }
0x1fe: {  	[tilespmem:s17], [sflag:$0x2] =	stream.linear.gather [spmem:s16], $0x80, $0x38;
	[tilespmem:$0x9800] =	vst v63  }
0x1ff: {  	s14 =	simm.s32 $0x9200  }
0x200: {  	[tilespmem:s14], [sflag:$0x2] =	stream.linear.gather [spmem:s13], $0x80, $0x38;
	[tilespmem:$0x9800] =	vst v63  }
0x201: {  	s15 =	simm.s32 $0x9600  }
0x202: {  	[tilespmem:s15], [sflag:$0x2] =	stream.linear.gather [spmem:s18], $0x80, $0x38;
	[tilespmem:$0x9800] =	vst v63  }
0x203: {  	_ =	swait.ge [sflag:s4], $0x280  }
0x204: {  	[sflag:s4] =	ssyncset.done $0x0  }
0x205: {  	s17 =	simm.s32 $0x8680;
	s16 =	rddreg [dreg:$0x12];
	[sflag:s4] =	ssyncadd.s32 $0xFFFFFD80  }
0x206: {  	[tilespmem:s17], [sflag:$0x2] =	stream.linear.gather [spmem:s16], $0x80, $0x38;
	[tilespmem:$0x9800] =	vst v63  }
0x207: {  	s14 =	simm.s32 $0x8A80  }
0x208: {  	[tilespmem:s14], [sflag:$0x2] =	stream.linear.gather [spmem:s19], $0x80, $0x38;
	[tilespmem:$0x9800] =	vst v63  }
0x209: {  	s15 =	simm.s32 $0x8E80  }
0x20a: {  	[tilespmem:s15], [sflag:$0x2] =	stream.linear.gather [spmem:s20], $0x80, $0x38;
	[tilespmem:$0x9800] =	vst v63  }
0x20b: {  	s16 =	simm.s32 $0x9280  }
0x20c: {  	[tilespmem:s16], [sflag:$0x2] =	stream.linear.gather [spmem:s22], $0x80, $0x38;
	[tilespmem:$0x9800] =	vst v63  }
0x20d: {  	s17 =	simm.s32 $0x9680  }
0x20e: {  	[tilespmem:s17], [sflag:$0x2] =	stream.linear.gather [spmem:s23], $0x80, $0x38;
	[tilespmem:$0x9800] =	vst v63  }
0x20f: {  	_ =	swait.ge [sflag:s4], $0x280  }
0x210: {  	[sflag:s4] =	ssyncset.done $0x0  }
0x211: {  	s14 =	simm.s32 $0x8700;
	s13 =	rddreg [dreg:$0x13];
	[sflag:s4] =	ssyncadd.s32 $0xFFFFFD80  }
0x212: {  	[tilespmem:s14], [sflag:$0x2] =	stream.linear.gather [spmem:s13], $0x80, $0x38;
	[tilespmem:$0x9800] =	vst v63  }
0x213: {  	s15 =	simm.s32 $0x8B00  }
0x214: {  	[tilespmem:s15], [sflag:$0x2] =	stream.linear.gather [spmem:s25], $0x80, $0x38;
	[tilespmem:$0x9800] =	vst v63  }
0x215: {  	s16 =	simm.s32 $0x8F00  }
0x216: {  	[tilespmem:s16], [sflag:$0x2] =	stream.linear.gather [spmem:s26], $0x80, $0x38;
	[tilespmem:$0x9800] =	vst v63  }
0x217: {  	s17 =	simm.s32 $0x9300  }
0x218: {  	[tilespmem:s17], [sflag:$0x2] =	stream.linear.gather [spmem:s28], $0x80, $0x38;
	[tilespmem:$0x9800] =	vst v63  }
0x219: {  	s13 =	simm.s32 $0x9700  }
0x21a: {  	[tilespmem:s13], [sflag:$0x2] =	stream.linear.gather [spmem:s29], $0x80, $0x38;
	[tilespmem:$0x9800] =	vst v63  }
0x21b: {  	_ =	swait.ge [sflag:s4], $0x280  }
0x21c: {  	[sflag:s4] =	ssyncset.done $0x0  }
0x21d: {  	s15 =	simm.s32 $0x8780;
	s14 =	rddreg [dreg:$0x14];
	[sflag:s4] =	ssyncadd.s32 $0xFFFFFD80  }
0x21e: {  	[tilespmem:s15], [sflag:$0x2] =	stream.linear.gather [spmem:s14], $0x80, $0x38;
	[tilespmem:$0x9800] =	vst v63  }
0x21f: {  	s16 =	simm.s32 $0x8B80  }
0x220: {  	[tilespmem:s16], [sflag:$0x2] =	stream.linear.gather [spmem:s30], $0x80, $0x38;
	[tilespmem:$0x9800] =	vst v63  }
0x221: {  	s17 =	simm.s32 $0x8F80  }
0x222: {  	[tilespmem:s17], [sflag:$0x2] =	stream.linear.gather [spmem:s31], $0x80, $0x38;
	[tilespmem:$0x9800] =	vst v63  }
0x223: {  	s13 =	simm.s32 $0x9380  }
0x224: {  	[tilespmem:s13], [sflag:$0x2] =	stream.linear.gather [spmem:s0], $0x80, $0x38;
	[tilespmem:$0x9800] =	vst v63  }
0x225: {  	s14 =	simm.s32 $0x9780  }
0x226: {  	[tilespmem:s14], [sflag:$0x2] =	stream.linear.gather [spmem:s24], $0x80, $0x38;
	[tilespmem:$0x9800] =	vst v63  }
0x227: {  	s15 =	simm.s32 $0x0;
	_ =	swait.ge [sflag:s4], $0x280  }
0x228: {  	s16 =	sand.u32 $0x70, s15;
	s17 =	sand.u32 $0x1C00, s15;
	[sflag:s4] =	ssyncset.done $0x0  }
0x229: {  	s12 =	sor.u32 s16, s17;
	[sflag:s4] =	ssyncadd.s32 $0xFFFFFD80  }
0x22a: {  	v2 =	vld [tilespmem:s12+$0x7080]  }
0x22b: {  	v3 =	vld [tilespmem:s12+$0x7000];
	_ =	sdelay $0x1  }
0x22c: {  	v4 =	vld [tilespmem:s12+$0x7100];
	_ =	sdelay $0x1  }
0x22d: {  	v5 =	vld [tilespmem:s12+$0x7180]  }
0x22e: {  	v2 =	vadd.f32 v2, v3  }
0x22f: {  	v3 =	vld [tilespmem:s12+$0x7200]  }
0x230: {  	v2 =	vadd.f32 v4, v2  }
0x231: {  	v56 =	vld [tilespmem:s12+$0x7280]  }
0x232: {  	v2 =	vadd.f32 v5, v2  }
0x233: {  	s13 =	sor.u32 s15, s15;
	v57 =	vld [tilespmem:s12+$0x7300]  }
0x234: {  	s13 =	sor.u32 $0x380, s13;
	v2 =	vadd.f32 v3, v2  }
0x235: {  	v3 =	vld [tilespmem:s13+$0x7000]  }
0x236: {  	v2 =	vadd.f32 v56, v2  }
0x237: {  	v58 =	vld [tilespmem:s12+$0x8400]  }
0x238: {  	v2 =	vadd.f32 v57, v2  }
0x239: {  	v59 =	vld [tilespmem:s12+$0x8480]  }
0x23a: {  	v2 =	vadd.f32 v3, v2  }
0x23b: {  	v3 =	vld [tilespmem:s12+$0x8500]  }
0x23c: {  	v2 =	vadd.f32 v58, v2  }
0x23d: {  	v60 =	vld [tilespmem:s12+$0x8580]  }
0x23e: {  	v2 =	vadd.f32 v59, v2  }
0x23f: {  	v61 =	vld [tilespmem:s12+$0x8600]  }
0x240: {  	v2 =	vadd.f32 v3, v2  }
0x241: {  	v3 =	vld [tilespmem:s12+$0x8680]  }
0x242: {  	v2 =	vadd.f32 v60, v2  }
0x243: {  	v62 =	vld [tilespmem:s12+$0x8700]  }
0x244: {  	v2 =	vadd.f32 v61, v2  }
0x245: {  	v63 =	vld [tilespmem:s12+$0x8780]  }
0x246: {  	v2 =	vadd.f32 v3, v2;
	_ =	sdelay $0x1  }
0x247: {  	v2 =	vadd.f32 v62, v2  }
0x248: {  	s14 =	simm.s32 $0x80;
	s13 =	simm.s32 $0x10  }
0x249: {  	s16 =	sand.u32 $0x1C00, s14;
	s15 =	sand.u32 $0x70, s13;
	v2 =	vadd.f32 v63, v2  }
0x24a: {  	s16 =	sor.u32 s15, s16;
	s15 =	simm.s32 $0x20  }
.LBB2_6:
0x24b: {  	p0 =	sne.s32 s15, $0x270;
	v3 =	vld [tilespmem:s16+$0x7080];
	[tilespmem:s12+$0x7000] =	vst v2;
	s12 =	smov.u32 s16  }
0x24c: {  	v2 =	vld [tilespmem:s12+$0x7000];
	_ =	sdelay $0x1  }
0x24d: {  	v4 =	vld [tilespmem:s12+$0x7100];
	_ =	sdelay $0x1  }
0x24e: {  	v5 =	vld [tilespmem:s12+$0x7180]  }
0x24f: {  	v2 =	vadd.f32 v3, v2  }
0x250: {  	v3 =	vld [tilespmem:s12+$0x7200]  }
0x251: {  	v2 =	vadd.f32 v4, v2  }
0x252: {  	v4 =	vld [tilespmem:s12+$0x7280]  }
0x253: {  	v2 =	vadd.f32 v5, v2  }
0x254: {  	s16 =	sor.u32 s14, s13;
	s13 =	smov.u32 s15;
	v5 =	vld [tilespmem:s12+$0x7300]  }
0x255: {  	s16 =	sor.u32 $0x380, s16;
	v2 =	vadd.f32 v3, v2  }
0x256: {  	v3 =	vld [tilespmem:s16+$0x7000]  }
0x257: {  	v2 =	vadd.f32 v4, v2  }
0x258: {  	v4 =	vld [tilespmem:s12+$0x8400]  }
0x259: {  	v2 =	vadd.f32 v5, v2  }
0x25a: {  	v5 =	vld [tilespmem:s12+$0x8480]  }
0x25b: {  	v2 =	vadd.f32 v3, v2  }
0x25c: {  	v3 =	vld [tilespmem:s12+$0x8500]  }
0x25d: {  	v2 =	vadd.f32 v4, v2  }
0x25e: {  	v4 =	vld [tilespmem:s12+$0x8580]  }
0x25f: {  	v2 =	vadd.f32 v5, v2  }
0x260: {  	v5 =	vld [tilespmem:s12+$0x8600]  }
0x261: {  	v2 =	vadd.f32 v3, v2  }
0x262: {  	v3 =	vld [tilespmem:s12+$0x8680]  }
0x263: {  	v2 =	vadd.f32 v4, v2  }
0x264: {  	v4 =	vld [tilespmem:s12+$0x8700]  }
0x265: {  	v2 =	vadd.f32 v5, v2  }
0x266: {  	v5 =	vld [tilespmem:s12+$0x8780]  }
0x267: {  	v2 =	vadd.f32 v3, v2  }
.Ltmp2:
0x268: {  	(pc) =	sbr.rel @p0 .LBB2_6-.Ltmp2, $4  }
0x269: {  	v2 =	vadd.f32 v4, v2  }
0x26a: {  	s14 =	sadd.s32 $0x80, s14  }
0x26b: {  	s17 =	sand.u32 $0x1C00, s14;
	s16 =	sand.u32 $0x70, s15;
	v2 =	vadd.f32 v5, v2  }
0x26c: {  	s15 =	sadd.s32 $0x10, s15;
	s16 =	sor.u32 s16, s17  }
0x26d: {  	v3 =	vld [tilespmem:s16+$0x7080];
	[tilespmem:s12+$0x7000] =	vst v2  }
0x26e: {  	v2 =	vld [tilespmem:s16+$0x7000];
	_ =	sdelay $0x1  }
0x26f: {  	v4 =	vld [tilespmem:s16+$0x7100];
	_ =	sdelay $0x1  }
0x270: {  	v5 =	vld [tilespmem:s16+$0x7180]  }
0x271: {  	v2 =	vadd.f32 v3, v2  }
0x272: {  	v3 =	vld [tilespmem:s16+$0x7200]  }
0x273: {  	v2 =	vadd.f32 v4, v2  }
0x274: {  	v56 =	vld [tilespmem:s16+$0x7280]  }
0x275: {  	v2 =	vadd.f32 v5, v2  }
0x276: {  	v57 =	vld [tilespmem:s16+$0x7300];
	s17 =	sor.u32 s14, s13  }
0x277: {  	s12 =	sor.u32 $0x380, s17;
	v2 =	vadd.f32 v3, v2  }
0x278: {  	v3 =	vld [tilespmem:s12+$0x7000]  }
0x279: {  	v2 =	vadd.f32 v56, v2  }
0x27a: {  	v58 =	vld [tilespmem:s16+$0x8400]  }
0x27b: {  	v2 =	vadd.f32 v57, v2  }
0x27c: {  	v59 =	vld [tilespmem:s16+$0x8480]  }
0x27d: {  	v2 =	vadd.f32 v3, v2  }
0x27e: {  	v3 =	vld [tilespmem:s16+$0x8500]  }
0x27f: {  	v2 =	vadd.f32 v58, v2  }
0x280: {  	v60 =	vld [tilespmem:s16+$0x8580]  }
0x281: {  	v2 =	vadd.f32 v59, v2  }
0x282: {  	v61 =	vld [tilespmem:s16+$0x8600]  }
0x283: {  	v2 =	vadd.f32 v3, v2  }
0x284: {  	v3 =	vld [tilespmem:s16+$0x8680]  }
0x285: {  	v2 =	vadd.f32 v60, v2  }
0x286: {  	v62 =	vld [tilespmem:s16+$0x8700]  }
0x287: {  	v2 =	vadd.f32 v61, v2  }
0x288: {  	v63 =	vld [tilespmem:s16+$0x8780]  }
0x289: {  	v2 =	vadd.f32 v3, v2;
	_ =	sdelay $0x1  }
0x28a: {  	v2 =	vadd.f32 v62, v2;
	_ =	sdelay $0x1  }
0x28b: {  	v2 =	vadd.f32 v63, v2;
	_ =	sdelay $0x1  }
0x28c: {  	[tilespmem:s16+$0x7000] =	vst v2  }
0x28d: {  	[hbm4b:s21+s2] =	stream.linear.scatter [tilespmem:s6], [sflag:$0x2], $0x80, $0x38;
	[tilespmem:$0x9800] =	vst v63  }
0x28e: {  	s13 =	sadd.s32 $0x10, s21  }
0x28f: {  	[hbm4b:s13+s2] =	stream.linear.scatter [tilespmem:s7], [sflag:$0x2], $0x80, $0x38;
	[tilespmem:$0x9800] =	vst v63  }
0x290: {  	s14 =	sadd.s32 $0x20, s21  }
0x291: {  	[hbm4b:s14+s2] =	stream.linear.scatter [tilespmem:s8], [sflag:$0x2], $0x80, $0x38;
	[tilespmem:$0x9800] =	vst v63  }
0x292: {  	s15 =	sadd.s32 $0x30, s21  }
0x293: {  	[hbm4b:s15+s2] =	stream.linear.scatter [tilespmem:s9], [sflag:$0x2], $0x80, $0x38;
	[tilespmem:$0x9800] =	vst v63  }
0x294: {  	s16 =	sadd.s32 $0x40, s21  }
0x295: {  	[hbm4b:s16+s2] =	stream.linear.scatter [tilespmem:s10], [sflag:$0x2], $0x80, $0x38;
	[tilespmem:$0x9800] =	vst v63  }
0x296: {  	_ =	swait.ge [sflag:s4], $0x280  }
0x297: {  	s11 =	sadd.s32 $0x1, s11;
	s17 =	rddreg [dreg:$0x15]  }
0x298: {  	p0 =	sne.s32 s11, s17  }
.Ltmp3:
0x299: {  	_ = 	snop;
	(pc) =	sbr.rel @p0 .LBB2_1-.Ltmp3, $3  }
0x29a: {  	_ =	sdelay $0x1  }
0x29b: {  	[sflag:s4] =	ssyncset.done $0x0  }
0x29c: {  	[sflag:s4] =	ssyncadd.s32 $0xFFFFFD80  }
0x29d: {  	_ =	sfence.sel $0x180000  }
0x29e: {  	[bflag:$0x0] =	sbarrier.arrive $0xFFFF  }
0x29f: {  	_ =	strace $0x90000047  }
0x2a0: {  	s0 =	stileid.u32;
	[bflag:$0x2] =	sbarrier.arrive $0xFFFF  }
0x2a1: {  	p0 =	sne.s32 s0, $0x0;
	s0 =	rddreg [dreg:$0x3]  }
0x2a2: {  	s0 =	sadd.s32 @!p0 $0x100000, s0  }
0x2a3: {  	[sflag:s0] =	ssyncadd.tile.s32 @!p0 $0x1;
	_ =	shalt  }
.Lfunc_end2:
_tile_overlayer_lowered:
.L_overlay_start_2:
0x2a4: {  	(tag) =	ssettag $0x2  }
0x2a5: {  	s0 =	rddreg [dreg:$0x0];
	s2 =	stileid.u32  }
0x2a6: {  	s1 =	rddreg [dreg:$0x1];
	p0 =	sne.s32 s2, $0x0  }
0x2a7: {  	s3 =	rddreg [dreg:$0x2];
	[bflag:$0x3] =	sbarrier.arrive $0xFFFF;
	s2 =	simm.s32 @!p0 $0x1C02  }
0x2a8: {  	[timem:s3], [sflag:s2] =	dma.local @!p0 [hbm:s0], s1  }
0x2a9: {  	s0 =	simm.s32 @!p0 $0x2  }
0x2aa: {  	_ =	swait.ge @!p0 [sflag:s0], s1  }
0x2ab: {  	s1 =	ssub.s32 @!p0 $0x0, s1;
	[sflag:s0] =	ssyncset.done @!p0 $0x0  }
0x2ac: {  	[sflag:s0] =	ssyncadd.s32 @!p0 s1  }
0x2ad: {  	[bflag:$0x3] =	sbarrier.arrive $0xFFFF  }
0x2ae: {  	_ =	shalt  }

</sc_bundles>
